<compile_context>
chip_gen: v7x
topology: tpu7x:2x2x1
jax: 0.10.2.dev20260603
libtpu: 0.0.44.dev20260713+nightly
codegen_flags: <defaults>
</compile_context>

<pallas_src>
import jax
import jax.numpy as jnp
from jax import lax
from jax.experimental import pallas as pl
from jax.experimental.pallas import tpu as pltpu
from jax.experimental.pallas import tpu_sc as plsc

N_ATOMS = 100000
N_PAD = 100096
ATOM_SLICE = N_PAD // 16
N_EDGES = 6400000

NC = 2
NS = 16
NW = NC * NS

RPS = 128
K = 8
CHUNK = K * RPS
TOTAL_CHUNKS = N_EDGES // CHUNK
BASE_CHUNKS = TOTAL_CHUNKS // NW
EXTRA = TOTAL_CHUNKS - BASE_CHUNKS * NW


def _sc_body(dxx_hbm, dxy_hbm, dxz_hbm, ii_hbm, jj_hbm, zeros_hbm,
             oxi_hbm, oyi_hbm, ozi_hbm, oxj_hbm, oyj_hbm, ozj_hbm,
             axi, ayi, azi, axj, ayj, azj,
             idx_i_v, idx_j_v, vx, vy, vz):
    cid = lax.axis_index("c")
    sid = lax.axis_index("s")
    wid = sid * NC + cid

    a0 = pl.multiple_of(sid * ATOM_SLICE, 8)
    for acc in (axi, ayi, azi, axj, ayj, azj):
        pltpu.sync_copy(zeros_hbm, acc.at[pl.ds(a0, ATOM_SLICE)])
    plsc.subcore_barrier()

    chunk0 = wid * BASE_CHUNKS + lax.min(wid, EXTRA)
    n_chunks = BASE_CHUNKS + jnp.where(wid < EXTRA, 1, 0)

    def chunk_body(g, carry):
        c = chunk0 + g
        base_r = pl.multiple_of(c * K, 8)
        base_e = pl.multiple_of(c * CHUNK, 8)
        pltpu.sync_copy(ii_hbm.at[pl.ds(base_r, K)], idx_i_v)
        pltpu.sync_copy(jj_hbm.at[pl.ds(base_r, K)], idx_j_v)
        pltpu.sync_copy(dxx_hbm.at[pl.ds(base_e, CHUNK)], vx)
        pltpu.sync_copy(dxy_hbm.at[pl.ds(base_e, CHUNK)], vy)
        pltpu.sync_copy(dxz_hbm.at[pl.ds(base_e, CHUNK)], vz)
        for k in range(K):
            s = pl.ds(k * RPS, RPS)
            ri = idx_i_v.at[k]
            rj = idx_j_v.at[k]
            pltpu.sync_copy(vx.at[s], axi.at[ri], add=True)
            pltpu.sync_copy(vy.at[s], ayi.at[ri], add=True)
            pltpu.sync_copy(vz.at[s], azi.at[ri], add=True)
            pltpu.sync_copy(vx.at[s], axj.at[rj], add=True)
            pltpu.sync_copy(vy.at[s], ayj.at[rj], add=True)
            pltpu.sync_copy(vz.at[s], azj.at[rj], add=True)
        return carry

    lax.fori_loop(0, n_chunks, chunk_body, 0)
    plsc.subcore_barrier()

    sl = pl.ds(a0, ATOM_SLICE)
    pltpu.sync_copy(axi.at[sl], oxi_hbm.at[cid].at[sl])
    pltpu.sync_copy(ayi.at[sl], oyi_hbm.at[cid].at[sl])
    pltpu.sync_copy(azi.at[sl], ozi_hbm.at[cid].at[sl])
    pltpu.sync_copy(axj.at[sl], oxj_hbm.at[cid].at[sl])
    pltpu.sync_copy(ayj.at[sl], oyj_hbm.at[cid].at[sl])
    pltpu.sync_copy(azj.at[sl], ozj_hbm.at[cid].at[sl])


_part = jax.ShapeDtypeStruct((NC, N_PAD), jnp.float32)
_sc_scatter = pl.kernel(
    _sc_body,
    out_type=(_part,) * 6,
    mesh=plsc.VectorSubcoreMesh(core_axis_name="c", subcore_axis_name="s",
                                num_cores=NC, num_subcores=NS),
    compiler_params=pltpu.CompilerParams(use_tc_tiling_on_sc=False),
    scratch_types=[
        pltpu.VMEM_SHARED((N_PAD,), jnp.float32),
        pltpu.VMEM_SHARED((N_PAD,), jnp.float32),
        pltpu.VMEM_SHARED((N_PAD,), jnp.float32),
        pltpu.VMEM_SHARED((N_PAD,), jnp.float32),
        pltpu.VMEM_SHARED((N_PAD,), jnp.float32),
        pltpu.VMEM_SHARED((N_PAD,), jnp.float32),
        pltpu.VMEM((K, RPS), jnp.int32),
        pltpu.VMEM((K, RPS), jnp.int32),
        pltpu.VMEM((CHUNK,), jnp.float32),
        pltpu.VMEM((CHUNK,), jnp.float32),
        pltpu.VMEM((CHUNK,), jnp.float32),
    ],
)


def _tc_combine(xi_ref, yi_ref, zi_ref, xj_ref, yj_ref, zj_ref, o_ref):
    o_ref[0, :] = (xi_ref[0] + xi_ref[1]) - (xj_ref[0] + xj_ref[1])
    o_ref[1, :] = (yi_ref[0] + yi_ref[1]) - (yj_ref[0] + yj_ref[1])
    o_ref[2, :] = (zi_ref[0] + zi_ref[1]) - (zj_ref[0] + zj_ref[1])


def kernel(fx, dx, pair_i, pair_j):
    del fx
    ii = pair_i.astype(jnp.int32).reshape(N_EDGES // RPS, RPS)
    jj = pair_j.astype(jnp.int32).reshape(N_EDGES // RPS, RPS)
    dxx = dx[:, 0]
    dxy = dx[:, 1]
    dxz = dx[:, 2]
    zeros = jnp.zeros((ATOM_SLICE,), jnp.float32)
    parts = _sc_scatter(dxx, dxy, dxz, ii, jj, zeros)
    out = pl.pallas_call(
        _tc_combine,
        out_shape=jax.ShapeDtypeStruct((3, N_PAD), jnp.float32),
    )(*parts)
    return out.T[:N_ATOMS]

# --- scband reference (transcript-rebuilt; emitter-appended) ---
"""Pipeline reference for scband-pair-force-5918464934538 (READ-ONLY COPY).

The authoritative reference and input builder live on the scoring server;
editing this copy changes nothing except your own understanding.
"""

import jax, jax.numpy as jnp
import numpy as np

N_NODES = 100000
N_EDGES = 6400000


def setup_inputs(seed: int = 0) -> dict:
    key = jax.random.key(seed)
    k1, k2, k3, k4 = jax.random.split(key, 4)
    fx = jax.random.normal(k1, (N_EDGES,), dtype=jnp.float32)
    dx = jax.random.normal(k2, (N_EDGES, 3), dtype=jnp.float32)
    pair_i = jax.random.randint(k3, (N_EDGES,), 0, N_NODES)
    pair_j = jax.random.randint(k4, (N_EDGES,), 0, N_NODES)
    return {"fx": fx, "dx": dx, "pair_i": pair_i, "pair_j": pair_j}


def reference(fx, dx, pair_i, pair_j):
    # In the torch module, fx carries an autograd graph back to dx (pair
    # energies computed upstream from pair displacements). We reproduce that
    # upstream dependency with a concrete differentiable pair-energy model:
    # fx_graph = fx + 0.5 * ||dx||^2, then dfdx = -d(sum(fx_graph))/d(dx).
    def pair_energy_sum(d):
        return jnp.sum(fx + 0.5 * jnp.sum(d * d, axis=-1))

    dfdx = -jax.grad(pair_energy_sum)(dx)

    n_atoms = N_NODES
    atom_force = jnp.zeros((n_atoms, 3), dtype=dfdx.dtype)
    atom_force = atom_force.at[pair_j].add(dfdx)       # index_add(..., pair_j, dfdx)
    atom_force = atom_force.at[pair_i].add(-dfdx)      # index_add(..., pair_i, dfdx, alpha=-1)
    return atom_force

if __name__ == "__main__":
    import jax
    _d = setup_inputs()
    print(jax.jit(kernel)(*tuple(_d.values())))

</pallas_src>

<mosaic_0001>
#map = affine_map<(d0, d1) -> (0)>
#map1 = affine_map<(d0, d1) -> (0, 0)>
module attributes {stable_mosaic.version = 14 : i64} {
  func.func @_sc_body(%arg0: i32, %arg1: i32, %arg2: memref<6400000xf32, #tpu.memory_space<hbm>>, %arg3: memref<6400000xf32, #tpu.memory_space<hbm>>, %arg4: memref<6400000xf32, #tpu.memory_space<hbm>>, %arg5: memref<50000x128xi32, #tpu.memory_space<hbm>>, %arg6: memref<50000x128xi32, #tpu.memory_space<hbm>>, %arg7: memref<6256xf32, #tpu.memory_space<hbm>>, %arg8: memref<2x100096xf32, #tpu.memory_space<hbm>>, %arg9: memref<2x100096xf32, #tpu.memory_space<hbm>>, %arg10: memref<2x100096xf32, #tpu.memory_space<hbm>>, %arg11: memref<2x100096xf32, #tpu.memory_space<hbm>>, %arg12: memref<2x100096xf32, #tpu.memory_space<hbm>>, %arg13: memref<2x100096xf32, #tpu.memory_space<hbm>>, %arg14: memref<100096xf32, #tpu.memory_space<vmem_shared>>, %arg15: memref<100096xf32, #tpu.memory_space<vmem_shared>>, %arg16: memref<100096xf32, #tpu.memory_space<vmem_shared>>, %arg17: memref<100096xf32, #tpu.memory_space<vmem_shared>>, %arg18: memref<100096xf32, #tpu.memory_space<vmem_shared>>, %arg19: memref<100096xf32, #tpu.memory_space<vmem_shared>>, %arg20: memref<8x128xi32, #tpu.memory_space<vmem>>, %arg21: memref<8x128xi32, #tpu.memory_space<vmem>>, %arg22: memref<1024xf32, #tpu.memory_space<vmem>>, %arg23: memref<1024xf32, #tpu.memory_space<vmem>>, %arg24: memref<1024xf32, #tpu.memory_space<vmem>>) attributes {dimension_semantics = [#tpu.dimension_semantics<core_parallel>, #tpu.dimension_semantics<subcore_parallel>], iteration_bounds = array<i64: 2, 16>, scalar_prefetch = 0 : i64, scratch_operands = 11 : i64, tpu.core_type = #tpu.core_type<sc_vector_subcore>, window_params = [{transform_indices = #map}, {transform_indices = #map}, {transform_indices = #map}, {transform_indices = #map1}, {transform_indices = #map1}, {transform_indices = #map}, {transform_indices = #map1}, {transform_indices = #map1}, {transform_indices = #map1}, {transform_indices = #map1}, {transform_indices = #map1}, {transform_indices = #map1}]} {
    %mul3A = arith.constant 2 : i32
    %mul3A_0 = arith.muli %arg1, %mul3A : i32
    %add3A = arith.addi %mul3A_0, %arg0 : i32
    %mul3A_1 = arith.constant 6256 : i32
    %mul3A_2 = arith.muli %arg1, %mul3A_1 : i32
    %multiple_of3A = tpu.assume_multiple %mul3A_2, 8 : i32
    "tpu.region"() ({
      %run_scoped3A = tpu.sem_alloc : memref<!tpu.dma_semaphore, #tpu.memory_space<semaphore_mem>>
      %dma_start3A = tpu.memref_slice %arg14[%multiple_of3A] : memref<100096xf32, #tpu.memory_space<vmem_shared>> -> memref<6256xf32, #tpu.memory_space<vmem_shared>>
      tpu.enqueue_dma source(%arg7 : memref<6256xf32, #tpu.memory_space<hbm>>) target(%dma_start3A : memref<6256xf32, #tpu.memory_space<vmem_shared>>) target_semaphore(%run_scoped3A : memref<!tpu.dma_semaphore, #tpu.memory_space<semaphore_mem>>)
      %dma_wait3A = tpu.memref_slice %arg14[%multiple_of3A] : memref<100096xf32, #tpu.memory_space<vmem_shared>> -> memref<6256xf32, #tpu.memory_space<vmem_shared>>
      tpu.wait_dma2 semaphore(%run_scoped3A : memref<!tpu.dma_semaphore, #tpu.memory_space<semaphore_mem>>) src(%arg7 : memref<6256xf32, #tpu.memory_space<hbm>>) dst(%dma_wait3A : memref<6256xf32, #tpu.memory_space<vmem_shared>>)
      tpu.yield
    }) : () -> ()
    "tpu.region"() ({
      %run_scoped3A = tpu.sem_alloc : memref<!tpu.dma_semaphore, #tpu.memory_space<semaphore_mem>>
      %dma_start3A = tpu.memref_slice %arg15[%multiple_of3A] : memref<100096xf32, #tpu.memory_space<vmem_shared>> -> memref<6256xf32, #tpu.memory_space<vmem_shared>>
      tpu.enqueue_dma source(%arg7 : memref<6256xf32, #tpu.memory_space<hbm>>) target(%dma_start3A : memref<6256xf32, #tpu.memory_space<vmem_shared>>) target_semaphore(%run_scoped3A : memref<!tpu.dma_semaphore, #tpu.memory_space<semaphore_mem>>)
      %dma_wait3A = tpu.memref_slice %arg15[%multiple_of3A] : memref<100096xf32, #tpu.memory_space<vmem_shared>> -> memref<6256xf32, #tpu.memory_space<vmem_shared>>
      tpu.wait_dma2 semaphore(%run_scoped3A : memref<!tpu.dma_semaphore, #tpu.memory_space<semaphore_mem>>) src(%arg7 : memref<6256xf32, #tpu.memory_space<hbm>>) dst(%dma_wait3A : memref<6256xf32, #tpu.memory_space<vmem_shared>>)
      tpu.yield
    }) : () -> ()
    "tpu.region"() ({
      %run_scoped3A = tpu.sem_alloc : memref<!tpu.dma_semaphore, #tpu.memory_space<semaphore_mem>>
      %dma_start3A = tpu.memref_slice %arg16[%multiple_of3A] : memref<100096xf32, #tpu.memory_space<vmem_shared>> -> memref<6256xf32, #tpu.memory_space<vmem_shared>>
      tpu.enqueue_dma source(%arg7 : memref<6256xf32, #tpu.memory_space<hbm>>) target(%dma_start3A : memref<6256xf32, #tpu.memory_space<vmem_shared>>) target_semaphore(%run_scoped3A : memref<!tpu.dma_semaphore, #tpu.memory_space<semaphore_mem>>)
      %dma_wait3A = tpu.memref_slice %arg16[%multiple_of3A] : memref<100096xf32, #tpu.memory_space<vmem_shared>> -> memref<6256xf32, #tpu.memory_space<vmem_shared>>
      tpu.wait_dma2 semaphore(%run_scoped3A : memref<!tpu.dma_semaphore, #tpu.memory_space<semaphore_mem>>) src(%arg7 : memref<6256xf32, #tpu.memory_space<hbm>>) dst(%dma_wait3A : memref<6256xf32, #tpu.memory_space<vmem_shared>>)
      tpu.yield
    }) : () -> ()
    "tpu.region"() ({
      %run_scoped3A = tpu.sem_alloc : memref<!tpu.dma_semaphore, #tpu.memory_space<semaphore_mem>>
      %dma_start3A = tpu.memref_slice %arg17[%multiple_of3A] : memref<100096xf32, #tpu.memory_space<vmem_shared>> -> memref<6256xf32, #tpu.memory_space<vmem_shared>>
      tpu.enqueue_dma source(%arg7 : memref<6256xf32, #tpu.memory_space<hbm>>) target(%dma_start3A : memref<6256xf32, #tpu.memory_space<vmem_shared>>) target_semaphore(%run_scoped3A : memref<!tpu.dma_semaphore, #tpu.memory_space<semaphore_mem>>)
      %dma_wait3A = tpu.memref_slice %arg17[%multiple_of3A] : memref<100096xf32, #tpu.memory_space<vmem_shared>> -> memref<6256xf32, #tpu.memory_space<vmem_shared>>
      tpu.wait_dma2 semaphore(%run_scoped3A : memref<!tpu.dma_semaphore, #tpu.memory_space<semaphore_mem>>) src(%arg7 : memref<6256xf32, #tpu.memory_space<hbm>>) dst(%dma_wait3A : memref<6256xf32, #tpu.memory_space<vmem_shared>>)
      tpu.yield
    }) : () -> ()
    "tpu.region"() ({
      %run_scoped3A = tpu.sem_alloc : memref<!tpu.dma_semaphore, #tpu.memory_space<semaphore_mem>>
      %dma_start3A = tpu.memref_slice %arg18[%multiple_of3A] : memref<100096xf32, #tpu.memory_space<vmem_shared>> -> memref<6256xf32, #tpu.memory_space<vmem_shared>>
      tpu.enqueue_dma source(%arg7 : memref<6256xf32, #tpu.memory_space<hbm>>) target(%dma_start3A : memref<6256xf32, #tpu.memory_space<vmem_shared>>) target_semaphore(%run_scoped3A : memref<!tpu.dma_semaphore, #tpu.memory_space<semaphore_mem>>)
      %dma_wait3A = tpu.memref_slice %arg18[%multiple_of3A] : memref<100096xf32, #tpu.memory_space<vmem_shared>> -> memref<6256xf32, #tpu.memory_space<vmem_shared>>
      tpu.wait_dma2 semaphore(%run_scoped3A : memref<!tpu.dma_semaphore, #tpu.memory_space<semaphore_mem>>) src(%arg7 : memref<6256xf32, #tpu.memory_space<hbm>>) dst(%dma_wait3A : memref<6256xf32, #tpu.memory_space<vmem_shared>>)
      tpu.yield
    }) : () -> ()
    "tpu.region"() ({
      %run_scoped3A = tpu.sem_alloc : memref<!tpu.dma_semaphore, #tpu.memory_space<semaphore_mem>>
      %dma_start3A = tpu.memref_slice %arg19[%multiple_of3A] : memref<100096xf32, #tpu.memory_space<vmem_shared>> -> memref<6256xf32, #tpu.memory_space<vmem_shared>>
      tpu.enqueue_dma source(%arg7 : memref<6256xf32, #tpu.memory_space<hbm>>) target(%dma_start3A : memref<6256xf32, #tpu.memory_space<vmem_shared>>) target_semaphore(%run_scoped3A : memref<!tpu.dma_semaphore, #tpu.memory_space<semaphore_mem>>)
      %dma_wait3A = tpu.memref_slice %arg19[%multiple_of3A] : memref<100096xf32, #tpu.memory_space<vmem_shared>> -> memref<6256xf32, #tpu.memory_space<vmem_shared>>
      tpu.wait_dma2 semaphore(%run_scoped3A : memref<!tpu.dma_semaphore, #tpu.memory_space<semaphore_mem>>) src(%arg7 : memref<6256xf32, #tpu.memory_space<hbm>>) dst(%dma_wait3A : memref<6256xf32, #tpu.memory_space<vmem_shared>>)
      tpu.yield
    }) : () -> ()
    %barrier3A = arith.constant 0 : index
    tpu.barrier barrier_id(%barrier3A)
    %mul3A_3 = arith.constant 195 : i32
    %mul3A_4 = arith.muli %add3A, %mul3A_3 : i32
    %min3A = arith.constant 10 : i32
    %min3A_5 = arith.minsi %add3A, %min3A : i32
    %add3A_6 = arith.addi %mul3A_4, %min3A_5 : i32
    %lt3A = arith.constant 10 : i32
    %lt3A_7 = arith.cmpi slt, %add3A, %lt3A : i32
    %jit3A = arith.constant 1 : i32
    %jit3A_8 = arith.constant 0 : i32
    %select_n3A = arith.select %lt3A_7, %jit3A, %jit3A_8 : i32
    %add3A_9 = arith.constant 195 : i32
    %add3A_10 = arith.addi %add3A_9, %select_n3A : i32
    %while3A = arith.constant 0 : i32
    %while3A_11 = arith.constant 0 : i32
    %while3A_12 = arith.subi %add3A_10, %while3A_11 : i32
    %while3A_13 = arith.addi %while3A_11, %while3A_12 : i32
    %while3A_14 = arith.constant 1 : i32
    %while3A_15 = arith.divsi %while3A_12, %while3A_14 : i32
    %while3A_16 = arith.muli %while3A_15, %while3A_14 : i32
    %while3A_17 = arith.addi %while3A_11, %while3A_16 : i32
    %while3A_18 = arith.constant 1 : i32
    scf.for %while3A_21 = %while3A_11 to %while3A_17 step %while3A_18  : i32 {
      %add3A_22 = arith.addi %add3A_6, %while3A_21 : i32
      %mul3A_23 = arith.constant 8 : i32
      %mul3A_24 = arith.muli %add3A_22, %mul3A_23 : i32
      %multiple_of3A_25 = tpu.assume_multiple %mul3A_24, 8 : i32
      %mul3A_26 = arith.constant 1024 : i32
      %mul3A_27 = arith.muli %add3A_22, %mul3A_26 : i32
      %multiple_of3A_28 = tpu.assume_multiple %mul3A_27, 8 : i32
      "tpu.region"() ({
        %run_scoped3A_76 = tpu.sem_alloc : memref<!tpu.dma_semaphore, #tpu.memory_space<semaphore_mem>>
        %dma_start3A = arith.constant 0 : i32
        %dma_start3A_77 = tpu.memref_slice %arg5[%multiple_of3A_25, %dma_start3A] : memref<50000x128xi32, #tpu.memory_space<hbm>> -> memref<8x128xi32, #tpu.memory_space<hbm>>
        %dma_start3A_78 = arith.constant 0 : i32
        %dma_start3A_79 = tpu.memref_slice %arg5[%multiple_of3A_25, %dma_start3A_78] : memref<50000x128xi32, #tpu.memory_space<hbm>> -> memref<8x128xi32, #tpu.memory_space<hbm>>
        tpu.enqueue_dma source(%dma_start3A_79 : memref<8x128xi32, #tpu.memory_space<hbm>>) target(%arg20 : memref<8x128xi32, #tpu.memory_space<vmem>>) target_semaphore(%run_scoped3A_76 : memref<!tpu.dma_semaphore, #tpu.memory_space<semaphore_mem>>)
        %dma_wait3A = arith.constant 0 : i32
        %dma_wait3A_80 = tpu.memref_slice %arg5[%multiple_of3A_25, %dma_wait3A] : memref<50000x128xi32, #tpu.memory_space<hbm>> -> memref<8x128xi32, #tpu.memory_space<hbm>>
        %dma_wait3A_81 = arith.constant 0 : i32
        %dma_wait3A_82 = tpu.memref_slice %arg5[%multiple_of3A_25, %dma_wait3A_81] : memref<50000x128xi32, #tpu.memory_space<hbm>> -> memref<8x128xi32, #tpu.memory_space<hbm>>
        tpu.wait_dma2 semaphore(%run_scoped3A_76 : memref<!tpu.dma_semaphore, #tpu.memory_space<semaphore_mem>>) src(%dma_wait3A_82 : memref<8x128xi32, #tpu.memory_space<hbm>>) dst(%arg20 : memref<8x128xi32, #tpu.memory_space<vmem>>)
        tpu.yield
      }) : () -> ()
      "tpu.region"() ({
        %run_scoped3A_76 = tpu.sem_alloc : memref<!tpu.dma_semaphore, #tpu.memory_space<semaphore_mem>>
        %dma_start3A = arith.constant 0 : i32
        %dma_start3A_77 = tpu.memref_slice %arg6[%multiple_of3A_25, %dma_start3A] : memref<50000x128xi32, #tpu.memory_space<hbm>> -> memref<8x128xi32, #tpu.memory_space<hbm>>
        %dma_start3A_78 = arith.constant 0 : i32
        %dma_start3A_79 = tpu.memref_slice %arg6[%multiple_of3A_25, %dma_start3A_78] : memref<50000x128xi32, #tpu.memory_space<hbm>> -> memref<8x128xi32, #tpu.memory_space<hbm>>
        tpu.enqueue_dma source(%dma_start3A_79 : memref<8x128xi32, #tpu.memory_space<hbm>>) target(%arg21 : memref<8x128xi32, #tpu.memory_space<vmem>>) target_semaphore(%run_scoped3A_76 : memref<!tpu.dma_semaphore, #tpu.memory_space<semaphore_mem>>)
        %dma_wait3A = arith.constant 0 : i32
        %dma_wait3A_80 = tpu.memref_slice %arg6[%multiple_of3A_25, %dma_wait3A] : memref<50000x128xi32, #tpu.memory_space<hbm>> -> memref<8x128xi32, #tpu.memory_space<hbm>>
        %dma_wait3A_81 = arith.constant 0 : i32
        %dma_wait3A_82 = tpu.memref_slice %arg6[%multiple_of3A_25, %dma_wait3A_81] : memref<50000x128xi32, #tpu.memory_space<hbm>> -> memref<8x128xi32, #tpu.memory_space<hbm>>
        tpu.wait_dma2 semaphore(%run_scoped3A_76 : memref<!tpu.dma_semaphore, #tpu.memory_space<semaphore_mem>>) src(%dma_wait3A_82 : memref<8x128xi32, #tpu.memory_space<hbm>>) dst(%arg21 : memref<8x128xi32, #tpu.memory_space<vmem>>)
        tpu.yield
      }) : () -> ()
      "tpu.region"() ({
        %run_scoped3A_76 = tpu.sem_alloc : memref<!tpu.dma_semaphore, #tpu.memory_space<semaphore_mem>>
        %dma_start3A = tpu.memref_slice %arg2[%multiple_of3A_28] : memref<6400000xf32, #tpu.memory_space<hbm>> -> memref<1024xf32, #tpu.memory_space<hbm>>
        %dma_start3A_77 = tpu.memref_slice %arg2[%multiple_of3A_28] : memref<6400000xf32, #tpu.memory_space<hbm>> -> memref<1024xf32, #tpu.memory_space<hbm>>
        tpu.enqueue_dma source(%dma_start3A_77 : memref<1024xf32, #tpu.memory_space<hbm>>) target(%arg22 : memref<1024xf32, #tpu.memory_space<vmem>>) target_semaphore(%run_scoped3A_76 : memref<!tpu.dma_semaphore, #tpu.memory_space<semaphore_mem>>)
        %dma_wait3A = tpu.memref_slice %arg2[%multiple_of3A_28] : memref<6400000xf32, #tpu.memory_space<hbm>> -> memref<1024xf32, #tpu.memory_space<hbm>>
        %dma_wait3A_78 = tpu.memref_slice %arg2[%multiple_of3A_28] : memref<6400000xf32, #tpu.memory_space<hbm>> -> memref<1024xf32, #tpu.memory_space<hbm>>
        tpu.wait_dma2 semaphore(%run_scoped3A_76 : memref<!tpu.dma_semaphore, #tpu.memory_space<semaphore_mem>>) src(%dma_wait3A_78 : memref<1024xf32, #tpu.memory_space<hbm>>) dst(%arg22 : memref<1024xf32, #tpu.memory_space<vmem>>)
        tpu.yield
      }) : () -> ()
      "tpu.region"() ({
        %run_scoped3A_76 = tpu.sem_alloc : memref<!tpu.dma_semaphore, #tpu.memory_space<semaphore_mem>>
        %dma_start3A = tpu.memref_slice %arg3[%multiple_of3A_28] : memref<6400000xf32, #tpu.memory_space<hbm>> -> memref<1024xf32, #tpu.memory_space<hbm>>
        %dma_start3A_77 = tpu.memref_slice %arg3[%multiple_of3A_28] : memref<6400000xf32, #tpu.memory_space<hbm>> -> memref<1024xf32, #tpu.memory_space<hbm>>
        tpu.enqueue_dma source(%dma_start3A_77 : memref<1024xf32, #tpu.memory_space<hbm>>) target(%arg23 : memref<1024xf32, #tpu.memory_space<vmem>>) target_semaphore(%run_scoped3A_76 : memref<!tpu.dma_semaphore, #tpu.memory_space<semaphore_mem>>)
        %dma_wait3A = tpu.memref_slice %arg3[%multiple_of3A_28] : memref<6400000xf32, #tpu.memory_space<hbm>> -> memref<1024xf32, #tpu.memory_space<hbm>>
        %dma_wait3A_78 = tpu.memref_slice %arg3[%multiple_of3A_28] : memref<6400000xf32, #tpu.memory_space<hbm>> -> memref<1024xf32, #tpu.memory_space<hbm>>
        tpu.wait_dma2 semaphore(%run_scoped3A_76 : memref<!tpu.dma_semaphore, #tpu.memory_space<semaphore_mem>>) src(%dma_wait3A_78 : memref<1024xf32, #tpu.memory_space<hbm>>) dst(%arg23 : memref<1024xf32, #tpu.memory_space<vmem>>)
        tpu.yield
      }) : () -> ()
      "tpu.region"() ({
        %run_scoped3A_76 = tpu.sem_alloc : memref<!tpu.dma_semaphore, #tpu.memory_space<semaphore_mem>>
        %dma_start3A = tpu.memref_slice %arg4[%multiple_of3A_28] : memref<6400000xf32, #tpu.memory_space<hbm>> -> memref<1024xf32, #tpu.memory_space<hbm>>
        %dma_start3A_77 = tpu.memref_slice %arg4[%multiple_of3A_28] : memref<6400000xf32, #tpu.memory_space<hbm>> -> memref<1024xf32, #tpu.memory_space<hbm>>
        tpu.enqueue_dma source(%dma_start3A_77 : memref<1024xf32, #tpu.memory_space<hbm>>) target(%arg24 : memref<1024xf32, #tpu.memory_space<vmem>>) target_semaphore(%run_scoped3A_76 : memref<!tpu.dma_semaphore, #tpu.memory_space<semaphore_mem>>)
        %dma_wait3A = tpu.memref_slice %arg4[%multiple_of3A_28] : memref<6400000xf32, #tpu.memory_space<hbm>> -> memref<1024xf32, #tpu.memory_space<hbm>>
        %dma_wait3A_78 = tpu.memref_slice %arg4[%multiple_of3A_28] : memref<6400000xf32, #tpu.memory_space<hbm>> -> memref<1024xf32, #tpu.memory_space<hbm>>
        tpu.wait_dma2 semaphore(%run_scoped3A_76 : memref<!tpu.dma_semaphore, #tpu.memory_space<semaphore_mem>>) src(%dma_wait3A_78 : memref<1024xf32, #tpu.memory_space<hbm>>) dst(%arg24 : memref<1024xf32, #tpu.memory_space<vmem>>)
        tpu.yield
      }) : () -> ()
      %run_scoped3A = arith.constant 0 : i32
      "tpu.region"() ({
        %run_scoped3A_76 = tpu.sem_alloc : memref<!tpu.dma_semaphore, #tpu.memory_space<semaphore_mem>>
        %dma_start3A = arith.constant 0 : i32
        %dma_start3A_77 = tpu.memref_slice %arg22[%dma_start3A] : memref<1024xf32, #tpu.memory_space<vmem>> -> memref<128xf32, #tpu.memory_space<vmem>>
        %dma_start3A_78 = arith.constant 0 : i32
        %dma_start3A_79 = tpu.memref_slice %arg20[%run_scoped3A, %dma_start3A_78] : memref<8x128xi32, #tpu.memory_space<vmem>> -> memref<1x128xi32, #tpu.memory_space<vmem>>
        %dma_start3A_80 = tpu.memref_squeeze %dma_start3A_79 : memref<1x128xi32, #tpu.memory_space<vmem>> -> memref<128xi32, #tpu.memory_space<vmem>>
        %dma_start3A_81 = arith.constant 0 : i32
        %dma_start3A_82 = tpu.memref_slice %arg14[%dma_start3A_81] : memref<100096xf32, #tpu.memory_space<vmem_shared>> -> memref<100096xf32, #tpu.memory_space<vmem_shared>>
        tpu.enqueue_indirect_dma source(%dma_start3A_77 : memref<128xf32, #tpu.memory_space<vmem>>) target(%dma_start3A_82 : memref<100096xf32, #tpu.memory_space<vmem_shared>>) offsets(%dma_start3A_80 : memref<128xi32, #tpu.memory_space<vmem>>) semaphore(%run_scoped3A_76 : memref<!tpu.dma_semaphore, #tpu.memory_space<semaphore_mem>>) {add = true}
        %dma_wait3A = arith.constant 0 : i32
        %dma_wait3A_83 = tpu.memref_slice %arg22[%dma_wait3A] : memref<1024xf32, #tpu.memory_space<vmem>> -> memref<128xf32, #tpu.memory_space<vmem>>
        %dma_wait3A_84 = arith.constant 0 : i32
        %dma_wait3A_85 = tpu.memref_slice %arg20[%run_scoped3A, %dma_wait3A_84] : memref<8x128xi32, #tpu.memory_space<vmem>> -> memref<1x128xi32, #tpu.memory_space<vmem>>
        %dma_wait3A_86 = tpu.memref_squeeze %dma_wait3A_85 : memref<1x128xi32, #tpu.memory_space<vmem>> -> memref<128xi32, #tpu.memory_space<vmem>>
        %dma_wait3A_87 = arith.constant 0 : i32
        %dma_wait3A_88 = tpu.memref_slice %arg14[%dma_wait3A_87] : memref<100096xf32, #tpu.memory_space<vmem_shared>> -> memref<100096xf32, #tpu.memory_space<vmem_shared>>
        tpu.wait_indirect_dma semaphore(%run_scoped3A_76 : memref<!tpu.dma_semaphore, #tpu.memory_space<semaphore_mem>>) src(%dma_wait3A_83 : memref<128xf32, #tpu.memory_space<vmem>>) dst(%dma_wait3A_88 : memref<100096xf32, #tpu.memory_space<vmem_shared>>)
        tpu.yield
      }) : () -> ()
      %run_scoped3A_29 = arith.constant 0 : i32
      "tpu.region"() ({
        %run_scoped3A_76 = tpu.sem_alloc : memref<!tpu.dma_semaphore, #tpu.memory_space<semaphore_mem>>
        %dma_start3A = arith.constant 0 : i32
        %dma_start3A_77 = tpu.memref_slice %arg23[%dma_start3A] : memref<1024xf32, #tpu.memory_space<vmem>> -> memref<128xf32, #tpu.memory_space<vmem>>
        %dma_start3A_78 = arith.constant 0 : i32
        %dma_start3A_79 = tpu.memref_slice %arg20[%run_scoped3A_29, %dma_start3A_78] : memref<8x128xi32, #tpu.memory_space<vmem>> -> memref<1x128xi32, #tpu.memory_space<vmem>>
        %dma_start3A_80 = tpu.memref_squeeze %dma_start3A_79 : memref<1x128xi32, #tpu.memory_space<vmem>> -> memref<128xi32, #tpu.memory_space<vmem>>
        %dma_start3A_81 = arith.constant 0 : i32
        %dma_start3A_82 = tpu.memref_slice %arg15[%dma_start3A_81] : memref<100096xf32, #tpu.memory_space<vmem_shared>> -> memref<100096xf32, #tpu.memory_space<vmem_shared>>
        tpu.enqueue_indirect_dma source(%dma_start3A_77 : memref<128xf32, #tpu.memory_space<vmem>>) target(%dma_start3A_82 : memref<100096xf32, #tpu.memory_space<vmem_shared>>) offsets(%dma_start3A_80 : memref<128xi32, #tpu.memory_space<vmem>>) semaphore(%run_scoped3A_76 : memref<!tpu.dma_semaphore, #tpu.memory_space<semaphore_mem>>) {add = true}
        %dma_wait3A = arith.constant 0 : i32
        %dma_wait3A_83 = tpu.memref_slice %arg23[%dma_wait3A] : memref<1024xf32, #tpu.memory_space<vmem>> -> memref<128xf32, #tpu.memory_space<vmem>>
        %dma_wait3A_84 = arith.constant 0 : i32
        %dma_wait3A_85 = tpu.memref_slice %arg20[%run_scoped3A_29, %dma_wait3A_84] : memref<8x128xi32, #tpu.memory_space<vmem>> -> memref<1x128xi32, #tpu.memory_space<vmem>>
        %dma_wait3A_86 = tpu.memref_squeeze %dma_wait3A_85 : memref<1x128xi32, #tpu.memory_space<vmem>> -> memref<128xi32, #tpu.memory_space<vmem>>
        %dma_wait3A_87 = arith.constant 0 : i32
        %dma_wait3A_88 = tpu.memref_slice %arg15[%dma_wait3A_87] : memref<100096xf32, #tpu.memory_space<vmem_shared>> -> memref<100096xf32, #tpu.memory_space<vmem_shared>>
        tpu.wait_indirect_dma semaphore(%run_scoped3A_76 : memref<!tpu.dma_semaphore, #tpu.memory_space<semaphore_mem>>) src(%dma_wait3A_83 : memref<128xf32, #tpu.memory_space<vmem>>) dst(%dma_wait3A_88 : memref<100096xf32, #tpu.memory_space<vmem_shared>>)
        tpu.yield
      }) : () -> ()
      %run_scoped3A_30 = arith.constant 0 : i32
      "tpu.region"() ({
        %run_scoped3A_76 = tpu.sem_alloc : memref<!tpu.dma_semaphore, #tpu.memory_space<semaphore_mem>>
        %dma_start3A = arith.constant 0 : i32
        %dma_start3A_77 = tpu.memref_slice %arg24[%dma_start3A] : memref<1024xf32, #tpu.memory_space<vmem>> -> memref<128xf32, #tpu.memory_space<vmem>>
        %dma_start3A_78 = arith.constant 0 : i32
        %dma_start3A_79 = tpu.memref_slice %arg20[%run_scoped3A_30, %dma_start3A_78] : memref<8x128xi32, #tpu.memory_space<vmem>> -> memref<1x128xi32, #tpu.memory_space<vmem>>
        %dma_start3A_80 = tpu.memref_squeeze %dma_start3A_79 : memref<1x128xi32, #tpu.memory_space<vmem>> -> memref<128xi32, #tpu.memory_space<vmem>>
        %dma_start3A_81 = arith.constant 0 : i32
        %dma_start3A_82 = tpu.memref_slice %arg16[%dma_start3A_81] : memref<100096xf32, #tpu.memory_space<vmem_shared>> -> memref<100096xf32, #tpu.memory_space<vmem_shared>>
        tpu.enqueue_indirect_dma source(%dma_start3A_77 : memref<128xf32, #tpu.memory_space<vmem>>) target(%dma_start3A_82 : memref<100096xf32, #tpu.memory_space<vmem_shared>>) offsets(%dma_start3A_80 : memref<128xi32, #tpu.memory_space<vmem>>) semaphore(%run_scoped3A_76 : memref<!tpu.dma_semaphore, #tpu.memory_space<semaphore_mem>>) {add = true}
        %dma_wait3A = arith.constant 0 : i32
        %dma_wait3A_83 = tpu.memref_slice %arg24[%dma_wait3A] : memref<1024xf32, #tpu.memory_space<vmem>> -> memref<128xf32, #tpu.memory_space<vmem>>
        %dma_wait3A_84 = arith.constant 0 : i32
        %dma_wait3A_85 = tpu.memref_slice %arg20[%run_scoped3A_30, %dma_wait3A_84] : memref<8x128xi32, #tpu.memory_space<vmem>> -> memref<1x128xi32, #tpu.memory_space<vmem>>
        %dma_wait3A_86 = tpu.memref_squeeze %dma_wait3A_85 : memref<1x128xi32, #tpu.memory_space<vmem>> -> memref<128xi32, #tpu.memory_space<vmem>>
        %dma_wait3A_87 = arith.constant 0 : i32
        %dma_wait3A_88 = tpu.memref_slice %arg16[%dma_wait3A_87] : memref<100096xf32, #tpu.memory_space<vmem_shared>> -> memref<100096xf32, #tpu.memory_space<vmem_shared>>
        tpu.wait_indirect_dma semaphore(%run_scoped3A_76 : memref<!tpu.dma_semaphore, #tpu.memory_space<semaphore_mem>>) src(%dma_wait3A_83 : memref<128xf32, #tpu.memory_space<vmem>>) dst(%dma_wait3A_88 : memref<100096xf32, #tpu.memory_space<vmem_shared>>)
        tpu.yield
      }) : () -> ()
      %run_scoped3A_31 = arith.constant 0 : i32
      "tpu.region"() ({
        %run_scoped3A_76 = tpu.sem_alloc : memref<!tpu.dma_semaphore, #tpu.memory_space<semaphore_mem>>
        %dma_start3A = arith.constant 0 : i32
        %dma_start3A_77 = tpu.memref_slice %arg22[%dma_start3A] : memref<1024xf32, #tpu.memory_space<vmem>> -> memref<128xf32, #tpu.memory_space<vmem>>
        %dma_start3A_78 = arith.constant 0 : i32
        %dma_start3A_79 = tpu.memref_slice %arg21[%run_scoped3A_31, %dma_start3A_78] : memref<8x128xi32, #tpu.memory_space<vmem>> -> memref<1x128xi32, #tpu.memory_space<vmem>>
        %dma_start3A_80 = tpu.memref_squeeze %dma_start3A_79 : memref<1x128xi32, #tpu.memory_space<vmem>> -> memref<128xi32, #tpu.memory_space<vmem>>
        %dma_start3A_81 = arith.constant 0 : i32
        %dma_start3A_82 = tpu.memref_slice %arg17[%dma_start3A_81] : memref<100096xf32, #tpu.memory_space<vmem_shared>> -> memref<100096xf32, #tpu.memory_space<vmem_shared>>
        tpu.enqueue_indirect_dma source(%dma_start3A_77 : memref<128xf32, #tpu.memory_space<vmem>>) target(%dma_start3A_82 : memref<100096xf32, #tpu.memory_space<vmem_shared>>) offsets(%dma_start3A_80 : memref<128xi32, #tpu.memory_space<vmem>>) semaphore(%run_scoped3A_76 : memref<!tpu.dma_semaphore, #tpu.memory_space<semaphore_mem>>) {add = true}
        %dma_wait3A = arith.constant 0 : i32
        %dma_wait3A_83 = tpu.memref_slice %arg22[%dma_wait3A] : memref<1024xf32, #tpu.memory_space<vmem>> -> memref<128xf32, #tpu.memory_space<vmem>>
        %dma_wait3A_84 = arith.constant 0 : i32
        %dma_wait3A_85 = tpu.memref_slice %arg21[%run_scoped3A_31, %dma_wait3A_84] : memref<8x128xi32, #tpu.memory_space<vmem>> -> memref<1x128xi32, #tpu.memory_space<vmem>>
        %dma_wait3A_86 = tpu.memref_squeeze %dma_wait3A_85 : memref<1x128xi32, #tpu.memory_space<vmem>> -> memref<128xi32, #tpu.memory_space<vmem>>
        %dma_wait3A_87 = arith.constant 0 : i32
        %dma_wait3A_88 = tpu.memref_slice %arg17[%dma_wait3A_87] : memref<100096xf32, #tpu.memory_space<vmem_shared>> -> memref<100096xf32, #tpu.memory_space<vmem_shared>>
        tpu.wait_indirect_dma semaphore(%run_scoped3A_76 : memref<!tpu.dma_semaphore, #tpu.memory_space<semaphore_mem>>) src(%dma_wait3A_83 : memref<128xf32, #tpu.memory_space<vmem>>) dst(%dma_wait3A_88 : memref<100096xf32, #tpu.memory_space<vmem_shared>>)
        tpu.yield
      }) : () -> ()
      %run_scoped3A_32 = arith.constant 0 : i32
      "tpu.region"() ({
        %run_scoped3A_76 = tpu.sem_alloc : memref<!tpu.dma_semaphore, #tpu.memory_space<semaphore_mem>>
        %dma_start3A = arith.constant 0 : i32
        %dma_start3A_77 = tpu.memref_slice %arg23[%dma_start3A] : memref<1024xf32, #tpu.memory_space<vmem>> -> memref<128xf32, #tpu.memory_space<vmem>>
        %dma_start3A_78 = arith.constant 0 : i32
        %dma_start3A_79 = tpu.memref_slice %arg21[%run_scoped3A_32, %dma_start3A_78] : memref<8x128xi32, #tpu.memory_space<vmem>> -> memref<1x128xi32, #tpu.memory_space<vmem>>
        %dma_start3A_80 = tpu.memref_squeeze %dma_start3A_79 : memref<1x128xi32, #tpu.memory_space<vmem>> -> memref<128xi32, #tpu.memory_space<vmem>>
        %dma_start3A_81 = arith.constant 0 : i32
        %dma_start3A_82 = tpu.memref_slice %arg18[%dma_start3A_81] : memref<100096xf32, #tpu.memory_space<vmem_shared>> -> memref<100096xf32, #tpu.memory_space<vmem_shared>>
        tpu.enqueue_indirect_dma source(%dma_start3A_77 : memref<128xf32, #tpu.memory_space<vmem>>) target(%dma_start3A_82 : memref<100096xf32, #tpu.memory_space<vmem_shared>>) offsets(%dma_start3A_80 : memref<128xi32, #tpu.memory_space<vmem>>) semaphore(%run_scoped3A_76 : memref<!tpu.dma_semaphore, #tpu.memory_space<semaphore_mem>>) {add = true}
        %dma_wait3A = arith.constant 0 : i32
        %dma_wait3A_83 = tpu.memref_slice %arg23[%dma_wait3A] : memref<1024xf32, #tpu.memory_space<vmem>> -> memref<128xf32, #tpu.memory_space<vmem>>
        %dma_wait3A_84 = arith.constant 0 : i32
        %dma_wait3A_85 = tpu.memref_slice %arg21[%run_scoped3A_32, %dma_wait3A_84] : memref<8x128xi32, #tpu.memory_space<vmem>> -> memref<1x128xi32, #tpu.memory_space<vmem>>
        %dma_wait3A_86 = tpu.memref_squeeze %dma_wait3A_85 : memref<1x128xi32, #tpu.memory_space<vmem>> -> memref<128xi32, #tpu.memory_space<vmem>>
        %dma_wait3A_87 = arith.constant 0 : i32
        %dma_wait3A_88 = tpu.memref_slice %arg18[%dma_wait3A_87] : memref<100096xf32, #tpu.memory_space<vmem_shared>> -> memref<100096xf32, #tpu.memory_space<vmem_shared>>
        tpu.wait_indirect_dma semaphore(%run_scoped3A_76 : memref<!tpu.dma_semaphore, #tpu.memory_space<semaphore_mem>>) src(%dma_wait3A_83 : memref<128xf32, #tpu.memory_space<vmem>>) dst(%dma_wait3A_88 : memref<100096xf32, #tpu.memory_space<vmem_shared>>)
        tpu.yield
      }) : () -> ()
      %run_scoped3A_33 = arith.constant 0 : i32
      "tpu.region"() ({
        %run_scoped3A_76 = tpu.sem_alloc : memref<!tpu.dma_semaphore, #tpu.memory_space<semaphore_mem>>
        %dma_start3A = arith.constant 0 : i32
        %dma_start3A_77 = tpu.memref_slice %arg24[%dma_start3A] : memref<1024xf32, #tpu.memory_space<vmem>> -> memref<128xf32, #tpu.memory_space<vmem>>
        %dma_start3A_78 = arith.constant 0 : i32
        %dma_start3A_79 = tpu.memref_slice %arg21[%run_scoped3A_33, %dma_start3A_78] : memref<8x128xi32, #tpu.memory_space<vmem>> -> memref<1x128xi32, #tpu.memory_space<vmem>>
        %dma_start3A_80 = tpu.memref_squeeze %dma_start3A_79 : memref<1x128xi32, #tpu.memory_space<vmem>> -> memref<128xi32, #tpu.memory_space<vmem>>
        %dma_start3A_81 = arith.constant 0 : i32
        %dma_start3A_82 = tpu.memref_slice %arg19[%dma_start3A_81] : memref<100096xf32, #tpu.memory_space<vmem_shared>> -> memref<100096xf32, #tpu.memory_space<vmem_shared>>
        tpu.enqueue_indirect_dma source(%dma_start3A_77 : memref<128xf32, #tpu.memory_space<vmem>>) target(%dma_start3A_82 : memref<100096xf32, #tpu.memory_space<vmem_shared>>) offsets(%dma_start3A_80 : memref<128xi32, #tpu.memory_space<vmem>>) semaphore(%run_scoped3A_76 : memref<!tpu.dma_semaphore, #tpu.memory_space<semaphore_mem>>) {add = true}
        %dma_wait3A = arith.constant 0 : i32
        %dma_wait3A_83 = tpu.memref_slice %arg24[%dma_wait3A] : memref<1024xf32, #tpu.memory_space<vmem>> -> memref<128xf32, #tpu.memory_space<vmem>>
        %dma_wait3A_84 = arith.constant 0 : i32
        %dma_wait3A_85 = tpu.memref_slice %arg21[%run_scoped3A_33, %dma_wait3A_84] : memref<8x128xi32, #tpu.memory_space<vmem>> -> memref<1x128xi32, #tpu.memory_space<vmem>>
        %dma_wait3A_86 = tpu.memref_squeeze %dma_wait3A_85 : memref<1x128xi32, #tpu.memory_space<vmem>> -> memref<128xi32, #tpu.memory_space<vmem>>
        %dma_wait3A_87 = arith.constant 0 : i32
        %dma_wait3A_88 = tpu.memref_slice %arg19[%dma_wait3A_87] : memref<100096xf32, #tpu.memory_space<vmem_shared>> -> memref<100096xf32, #tpu.memory_space<vmem_shared>>
        tpu.wait_indirect_dma semaphore(%run_scoped3A_76 : memref<!tpu.dma_semaphore, #tpu.memory_space<semaphore_mem>>) src(%dma_wait3A_83 : memref<128xf32, #tpu.memory_space<vmem>>) dst(%dma_wait3A_88 : memref<100096xf32, #tpu.memory_space<vmem_shared>>)
        tpu.yield
      }) : () -> ()
      %run_scoped3A_34 = arith.constant 1 : i32
      "tpu.region"() ({
        %run_scoped3A_76 = tpu.sem_alloc : memref<!tpu.dma_semaphore, #tpu.memory_space<semaphore_mem>>
        %dma_start3A = arith.constant 128 : i32
        %dma_start3A_77 = tpu.memref_slice %arg22[%dma_start3A] : memref<1024xf32, #tpu.memory_space<vmem>> -> memref<128xf32, #tpu.memory_space<vmem>>
        %dma_start3A_78 = arith.constant 0 : i32
        %dma_start3A_79 = tpu.memref_slice %arg20[%run_scoped3A_34, %dma_start3A_78] : memref<8x128xi32, #tpu.memory_space<vmem>> -> memref<1x128xi32, #tpu.memory_space<vmem>>
        %dma_start3A_80 = tpu.memref_squeeze %dma_start3A_79 : memref<1x128xi32, #tpu.memory_space<vmem>> -> memref<128xi32, #tpu.memory_space<vmem>>
        %dma_start3A_81 = arith.constant 0 : i32
        %dma_start3A_82 = tpu.memref_slice %arg14[%dma_start3A_81] : memref<100096xf32, #tpu.memory_space<vmem_shared>> -> memref<100096xf32, #tpu.memory_space<vmem_shared>>
        tpu.enqueue_indirect_dma source(%dma_start3A_77 : memref<128xf32, #tpu.memory_space<vmem>>) target(%dma_start3A_82 : memref<100096xf32, #tpu.memory_space<vmem_shared>>) offsets(%dma_start3A_80 : memref<128xi32, #tpu.memory_space<vmem>>) semaphore(%run_scoped3A_76 : memref<!tpu.dma_semaphore, #tpu.memory_space<semaphore_mem>>) {add = true}
        %dma_wait3A = arith.constant 128 : i32
        %dma_wait3A_83 = tpu.memref_slice %arg22[%dma_wait3A] : memref<1024xf32, #tpu.memory_space<vmem>> -> memref<128xf32, #tpu.memory_space<vmem>>
        %dma_wait3A_84 = arith.constant 0 : i32
        %dma_wait3A_85 = tpu.memref_slice %arg20[%run_scoped3A_34, %dma_wait3A_84] : memref<8x128xi32, #tpu.memory_space<vmem>> -> memref<1x128xi32, #tpu.memory_space<vmem>>
        %dma_wait3A_86 = tpu.memref_squeeze %dma_wait3A_85 : memref<1x128xi32, #tpu.memory_space<vmem>> -> memref<128xi32, #tpu.memory_space<vmem>>
        %dma_wait3A_87 = arith.constant 0 : i32
        %dma_wait3A_88 = tpu.memref_slice %arg14[%dma_wait3A_87] : memref<100096xf32, #tpu.memory_space<vmem_shared>> -> memref<100096xf32, #tpu.memory_space<vmem_shared>>
        tpu.wait_indirect_dma semaphore(%run_scoped3A_76 : memref<!tpu.dma_semaphore, #tpu.memory_space<semaphore_mem>>) src(%dma_wait3A_83 : memref<128xf32, #tpu.memory_space<vmem>>) dst(%dma_wait3A_88 : memref<100096xf32, #tpu.memory_space<vmem_shared>>)
        tpu.yield
      }) : () -> ()
      %run_scoped3A_35 = arith.constant 1 : i32
      "tpu.region"() ({
        %run_scoped3A_76 = tpu.sem_alloc : memref<!tpu.dma_semaphore, #tpu.memory_space<semaphore_mem>>
        %dma_start3A = arith.constant 128 : i32
        %dma_start3A_77 = tpu.memref_slice %arg23[%dma_start3A] : memref<1024xf32, #tpu.memory_space<vmem>> -> memref<128xf32, #tpu.memory_space<vmem>>
        %dma_start3A_78 = arith.constant 0 : i32
        %dma_start3A_79 = tpu.memref_slice %arg20[%run_scoped3A_35, %dma_start3A_78] : memref<8x128xi32, #tpu.memory_space<vmem>> -> memref<1x128xi32, #tpu.memory_space<vmem>>
        %dma_start3A_80 = tpu.memref_squeeze %dma_start3A_79 : memref<1x128xi32, #tpu.memory_space<vmem>> -> memref<128xi32, #tpu.memory_space<vmem>>
        %dma_start3A_81 = arith.constant 0 : i32
        %dma_start3A_82 = tpu.memref_slice %arg15[%dma_start3A_81] : memref<100096xf32, #tpu.memory_space<vmem_shared>> -> memref<100096xf32, #tpu.memory_space<vmem_shared>>
        tpu.enqueue_indirect_dma source(%dma_start3A_77 : memref<128xf32, #tpu.memory_space<vmem>>) target(%dma_start3A_82 : memref<100096xf32, #tpu.memory_space<vmem_shared>>) offsets(%dma_start3A_80 : memref<128xi32, #tpu.memory_space<vmem>>) semaphore(%run_scoped3A_76 : memref<!tpu.dma_semaphore, #tpu.memory_space<semaphore_mem>>) {add = true}
        %dma_wait3A = arith.constant 128 : i32
        %dma_wait3A_83 = tpu.memref_slice %arg23[%dma_wait3A] : memref<1024xf32, #tpu.memory_space<vmem>> -> memref<128xf32, #tpu.memory_space<vmem>>
        %dma_wait3A_84 = arith.constant 0 : i32
        %dma_wait3A_85 = tpu.memref_slice %arg20[%run_scoped3A_35, %dma_wait3A_84] : memref<8x128xi32, #tpu.memory_space<vmem>> -> memref<1x128xi32, #tpu.memory_space<vmem>>
        %dma_wait3A_86 = tpu.memref_squeeze %dma_wait3A_85 : memref<1x128xi32, #tpu.memory_space<vmem>> -> memref<128xi32, #tpu.memory_space<vmem>>
        %dma_wait3A_87 = arith.constant 0 : i32
        %dma_wait3A_88 = tpu.memref_slice %arg15[%dma_wait3A_87] : memref<100096xf32, #tpu.memory_space<vmem_shared>> -> memref<100096xf32, #tpu.memory_space<vmem_shared>>
        tpu.wait_indirect_dma semaphore(%run_scoped3A_76 : memref<!tpu.dma_semaphore, #tpu.memory_space<semaphore_mem>>) src(%dma_wait3A_83 : memref<128xf32, #tpu.memory_space<vmem>>) dst(%dma_wait3A_88 : memref<100096xf32, #tpu.memory_space<vmem_shared>>)
        tpu.yield
      }) : () -> ()
      %run_scoped3A_36 = arith.constant 1 : i32
      "tpu.region"() ({
        %run_scoped3A_76 = tpu.sem_alloc : memref<!tpu.dma_semaphore, #tpu.memory_space<semaphore_mem>>
        %dma_start3A = arith.constant 128 : i32
        %dma_start3A_77 = tpu.memref_slice %arg24[%dma_start3A] : memref<1024xf32, #tpu.memory_space<vmem>> -> memref<128xf32, #tpu.memory_space<vmem>>
        %dma_start3A_78 = arith.constant 0 : i32
        %dma_start3A_79 = tpu.memref_slice %arg20[%run_scoped3A_36, %dma_start3A_78] : memref<8x128xi32, #tpu.memory_space<vmem>> -> memref<1x128xi32, #tpu.memory_space<vmem>>
        %dma_start3A_80 = tpu.memref_squeeze %dma_start3A_79 : memref<1x128xi32, #tpu.memory_space<vmem>> -> memref<128xi32, #tpu.memory_space<vmem>>
        %dma_start3A_81 = arith.constant 0 : i32
        %dma_start3A_82 = tpu.memref_slice %arg16[%dma_start3A_81] : memref<100096xf32, #tpu.memory_space<vmem_shared>> -> memref<100096xf32, #tpu.memory_space<vmem_shared>>
        tpu.enqueue_indirect_dma source(%dma_start3A_77 : memref<128xf32, #tpu.memory_space<vmem>>) target(%dma_start3A_82 : memref<100096xf32, #tpu.memory_space<vmem_shared>>) offsets(%dma_start3A_80 : memref<128xi32, #tpu.memory_space<vmem>>) semaphore(%run_scoped3A_76 : memref<!tpu.dma_semaphore, #tpu.memory_space<semaphore_mem>>) {add = true}
        %dma_wait3A = arith.constant 128 : i32
        %dma_wait3A_83 = tpu.memref_slice %arg24[%dma_wait3A] : memref<1024xf32, #tpu.memory_space<vmem>> -> memref<128xf32, #tpu.memory_space<vmem>>
        %dma_wait3A_84 = arith.constant 0 : i32
        %dma_wait3A_85 = tpu.memref_slice %arg20[%run_scoped3A_36, %dma_wait3A_84] : memref<8x128xi32, #tpu.memory_space<vmem>> -> memref<1x128xi32, #tpu.memory_space<vmem>>
        %dma_wait3A_86 = tpu.memref_squeeze %dma_wait3A_85 : memref<1x128xi32, #tpu.memory_space<vmem>> -> memref<128xi32, #tpu.memory_space<vmem>>
        %dma_wait3A_87 = arith.constant 0 : i32
        %dma_wait3A_88 = tpu.memref_slice %arg16[%dma_wait3A_87] : memref<100096xf32, #tpu.memory_space<vmem_shared>> -> memref<100096xf32, #tpu.memory_space<vmem_shared>>
        tpu.wait_indirect_dma semaphore(%run_scoped3A_76 : memref<!tpu.dma_semaphore, #tpu.memory_space<semaphore_mem>>) src(%dma_wait3A_83 : memref<128xf32, #tpu.memory_space<vmem>>) dst(%dma_wait3A_88 : memref<100096xf32, #tpu.memory_space<vmem_shared>>)
        tpu.yield
      }) : () -> ()
      %run_scoped3A_37 = arith.constant 1 : i32
      "tpu.region"() ({
        %run_scoped3A_76 = tpu.sem_alloc : memref<!tpu.dma_semaphore, #tpu.memory_space<semaphore_mem>>
        %dma_start3A = arith.constant 128 : i32
        %dma_start3A_77 = tpu.memref_slice %arg22[%dma_start3A] : memref<1024xf32, #tpu.memory_space<vmem>> -> memref<128xf32, #tpu.memory_space<vmem>>
        %dma_start3A_78 = arith.constant 0 : i32
        %dma_start3A_79 = tpu.memref_slice %arg21[%run_scoped3A_37, %dma_start3A_78] : memref<8x128xi32, #tpu.memory_space<vmem>> -> memref<1x128xi32, #tpu.memory_space<vmem>>
        %dma_start3A_80 = tpu.memref_squeeze %dma_start3A_79 : memref<1x128xi32, #tpu.memory_space<vmem>> -> memref<128xi32, #tpu.memory_space<vmem>>
        %dma_start3A_81 = arith.constant 0 : i32
        %dma_start3A_82 = tpu.memref_slice %arg17[%dma_start3A_81] : memref<100096xf32, #tpu.memory_space<vmem_shared>> -> memref<100096xf32, #tpu.memory_space<vmem_shared>>
        tpu.enqueue_indirect_dma source(%dma_start3A_77 : memref<128xf32, #tpu.memory_space<vmem>>) target(%dma_start3A_82 : memref<100096xf32, #tpu.memory_space<vmem_shared>>) offsets(%dma_start3A_80 : memref<128xi32, #tpu.memory_space<vmem>>) semaphore(%run_scoped3A_76 : memref<!tpu.dma_semaphore, #tpu.memory_space<semaphore_mem>>) {add = true}
        %dma_wait3A = arith.constant 128 : i32
        %dma_wait3A_83 = tpu.memref_slice %arg22[%dma_wait3A] : memref<1024xf32, #tpu.memory_space<vmem>> -> memref<128xf32, #tpu.memory_space<vmem>>
        %dma_wait3A_84 = arith.constant 0 : i32
        %dma_wait3A_85 = tpu.memref_slice %arg21[%run_scoped3A_37, %dma_wait3A_84] : memref<8x128xi32, #tpu.memory_space<vmem>> -> memref<1x128xi32, #tpu.memory_space<vmem>>
        %dma_wait3A_86 = tpu.memref_squeeze %dma_wait3A_85 : memref<1x128xi32, #tpu.memory_space<vmem>> -> memref<128xi32, #tpu.memory_space<vmem>>
        %dma_wait3A_87 = arith.constant 0 : i32
        %dma_wait3A_88 = tpu.memref_slice %arg17[%dma_wait3A_87] : memref<100096xf32, #tpu.memory_space<vmem_shared>> -> memref<100096xf32, #tpu.memory_space<vmem_shared>>
        tpu.wait_indirect_dma semaphore(%run_scoped3A_76 : memref<!tpu.dma_semaphore, #tpu.memory_space<semaphore_mem>>) src(%dma_wait3A_83 : memref<128xf32, #tpu.memory_space<vmem>>) dst(%dma_wait3A_88 : memref<100096xf32, #tpu.memory_space<vmem_shared>>)
        tpu.yield
      }) : () -> ()
      %run_scoped3A_38 = arith.constant 1 : i32
      "tpu.region"() ({
        %run_scoped3A_76 = tpu.sem_alloc : memref<!tpu.dma_semaphore, #tpu.memory_space<semaphore_mem>>
        %dma_start3A = arith.constant 128 : i32
        %dma_start3A_77 = tpu.memref_slice %arg23[%dma_start3A] : memref<1024xf32, #tpu.memory_space<vmem>> -> memref<128xf32, #tpu.memory_space<vmem>>
        %dma_start3A_78 = arith.constant 0 : i32
        %dma_start3A_79 = tpu.memref_slice %arg21[%run_scoped3A_38, %dma_start3A_78] : memref<8x128xi32, #tpu.memory_space<vmem>> -> memref<1x128xi32, #tpu.memory_space<vmem>>
        %dma_start3A_80 = tpu.memref_squeeze %dma_start3A_79 : memref<1x128xi32, #tpu.memory_space<vmem>> -> memref<128xi32, #tpu.memory_space<vmem>>
        %dma_start3A_81 = arith.constant 0 : i32
        %dma_start3A_82 = tpu.memref_slice %arg18[%dma_start3A_81] : memref<100096xf32, #tpu.memory_space<vmem_shared>> -> memref<100096xf32, #tpu.memory_space<vmem_shared>>
        tpu.enqueue_indirect_dma source(%dma_start3A_77 : memref<128xf32, #tpu.memory_space<vmem>>) target(%dma_start3A_82 : memref<100096xf32, #tpu.memory_space<vmem_shared>>) offsets(%dma_start3A_80 : memref<128xi32, #tpu.memory_space<vmem>>) semaphore(%run_scoped3A_76 : memref<!tpu.dma_semaphore, #tpu.memory_space<semaphore_mem>>) {add = true}
        %dma_wait3A = arith.constant 128 : i32
        %dma_wait3A_83 = tpu.memref_slice %arg23[%dma_wait3A] : memref<1024xf32, #tpu.memory_space<vmem>> -> memref<128xf32, #tpu.memory_space<vmem>>
        %dma_wait3A_84 = arith.constant 0 : i32
        %dma_wait3A_85 = tpu.memref_slice %arg21[%run_scoped3A_38, %dma_wait3A_84] : memref<8x128xi32, #tpu.memory_space<vmem>> -> memref<1x128xi32, #tpu.memory_space<vmem>>
        %dma_wait3A_86 = tpu.memref_squeeze %dma_wait3A_85 : memref<1x128xi32, #tpu.memory_space<vmem>> -> memref<128xi32, #tpu.memory_space<vmem>>
        %dma_wait3A_87 = arith.constant 0 : i32
        %dma_wait3A_88 = tpu.memref_slice %arg18[%dma_wait3A_87] : memref<100096xf32, #tpu.memory_space<vmem_shared>> -> memref<100096xf32, #tpu.memory_space<vmem_shared>>
        tpu.wait_indirect_dma semaphore(%run_scoped3A_76 : memref<!tpu.dma_semaphore, #tpu.memory_space<semaphore_mem>>) src(%dma_wait3A_83 : memref<128xf32, #tpu.memory_space<vmem>>) dst(%dma_wait3A_88 : memref<100096xf32, #tpu.memory_space<vmem_shared>>)
        tpu.yield
      }) : () -> ()
      %run_scoped3A_39 = arith.constant 1 : i32
      "tpu.region"() ({
        %run_scoped3A_76 = tpu.sem_alloc : memref<!tpu.dma_semaphore, #tpu.memory_space<semaphore_mem>>
        %dma_start3A = arith.constant 128 : i32
        %dma_start3A_77 = tpu.memref_slice %arg24[%dma_start3A] : memref<1024xf32, #tpu.memory_space<vmem>> -> memref<128xf32, #tpu.memory_space<vmem>>
        %dma_start3A_78 = arith.constant 0 : i32
        %dma_start3A_79 = tpu.memref_slice %arg21[%run_scoped3A_39, %dma_start3A_78] : memref<8x128xi32, #tpu.memory_space<vmem>> -> memref<1x128xi32, #tpu.memory_space<vmem>>
        %dma_start3A_80 = tpu.memref_squeeze %dma_start3A_79 : memref<1x128xi32, #tpu.memory_space<vmem>> -> memref<128xi32, #tpu.memory_space<vmem>>
        %dma_start3A_81 = arith.constant 0 : i32
        %dma_start3A_82 = tpu.memref_slice %arg19[%dma_start3A_81] : memref<100096xf32, #tpu.memory_space<vmem_shared>> -> memref<100096xf32, #tpu.memory_space<vmem_shared>>
        tpu.enqueue_indirect_dma source(%dma_start3A_77 : memref<128xf32, #tpu.memory_space<vmem>>) target(%dma_start3A_82 : memref<100096xf32, #tpu.memory_space<vmem_shared>>) offsets(%dma_start3A_80 : memref<128xi32, #tpu.memory_space<vmem>>) semaphore(%run_scoped3A_76 : memref<!tpu.dma_semaphore, #tpu.memory_space<semaphore_mem>>) {add = true}
        %dma_wait3A = arith.constant 128 : i32
        %dma_wait3A_83 = tpu.memref_slice %arg24[%dma_wait3A] : memref<1024xf32, #tpu.memory_space<vmem>> -> memref<128xf32, #tpu.memory_space<vmem>>
        %dma_wait3A_84 = arith.constant 0 : i32
        %dma_wait3A_85 = tpu.memref_slice %arg21[%run_scoped3A_39, %dma_wait3A_84] : memref<8x128xi32, #tpu.memory_space<vmem>> -> memref<1x128xi32, #tpu.memory_space<vmem>>
        %dma_wait3A_86 = tpu.memref_squeeze %dma_wait3A_85 : memref<1x128xi32, #tpu.memory_space<vmem>> -> memref<128xi32, #tpu.memory_space<vmem>>
        %dma_wait3A_87 = arith.constant 0 : i32
        %dma_wait3A_88 = tpu.memref_slice %arg19[%dma_wait3A_87] : memref<100096xf32, #tpu.memory_space<vmem_shared>> -> memref<100096xf32, #tpu.memory_space<vmem_shared>>
        tpu.wait_indirect_dma semaphore(%run_scoped3A_76 : memref<!tpu.dma_semaphore, #tpu.memory_space<semaphore_mem>>) src(%dma_wait3A_83 : memref<128xf32, #tpu.memory_space<vmem>>) dst(%dma_wait3A_88 : memref<100096xf32, #tpu.memory_space<vmem_shared>>)
        tpu.yield
      }) : () -> ()
      %run_scoped3A_40 = arith.constant 2 : i32
      "tpu.region"() ({
        %run_scoped3A_76 = tpu.sem_alloc : memref<!tpu.dma_semaphore, #tpu.memory_space<semaphore_mem>>
        %dma_start3A = arith.constant 256 : i32
        %dma_start3A_77 = tpu.memref_slice %arg22[%dma_start3A] : memref<1024xf32, #tpu.memory_space<vmem>> -> memref<128xf32, #tpu.memory_space<vmem>>
        %dma_start3A_78 = arith.constant 0 : i32
        %dma_start3A_79 = tpu.memref_slice %arg20[%run_scoped3A_40, %dma_start3A_78] : memref<8x128xi32, #tpu.memory_space<vmem>> -> memref<1x128xi32, #tpu.memory_space<vmem>>
        %dma_start3A_80 = tpu.memref_squeeze %dma_start3A_79 : memref<1x128xi32, #tpu.memory_space<vmem>> -> memref<128xi32, #tpu.memory_space<vmem>>
        %dma_start3A_81 = arith.constant 0 : i32
        %dma_start3A_82 = tpu.memref_slice %arg14[%dma_start3A_81] : memref<100096xf32, #tpu.memory_space<vmem_shared>> -> memref<100096xf32, #tpu.memory_space<vmem_shared>>
        tpu.enqueue_indirect_dma source(%dma_start3A_77 : memref<128xf32, #tpu.memory_space<vmem>>) target(%dma_start3A_82 : memref<100096xf32, #tpu.memory_space<vmem_shared>>) offsets(%dma_start3A_80 : memref<128xi32, #tpu.memory_space<vmem>>) semaphore(%run_scoped3A_76 : memref<!tpu.dma_semaphore, #tpu.memory_space<semaphore_mem>>) {add = true}
        %dma_wait3A = arith.constant 256 : i32
        %dma_wait3A_83 = tpu.memref_slice %arg22[%dma_wait3A] : memref<1024xf32, #tpu.memory_space<vmem>> -> memref<128xf32, #tpu.memory_space<vmem>>
        %dma_wait3A_84 = arith.constant 0 : i32
        %dma_wait3A_85 = tpu.memref_slice %arg20[%run_scoped3A_40, %dma_wait3A_84] : memref<8x128xi32, #tpu.memory_space<vmem>> -> memref<1x128xi32, #tpu.memory_space<vmem>>
        %dma_wait3A_86 = tpu.memref_squeeze %dma_wait3A_85 : memref<1x128xi32, #tpu.memory_space<vmem>> -> memref<128xi32, #tpu.memory_space<vmem>>
        %dma_wait3A_87 = arith.constant 0 : i32
        %dma_wait3A_88 = tpu.memref_slice %arg14[%dma_wait3A_87] : memref<100096xf32, #tpu.memory_space<vmem_shared>> -> memref<100096xf32, #tpu.memory_space<vmem_shared>>
        tpu.wait_indirect_dma semaphore(%run_scoped3A_76 : memref<!tpu.dma_semaphore, #tpu.memory_space<semaphore_mem>>) src(%dma_wait3A_83 : memref<128xf32, #tpu.memory_space<vmem>>) dst(%dma_wait3A_88 : memref<100096xf32, #tpu.memory_space<vmem_shared>>)
        tpu.yield
      }) : () -> ()
      %run_scoped3A_41 = arith.constant 2 : i32
      "tpu.region"() ({
        %run_scoped3A_76 = tpu.sem_alloc : memref<!tpu.dma_semaphore, #tpu.memory_space<semaphore_mem>>
        %dma_start3A = arith.constant 256 : i32
        %dma_start3A_77 = tpu.memref_slice %arg23[%dma_start3A] : memref<1024xf32, #tpu.memory_space<vmem>> -> memref<128xf32, #tpu.memory_space<vmem>>
        %dma_start3A_78 = arith.constant 0 : i32
        %dma_start3A_79 = tpu.memref_slice %arg20[%run_scoped3A_41, %dma_start3A_78] : memref<8x128xi32, #tpu.memory_space<vmem>> -> memref<1x128xi32, #tpu.memory_space<vmem>>
        %dma_start3A_80 = tpu.memref_squeeze %dma_start3A_79 : memref<1x128xi32, #tpu.memory_space<vmem>> -> memref<128xi32, #tpu.memory_space<vmem>>
        %dma_start3A_81 = arith.constant 0 : i32
        %dma_start3A_82 = tpu.memref_slice %arg15[%dma_start3A_81] : memref<100096xf32, #tpu.memory_space<vmem_shared>> -> memref<100096xf32, #tpu.memory_space<vmem_shared>>
        tpu.enqueue_indirect_dma source(%dma_start3A_77 : memref<128xf32, #tpu.memory_space<vmem>>) target(%dma_start3A_82 : memref<100096xf32, #tpu.memory_space<vmem_shared>>) offsets(%dma_start3A_80 : memref<128xi32, #tpu.memory_space<vmem>>) semaphore(%run_scoped3A_76 : memref<!tpu.dma_semaphore, #tpu.memory_space<semaphore_mem>>) {add = true}
        %dma_wait3A = arith.constant 256 : i32
        %dma_wait3A_83 = tpu.memref_slice %arg23[%dma_wait3A] : memref<1024xf32, #tpu.memory_space<vmem>> -> memref<128xf32, #tpu.memory_space<vmem>>
        %dma_wait3A_84 = arith.constant 0 : i32
        %dma_wait3A_85 = tpu.memref_slice %arg20[%run_scoped3A_41, %dma_wait3A_84] : memref<8x128xi32, #tpu.memory_space<vmem>> -> memref<1x128xi32, #tpu.memory_space<vmem>>
        %dma_wait3A_86 = tpu.memref_squeeze %dma_wait3A_85 : memref<1x128xi32, #tpu.memory_space<vmem>> -> memref<128xi32, #tpu.memory_space<vmem>>
        %dma_wait3A_87 = arith.constant 0 : i32
        %dma_wait3A_88 = tpu.memref_slice %arg15[%dma_wait3A_87] : memref<100096xf32, #tpu.memory_space<vmem_shared>> -> memref<100096xf32, #tpu.memory_space<vmem_shared>>
        tpu.wait_indirect_dma semaphore(%run_scoped3A_76 : memref<!tpu.dma_semaphore, #tpu.memory_space<semaphore_mem>>) src(%dma_wait3A_83 : memref<128xf32, #tpu.memory_space<vmem>>) dst(%dma_wait3A_88 : memref<100096xf32, #tpu.memory_space<vmem_shared>>)
        tpu.yield
      }) : () -> ()
      %run_scoped3A_42 = arith.constant 2 : i32
      "tpu.region"() ({
        %run_scoped3A_76 = tpu.sem_alloc : memref<!tpu.dma_semaphore, #tpu.memory_space<semaphore_mem>>
        %dma_start3A = arith.constant 256 : i32
        %dma_start3A_77 = tpu.memref_slice %arg24[%dma_start3A] : memref<1024xf32, #tpu.memory_space<vmem>> -> memref<128xf32, #tpu.memory_space<vmem>>
        %dma_start3A_78 = arith.constant 0 : i32
        %dma_start3A_79 = tpu.memref_slice %arg20[%run_scoped3A_42, %dma_start3A_78] : memref<8x128xi32, #tpu.memory_space<vmem>> -> memref<1x128xi32, #tpu.memory_space<vmem>>
        %dma_start3A_80 = tpu.memref_squeeze %dma_start3A_79 : memref<1x128xi32, #tpu.memory_space<vmem>> -> memref<128xi32, #tpu.memory_space<vmem>>
        %dma_start3A_81 = arith.constant 0 : i32
        %dma_start3A_82 = tpu.memref_slice %arg16[%dma_start3A_81] : memref<100096xf32, #tpu.memory_space<vmem_shared>> -> memref<100096xf32, #tpu.memory_space<vmem_shared>>
        tpu.enqueue_indirect_dma source(%dma_start3A_77 : memref<128xf32, #tpu.memory_space<vmem>>) target(%dma_start3A_82 : memref<100096xf32, #tpu.memory_space<vmem_shared>>) offsets(%dma_start3A_80 : memref<128xi32, #tpu.memory_space<vmem>>) semaphore(%run_scoped3A_76 : memref<!tpu.dma_semaphore, #tpu.memory_space<semaphore_mem>>) {add = true}
        %dma_wait3A = arith.constant 256 : i32
        %dma_wait3A_83 = tpu.memref_slice %arg24[%dma_wait3A] : memref<1024xf32, #tpu.memory_space<vmem>> -> memref<128xf32, #tpu.memory_space<vmem>>
        %dma_wait3A_84 = arith.constant 0 : i32
        %dma_wait3A_85 = tpu.memref_slice %arg20[%run_scoped3A_42, %dma_wait3A_84] : memref<8x128xi32, #tpu.memory_space<vmem>> -> memref<1x128xi32, #tpu.memory_space<vmem>>
        %dma_wait3A_86 = tpu.memref_squeeze %dma_wait3A_85 : memref<1x128xi32, #tpu.memory_space<vmem>> -> memref<128xi32, #tpu.memory_space<vmem>>
        %dma_wait3A_87 = arith.constant 0 : i32
        %dma_wait3A_88 = tpu.memref_slice %arg16[%dma_wait3A_87] : memref<100096xf32, #tpu.memory_space<vmem_shared>> -> memref<100096xf32, #tpu.memory_space<vmem_shared>>
        tpu.wait_indirect_dma semaphore(%run_scoped3A_76 : memref<!tpu.dma_semaphore, #tpu.memory_space<semaphore_mem>>) src(%dma_wait3A_83 : memref<128xf32, #tpu.memory_space<vmem>>) dst(%dma_wait3A_88 : memref<100096xf32, #tpu.memory_space<vmem_shared>>)
        tpu.yield
      }) : () -> ()
      %run_scoped3A_43 = arith.constant 2 : i32
      "tpu.region"() ({
        %run_scoped3A_76 = tpu.sem_alloc : memref<!tpu.dma_semaphore, #tpu.memory_space<semaphore_mem>>
        %dma_start3A = arith.constant 256 : i32
        %dma_start3A_77 = tpu.memref_slice %arg22[%dma_start3A] : memref<1024xf32, #tpu.memory_space<vmem>> -> memref<128xf32, #tpu.memory_space<vmem>>
        %dma_start3A_78 = arith.constant 0 : i32
        %dma_start3A_79 = tpu.memref_slice %arg21[%run_scoped3A_43, %dma_start3A_78] : memref<8x128xi32, #tpu.memory_space<vmem>> -> memref<1x128xi32, #tpu.memory_space<vmem>>
        %dma_start3A_80 = tpu.memref_squeeze %dma_start3A_79 : memref<1x128xi32, #tpu.memory_space<vmem>> -> memref<128xi32, #tpu.memory_space<vmem>>
        %dma_start3A_81 = arith.constant 0 : i32
        %dma_start3A_82 = tpu.memref_slice %arg17[%dma_start3A_81] : memref<100096xf32, #tpu.memory_space<vmem_shared>> -> memref<100096xf32, #tpu.memory_space<vmem_shared>>
        tpu.enqueue_indirect_dma source(%dma_start3A_77 : memref<128xf32, #tpu.memory_space<vmem>>) target(%dma_start3A_82 : memref<100096xf32, #tpu.memory_space<vmem_shared>>) offsets(%dma_start3A_80 : memref<128xi32, #tpu.memory_space<vmem>>) semaphore(%run_scoped3A_76 : memref<!tpu.dma_semaphore, #tpu.memory_space<semaphore_mem>>) {add = true}
        %dma_wait3A = arith.constant 256 : i32
        %dma_wait3A_83 = tpu.memref_slice %arg22[%dma_wait3A] : memref<1024xf32, #tpu.memory_space<vmem>> -> memref<128xf32, #tpu.memory_space<vmem>>
        %dma_wait3A_84 = arith.constant 0 : i32
        %dma_wait3A_85 = tpu.memref_slice %arg21[%run_scoped3A_43, %dma_wait3A_84] : memref<8x128xi32, #tpu.memory_space<vmem>> -> memref<1x128xi32, #tpu.memory_space<vmem>>
        %dma_wait3A_86 = tpu.memref_squeeze %dma_wait3A_85 : memref<1x128xi32, #tpu.memory_space<vmem>> -> memref<128xi32, #tpu.memory_space<vmem>>
        %dma_wait3A_87 = arith.constant 0 : i32
        %dma_wait3A_88 = tpu.memref_slice %arg17[%dma_wait3A_87] : memref<100096xf32, #tpu.memory_space<vmem_shared>> -> memref<100096xf32, #tpu.memory_space<vmem_shared>>
        tpu.wait_indirect_dma semaphore(%run_scoped3A_76 : memref<!tpu.dma_semaphore, #tpu.memory_space<semaphore_mem>>) src(%dma_wait3A_83 : memref<128xf32, #tpu.memory_space<vmem>>) dst(%dma_wait3A_88 : memref<100096xf32, #tpu.memory_space<vmem_shared>>)
        tpu.yield
      }) : () -> ()
      %run_scoped3A_44 = arith.constant 2 : i32
      "tpu.region"() ({
        %run_scoped3A_76 = tpu.sem_alloc : memref<!tpu.dma_semaphore, #tpu.memory_space<semaphore_mem>>
        %dma_start3A = arith.constant 256 : i32
        %dma_start3A_77 = tpu.memref_slice %arg23[%dma_start3A] : memref<1024xf32, #tpu.memory_space<vmem>> -> memref<128xf32, #tpu.memory_space<vmem>>
        %dma_start3A_78 = arith.constant 0 : i32
        %dma_start3A_79 = tpu.memref_slice %arg21[%run_scoped3A_44, %dma_start3A_78] : memref<8x128xi32, #tpu.memory_space<vmem>> -> memref<1x128xi32, #tpu.memory_space<vmem>>
        %dma_start3A_80 = tpu.memref_squeeze %dma_start3A_79 : memref<1x128xi32, #tpu.memory_space<vmem>> -> memref<128xi32, #tpu.memory_space<vmem>>
        %dma_start3A_81 = arith.constant 0 : i32
        %dma_start3A_82 = tpu.memref_slice %arg18[%dma_start3A_81] : memref<100096xf32, #tpu.memory_space<vmem_shared>> -> memref<100096xf32, #tpu.memory_space<vmem_shared>>
        tpu.enqueue_indirect_dma source(%dma_start3A_77 : memref<128xf32, #tpu.memory_space<vmem>>) target(%dma_start3A_82 : memref<100096xf32, #tpu.memory_space<vmem_shared>>) offsets(%dma_start3A_80 : memref<128xi32, #tpu.memory_space<vmem>>) semaphore(%run_scoped3A_76 : memref<!tpu.dma_semaphore, #tpu.memory_space<semaphore_mem>>) {add = true}
        %dma_wait3A = arith.constant 256 : i32
        %dma_wait3A_83 = tpu.memref_slice %arg23[%dma_wait3A] : memref<1024xf32, #tpu.memory_space<vmem>> -> memref<128xf32, #tpu.memory_space<vmem>>
        %dma_wait3A_84 = arith.constant 0 : i32
        %dma_wait3A_85 = tpu.memref_slice %arg21[%run_scoped3A_44, %dma_wait3A_84] : memref<8x128xi32, #tpu.memory_space<vmem>> -> memref<1x128xi32, #tpu.memory_space<vmem>>
        %dma_wait3A_86 = tpu.memref_squeeze %dma_wait3A_85 : memref<1x128xi32, #tpu.memory_space<vmem>> -> memref<128xi32, #tpu.memory_space<vmem>>
        %dma_wait3A_87 = arith.constant 0 : i32
        %dma_wait3A_88 = tpu.memref_slice %arg18[%dma_wait3A_87] : memref<100096xf32, #tpu.memory_space<vmem_shared>> -> memref<100096xf32, #tpu.memory_space<vmem_shared>>
        tpu.wait_indirect_dma semaphore(%run_scoped3A_76 : memref<!tpu.dma_semaphore, #tpu.memory_space<semaphore_mem>>) src(%dma_wait3A_83 : memref<128xf32, #tpu.memory_space<vmem>>) dst(%dma_wait3A_88 : memref<100096xf32, #tpu.memory_space<vmem_shared>>)
        tpu.yield
      }) : () -> ()
      %run_scoped3A_45 = arith.constant 2 : i32
      "tpu.region"() ({
        %run_scoped3A_76 = tpu.sem_alloc : memref<!tpu.dma_semaphore, #tpu.memory_space<semaphore_mem>>
        %dma_start3A = arith.constant 256 : i32
        %dma_start3A_77 = tpu.memref_slice %arg24[%dma_start3A] : memref<1024xf32, #tpu.memory_space<vmem>> -> memref<128xf32, #tpu.memory_space<vmem>>
        %dma_start3A_78 = arith.constant 0 : i32
        %dma_start3A_79 = tpu.memref_slice %arg21[%run_scoped3A_45, %dma_start3A_78] : memref<8x128xi32, #tpu.memory_space<vmem>> -> memref<1x128xi32, #tpu.memory_space<vmem>>
        %dma_start3A_80 = tpu.memref_squeeze %dma_start3A_79 : memref<1x128xi32, #tpu.memory_space<vmem>> -> memref<128xi32, #tpu.memory_space<vmem>>
        %dma_start3A_81 = arith.constant 0 : i32
        %dma_start3A_82 = tpu.memref_slice %arg19[%dma_start3A_81] : memref<100096xf32, #tpu.memory_space<vmem_shared>> -> memref<100096xf32, #tpu.memory_space<vmem_shared>>
        tpu.enqueue_indirect_dma source(%dma_start3A_77 : memref<128xf32, #tpu.memory_space<vmem>>) target(%dma_start3A_82 : memref<100096xf32, #tpu.memory_space<vmem_shared>>) offsets(%dma_start3A_80 : memref<128xi32, #tpu.memory_space<vmem>>) semaphore(%run_scoped3A_76 : memref<!tpu.dma_semaphore, #tpu.memory_space<semaphore_mem>>) {add = true}
        %dma_wait3A = arith.constant 256 : i32
        %dma_wait3A_83 = tpu.memref_slice %arg24[%dma_wait3A] : memref<1024xf32, #tpu.memory_space<vmem>> -> memref<128xf32, #tpu.memory_space<vmem>>
        %dma_wait3A_84 = arith.constant 0 : i32
        %dma_wait3A_85 = tpu.memref_slice %arg21[%run_scoped3A_45, %dma_wait3A_84] : memref<8x128xi32, #tpu.memory_space<vmem>> -> memref<1x128xi32, #tpu.memory_space<vmem>>
        %dma_wait3A_86 = tpu.memref_squeeze %dma_wait3A_85 : memref<1x128xi32, #tpu.memory_space<vmem>> -> memref<128xi32, #tpu.memory_space<vmem>>
        %dma_wait3A_87 = arith.constant 0 : i32
        %dma_wait3A_88 = tpu.memref_slice %arg19[%dma_wait3A_87] : memref<100096xf32, #tpu.memory_space<vmem_shared>> -> memref<100096xf32, #tpu.memory_space<vmem_shared>>
        tpu.wait_indirect_dma semaphore(%run_scoped3A_76 : memref<!tpu.dma_semaphore, #tpu.memory_space<semaphore_mem>>) src(%dma_wait3A_83 : memref<128xf32, #tpu.memory_space<vmem>>) dst(%dma_wait3A_88 : memref<100096xf32, #tpu.memory_space<vmem_shared>>)
        tpu.yield
      }) : () -> ()
      %run_scoped3A_46 = arith.constant 3 : i32
      "tpu.region"() ({
        %run_scoped3A_76 = tpu.sem_alloc : memref<!tpu.dma_semaphore, #tpu.memory_space<semaphore_mem>>
        %dma_start3A = arith.constant 384 : i32
        %dma_start3A_77 = tpu.memref_slice %arg22[%dma_start3A] : memref<1024xf32, #tpu.memory_space<vmem>> -> memref<128xf32, #tpu.memory_space<vmem>>
        %dma_start3A_78 = arith.constant 0 : i32
        %dma_start3A_79 = tpu.memref_slice %arg20[%run_scoped3A_46, %dma_start3A_78] : memref<8x128xi32, #tpu.memory_space<vmem>> -> memref<1x128xi32, #tpu.memory_space<vmem>>
        %dma_start3A_80 = tpu.memref_squeeze %dma_start3A_79 : memref<1x128xi32, #tpu.memory_space<vmem>> -> memref<128xi32, #tpu.memory_space<vmem>>
        %dma_start3A_81 = arith.constant 0 : i32
        %dma_start3A_82 = tpu.memref_slice %arg14[%dma_start3A_81] : memref<100096xf32, #tpu.memory_space<vmem_shared>> -> memref<100096xf32, #tpu.memory_space<vmem_shared>>
        tpu.enqueue_indirect_dma source(%dma_start3A_77 : memref<128xf32, #tpu.memory_space<vmem>>) target(%dma_start3A_82 : memref<100096xf32, #tpu.memory_space<vmem_shared>>) offsets(%dma_start3A_80 : memref<128xi32, #tpu.memory_space<vmem>>) semaphore(%run_scoped3A_76 : memref<!tpu.dma_semaphore, #tpu.memory_space<semaphore_mem>>) {add = true}
        %dma_wait3A = arith.constant 384 : i32
        %dma_wait3A_83 = tpu.memref_slice %arg22[%dma_wait3A] : memref<1024xf32, #tpu.memory_space<vmem>> -> memref<128xf32, #tpu.memory_space<vmem>>
        %dma_wait3A_84 = arith.constant 0 : i32
        %dma_wait3A_85 = tpu.memref_slice %arg20[%run_scoped3A_46, %dma_wait3A_84] : memref<8x128xi32, #tpu.memory_space<vmem>> -> memref<1x128xi32, #tpu.memory_space<vmem>>
        %dma_wait3A_86 = tpu.memref_squeeze %dma_wait3A_85 : memref<1x128xi32, #tpu.memory_space<vmem>> -> memref<128xi32, #tpu.memory_space<vmem>>
        %dma_wait3A_87 = arith.constant 0 : i32
        %dma_wait3A_88 = tpu.memref_slice %arg14[%dma_wait3A_87] : memref<100096xf32, #tpu.memory_space<vmem_shared>> -> memref<100096xf32, #tpu.memory_space<vmem_shared>>
        tpu.wait_indirect_dma semaphore(%run_scoped3A_76 : memref<!tpu.dma_semaphore, #tpu.memory_space<semaphore_mem>>) src(%dma_wait3A_83 : memref<128xf32, #tpu.memory_space<vmem>>) dst(%dma_wait3A_88 : memref<100096xf32, #tpu.memory_space<vmem_shared>>)
        tpu.yield
      }) : () -> ()
      %run_scoped3A_47 = arith.constant 3 : i32
      "tpu.region"() ({
        %run_scoped3A_76 = tpu.sem_alloc : memref<!tpu.dma_semaphore, #tpu.memory_space<semaphore_mem>>
        %dma_start3A = arith.constant 384 : i32
        %dma_start3A_77 = tpu.memref_slice %arg23[%dma_start3A] : memref<1024xf32, #tpu.memory_space<vmem>> -> memref<128xf32, #tpu.memory_space<vmem>>
        %dma_start3A_78 = arith.constant 0 : i32
        %dma_start3A_79 = tpu.memref_slice %arg20[%run_scoped3A_47, %dma_start3A_78] : memref<8x128xi32, #tpu.memory_space<vmem>> -> memref<1x128xi32, #tpu.memory_space<vmem>>
        %dma_start3A_80 = tpu.memref_squeeze %dma_start3A_79 : memref<1x128xi32, #tpu.memory_space<vmem>> -> memref<128xi32, #tpu.memory_space<vmem>>
        %dma_start3A_81 = arith.constant 0 : i32
        %dma_start3A_82 = tpu.memref_slice %arg15[%dma_start3A_81] : memref<100096xf32, #tpu.memory_space<vmem_shared>> -> memref<100096xf32, #tpu.memory_space<vmem_shared>>
        tpu.enqueue_indirect_dma source(%dma_start3A_77 : memref<128xf32, #tpu.memory_space<vmem>>) target(%dma_start3A_82 : memref<100096xf32, #tpu.memory_space<vmem_shared>>) offsets(%dma_start3A_80 : memref<128xi32, #tpu.memory_space<vmem>>) semaphore(%run_scoped3A_76 : memref<!tpu.dma_semaphore, #tpu.memory_space<semaphore_mem>>) {add = true}
        %dma_wait3A = arith.constant 384 : i32
        %dma_wait3A_83 = tpu.memref_slice %arg23[%dma_wait3A] : memref<1024xf32, #tpu.memory_space<vmem>> -> memref<128xf32, #tpu.memory_space<vmem>>
        %dma_wait3A_84 = arith.constant 0 : i32
        %dma_wait3A_85 = tpu.memref_slice %arg20[%run_scoped3A_47, %dma_wait3A_84] : memref<8x128xi32, #tpu.memory_space<vmem>> -> memref<1x128xi32, #tpu.memory_space<vmem>>
        %dma_wait3A_86 = tpu.memref_squeeze %dma_wait3A_85 : memref<1x128xi32, #tpu.memory_space<vmem>> -> memref<128xi32, #tpu.memory_space<vmem>>
        %dma_wait3A_87 = arith.constant 0 : i32
        %dma_wait3A_88 = tpu.memref_slice %arg15[%dma_wait3A_87] : memref<100096xf32, #tpu.memory_space<vmem_shared>> -> memref<100096xf32, #tpu.memory_space<vmem_shared>>
        tpu.wait_indirect_dma semaphore(%run_scoped3A_76 : memref<!tpu.dma_semaphore, #tpu.memory_space<semaphore_mem>>) src(%dma_wait3A_83 : memref<128xf32, #tpu.memory_space<vmem>>) dst(%dma_wait3A_88 : memref<100096xf32, #tpu.memory_space<vmem_shared>>)
        tpu.yield
      }) : () -> ()
      %run_scoped3A_48 = arith.constant 3 : i32
      "tpu.region"() ({
        %run_scoped3A_76 = tpu.sem_alloc : memref<!tpu.dma_semaphore, #tpu.memory_space<semaphore_mem>>
        %dma_start3A = arith.constant 384 : i32
        %dma_start3A_77 = tpu.memref_slice %arg24[%dma_start3A] : memref<1024xf32, #tpu.memory_space<vmem>> -> memref<128xf32, #tpu.memory_space<vmem>>
        %dma_start3A_78 = arith.constant 0 : i32
        %dma_start3A_79 = tpu.memref_slice %arg20[%run_scoped3A_48, %dma_start3A_78] : memref<8x128xi32, #tpu.memory_space<vmem>> -> memref<1x128xi32, #tpu.memory_space<vmem>>
        %dma_start3A_80 = tpu.memref_squeeze %dma_start3A_79 : memref<1x128xi32, #tpu.memory_space<vmem>> -> memref<128xi32, #tpu.memory_space<vmem>>
        %dma_start3A_81 = arith.constant 0 : i32
        %dma_start3A_82 = tpu.memref_slice %arg16[%dma_start3A_81] : memref<100096xf32, #tpu.memory_space<vmem_shared>> -> memref<100096xf32, #tpu.memory_space<vmem_shared>>
        tpu.enqueue_indirect_dma source(%dma_start3A_77 : memref<128xf32, #tpu.memory_space<vmem>>) target(%dma_start3A_82 : memref<100096xf32, #tpu.memory_space<vmem_shared>>) offsets(%dma_start3A_80 : memref<128xi32, #tpu.memory_space<vmem>>) semaphore(%run_scoped3A_76 : memref<!tpu.dma_semaphore, #tpu.memory_space<semaphore_mem>>) {add = true}
        %dma_wait3A = arith.constant 384 : i32
        %dma_wait3A_83 = tpu.memref_slice %arg24[%dma_wait3A] : memref<1024xf32, #tpu.memory_space<vmem>> -> memref<128xf32, #tpu.memory_space<vmem>>
        %dma_wait3A_84 = arith.constant 0 : i32
        %dma_wait3A_85 = tpu.memref_slice %arg20[%run_scoped3A_48, %dma_wait3A_84] : memref<8x128xi32, #tpu.memory_space<vmem>> -> memref<1x128xi32, #tpu.memory_space<vmem>>
        %dma_wait3A_86 = tpu.memref_squeeze %dma_wait3A_85 : memref<1x128xi32, #tpu.memory_space<vmem>> -> memref<128xi32, #tpu.memory_space<vmem>>
        %dma_wait3A_87 = arith.constant 0 : i32
        %dma_wait3A_88 = tpu.memref_slice %arg16[%dma_wait3A_87] : memref<100096xf32, #tpu.memory_space<vmem_shared>> -> memref<100096xf32, #tpu.memory_space<vmem_shared>>
        tpu.wait_indirect_dma semaphore(%run_scoped3A_76 : memref<!tpu.dma_semaphore, #tpu.memory_space<semaphore_mem>>) src(%dma_wait3A_83 : memref<128xf32, #tpu.memory_space<vmem>>) dst(%dma_wait3A_88 : memref<100096xf32, #tpu.memory_space<vmem_shared>>)
        tpu.yield
      }) : () -> ()
      %run_scoped3A_49 = arith.constant 3 : i32
      "tpu.region"() ({
        %run_scoped3A_76 = tpu.sem_alloc : memref<!tpu.dma_semaphore, #tpu.memory_space<semaphore_mem>>
        %dma_start3A = arith.constant 384 : i32
        %dma_start3A_77 = tpu.memref_slice %arg22[%dma_start3A] : memref<1024xf32, #tpu.memory_space<vmem>> -> memref<128xf32, #tpu.memory_space<vmem>>
        %dma_start3A_78 = arith.constant 0 : i32
        %dma_start3A_79 = tpu.memref_slice %arg21[%run_scoped3A_49, %dma_start3A_78] : memref<8x128xi32, #tpu.memory_space<vmem>> -> memref<1x128xi32, #tpu.memory_space<vmem>>
        %dma_start3A_80 = tpu.memref_squeeze %dma_start3A_79 : memref<1x128xi32, #tpu.memory_space<vmem>> -> memref<128xi32, #tpu.memory_space<vmem>>
        %dma_start3A_81 = arith.constant 0 : i32
        %dma_start3A_82 = tpu.memref_slice %arg17[%dma_start3A_81] : memref<100096xf32, #tpu.memory_space<vmem_shared>> -> memref<100096xf32, #tpu.memory_space<vmem_shared>>
        tpu.enqueue_indirect_dma source(%dma_start3A_77 : memref<128xf32, #tpu.memory_space<vmem>>) target(%dma_start3A_82 : memref<100096xf32, #tpu.memory_space<vmem_shared>>) offsets(%dma_start3A_80 : memref<128xi32, #tpu.memory_space<vmem>>) semaphore(%run_scoped3A_76 : memref<!tpu.dma_semaphore, #tpu.memory_space<semaphore_mem>>) {add = true}
        %dma_wait3A = arith.constant 384 : i32
        %dma_wait3A_83 = tpu.memref_slice %arg22[%dma_wait3A] : memref<1024xf32, #tpu.memory_space<vmem>> -> memref<128xf32, #tpu.memory_space<vmem>>
        %dma_wait3A_84 = arith.constant 0 : i32
        %dma_wait3A_85 = tpu.memref_slice %arg21[%run_scoped3A_49, %dma_wait3A_84] : memref<8x128xi32, #tpu.memory_space<vmem>> -> memref<1x128xi32, #tpu.memory_space<vmem>>
        %dma_wait3A_86 = tpu.memref_squeeze %dma_wait3A_85 : memref<1x128xi32, #tpu.memory_space<vmem>> -> memref<128xi32, #tpu.memory_space<vmem>>
        %dma_wait3A_87 = arith.constant 0 : i32
        %dma_wait3A_88 = tpu.memref_slice %arg17[%dma_wait3A_87] : memref<100096xf32, #tpu.memory_space<vmem_shared>> -> memref<100096xf32, #tpu.memory_space<vmem_shared>>
        tpu.wait_indirect_dma semaphore(%run_scoped3A_76 : memref<!tpu.dma_semaphore, #tpu.memory_space<semaphore_mem>>) src(%dma_wait3A_83 : memref<128xf32, #tpu.memory_space<vmem>>) dst(%dma_wait3A_88 : memref<100096xf32, #tpu.memory_space<vmem_shared>>)
        tpu.yield
      }) : () -> ()
      %run_scoped3A_50 = arith.constant 3 : i32
      "tpu.region"() ({
        %run_scoped3A_76 = tpu.sem_alloc : memref<!tpu.dma_semaphore, #tpu.memory_space<semaphore_mem>>
        %dma_start3A = arith.constant 384 : i32
        %dma_start3A_77 = tpu.memref_slice %arg23[%dma_start3A] : memref<1024xf32, #tpu.memory_space<vmem>> -> memref<128xf32, #tpu.memory_space<vmem>>
        %dma_start3A_78 = arith.constant 0 : i32
        %dma_start3A_79 = tpu.memref_slice %arg21[%run_scoped3A_50, %dma_start3A_78] : memref<8x128xi32, #tpu.memory_space<vmem>> -> memref<1x128xi32, #tpu.memory_space<vmem>>
        %dma_start3A_80 = tpu.memref_squeeze %dma_start3A_79 : memref<1x128xi32, #tpu.memory_space<vmem>> -> memref<128xi32, #tpu.memory_space<vmem>>
        %dma_start3A_81 = arith.constant 0 : i32
        %dma_start3A_82 = tpu.memref_slice %arg18[%dma_start3A_81] : memref<100096xf32, #tpu.memory_space<vmem_shared>> -> memref<100096xf32, #tpu.memory_space<vmem_shared>>
        tpu.enqueue_indirect_dma source(%dma_start3A_77 : memref<128xf32, #tpu.memory_space<vmem>>) target(%dma_start3A_82 : memref<100096xf32, #tpu.memory_space<vmem_shared>>) offsets(%dma_start3A_80 : memref<128xi32, #tpu.memory_space<vmem>>) semaphore(%run_scoped3A_76 : memref<!tpu.dma_semaphore, #tpu.memory_space<semaphore_mem>>) {add = true}
        %dma_wait3A = arith.constant 384 : i32
        %dma_wait3A_83 = tpu.memref_slice %arg23[%dma_wait3A] : memref<1024xf32, #tpu.memory_space<vmem>> -> memref<128xf32, #tpu.memory_space<vmem>>
        %dma_wait3A_84 = arith.constant 0 : i32
        %dma_wait3A_85 = tpu.memref_slice %arg21[%run_scoped3A_50, %dma_wait3A_84] : memref<8x128xi32, #tpu.memory_space<vmem>> -> memref<1x128xi32, #tpu.memory_space<vmem>>
        %dma_wait3A_86 = tpu.memref_squeeze %dma_wait3A_85 : memref<1x128xi32, #tpu.memory_space<vmem>> -> memref<128xi32, #tpu.memory_space<vmem>>
        %dma_wait3A_87 = arith.constant 0 : i32
        %dma_wait3A_88 = tpu.memref_slice %arg18[%dma_wait3A_87] : memref<100096xf32, #tpu.memory_space<vmem_shared>> -> memref<100096xf32, #tpu.memory_space<vmem_shared>>
        tpu.wait_indirect_dma semaphore(%run_scoped3A_76 : memref<!tpu.dma_semaphore, #tpu.memory_space<semaphore_mem>>) src(%dma_wait3A_83 : memref<128xf32, #tpu.memory_space<vmem>>) dst(%dma_wait3A_88 : memref<100096xf32, #tpu.memory_space<vmem_shared>>)
        tpu.yield
      }) : () -> ()
      %run_scoped3A_51 = arith.constant 3 : i32
      "tpu.region"() ({
        %run_scoped3A_76 = tpu.sem_alloc : memref<!tpu.dma_semaphore, #tpu.memory_space<semaphore_mem>>
        %dma_start3A = arith.constant 384 : i32
        %dma_start3A_77 = tpu.memref_slice %arg24[%dma_start3A] : memref<1024xf32, #tpu.memory_space<vmem>> -> memref<128xf32, #tpu.memory_space<vmem>>
        %dma_start3A_78 = arith.constant 0 : i32
        %dma_start3A_79 = tpu.memref_slice %arg21[%run_scoped3A_51, %dma_start3A_78] : memref<8x128xi32, #tpu.memory_space<vmem>> -> memref<1x128xi32, #tpu.memory_space<vmem>>
        %dma_start3A_80 = tpu.memref_squeeze %dma_start3A_79 : memref<1x128xi32, #tpu.memory_space<vmem>> -> memref<128xi32, #tpu.memory_space<vmem>>
        %dma_start3A_81 = arith.constant 0 : i32
        %dma_start3A_82 = tpu.memref_slice %arg19[%dma_start3A_81] : memref<100096xf32, #tpu.memory_space<vmem_shared>> -> memref<100096xf32, #tpu.memory_space<vmem_shared>>
        tpu.enqueue_indirect_dma source(%dma_start3A_77 : memref<128xf32, #tpu.memory_space<vmem>>) target(%dma_start3A_82 : memref<100096xf32, #tpu.memory_space<vmem_shared>>) offsets(%dma_start3A_80 : memref<128xi32, #tpu.memory_space<vmem>>) semaphore(%run_scoped3A_76 : memref<!tpu.dma_semaphore, #tpu.memory_space<semaphore_mem>>) {add = true}
        %dma_wait3A = arith.constant 384 : i32
        %dma_wait3A_83 = tpu.memref_slice %arg24[%dma_wait3A] : memref<1024xf32, #tpu.memory_space<vmem>> -> memref<128xf32, #tpu.memory_space<vmem>>
        %dma_wait3A_84 = arith.constant 0 : i32
        %dma_wait3A_85 = tpu.memref_slice %arg21[%run_scoped3A_51, %dma_wait3A_84] : memref<8x128xi32, #tpu.memory_space<vmem>> -> memref<1x128xi32, #tpu.memory_space<vmem>>
        %dma_wait3A_86 = tpu.memref_squeeze %dma_wait3A_85 : memref<1x128xi32, #tpu.memory_space<vmem>> -> memref<128xi32, #tpu.memory_space<vmem>>
        %dma_wait3A_87 = arith.constant 0 : i32
        %dma_wait3A_88 = tpu.memref_slice %arg19[%dma_wait3A_87] : memref<100096xf32, #tpu.memory_space<vmem_shared>> -> memref<100096xf32, #tpu.memory_space<vmem_shared>>
        tpu.wait_indirect_dma semaphore(%run_scoped3A_76 : memref<!tpu.dma_semaphore, #tpu.memory_space<semaphore_mem>>) src(%dma_wait3A_83 : memref<128xf32, #tpu.memory_space<vmem>>) dst(%dma_wait3A_88 : memref<100096xf32, #tpu.memory_space<vmem_shared>>)
        tpu.yield
      }) : () -> ()
      %run_scoped3A_52 = arith.constant 4 : i32
      "tpu.region"() ({
        %run_scoped3A_76 = tpu.sem_alloc : memref<!tpu.dma_semaphore, #tpu.memory_space<semaphore_mem>>
        %dma_start3A = arith.constant 512 : i32
        %dma_start3A_77 = tpu.memref_slice %arg22[%dma_start3A] : memref<1024xf32, #tpu.memory_space<vmem>> -> memref<128xf32, #tpu.memory_space<vmem>>
        %dma_start3A_78 = arith.constant 0 : i32
        %dma_start3A_79 = tpu.memref_slice %arg20[%run_scoped3A_52, %dma_start3A_78] : memref<8x128xi32, #tpu.memory_space<vmem>> -> memref<1x128xi32, #tpu.memory_space<vmem>>
        %dma_start3A_80 = tpu.memref_squeeze %dma_start3A_79 : memref<1x128xi32, #tpu.memory_space<vmem>> -> memref<128xi32, #tpu.memory_space<vmem>>
        %dma_start3A_81 = arith.constant 0 : i32
        %dma_start3A_82 = tpu.memref_slice %arg14[%dma_start3A_81] : memref<100096xf32, #tpu.memory_space<vmem_shared>> -> memref<100096xf32, #tpu.memory_space<vmem_shared>>
        tpu.enqueue_indirect_dma source(%dma_start3A_77 : memref<128xf32, #tpu.memory_space<vmem>>) target(%dma_start3A_82 : memref<100096xf32, #tpu.memory_space<vmem_shared>>) offsets(%dma_start3A_80 : memref<128xi32, #tpu.memory_space<vmem>>) semaphore(%run_scoped3A_76 : memref<!tpu.dma_semaphore, #tpu.memory_space<semaphore_mem>>) {add = true}
        %dma_wait3A = arith.constant 512 : i32
        %dma_wait3A_83 = tpu.memref_slice %arg22[%dma_wait3A] : memref<1024xf32, #tpu.memory_space<vmem>> -> memref<128xf32, #tpu.memory_space<vmem>>
        %dma_wait3A_84 = arith.constant 0 : i32
        %dma_wait3A_85 = tpu.memref_slice %arg20[%run_scoped3A_52, %dma_wait3A_84] : memref<8x128xi32, #tpu.memory_space<vmem>> -> memref<1x128xi32, #tpu.memory_space<vmem>>
        %dma_wait3A_86 = tpu.memref_squeeze %dma_wait3A_85 : memref<1x128xi32, #tpu.memory_space<vmem>> -> memref<128xi32, #tpu.memory_space<vmem>>
        %dma_wait3A_87 = arith.constant 0 : i32
        %dma_wait3A_88 = tpu.memref_slice %arg14[%dma_wait3A_87] : memref<100096xf32, #tpu.memory_space<vmem_shared>> -> memref<100096xf32, #tpu.memory_space<vmem_shared>>
        tpu.wait_indirect_dma semaphore(%run_scoped3A_76 : memref<!tpu.dma_semaphore, #tpu.memory_space<semaphore_mem>>) src(%dma_wait3A_83 : memref<128xf32, #tpu.memory_space<vmem>>) dst(%dma_wait3A_88 : memref<100096xf32, #tpu.memory_space<vmem_shared>>)
        tpu.yield
      }) : () -> ()
      %run_scoped3A_53 = arith.constant 4 : i32
      "tpu.region"() ({
        %run_scoped3A_76 = tpu.sem_alloc : memref<!tpu.dma_semaphore, #tpu.memory_space<semaphore_mem>>
        %dma_start3A = arith.constant 512 : i32
        %dma_start3A_77 = tpu.memref_slice %arg23[%dma_start3A] : memref<1024xf32, #tpu.memory_space<vmem>> -> memref<128xf32, #tpu.memory_space<vmem>>
        %dma_start3A_78 = arith.constant 0 : i32
        %dma_start3A_79 = tpu.memref_slice %arg20[%run_scoped3A_53, %dma_start3A_78] : memref<8x128xi32, #tpu.memory_space<vmem>> -> memref<1x128xi32, #tpu.memory_space<vmem>>
        %dma_start3A_80 = tpu.memref_squeeze %dma_start3A_79 : memref<1x128xi32, #tpu.memory_space<vmem>> -> memref<128xi32, #tpu.memory_space<vmem>>
        %dma_start3A_81 = arith.constant 0 : i32
        %dma_start3A_82 = tpu.memref_slice %arg15[%dma_start3A_81] : memref<100096xf32, #tpu.memory_space<vmem_shared>> -> memref<100096xf32, #tpu.memory_space<vmem_shared>>
        tpu.enqueue_indirect_dma source(%dma_start3A_77 : memref<128xf32, #tpu.memory_space<vmem>>) target(%dma_start3A_82 : memref<100096xf32, #tpu.memory_space<vmem_shared>>) offsets(%dma_start3A_80 : memref<128xi32, #tpu.memory_space<vmem>>) semaphore(%run_scoped3A_76 : memref<!tpu.dma_semaphore, #tpu.memory_space<semaphore_mem>>) {add = true}
        %dma_wait3A = arith.constant 512 : i32
        %dma_wait3A_83 = tpu.memref_slice %arg23[%dma_wait3A] : memref<1024xf32, #tpu.memory_space<vmem>> -> memref<128xf32, #tpu.memory_space<vmem>>
        %dma_wait3A_84 = arith.constant 0 : i32
        %dma_wait3A_85 = tpu.memref_slice %arg20[%run_scoped3A_53, %dma_wait3A_84] : memref<8x128xi32, #tpu.memory_space<vmem>> -> memref<1x128xi32, #tpu.memory_space<vmem>>
        %dma_wait3A_86 = tpu.memref_squeeze %dma_wait3A_85 : memref<1x128xi32, #tpu.memory_space<vmem>> -> memref<128xi32, #tpu.memory_space<vmem>>
        %dma_wait3A_87 = arith.constant 0 : i32
        %dma_wait3A_88 = tpu.memref_slice %arg15[%dma_wait3A_87] : memref<100096xf32, #tpu.memory_space<vmem_shared>> -> memref<100096xf32, #tpu.memory_space<vmem_shared>>
        tpu.wait_indirect_dma semaphore(%run_scoped3A_76 : memref<!tpu.dma_semaphore, #tpu.memory_space<semaphore_mem>>) src(%dma_wait3A_83 : memref<128xf32, #tpu.memory_space<vmem>>) dst(%dma_wait3A_88 : memref<100096xf32, #tpu.memory_space<vmem_shared>>)
        tpu.yield
      }) : () -> ()
      %run_scoped3A_54 = arith.constant 4 : i32
      "tpu.region"() ({
        %run_scoped3A_76 = tpu.sem_alloc : memref<!tpu.dma_semaphore, #tpu.memory_space<semaphore_mem>>
        %dma_start3A = arith.constant 512 : i32
        %dma_start3A_77 = tpu.memref_slice %arg24[%dma_start3A] : memref<1024xf32, #tpu.memory_space<vmem>> -> memref<128xf32, #tpu.memory_space<vmem>>
        %dma_start3A_78 = arith.constant 0 : i32
        %dma_start3A_79 = tpu.memref_slice %arg20[%run_scoped3A_54, %dma_start3A_78] : memref<8x128xi32, #tpu.memory_space<vmem>> -> memref<1x128xi32, #tpu.memory_space<vmem>>
        %dma_start3A_80 = tpu.memref_squeeze %dma_start3A_79 : memref<1x128xi32, #tpu.memory_space<vmem>> -> memref<128xi32, #tpu.memory_space<vmem>>
        %dma_start3A_81 = arith.constant 0 : i32
        %dma_start3A_82 = tpu.memref_slice %arg16[%dma_start3A_81] : memref<100096xf32, #tpu.memory_space<vmem_shared>> -> memref<100096xf32, #tpu.memory_space<vmem_shared>>
        tpu.enqueue_indirect_dma source(%dma_start3A_77 : memref<128xf32, #tpu.memory_space<vmem>>) target(%dma_start3A_82 : memref<100096xf32, #tpu.memory_space<vmem_shared>>) offsets(%dma_start3A_80 : memref<128xi32, #tpu.memory_space<vmem>>) semaphore(%run_scoped3A_76 : memref<!tpu.dma_semaphore, #tpu.memory_space<semaphore_mem>>) {add = true}
        %dma_wait3A = arith.constant 512 : i32
        %dma_wait3A_83 = tpu.memref_slice %arg24[%dma_wait3A] : memref<1024xf32, #tpu.memory_space<vmem>> -> memref<128xf32, #tpu.memory_space<vmem>>
        %dma_wait3A_84 = arith.constant 0 : i32
        %dma_wait3A_85 = tpu.memref_slice %arg20[%run_scoped3A_54, %dma_wait3A_84] : memref<8x128xi32, #tpu.memory_space<vmem>> -> memref<1x128xi32, #tpu.memory_space<vmem>>
        %dma_wait3A_86 = tpu.memref_squeeze %dma_wait3A_85 : memref<1x128xi32, #tpu.memory_space<vmem>> -> memref<128xi32, #tpu.memory_space<vmem>>
        %dma_wait3A_87 = arith.constant 0 : i32
        %dma_wait3A_88 = tpu.memref_slice %arg16[%dma_wait3A_87] : memref<100096xf32, #tpu.memory_space<vmem_shared>> -> memref<100096xf32, #tpu.memory_space<vmem_shared>>
        tpu.wait_indirect_dma semaphore(%run_scoped3A_76 : memref<!tpu.dma_semaphore, #tpu.memory_space<semaphore_mem>>) src(%dma_wait3A_83 : memref<128xf32, #tpu.memory_space<vmem>>) dst(%dma_wait3A_88 : memref<100096xf32, #tpu.memory_space<vmem_shared>>)
        tpu.yield
      }) : () -> ()
      %run_scoped3A_55 = arith.constant 4 : i32
      "tpu.region"() ({
        %run_scoped3A_76 = tpu.sem_alloc : memref<!tpu.dma_semaphore, #tpu.memory_space<semaphore_mem>>
        %dma_start3A = arith.constant 512 : i32
        %dma_start3A_77 = tpu.memref_slice %arg22[%dma_start3A] : memref<1024xf32, #tpu.memory_space<vmem>> -> memref<128xf32, #tpu.memory_space<vmem>>
        %dma_start3A_78 = arith.constant 0 : i32
        %dma_start3A_79 = tpu.memref_slice %arg21[%run_scoped3A_55, %dma_start3A_78] : memref<8x128xi32, #tpu.memory_space<vmem>> -> memref<1x128xi32, #tpu.memory_space<vmem>>
        %dma_start3A_80 = tpu.memref_squeeze %dma_start3A_79 : memref<1x128xi32, #tpu.memory_space<vmem>> -> memref<128xi32, #tpu.memory_space<vmem>>
        %dma_start3A_81 = arith.constant 0 : i32
        %dma_start3A_82 = tpu.memref_slice %arg17[%dma_start3A_81] : memref<100096xf32, #tpu.memory_space<vmem_shared>> -> memref<100096xf32, #tpu.memory_space<vmem_shared>>
        tpu.enqueue_indirect_dma source(%dma_start3A_77 : memref<128xf32, #tpu.memory_space<vmem>>) target(%dma_start3A_82 : memref<100096xf32, #tpu.memory_space<vmem_shared>>) offsets(%dma_start3A_80 : memref<128xi32, #tpu.memory_space<vmem>>) semaphore(%run_scoped3A_76 : memref<!tpu.dma_semaphore, #tpu.memory_space<semaphore_mem>>) {add = true}
        %dma_wait3A = arith.constant 512 : i32
        %dma_wait3A_83 = tpu.memref_slice %arg22[%dma_wait3A] : memref<1024xf32, #tpu.memory_space<vmem>> -> memref<128xf32, #tpu.memory_space<vmem>>
        %dma_wait3A_84 = arith.constant 0 : i32
        %dma_wait3A_85 = tpu.memref_slice %arg21[%run_scoped3A_55, %dma_wait3A_84] : memref<8x128xi32, #tpu.memory_space<vmem>> -> memref<1x128xi32, #tpu.memory_space<vmem>>
        %dma_wait3A_86 = tpu.memref_squeeze %dma_wait3A_85 : memref<1x128xi32, #tpu.memory_space<vmem>> -> memref<128xi32, #tpu.memory_space<vmem>>
        %dma_wait3A_87 = arith.constant 0 : i32
        %dma_wait3A_88 = tpu.memref_slice %arg17[%dma_wait3A_87] : memref<100096xf32, #tpu.memory_space<vmem_shared>> -> memref<100096xf32, #tpu.memory_space<vmem_shared>>
        tpu.wait_indirect_dma semaphore(%run_scoped3A_76 : memref<!tpu.dma_semaphore, #tpu.memory_space<semaphore_mem>>) src(%dma_wait3A_83 : memref<128xf32, #tpu.memory_space<vmem>>) dst(%dma_wait3A_88 : memref<100096xf32, #tpu.memory_space<vmem_shared>>)
        tpu.yield
      }) : () -> ()
      %run_scoped3A_56 = arith.constant 4 : i32
      "tpu.region"() ({
        %run_scoped3A_76 = tpu.sem_alloc : memref<!tpu.dma_semaphore, #tpu.memory_space<semaphore_mem>>
        %dma_start3A = arith.constant 512 : i32
        %dma_start3A_77 = tpu.memref_slice %arg23[%dma_start3A] : memref<1024xf32, #tpu.memory_space<vmem>> -> memref<128xf32, #tpu.memory_space<vmem>>
        %dma_start3A_78 = arith.constant 0 : i32
        %dma_start3A_79 = tpu.memref_slice %arg21[%run_scoped3A_56, %dma_start3A_78] : memref<8x128xi32, #tpu.memory_space<vmem>> -> memref<1x128xi32, #tpu.memory_space<vmem>>
        %dma_start3A_80 = tpu.memref_squeeze %dma_start3A_79 : memref<1x128xi32, #tpu.memory_space<vmem>> -> memref<128xi32, #tpu.memory_space<vmem>>
        %dma_start3A_81 = arith.constant 0 : i32
        %dma_start3A_82 = tpu.memref_slice %arg18[%dma_start3A_81] : memref<100096xf32, #tpu.memory_space<vmem_shared>> -> memref<100096xf32, #tpu.memory_space<vmem_shared>>
        tpu.enqueue_indirect_dma source(%dma_start3A_77 : memref<128xf32, #tpu.memory_space<vmem>>) target(%dma_start3A_82 : memref<100096xf32, #tpu.memory_space<vmem_shared>>) offsets(%dma_start3A_80 : memref<128xi32, #tpu.memory_space<vmem>>) semaphore(%run_scoped3A_76 : memref<!tpu.dma_semaphore, #tpu.memory_space<semaphore_mem>>) {add = true}
        %dma_wait3A = arith.constant 512 : i32
        %dma_wait3A_83 = tpu.memref_slice %arg23[%dma_wait3A] : memref<1024xf32, #tpu.memory_space<vmem>> -> memref<128xf32, #tpu.memory_space<vmem>>
        %dma_wait3A_84 = arith.constant 0 : i32
        %dma_wait3A_85 = tpu.memref_slice %arg21[%run_scoped3A_56, %dma_wait3A_84] : memref<8x128xi32, #tpu.memory_space<vmem>> -> memref<1x128xi32, #tpu.memory_space<vmem>>
        %dma_wait3A_86 = tpu.memref_squeeze %dma_wait3A_85 : memref<1x128xi32, #tpu.memory_space<vmem>> -> memref<128xi32, #tpu.memory_space<vmem>>
        %dma_wait3A_87 = arith.constant 0 : i32
        %dma_wait3A_88 = tpu.memref_slice %arg18[%dma_wait3A_87] : memref<100096xf32, #tpu.memory_space<vmem_shared>> -> memref<100096xf32, #tpu.memory_space<vmem_shared>>
        tpu.wait_indirect_dma semaphore(%run_scoped3A_76 : memref<!tpu.dma_semaphore, #tpu.memory_space<semaphore_mem>>) src(%dma_wait3A_83 : memref<128xf32, #tpu.memory_space<vmem>>) dst(%dma_wait3A_88 : memref<100096xf32, #tpu.memory_space<vmem_shared>>)
        tpu.yield
      }) : () -> ()
      %run_scoped3A_57 = arith.constant 4 : i32
      "tpu.region"() ({
        %run_scoped3A_76 = tpu.sem_alloc : memref<!tpu.dma_semaphore, #tpu.memory_space<semaphore_mem>>
        %dma_start3A = arith.constant 512 : i32
        %dma_start3A_77 = tpu.memref_slice %arg24[%dma_start3A] : memref<1024xf32, #tpu.memory_space<vmem>> -> memref<128xf32, #tpu.memory_space<vmem>>
        %dma_start3A_78 = arith.constant 0 : i32
        %dma_start3A_79 = tpu.memref_slice %arg21[%run_scoped3A_57, %dma_start3A_78] : memref<8x128xi32, #tpu.memory_space<vmem>> -> memref<1x128xi32, #tpu.memory_space<vmem>>
        %dma_start3A_80 = tpu.memref_squeeze %dma_start3A_79 : memref<1x128xi32, #tpu.memory_space<vmem>> -> memref<128xi32, #tpu.memory_space<vmem>>
        %dma_start3A_81 = arith.constant 0 : i32
        %dma_start3A_82 = tpu.memref_slice %arg19[%dma_start3A_81] : memref<100096xf32, #tpu.memory_space<vmem_shared>> -> memref<100096xf32, #tpu.memory_space<vmem_shared>>
        tpu.enqueue_indirect_dma source(%dma_start3A_77 : memref<128xf32, #tpu.memory_space<vmem>>) target(%dma_start3A_82 : memref<100096xf32, #tpu.memory_space<vmem_shared>>) offsets(%dma_start3A_80 : memref<128xi32, #tpu.memory_space<vmem>>) semaphore(%run_scoped3A_76 : memref<!tpu.dma_semaphore, #tpu.memory_space<semaphore_mem>>) {add = true}
        %dma_wait3A = arith.constant 512 : i32
        %dma_wait3A_83 = tpu.memref_slice %arg24[%dma_wait3A] : memref<1024xf32, #tpu.memory_space<vmem>> -> memref<128xf32, #tpu.memory_space<vmem>>
        %dma_wait3A_84 = arith.constant 0 : i32
        %dma_wait3A_85 = tpu.memref_slice %arg21[%run_scoped3A_57, %dma_wait3A_84] : memref<8x128xi32, #tpu.memory_space<vmem>> -> memref<1x128xi32, #tpu.memory_space<vmem>>
        %dma_wait3A_86 = tpu.memref_squeeze %dma_wait3A_85 : memref<1x128xi32, #tpu.memory_space<vmem>> -> memref<128xi32, #tpu.memory_space<vmem>>
        %dma_wait3A_87 = arith.constant 0 : i32
        %dma_wait3A_88 = tpu.memref_slice %arg19[%dma_wait3A_87] : memref<100096xf32, #tpu.memory_space<vmem_shared>> -> memref<100096xf32, #tpu.memory_space<vmem_shared>>
        tpu.wait_indirect_dma semaphore(%run_scoped3A_76 : memref<!tpu.dma_semaphore, #tpu.memory_space<semaphore_mem>>) src(%dma_wait3A_83 : memref<128xf32, #tpu.memory_space<vmem>>) dst(%dma_wait3A_88 : memref<100096xf32, #tpu.memory_space<vmem_shared>>)
        tpu.yield
      }) : () -> ()
      %run_scoped3A_58 = arith.constant 5 : i32
      "tpu.region"() ({
        %run_scoped3A_76 = tpu.sem_alloc : memref<!tpu.dma_semaphore, #tpu.memory_space<semaphore_mem>>
        %dma_start3A = arith.constant 640 : i32
        %dma_start3A_77 = tpu.memref_slice %arg22[%dma_start3A] : memref<1024xf32, #tpu.memory_space<vmem>> -> memref<128xf32, #tpu.memory_space<vmem>>
        %dma_start3A_78 = arith.constant 0 : i32
        %dma_start3A_79 = tpu.memref_slice %arg20[%run_scoped3A_58, %dma_start3A_78] : memref<8x128xi32, #tpu.memory_space<vmem>> -> memref<1x128xi32, #tpu.memory_space<vmem>>
        %dma_start3A_80 = tpu.memref_squeeze %dma_start3A_79 : memref<1x128xi32, #tpu.memory_space<vmem>> -> memref<128xi32, #tpu.memory_space<vmem>>
        %dma_start3A_81 = arith.constant 0 : i32
        %dma_start3A_82 = tpu.memref_slice %arg14[%dma_start3A_81] : memref<100096xf32, #tpu.memory_space<vmem_shared>> -> memref<100096xf32, #tpu.memory_space<vmem_shared>>
        tpu.enqueue_indirect_dma source(%dma_start3A_77 : memref<128xf32, #tpu.memory_space<vmem>>) target(%dma_start3A_82 : memref<100096xf32, #tpu.memory_space<vmem_shared>>) offsets(%dma_start3A_80 : memref<128xi32, #tpu.memory_space<vmem>>) semaphore(%run_scoped3A_76 : memref<!tpu.dma_semaphore, #tpu.memory_space<semaphore_mem>>) {add = true}
        %dma_wait3A = arith.constant 640 : i32
        %dma_wait3A_83 = tpu.memref_slice %arg22[%dma_wait3A] : memref<1024xf32, #tpu.memory_space<vmem>> -> memref<128xf32, #tpu.memory_space<vmem>>
        %dma_wait3A_84 = arith.constant 0 : i32
        %dma_wait3A_85 = tpu.memref_slice %arg20[%run_scoped3A_58, %dma_wait3A_84] : memref<8x128xi32, #tpu.memory_space<vmem>> -> memref<1x128xi32, #tpu.memory_space<vmem>>
        %dma_wait3A_86 = tpu.memref_squeeze %dma_wait3A_85 : memref<1x128xi32, #tpu.memory_space<vmem>> -> memref<128xi32, #tpu.memory_space<vmem>>
        %dma_wait3A_87 = arith.constant 0 : i32
        %dma_wait3A_88 = tpu.memref_slice %arg14[%dma_wait3A_87] : memref<100096xf32, #tpu.memory_space<vmem_shared>> -> memref<100096xf32, #tpu.memory_space<vmem_shared>>
        tpu.wait_indirect_dma semaphore(%run_scoped3A_76 : memref<!tpu.dma_semaphore, #tpu.memory_space<semaphore_mem>>) src(%dma_wait3A_83 : memref<128xf32, #tpu.memory_space<vmem>>) dst(%dma_wait3A_88 : memref<100096xf32, #tpu.memory_space<vmem_shared>>)
        tpu.yield
      }) : () -> ()
      %run_scoped3A_59 = arith.constant 5 : i32
      "tpu.region"() ({
        %run_scoped3A_76 = tpu.sem_alloc : memref<!tpu.dma_semaphore, #tpu.memory_space<semaphore_mem>>
        %dma_start3A = arith.constant 640 : i32
        %dma_start3A_77 = tpu.memref_slice %arg23[%dma_start3A] : memref<1024xf32, #tpu.memory_space<vmem>> -> memref<128xf32, #tpu.memory_space<vmem>>
        %dma_start3A_78 = arith.constant 0 : i32
        %dma_start3A_79 = tpu.memref_slice %arg20[%run_scoped3A_59, %dma_start3A_78] : memref<8x128xi32, #tpu.memory_space<vmem>> -> memref<1x128xi32, #tpu.memory_space<vmem>>
        %dma_start3A_80 = tpu.memref_squeeze %dma_start3A_79 : memref<1x128xi32, #tpu.memory_space<vmem>> -> memref<128xi32, #tpu.memory_space<vmem>>
        %dma_start3A_81 = arith.constant 0 : i32
        %dma_start3A_82 = tpu.memref_slice %arg15[%dma_start3A_81] : memref<100096xf32, #tpu.memory_space<vmem_shared>> -> memref<100096xf32, #tpu.memory_space<vmem_shared>>
        tpu.enqueue_indirect_dma source(%dma_start3A_77 : memref<128xf32, #tpu.memory_space<vmem>>) target(%dma_start3A_82 : memref<100096xf32, #tpu.memory_space<vmem_shared>>) offsets(%dma_start3A_80 : memref<128xi32, #tpu.memory_space<vmem>>) semaphore(%run_scoped3A_76 : memref<!tpu.dma_semaphore, #tpu.memory_space<semaphore_mem>>) {add = true}
        %dma_wait3A = arith.constant 640 : i32
        %dma_wait3A_83 = tpu.memref_slice %arg23[%dma_wait3A] : memref<1024xf32, #tpu.memory_space<vmem>> -> memref<128xf32, #tpu.memory_space<vmem>>
        %dma_wait3A_84 = arith.constant 0 : i32
        %dma_wait3A_85 = tpu.memref_slice %arg20[%run_scoped3A_59, %dma_wait3A_84] : memref<8x128xi32, #tpu.memory_space<vmem>> -> memref<1x128xi32, #tpu.memory_space<vmem>>
        %dma_wait3A_86 = tpu.memref_squeeze %dma_wait3A_85 : memref<1x128xi32, #tpu.memory_space<vmem>> -> memref<128xi32, #tpu.memory_space<vmem>>
        %dma_wait3A_87 = arith.constant 0 : i32
        %dma_wait3A_88 = tpu.memref_slice %arg15[%dma_wait3A_87] : memref<100096xf32, #tpu.memory_space<vmem_shared>> -> memref<100096xf32, #tpu.memory_space<vmem_shared>>
        tpu.wait_indirect_dma semaphore(%run_scoped3A_76 : memref<!tpu.dma_semaphore, #tpu.memory_space<semaphore_mem>>) src(%dma_wait3A_83 : memref<128xf32, #tpu.memory_space<vmem>>) dst(%dma_wait3A_88 : memref<100096xf32, #tpu.memory_space<vmem_shared>>)
        tpu.yield
      }) : () -> ()
      %run_scoped3A_60 = arith.constant 5 : i32
      "tpu.region"() ({
        %run_scoped3A_76 = tpu.sem_alloc : memref<!tpu.dma_semaphore, #tpu.memory_space<semaphore_mem>>
        %dma_start3A = arith.constant 640 : i32
        %dma_start3A_77 = tpu.memref_slice %arg24[%dma_start3A] : memref<1024xf32, #tpu.memory_space<vmem>> -> memref<128xf32, #tpu.memory_space<vmem>>
        %dma_start3A_78 = arith.constant 0 : i32
        %dma_start3A_79 = tpu.memref_slice %arg20[%run_scoped3A_60, %dma_start3A_78] : memref<8x128xi32, #tpu.memory_space<vmem>> -> memref<1x128xi32, #tpu.memory_space<vmem>>
        %dma_start3A_80 = tpu.memref_squeeze %dma_start3A_79 : memref<1x128xi32, #tpu.memory_space<vmem>> -> memref<128xi32, #tpu.memory_space<vmem>>
        %dma_start3A_81 = arith.constant 0 : i32
        %dma_start3A_82 = tpu.memref_slice %arg16[%dma_start3A_81] : memref<100096xf32, #tpu.memory_space<vmem_shared>> -> memref<100096xf32, #tpu.memory_space<vmem_shared>>
        tpu.enqueue_indirect_dma source(%dma_start3A_77 : memref<128xf32, #tpu.memory_space<vmem>>) target(%dma_start3A_82 : memref<100096xf32, #tpu.memory_space<vmem_shared>>) offsets(%dma_start3A_80 : memref<128xi32, #tpu.memory_space<vmem>>) semaphore(%run_scoped3A_76 : memref<!tpu.dma_semaphore, #tpu.memory_space<semaphore_mem>>) {add = true}
        %dma_wait3A = arith.constant 640 : i32
        %dma_wait3A_83 = tpu.memref_slice %arg24[%dma_wait3A] : memref<1024xf32, #tpu.memory_space<vmem>> -> memref<128xf32, #tpu.memory_space<vmem>>
        %dma_wait3A_84 = arith.constant 0 : i32
        %dma_wait3A_85 = tpu.memref_slice %arg20[%run_scoped3A_60, %dma_wait3A_84] : memref<8x128xi32, #tpu.memory_space<vmem>> -> memref<1x128xi32, #tpu.memory_space<vmem>>
        %dma_wait3A_86 = tpu.memref_squeeze %dma_wait3A_85 : memref<1x128xi32, #tpu.memory_space<vmem>> -> memref<128xi32, #tpu.memory_space<vmem>>
        %dma_wait3A_87 = arith.constant 0 : i32
        %dma_wait3A_88 = tpu.memref_slice %arg16[%dma_wait3A_87] : memref<100096xf32, #tpu.memory_space<vmem_shared>> -> memref<100096xf32, #tpu.memory_space<vmem_shared>>
        tpu.wait_indirect_dma semaphore(%run_scoped3A_76 : memref<!tpu.dma_semaphore, #tpu.memory_space<semaphore_mem>>) src(%dma_wait3A_83 : memref<128xf32, #tpu.memory_space<vmem>>) dst(%dma_wait3A_88 : memref<100096xf32, #tpu.memory_space<vmem_shared>>)
        tpu.yield
      }) : () -> ()
      %run_scoped3A_61 = arith.constant 5 : i32
      "tpu.region"() ({
        %run_scoped3A_76 = tpu.sem_alloc : memref<!tpu.dma_semaphore, #tpu.memory_space<semaphore_mem>>
        %dma_start3A = arith.constant 640 : i32
        %dma_start3A_77 = tpu.memref_slice %arg22[%dma_start3A] : memref<1024xf32, #tpu.memory_space<vmem>> -> memref<128xf32, #tpu.memory_space<vmem>>
        %dma_start3A_78 = arith.constant 0 : i32
        %dma_start3A_79 = tpu.memref_slice %arg21[%run_scoped3A_61, %dma_start3A_78] : memref<8x128xi32, #tpu.memory_space<vmem>> -> memref<1x128xi32, #tpu.memory_space<vmem>>
        %dma_start3A_80 = tpu.memref_squeeze %dma_start3A_79 : memref<1x128xi32, #tpu.memory_space<vmem>> -> memref<128xi32, #tpu.memory_space<vmem>>
        %dma_start3A_81 = arith.constant 0 : i32
        %dma_start3A_82 = tpu.memref_slice %arg17[%dma_start3A_81] : memref<100096xf32, #tpu.memory_space<vmem_shared>> -> memref<100096xf32, #tpu.memory_space<vmem_shared>>
        tpu.enqueue_indirect_dma source(%dma_start3A_77 : memref<128xf32, #tpu.memory_space<vmem>>) target(%dma_start3A_82 : memref<100096xf32, #tpu.memory_space<vmem_shared>>) offsets(%dma_start3A_80 : memref<128xi32, #tpu.memory_space<vmem>>) semaphore(%run_scoped3A_76 : memref<!tpu.dma_semaphore, #tpu.memory_space<semaphore_mem>>) {add = true}
        %dma_wait3A = arith.constant 640 : i32
        %dma_wait3A_83 = tpu.memref_slice %arg22[%dma_wait3A] : memref<1024xf32, #tpu.memory_space<vmem>> -> memref<128xf32, #tpu.memory_space<vmem>>
        %dma_wait3A_84 = arith.constant 0 : i32
        %dma_wait3A_85 = tpu.memref_slice %arg21[%run_scoped3A_61, %dma_wait3A_84] : memref<8x128xi32, #tpu.memory_space<vmem>> -> memref<1x128xi32, #tpu.memory_space<vmem>>
        %dma_wait3A_86 = tpu.memref_squeeze %dma_wait3A_85 : memref<1x128xi32, #tpu.memory_space<vmem>> -> memref<128xi32, #tpu.memory_space<vmem>>
        %dma_wait3A_87 = arith.constant 0 : i32
        %dma_wait3A_88 = tpu.memref_slice %arg17[%dma_wait3A_87] : memref<100096xf32, #tpu.memory_space<vmem_shared>> -> memref<100096xf32, #tpu.memory_space<vmem_shared>>
        tpu.wait_indirect_dma semaphore(%run_scoped3A_76 : memref<!tpu.dma_semaphore, #tpu.memory_space<semaphore_mem>>) src(%dma_wait3A_83 : memref<128xf32, #tpu.memory_space<vmem>>) dst(%dma_wait3A_88 : memref<100096xf32, #tpu.memory_space<vmem_shared>>)
        tpu.yield
      }) : () -> ()
      %run_scoped3A_62 = arith.constant 5 : i32
      "tpu.region"() ({
        %run_scoped3A_76 = tpu.sem_alloc : memref<!tpu.dma_semaphore, #tpu.memory_space<semaphore_mem>>
        %dma_start3A = arith.constant 640 : i32
        %dma_start3A_77 = tpu.memref_slice %arg23[%dma_start3A] : memref<1024xf32, #tpu.memory_space<vmem>> -> memref<128xf32, #tpu.memory_space<vmem>>
        %dma_start3A_78 = arith.constant 0 : i32
        %dma_start3A_79 = tpu.memref_slice %arg21[%run_scoped3A_62, %dma_start3A_78] : memref<8x128xi32, #tpu.memory_space<vmem>> -> memref<1x128xi32, #tpu.memory_space<vmem>>
        %dma_start3A_80 = tpu.memref_squeeze %dma_start3A_79 : memref<1x128xi32, #tpu.memory_space<vmem>> -> memref<128xi32, #tpu.memory_space<vmem>>
        %dma_start3A_81 = arith.constant 0 : i32
        %dma_start3A_82 = tpu.memref_slice %arg18[%dma_start3A_81] : memref<100096xf32, #tpu.memory_space<vmem_shared>> -> memref<100096xf32, #tpu.memory_space<vmem_shared>>
        tpu.enqueue_indirect_dma source(%dma_start3A_77 : memref<128xf32, #tpu.memory_space<vmem>>) target(%dma_start3A_82 : memref<100096xf32, #tpu.memory_space<vmem_shared>>) offsets(%dma_start3A_80 : memref<128xi32, #tpu.memory_space<vmem>>) semaphore(%run_scoped3A_76 : memref<!tpu.dma_semaphore, #tpu.memory_space<semaphore_mem>>) {add = true}
        %dma_wait3A = arith.constant 640 : i32
        %dma_wait3A_83 = tpu.memref_slice %arg23[%dma_wait3A] : memref<1024xf32, #tpu.memory_space<vmem>> -> memref<128xf32, #tpu.memory_space<vmem>>
        %dma_wait3A_84 = arith.constant 0 : i32
        %dma_wait3A_85 = tpu.memref_slice %arg21[%run_scoped3A_62, %dma_wait3A_84] : memref<8x128xi32, #tpu.memory_space<vmem>> -> memref<1x128xi32, #tpu.memory_space<vmem>>
        %dma_wait3A_86 = tpu.memref_squeeze %dma_wait3A_85 : memref<1x128xi32, #tpu.memory_space<vmem>> -> memref<128xi32, #tpu.memory_space<vmem>>
        %dma_wait3A_87 = arith.constant 0 : i32
        %dma_wait3A_88 = tpu.memref_slice %arg18[%dma_wait3A_87] : memref<100096xf32, #tpu.memory_space<vmem_shared>> -> memref<100096xf32, #tpu.memory_space<vmem_shared>>
        tpu.wait_indirect_dma semaphore(%run_scoped3A_76 : memref<!tpu.dma_semaphore, #tpu.memory_space<semaphore_mem>>) src(%dma_wait3A_83 : memref<128xf32, #tpu.memory_space<vmem>>) dst(%dma_wait3A_88 : memref<100096xf32, #tpu.memory_space<vmem_shared>>)
        tpu.yield
      }) : () -> ()
      %run_scoped3A_63 = arith.constant 5 : i32
      "tpu.region"() ({
        %run_scoped3A_76 = tpu.sem_alloc : memref<!tpu.dma_semaphore, #tpu.memory_space<semaphore_mem>>
        %dma_start3A = arith.constant 640 : i32
        %dma_start3A_77 = tpu.memref_slice %arg24[%dma_start3A] : memref<1024xf32, #tpu.memory_space<vmem>> -> memref<128xf32, #tpu.memory_space<vmem>>
        %dma_start3A_78 = arith.constant 0 : i32
        %dma_start3A_79 = tpu.memref_slice %arg21[%run_scoped3A_63, %dma_start3A_78] : memref<8x128xi32, #tpu.memory_space<vmem>> -> memref<1x128xi32, #tpu.memory_space<vmem>>
        %dma_start3A_80 = tpu.memref_squeeze %dma_start3A_79 : memref<1x128xi32, #tpu.memory_space<vmem>> -> memref<128xi32, #tpu.memory_space<vmem>>
        %dma_start3A_81 = arith.constant 0 : i32
        %dma_start3A_82 = tpu.memref_slice %arg19[%dma_start3A_81] : memref<100096xf32, #tpu.memory_space<vmem_shared>> -> memref<100096xf32, #tpu.memory_space<vmem_shared>>
        tpu.enqueue_indirect_dma source(%dma_start3A_77 : memref<128xf32, #tpu.memory_space<vmem>>) target(%dma_start3A_82 : memref<100096xf32, #tpu.memory_space<vmem_shared>>) offsets(%dma_start3A_80 : memref<128xi32, #tpu.memory_space<vmem>>) semaphore(%run_scoped3A_76 : memref<!tpu.dma_semaphore, #tpu.memory_space<semaphore_mem>>) {add = true}
        %dma_wait3A = arith.constant 640 : i32
        %dma_wait3A_83 = tpu.memref_slice %arg24[%dma_wait3A] : memref<1024xf32, #tpu.memory_space<vmem>> -> memref<128xf32, #tpu.memory_space<vmem>>
        %dma_wait3A_84 = arith.constant 0 : i32
        %dma_wait3A_85 = tpu.memref_slice %arg21[%run_scoped3A_63, %dma_wait3A_84] : memref<8x128xi32, #tpu.memory_space<vmem>> -> memref<1x128xi32, #tpu.memory_space<vmem>>
        %dma_wait3A_86 = tpu.memref_squeeze %dma_wait3A_85 : memref<1x128xi32, #tpu.memory_space<vmem>> -> memref<128xi32, #tpu.memory_space<vmem>>
        %dma_wait3A_87 = arith.constant 0 : i32
        %dma_wait3A_88 = tpu.memref_slice %arg19[%dma_wait3A_87] : memref<100096xf32, #tpu.memory_space<vmem_shared>> -> memref<100096xf32, #tpu.memory_space<vmem_shared>>
        tpu.wait_indirect_dma semaphore(%run_scoped3A_76 : memref<!tpu.dma_semaphore, #tpu.memory_space<semaphore_mem>>) src(%dma_wait3A_83 : memref<128xf32, #tpu.memory_space<vmem>>) dst(%dma_wait3A_88 : memref<100096xf32, #tpu.memory_space<vmem_shared>>)
        tpu.yield
      }) : () -> ()
      %run_scoped3A_64 = arith.constant 6 : i32
      "tpu.region"() ({
        %run_scoped3A_76 = tpu.sem_alloc : memref<!tpu.dma_semaphore, #tpu.memory_space<semaphore_mem>>
        %dma_start3A = arith.constant 768 : i32
        %dma_start3A_77 = tpu.memref_slice %arg22[%dma_start3A] : memref<1024xf32, #tpu.memory_space<vmem>> -> memref<128xf32, #tpu.memory_space<vmem>>
        %dma_start3A_78 = arith.constant 0 : i32
        %dma_start3A_79 = tpu.memref_slice %arg20[%run_scoped3A_64, %dma_start3A_78] : memref<8x128xi32, #tpu.memory_space<vmem>> -> memref<1x128xi32, #tpu.memory_space<vmem>>
        %dma_start3A_80 = tpu.memref_squeeze %dma_start3A_79 : memref<1x128xi32, #tpu.memory_space<vmem>> -> memref<128xi32, #tpu.memory_space<vmem>>
        %dma_start3A_81 = arith.constant 0 : i32
        %dma_start3A_82 = tpu.memref_slice %arg14[%dma_start3A_81] : memref<100096xf32, #tpu.memory_space<vmem_shared>> -> memref<100096xf32, #tpu.memory_space<vmem_shared>>
        tpu.enqueue_indirect_dma source(%dma_start3A_77 : memref<128xf32, #tpu.memory_space<vmem>>) target(%dma_start3A_82 : memref<100096xf32, #tpu.memory_space<vmem_shared>>) offsets(%dma_start3A_80 : memref<128xi32, #tpu.memory_space<vmem>>) semaphore(%run_scoped3A_76 : memref<!tpu.dma_semaphore, #tpu.memory_space<semaphore_mem>>) {add = true}
        %dma_wait3A = arith.constant 768 : i32
        %dma_wait3A_83 = tpu.memref_slice %arg22[%dma_wait3A] : memref<1024xf32, #tpu.memory_space<vmem>> -> memref<128xf32, #tpu.memory_space<vmem>>
        %dma_wait3A_84 = arith.constant 0 : i32
        %dma_wait3A_85 = tpu.memref_slice %arg20[%run_scoped3A_64, %dma_wait3A_84] : memref<8x128xi32, #tpu.memory_space<vmem>> -> memref<1x128xi32, #tpu.memory_space<vmem>>
        %dma_wait3A_86 = tpu.memref_squeeze %dma_wait3A_85 : memref<1x128xi32, #tpu.memory_space<vmem>> -> memref<128xi32, #tpu.memory_space<vmem>>
        %dma_wait3A_87 = arith.constant 0 : i32
        %dma_wait3A_88 = tpu.memref_slice %arg14[%dma_wait3A_87] : memref<100096xf32, #tpu.memory_space<vmem_shared>> -> memref<100096xf32, #tpu.memory_space<vmem_shared>>
        tpu.wait_indirect_dma semaphore(%run_scoped3A_76 : memref<!tpu.dma_semaphore, #tpu.memory_space<semaphore_mem>>) src(%dma_wait3A_83 : memref<128xf32, #tpu.memory_space<vmem>>) dst(%dma_wait3A_88 : memref<100096xf32, #tpu.memory_space<vmem_shared>>)
        tpu.yield
      }) : () -> ()
      %run_scoped3A_65 = arith.constant 6 : i32
      "tpu.region"() ({
        %run_scoped3A_76 = tpu.sem_alloc : memref<!tpu.dma_semaphore, #tpu.memory_space<semaphore_mem>>
        %dma_start3A = arith.constant 768 : i32
        %dma_start3A_77 = tpu.memref_slice %arg23[%dma_start3A] : memref<1024xf32, #tpu.memory_space<vmem>> -> memref<128xf32, #tpu.memory_space<vmem>>
        %dma_start3A_78 = arith.constant 0 : i32
        %dma_start3A_79 = tpu.memref_slice %arg20[%run_scoped3A_65, %dma_start3A_78] : memref<8x128xi32, #tpu.memory_space<vmem>> -> memref<1x128xi32, #tpu.memory_space<vmem>>
        %dma_start3A_80 = tpu.memref_squeeze %dma_start3A_79 : memref<1x128xi32, #tpu.memory_space<vmem>> -> memref<128xi32, #tpu.memory_space<vmem>>
        %dma_start3A_81 = arith.constant 0 : i32
        %dma_start3A_82 = tpu.memref_slice %arg15[%dma_start3A_81] : memref<100096xf32, #tpu.memory_space<vmem_shared>> -> memref<100096xf32, #tpu.memory_space<vmem_shared>>
        tpu.enqueue_indirect_dma source(%dma_start3A_77 : memref<128xf32, #tpu.memory_space<vmem>>) target(%dma_start3A_82 : memref<100096xf32, #tpu.memory_space<vmem_shared>>) offsets(%dma_start3A_80 : memref<128xi32, #tpu.memory_space<vmem>>) semaphore(%run_scoped3A_76 : memref<!tpu.dma_semaphore, #tpu.memory_space<semaphore_mem>>) {add = true}
        %dma_wait3A = arith.constant 768 : i32
        %dma_wait3A_83 = tpu.memref_slice %arg23[%dma_wait3A] : memref<1024xf32, #tpu.memory_space<vmem>> -> memref<128xf32, #tpu.memory_space<vmem>>
        %dma_wait3A_84 = arith.constant 0 : i32
        %dma_wait3A_85 = tpu.memref_slice %arg20[%run_scoped3A_65, %dma_wait3A_84] : memref<8x128xi32, #tpu.memory_space<vmem>> -> memref<1x128xi32, #tpu.memory_space<vmem>>
        %dma_wait3A_86 = tpu.memref_squeeze %dma_wait3A_85 : memref<1x128xi32, #tpu.memory_space<vmem>> -> memref<128xi32, #tpu.memory_space<vmem>>
        %dma_wait3A_87 = arith.constant 0 : i32
        %dma_wait3A_88 = tpu.memref_slice %arg15[%dma_wait3A_87] : memref<100096xf32, #tpu.memory_space<vmem_shared>> -> memref<100096xf32, #tpu.memory_space<vmem_shared>>
        tpu.wait_indirect_dma semaphore(%run_scoped3A_76 : memref<!tpu.dma_semaphore, #tpu.memory_space<semaphore_mem>>) src(%dma_wait3A_83 : memref<128xf32, #tpu.memory_space<vmem>>) dst(%dma_wait3A_88 : memref<100096xf32, #tpu.memory_space<vmem_shared>>)
        tpu.yield
      }) : () -> ()
      %run_scoped3A_66 = arith.constant 6 : i32
      "tpu.region"() ({
        %run_scoped3A_76 = tpu.sem_alloc : memref<!tpu.dma_semaphore, #tpu.memory_space<semaphore_mem>>
        %dma_start3A = arith.constant 768 : i32
        %dma_start3A_77 = tpu.memref_slice %arg24[%dma_start3A] : memref<1024xf32, #tpu.memory_space<vmem>> -> memref<128xf32, #tpu.memory_space<vmem>>
        %dma_start3A_78 = arith.constant 0 : i32
        %dma_start3A_79 = tpu.memref_slice %arg20[%run_scoped3A_66, %dma_start3A_78] : memref<8x128xi32, #tpu.memory_space<vmem>> -> memref<1x128xi32, #tpu.memory_space<vmem>>
        %dma_start3A_80 = tpu.memref_squeeze %dma_start3A_79 : memref<1x128xi32, #tpu.memory_space<vmem>> -> memref<128xi32, #tpu.memory_space<vmem>>
        %dma_start3A_81 = arith.constant 0 : i32
        %dma_start3A_82 = tpu.memref_slice %arg16[%dma_start3A_81] : memref<100096xf32, #tpu.memory_space<vmem_shared>> -> memref<100096xf32, #tpu.memory_space<vmem_shared>>
        tpu.enqueue_indirect_dma source(%dma_start3A_77 : memref<128xf32, #tpu.memory_space<vmem>>) target(%dma_start3A_82 : memref<100096xf32, #tpu.memory_space<vmem_shared>>) offsets(%dma_start3A_80 : memref<128xi32, #tpu.memory_space<vmem>>) semaphore(%run_scoped3A_76 : memref<!tpu.dma_semaphore, #tpu.memory_space<semaphore_mem>>) {add = true}
        %dma_wait3A = arith.constant 768 : i32
        %dma_wait3A_83 = tpu.memref_slice %arg24[%dma_wait3A] : memref<1024xf32, #tpu.memory_space<vmem>> -> memref<128xf32, #tpu.memory_space<vmem>>
        %dma_wait3A_84 = arith.constant 0 : i32
        %dma_wait3A_85 = tpu.memref_slice %arg20[%run_scoped3A_66, %dma_wait3A_84] : memref<8x128xi32, #tpu.memory_space<vmem>> -> memref<1x128xi32, #tpu.memory_space<vmem>>
        %dma_wait3A_86 = tpu.memref_squeeze %dma_wait3A_85 : memref<1x128xi32, #tpu.memory_space<vmem>> -> memref<128xi32, #tpu.memory_space<vmem>>
        %dma_wait3A_87 = arith.constant 0 : i32
        %dma_wait3A_88 = tpu.memref_slice %arg16[%dma_wait3A_87] : memref<100096xf32, #tpu.memory_space<vmem_shared>> -> memref<100096xf32, #tpu.memory_space<vmem_shared>>
        tpu.wait_indirect_dma semaphore(%run_scoped3A_76 : memref<!tpu.dma_semaphore, #tpu.memory_space<semaphore_mem>>) src(%dma_wait3A_83 : memref<128xf32, #tpu.memory_space<vmem>>) dst(%dma_wait3A_88 : memref<100096xf32, #tpu.memory_space<vmem_shared>>)
        tpu.yield
      }) : () -> ()
      %run_scoped3A_67 = arith.constant 6 : i32
      "tpu.region"() ({
        %run_scoped3A_76 = tpu.sem_alloc : memref<!tpu.dma_semaphore, #tpu.memory_space<semaphore_mem>>
        %dma_start3A = arith.constant 768 : i32
        %dma_start3A_77 = tpu.memref_slice %arg22[%dma_start3A] : memref<1024xf32, #tpu.memory_space<vmem>> -> memref<128xf32, #tpu.memory_space<vmem>>
        %dma_start3A_78 = arith.constant 0 : i32
        %dma_start3A_79 = tpu.memref_slice %arg21[%run_scoped3A_67, %dma_start3A_78] : memref<8x128xi32, #tpu.memory_space<vmem>> -> memref<1x128xi32, #tpu.memory_space<vmem>>
        %dma_start3A_80 = tpu.memref_squeeze %dma_start3A_79 : memref<1x128xi32, #tpu.memory_space<vmem>> -> memref<128xi32, #tpu.memory_space<vmem>>
        %dma_start3A_81 = arith.constant 0 : i32
        %dma_start3A_82 = tpu.memref_slice %arg17[%dma_start3A_81] : memref<100096xf32, #tpu.memory_space<vmem_shared>> -> memref<100096xf32, #tpu.memory_space<vmem_shared>>
        tpu.enqueue_indirect_dma source(%dma_start3A_77 : memref<128xf32, #tpu.memory_space<vmem>>) target(%dma_start3A_82 : memref<100096xf32, #tpu.memory_space<vmem_shared>>) offsets(%dma_start3A_80 : memref<128xi32, #tpu.memory_space<vmem>>) semaphore(%run_scoped3A_76 : memref<!tpu.dma_semaphore, #tpu.memory_space<semaphore_mem>>) {add = true}
        %dma_wait3A = arith.constant 768 : i32
        %dma_wait3A_83 = tpu.memref_slice %arg22[%dma_wait3A] : memref<1024xf32, #tpu.memory_space<vmem>> -> memref<128xf32, #tpu.memory_space<vmem>>
        %dma_wait3A_84 = arith.constant 0 : i32
        %dma_wait3A_85 = tpu.memref_slice %arg21[%run_scoped3A_67, %dma_wait3A_84] : memref<8x128xi32, #tpu.memory_space<vmem>> -> memref<1x128xi32, #tpu.memory_space<vmem>>
        %dma_wait3A_86 = tpu.memref_squeeze %dma_wait3A_85 : memref<1x128xi32, #tpu.memory_space<vmem>> -> memref<128xi32, #tpu.memory_space<vmem>>
        %dma_wait3A_87 = arith.constant 0 : i32
        %dma_wait3A_88 = tpu.memref_slice %arg17[%dma_wait3A_87] : memref<100096xf32, #tpu.memory_space<vmem_shared>> -> memref<100096xf32, #tpu.memory_space<vmem_shared>>
        tpu.wait_indirect_dma semaphore(%run_scoped3A_76 : memref<!tpu.dma_semaphore, #tpu.memory_space<semaphore_mem>>) src(%dma_wait3A_83 : memref<128xf32, #tpu.memory_space<vmem>>) dst(%dma_wait3A_88 : memref<100096xf32, #tpu.memory_space<vmem_shared>>)
        tpu.yield
      }) : () -> ()
      %run_scoped3A_68 = arith.constant 6 : i32
      "tpu.region"() ({
        %run_scoped3A_76 = tpu.sem_alloc : memref<!tpu.dma_semaphore, #tpu.memory_space<semaphore_mem>>
        %dma_start3A = arith.constant 768 : i32
        %dma_start3A_77 = tpu.memref_slice %arg23[%dma_start3A] : memref<1024xf32, #tpu.memory_space<vmem>> -> memref<128xf32, #tpu.memory_space<vmem>>
        %dma_start3A_78 = arith.constant 0 : i32
        %dma_start3A_79 = tpu.memref_slice %arg21[%run_scoped3A_68, %dma_start3A_78] : memref<8x128xi32, #tpu.memory_space<vmem>> -> memref<1x128xi32, #tpu.memory_space<vmem>>
        %dma_start3A_80 = tpu.memref_squeeze %dma_start3A_79 : memref<1x128xi32, #tpu.memory_space<vmem>> -> memref<128xi32, #tpu.memory_space<vmem>>
        %dma_start3A_81 = arith.constant 0 : i32
        %dma_start3A_82 = tpu.memref_slice %arg18[%dma_start3A_81] : memref<100096xf32, #tpu.memory_space<vmem_shared>> -> memref<100096xf32, #tpu.memory_space<vmem_shared>>
        tpu.enqueue_indirect_dma source(%dma_start3A_77 : memref<128xf32, #tpu.memory_space<vmem>>) target(%dma_start3A_82 : memref<100096xf32, #tpu.memory_space<vmem_shared>>) offsets(%dma_start3A_80 : memref<128xi32, #tpu.memory_space<vmem>>) semaphore(%run_scoped3A_76 : memref<!tpu.dma_semaphore, #tpu.memory_space<semaphore_mem>>) {add = true}
        %dma_wait3A = arith.constant 768 : i32
        %dma_wait3A_83 = tpu.memref_slice %arg23[%dma_wait3A] : memref<1024xf32, #tpu.memory_space<vmem>> -> memref<128xf32, #tpu.memory_space<vmem>>
        %dma_wait3A_84 = arith.constant 0 : i32
        %dma_wait3A_85 = tpu.memref_slice %arg21[%run_scoped3A_68, %dma_wait3A_84] : memref<8x128xi32, #tpu.memory_space<vmem>> -> memref<1x128xi32, #tpu.memory_space<vmem>>
        %dma_wait3A_86 = tpu.memref_squeeze %dma_wait3A_85 : memref<1x128xi32, #tpu.memory_space<vmem>> -> memref<128xi32, #tpu.memory_space<vmem>>
        %dma_wait3A_87 = arith.constant 0 : i32
        %dma_wait3A_88 = tpu.memref_slice %arg18[%dma_wait3A_87] : memref<100096xf32, #tpu.memory_space<vmem_shared>> -> memref<100096xf32, #tpu.memory_space<vmem_shared>>
        tpu.wait_indirect_dma semaphore(%run_scoped3A_76 : memref<!tpu.dma_semaphore, #tpu.memory_space<semaphore_mem>>) src(%dma_wait3A_83 : memref<128xf32, #tpu.memory_space<vmem>>) dst(%dma_wait3A_88 : memref<100096xf32, #tpu.memory_space<vmem_shared>>)
        tpu.yield
      }) : () -> ()
      %run_scoped3A_69 = arith.constant 6 : i32
      "tpu.region"() ({
        %run_scoped3A_76 = tpu.sem_alloc : memref<!tpu.dma_semaphore, #tpu.memory_space<semaphore_mem>>
        %dma_start3A = arith.constant 768 : i32
        %dma_start3A_77 = tpu.memref_slice %arg24[%dma_start3A] : memref<1024xf32, #tpu.memory_space<vmem>> -> memref<128xf32, #tpu.memory_space<vmem>>
        %dma_start3A_78 = arith.constant 0 : i32
        %dma_start3A_79 = tpu.memref_slice %arg21[%run_scoped3A_69, %dma_start3A_78] : memref<8x128xi32, #tpu.memory_space<vmem>> -> memref<1x128xi32, #tpu.memory_space<vmem>>
        %dma_start3A_80 = tpu.memref_squeeze %dma_start3A_79 : memref<1x128xi32, #tpu.memory_space<vmem>> -> memref<128xi32, #tpu.memory_space<vmem>>
        %dma_start3A_81 = arith.constant 0 : i32
        %dma_start3A_82 = tpu.memref_slice %arg19[%dma_start3A_81] : memref<100096xf32, #tpu.memory_space<vmem_shared>> -> memref<100096xf32, #tpu.memory_space<vmem_shared>>
        tpu.enqueue_indirect_dma source(%dma_start3A_77 : memref<128xf32, #tpu.memory_space<vmem>>) target(%dma_start3A_82 : memref<100096xf32, #tpu.memory_space<vmem_shared>>) offsets(%dma_start3A_80 : memref<128xi32, #tpu.memory_space<vmem>>) semaphore(%run_scoped3A_76 : memref<!tpu.dma_semaphore, #tpu.memory_space<semaphore_mem>>) {add = true}
        %dma_wait3A = arith.constant 768 : i32
        %dma_wait3A_83 = tpu.memref_slice %arg24[%dma_wait3A] : memref<1024xf32, #tpu.memory_space<vmem>> -> memref<128xf32, #tpu.memory_space<vmem>>
        %dma_wait3A_84 = arith.constant 0 : i32
        %dma_wait3A_85 = tpu.memref_slice %arg21[%run_scoped3A_69, %dma_wait3A_84] : memref<8x128xi32, #tpu.memory_space<vmem>> -> memref<1x128xi32, #tpu.memory_space<vmem>>
        %dma_wait3A_86 = tpu.memref_squeeze %dma_wait3A_85 : memref<1x128xi32, #tpu.memory_space<vmem>> -> memref<128xi32, #tpu.memory_space<vmem>>
        %dma_wait3A_87 = arith.constant 0 : i32
        %dma_wait3A_88 = tpu.memref_slice %arg19[%dma_wait3A_87] : memref<100096xf32, #tpu.memory_space<vmem_shared>> -> memref<100096xf32, #tpu.memory_space<vmem_shared>>
        tpu.wait_indirect_dma semaphore(%run_scoped3A_76 : memref<!tpu.dma_semaphore, #tpu.memory_space<semaphore_mem>>) src(%dma_wait3A_83 : memref<128xf32, #tpu.memory_space<vmem>>) dst(%dma_wait3A_88 : memref<100096xf32, #tpu.memory_space<vmem_shared>>)
        tpu.yield
      }) : () -> ()
      %run_scoped3A_70 = arith.constant 7 : i32
      "tpu.region"() ({
        %run_scoped3A_76 = tpu.sem_alloc : memref<!tpu.dma_semaphore, #tpu.memory_space<semaphore_mem>>
        %dma_start3A = arith.constant 896 : i32
        %dma_start3A_77 = tpu.memref_slice %arg22[%dma_start3A] : memref<1024xf32, #tpu.memory_space<vmem>> -> memref<128xf32, #tpu.memory_space<vmem>>
        %dma_start3A_78 = arith.constant 0 : i32
        %dma_start3A_79 = tpu.memref_slice %arg20[%run_scoped3A_70, %dma_start3A_78] : memref<8x128xi32, #tpu.memory_space<vmem>> -> memref<1x128xi32, #tpu.memory_space<vmem>>
        %dma_start3A_80 = tpu.memref_squeeze %dma_start3A_79 : memref<1x128xi32, #tpu.memory_space<vmem>> -> memref<128xi32, #tpu.memory_space<vmem>>
        %dma_start3A_81 = arith.constant 0 : i32
        %dma_start3A_82 = tpu.memref_slice %arg14[%dma_start3A_81] : memref<100096xf32, #tpu.memory_space<vmem_shared>> -> memref<100096xf32, #tpu.memory_space<vmem_shared>>
        tpu.enqueue_indirect_dma source(%dma_start3A_77 : memref<128xf32, #tpu.memory_space<vmem>>) target(%dma_start3A_82 : memref<100096xf32, #tpu.memory_space<vmem_shared>>) offsets(%dma_start3A_80 : memref<128xi32, #tpu.memory_space<vmem>>) semaphore(%run_scoped3A_76 : memref<!tpu.dma_semaphore, #tpu.memory_space<semaphore_mem>>) {add = true}
        %dma_wait3A = arith.constant 896 : i32
        %dma_wait3A_83 = tpu.memref_slice %arg22[%dma_wait3A] : memref<1024xf32, #tpu.memory_space<vmem>> -> memref<128xf32, #tpu.memory_space<vmem>>
        %dma_wait3A_84 = arith.constant 0 : i32
        %dma_wait3A_85 = tpu.memref_slice %arg20[%run_scoped3A_70, %dma_wait3A_84] : memref<8x128xi32, #tpu.memory_space<vmem>> -> memref<1x128xi32, #tpu.memory_space<vmem>>
        %dma_wait3A_86 = tpu.memref_squeeze %dma_wait3A_85 : memref<1x128xi32, #tpu.memory_space<vmem>> -> memref<128xi32, #tpu.memory_space<vmem>>
        %dma_wait3A_87 = arith.constant 0 : i32
        %dma_wait3A_88 = tpu.memref_slice %arg14[%dma_wait3A_87] : memref<100096xf32, #tpu.memory_space<vmem_shared>> -> memref<100096xf32, #tpu.memory_space<vmem_shared>>
        tpu.wait_indirect_dma semaphore(%run_scoped3A_76 : memref<!tpu.dma_semaphore, #tpu.memory_space<semaphore_mem>>) src(%dma_wait3A_83 : memref<128xf32, #tpu.memory_space<vmem>>) dst(%dma_wait3A_88 : memref<100096xf32, #tpu.memory_space<vmem_shared>>)
        tpu.yield
      }) : () -> ()
      %run_scoped3A_71 = arith.constant 7 : i32
      "tpu.region"() ({
        %run_scoped3A_76 = tpu.sem_alloc : memref<!tpu.dma_semaphore, #tpu.memory_space<semaphore_mem>>
        %dma_start3A = arith.constant 896 : i32
        %dma_start3A_77 = tpu.memref_slice %arg23[%dma_start3A] : memref<1024xf32, #tpu.memory_space<vmem>> -> memref<128xf32, #tpu.memory_space<vmem>>
        %dma_start3A_78 = arith.constant 0 : i32
        %dma_start3A_79 = tpu.memref_slice %arg20[%run_scoped3A_71, %dma_start3A_78] : memref<8x128xi32, #tpu.memory_space<vmem>> -> memref<1x128xi32, #tpu.memory_space<vmem>>
        %dma_start3A_80 = tpu.memref_squeeze %dma_start3A_79 : memref<1x128xi32, #tpu.memory_space<vmem>> -> memref<128xi32, #tpu.memory_space<vmem>>
        %dma_start3A_81 = arith.constant 0 : i32
        %dma_start3A_82 = tpu.memref_slice %arg15[%dma_start3A_81] : memref<100096xf32, #tpu.memory_space<vmem_shared>> -> memref<100096xf32, #tpu.memory_space<vmem_shared>>
        tpu.enqueue_indirect_dma source(%dma_start3A_77 : memref<128xf32, #tpu.memory_space<vmem>>) target(%dma_start3A_82 : memref<100096xf32, #tpu.memory_space<vmem_shared>>) offsets(%dma_start3A_80 : memref<128xi32, #tpu.memory_space<vmem>>) semaphore(%run_scoped3A_76 : memref<!tpu.dma_semaphore, #tpu.memory_space<semaphore_mem>>) {add = true}
        %dma_wait3A = arith.constant 896 : i32
        %dma_wait3A_83 = tpu.memref_slice %arg23[%dma_wait3A] : memref<1024xf32, #tpu.memory_space<vmem>> -> memref<128xf32, #tpu.memory_space<vmem>>
        %dma_wait3A_84 = arith.constant 0 : i32
        %dma_wait3A_85 = tpu.memref_slice %arg20[%run_scoped3A_71, %dma_wait3A_84] : memref<8x128xi32, #tpu.memory_space<vmem>> -> memref<1x128xi32, #tpu.memory_space<vmem>>
        %dma_wait3A_86 = tpu.memref_squeeze %dma_wait3A_85 : memref<1x128xi32, #tpu.memory_space<vmem>> -> memref<128xi32, #tpu.memory_space<vmem>>
        %dma_wait3A_87 = arith.constant 0 : i32
        %dma_wait3A_88 = tpu.memref_slice %arg15[%dma_wait3A_87] : memref<100096xf32, #tpu.memory_space<vmem_shared>> -> memref<100096xf32, #tpu.memory_space<vmem_shared>>
        tpu.wait_indirect_dma semaphore(%run_scoped3A_76 : memref<!tpu.dma_semaphore, #tpu.memory_space<semaphore_mem>>) src(%dma_wait3A_83 : memref<128xf32, #tpu.memory_space<vmem>>) dst(%dma_wait3A_88 : memref<100096xf32, #tpu.memory_space<vmem_shared>>)
        tpu.yield
      }) : () -> ()
      %run_scoped3A_72 = arith.constant 7 : i32
      "tpu.region"() ({
        %run_scoped3A_76 = tpu.sem_alloc : memref<!tpu.dma_semaphore, #tpu.memory_space<semaphore_mem>>
        %dma_start3A = arith.constant 896 : i32
        %dma_start3A_77 = tpu.memref_slice %arg24[%dma_start3A] : memref<1024xf32, #tpu.memory_space<vmem>> -> memref<128xf32, #tpu.memory_space<vmem>>
        %dma_start3A_78 = arith.constant 0 : i32
        %dma_start3A_79 = tpu.memref_slice %arg20[%run_scoped3A_72, %dma_start3A_78] : memref<8x128xi32, #tpu.memory_space<vmem>> -> memref<1x128xi32, #tpu.memory_space<vmem>>
        %dma_start3A_80 = tpu.memref_squeeze %dma_start3A_79 : memref<1x128xi32, #tpu.memory_space<vmem>> -> memref<128xi32, #tpu.memory_space<vmem>>
        %dma_start3A_81 = arith.constant 0 : i32
        %dma_start3A_82 = tpu.memref_slice %arg16[%dma_start3A_81] : memref<100096xf32, #tpu.memory_space<vmem_shared>> -> memref<100096xf32, #tpu.memory_space<vmem_shared>>
        tpu.enqueue_indirect_dma source(%dma_start3A_77 : memref<128xf32, #tpu.memory_space<vmem>>) target(%dma_start3A_82 : memref<100096xf32, #tpu.memory_space<vmem_shared>>) offsets(%dma_start3A_80 : memref<128xi32, #tpu.memory_space<vmem>>) semaphore(%run_scoped3A_76 : memref<!tpu.dma_semaphore, #tpu.memory_space<semaphore_mem>>) {add = true}
        %dma_wait3A = arith.constant 896 : i32
        %dma_wait3A_83 = tpu.memref_slice %arg24[%dma_wait3A] : memref<1024xf32, #tpu.memory_space<vmem>> -> memref<128xf32, #tpu.memory_space<vmem>>
        %dma_wait3A_84 = arith.constant 0 : i32
        %dma_wait3A_85 = tpu.memref_slice %arg20[%run_scoped3A_72, %dma_wait3A_84] : memref<8x128xi32, #tpu.memory_space<vmem>> -> memref<1x128xi32, #tpu.memory_space<vmem>>
        %dma_wait3A_86 = tpu.memref_squeeze %dma_wait3A_85 : memref<1x128xi32, #tpu.memory_space<vmem>> -> memref<128xi32, #tpu.memory_space<vmem>>
        %dma_wait3A_87 = arith.constant 0 : i32
        %dma_wait3A_88 = tpu.memref_slice %arg16[%dma_wait3A_87] : memref<100096xf32, #tpu.memory_space<vmem_shared>> -> memref<100096xf32, #tpu.memory_space<vmem_shared>>
        tpu.wait_indirect_dma semaphore(%run_scoped3A_76 : memref<!tpu.dma_semaphore, #tpu.memory_space<semaphore_mem>>) src(%dma_wait3A_83 : memref<128xf32, #tpu.memory_space<vmem>>) dst(%dma_wait3A_88 : memref<100096xf32, #tpu.memory_space<vmem_shared>>)
        tpu.yield
      }) : () -> ()
      %run_scoped3A_73 = arith.constant 7 : i32
      "tpu.region"() ({
        %run_scoped3A_76 = tpu.sem_alloc : memref<!tpu.dma_semaphore, #tpu.memory_space<semaphore_mem>>
        %dma_start3A = arith.constant 896 : i32
        %dma_start3A_77 = tpu.memref_slice %arg22[%dma_start3A] : memref<1024xf32, #tpu.memory_space<vmem>> -> memref<128xf32, #tpu.memory_space<vmem>>
        %dma_start3A_78 = arith.constant 0 : i32
        %dma_start3A_79 = tpu.memref_slice %arg21[%run_scoped3A_73, %dma_start3A_78] : memref<8x128xi32, #tpu.memory_space<vmem>> -> memref<1x128xi32, #tpu.memory_space<vmem>>
        %dma_start3A_80 = tpu.memref_squeeze %dma_start3A_79 : memref<1x128xi32, #tpu.memory_space<vmem>> -> memref<128xi32, #tpu.memory_space<vmem>>
        %dma_start3A_81 = arith.constant 0 : i32
        %dma_start3A_82 = tpu.memref_slice %arg17[%dma_start3A_81] : memref<100096xf32, #tpu.memory_space<vmem_shared>> -> memref<100096xf32, #tpu.memory_space<vmem_shared>>
        tpu.enqueue_indirect_dma source(%dma_start3A_77 : memref<128xf32, #tpu.memory_space<vmem>>) target(%dma_start3A_82 : memref<100096xf32, #tpu.memory_space<vmem_shared>>) offsets(%dma_start3A_80 : memref<128xi32, #tpu.memory_space<vmem>>) semaphore(%run_scoped3A_76 : memref<!tpu.dma_semaphore, #tpu.memory_space<semaphore_mem>>) {add = true}
        %dma_wait3A = arith.constant 896 : i32
        %dma_wait3A_83 = tpu.memref_slice %arg22[%dma_wait3A] : memref<1024xf32, #tpu.memory_space<vmem>> -> memref<128xf32, #tpu.memory_space<vmem>>
        %dma_wait3A_84 = arith.constant 0 : i32
        %dma_wait3A_85 = tpu.memref_slice %arg21[%run_scoped3A_73, %dma_wait3A_84] : memref<8x128xi32, #tpu.memory_space<vmem>> -> memref<1x128xi32, #tpu.memory_space<vmem>>
        %dma_wait3A_86 = tpu.memref_squeeze %dma_wait3A_85 : memref<1x128xi32, #tpu.memory_space<vmem>> -> memref<128xi32, #tpu.memory_space<vmem>>
        %dma_wait3A_87 = arith.constant 0 : i32
        %dma_wait3A_88 = tpu.memref_slice %arg17[%dma_wait3A_87] : memref<100096xf32, #tpu.memory_space<vmem_shared>> -> memref<100096xf32, #tpu.memory_space<vmem_shared>>
        tpu.wait_indirect_dma semaphore(%run_scoped3A_76 : memref<!tpu.dma_semaphore, #tpu.memory_space<semaphore_mem>>) src(%dma_wait3A_83 : memref<128xf32, #tpu.memory_space<vmem>>) dst(%dma_wait3A_88 : memref<100096xf32, #tpu.memory_space<vmem_shared>>)
        tpu.yield
      }) : () -> ()
      %run_scoped3A_74 = arith.constant 7 : i32
      "tpu.region"() ({
        %run_scoped3A_76 = tpu.sem_alloc : memref<!tpu.dma_semaphore, #tpu.memory_space<semaphore_mem>>
        %dma_start3A = arith.constant 896 : i32
        %dma_start3A_77 = tpu.memref_slice %arg23[%dma_start3A] : memref<1024xf32, #tpu.memory_space<vmem>> -> memref<128xf32, #tpu.memory_space<vmem>>
        %dma_start3A_78 = arith.constant 0 : i32
        %dma_start3A_79 = tpu.memref_slice %arg21[%run_scoped3A_74, %dma_start3A_78] : memref<8x128xi32, #tpu.memory_space<vmem>> -> memref<1x128xi32, #tpu.memory_space<vmem>>
        %dma_start3A_80 = tpu.memref_squeeze %dma_start3A_79 : memref<1x128xi32, #tpu.memory_space<vmem>> -> memref<128xi32, #tpu.memory_space<vmem>>
        %dma_start3A_81 = arith.constant 0 : i32
        %dma_start3A_82 = tpu.memref_slice %arg18[%dma_start3A_81] : memref<100096xf32, #tpu.memory_space<vmem_shared>> -> memref<100096xf32, #tpu.memory_space<vmem_shared>>
        tpu.enqueue_indirect_dma source(%dma_start3A_77 : memref<128xf32, #tpu.memory_space<vmem>>) target(%dma_start3A_82 : memref<100096xf32, #tpu.memory_space<vmem_shared>>) offsets(%dma_start3A_80 : memref<128xi32, #tpu.memory_space<vmem>>) semaphore(%run_scoped3A_76 : memref<!tpu.dma_semaphore, #tpu.memory_space<semaphore_mem>>) {add = true}
        %dma_wait3A = arith.constant 896 : i32
        %dma_wait3A_83 = tpu.memref_slice %arg23[%dma_wait3A] : memref<1024xf32, #tpu.memory_space<vmem>> -> memref<128xf32, #tpu.memory_space<vmem>>
        %dma_wait3A_84 = arith.constant 0 : i32
        %dma_wait3A_85 = tpu.memref_slice %arg21[%run_scoped3A_74, %dma_wait3A_84] : memref<8x128xi32, #tpu.memory_space<vmem>> -> memref<1x128xi32, #tpu.memory_space<vmem>>
        %dma_wait3A_86 = tpu.memref_squeeze %dma_wait3A_85 : memref<1x128xi32, #tpu.memory_space<vmem>> -> memref<128xi32, #tpu.memory_space<vmem>>
        %dma_wait3A_87 = arith.constant 0 : i32
        %dma_wait3A_88 = tpu.memref_slice %arg18[%dma_wait3A_87] : memref<100096xf32, #tpu.memory_space<vmem_shared>> -> memref<100096xf32, #tpu.memory_space<vmem_shared>>
        tpu.wait_indirect_dma semaphore(%run_scoped3A_76 : memref<!tpu.dma_semaphore, #tpu.memory_space<semaphore_mem>>) src(%dma_wait3A_83 : memref<128xf32, #tpu.memory_space<vmem>>) dst(%dma_wait3A_88 : memref<100096xf32, #tpu.memory_space<vmem_shared>>)
        tpu.yield
      }) : () -> ()
      %run_scoped3A_75 = arith.constant 7 : i32
      "tpu.region"() ({
        %run_scoped3A_76 = tpu.sem_alloc : memref<!tpu.dma_semaphore, #tpu.memory_space<semaphore_mem>>
        %dma_start3A = arith.constant 896 : i32
        %dma_start3A_77 = tpu.memref_slice %arg24[%dma_start3A] : memref<1024xf32, #tpu.memory_space<vmem>> -> memref<128xf32, #tpu.memory_space<vmem>>
        %dma_start3A_78 = arith.constant 0 : i32
        %dma_start3A_79 = tpu.memref_slice %arg21[%run_scoped3A_75, %dma_start3A_78] : memref<8x128xi32, #tpu.memory_space<vmem>> -> memref<1x128xi32, #tpu.memory_space<vmem>>
        %dma_start3A_80 = tpu.memref_squeeze %dma_start3A_79 : memref<1x128xi32, #tpu.memory_space<vmem>> -> memref<128xi32, #tpu.memory_space<vmem>>
        %dma_start3A_81 = arith.constant 0 : i32
        %dma_start3A_82 = tpu.memref_slice %arg19[%dma_start3A_81] : memref<100096xf32, #tpu.memory_space<vmem_shared>> -> memref<100096xf32, #tpu.memory_space<vmem_shared>>
        tpu.enqueue_indirect_dma source(%dma_start3A_77 : memref<128xf32, #tpu.memory_space<vmem>>) target(%dma_start3A_82 : memref<100096xf32, #tpu.memory_space<vmem_shared>>) offsets(%dma_start3A_80 : memref<128xi32, #tpu.memory_space<vmem>>) semaphore(%run_scoped3A_76 : memref<!tpu.dma_semaphore, #tpu.memory_space<semaphore_mem>>) {add = true}
        %dma_wait3A = arith.constant 896 : i32
        %dma_wait3A_83 = tpu.memref_slice %arg24[%dma_wait3A] : memref<1024xf32, #tpu.memory_space<vmem>> -> memref<128xf32, #tpu.memory_space<vmem>>
        %dma_wait3A_84 = arith.constant 0 : i32
        %dma_wait3A_85 = tpu.memref_slice %arg21[%run_scoped3A_75, %dma_wait3A_84] : memref<8x128xi32, #tpu.memory_space<vmem>> -> memref<1x128xi32, #tpu.memory_space<vmem>>
        %dma_wait3A_86 = tpu.memref_squeeze %dma_wait3A_85 : memref<1x128xi32, #tpu.memory_space<vmem>> -> memref<128xi32, #tpu.memory_space<vmem>>
        %dma_wait3A_87 = arith.constant 0 : i32
        %dma_wait3A_88 = tpu.memref_slice %arg19[%dma_wait3A_87] : memref<100096xf32, #tpu.memory_space<vmem_shared>> -> memref<100096xf32, #tpu.memory_space<vmem_shared>>
        tpu.wait_indirect_dma semaphore(%run_scoped3A_76 : memref<!tpu.dma_semaphore, #tpu.memory_space<semaphore_mem>>) src(%dma_wait3A_83 : memref<128xf32, #tpu.memory_space<vmem>>) dst(%dma_wait3A_88 : memref<100096xf32, #tpu.memory_space<vmem_shared>>)
        tpu.yield
      }) : () -> ()
    }
    %while3A_19 = arith.constant 1 : i32
    scf.for %while3A_21 = %while3A_17 to %while3A_13 step %while3A_19  : i32 {
      %add3A_22 = arith.addi %add3A_6, %while3A_21 : i32
      %mul3A_23 = arith.constant 8 : i32
      %mul3A_24 = arith.muli %add3A_22, %mul3A_23 : i32
      %multiple_of3A_25 = tpu.assume_multiple %mul3A_24, 8 : i32
      %mul3A_26 = arith.constant 1024 : i32
      %mul3A_27 = arith.muli %add3A_22, %mul3A_26 : i32
      %multiple_of3A_28 = tpu.assume_multiple %mul3A_27, 8 : i32
      "tpu.region"() ({
        %run_scoped3A_76 = tpu.sem_alloc : memref<!tpu.dma_semaphore, #tpu.memory_space<semaphore_mem>>
        %dma_start3A = arith.constant 0 : i32
        %dma_start3A_77 = tpu.memref_slice %arg5[%multiple_of3A_25, %dma_start3A] : memref<50000x128xi32, #tpu.memory_space<hbm>> -> memref<8x128xi32, #tpu.memory_space<hbm>>
        %dma_start3A_78 = arith.constant 0 : i32
        %dma_start3A_79 = tpu.memref_slice %arg5[%multiple_of3A_25, %dma_start3A_78] : memref<50000x128xi32, #tpu.memory_space<hbm>> -> memref<8x128xi32, #tpu.memory_space<hbm>>
        tpu.enqueue_dma source(%dma_start3A_79 : memref<8x128xi32, #tpu.memory_space<hbm>>) target(%arg20 : memref<8x128xi32, #tpu.memory_space<vmem>>) target_semaphore(%run_scoped3A_76 : memref<!tpu.dma_semaphore, #tpu.memory_space<semaphore_mem>>)
        %dma_wait3A = arith.constant 0 : i32
        %dma_wait3A_80 = tpu.memref_slice %arg5[%multiple_of3A_25, %dma_wait3A] : memref<50000x128xi32, #tpu.memory_space<hbm>> -> memref<8x128xi32, #tpu.memory_space<hbm>>
        %dma_wait3A_81 = arith.constant 0 : i32
        %dma_wait3A_82 = tpu.memref_slice %arg5[%multiple_of3A_25, %dma_wait3A_81] : memref<50000x128xi32, #tpu.memory_space<hbm>> -> memref<8x128xi32, #tpu.memory_space<hbm>>
        tpu.wait_dma2 semaphore(%run_scoped3A_76 : memref<!tpu.dma_semaphore, #tpu.memory_space<semaphore_mem>>) src(%dma_wait3A_82 : memref<8x128xi32, #tpu.memory_space<hbm>>) dst(%arg20 : memref<8x128xi32, #tpu.memory_space<vmem>>)
        tpu.yield
      }) : () -> ()
      "tpu.region"() ({
        %run_scoped3A_76 = tpu.sem_alloc : memref<!tpu.dma_semaphore, #tpu.memory_space<semaphore_mem>>
        %dma_start3A = arith.constant 0 : i32
        %dma_start3A_77 = tpu.memref_slice %arg6[%multiple_of3A_25, %dma_start3A] : memref<50000x128xi32, #tpu.memory_space<hbm>> -> memref<8x128xi32, #tpu.memory_space<hbm>>
        %dma_start3A_78 = arith.constant 0 : i32
        %dma_start3A_79 = tpu.memref_slice %arg6[%multiple_of3A_25, %dma_start3A_78] : memref<50000x128xi32, #tpu.memory_space<hbm>> -> memref<8x128xi32, #tpu.memory_space<hbm>>
        tpu.enqueue_dma source(%dma_start3A_79 : memref<8x128xi32, #tpu.memory_space<hbm>>) target(%arg21 : memref<8x128xi32, #tpu.memory_space<vmem>>) target_semaphore(%run_scoped3A_76 : memref<!tpu.dma_semaphore, #tpu.memory_space<semaphore_mem>>)
        %dma_wait3A = arith.constant 0 : i32
        %dma_wait3A_80 = tpu.memref_slice %arg6[%multiple_of3A_25, %dma_wait3A] : memref<50000x128xi32, #tpu.memory_space<hbm>> -> memref<8x128xi32, #tpu.memory_space<hbm>>
        %dma_wait3A_81 = arith.constant 0 : i32
        %dma_wait3A_82 = tpu.memref_slice %arg6[%multiple_of3A_25, %dma_wait3A_81] : memref<50000x128xi32, #tpu.memory_space<hbm>> -> memref<8x128xi32, #tpu.memory_space<hbm>>
        tpu.wait_dma2 semaphore(%run_scoped3A_76 : memref<!tpu.dma_semaphore, #tpu.memory_space<semaphore_mem>>) src(%dma_wait3A_82 : memref<8x128xi32, #tpu.memory_space<hbm>>) dst(%arg21 : memref<8x128xi32, #tpu.memory_space<vmem>>)
        tpu.yield
      }) : () -> ()
      "tpu.region"() ({
        %run_scoped3A_76 = tpu.sem_alloc : memref<!tpu.dma_semaphore, #tpu.memory_space<semaphore_mem>>
        %dma_start3A = tpu.memref_slice %arg2[%multiple_of3A_28] : memref<6400000xf32, #tpu.memory_space<hbm>> -> memref<1024xf32, #tpu.memory_space<hbm>>
        %dma_start3A_77 = tpu.memref_slice %arg2[%multiple_of3A_28] : memref<6400000xf32, #tpu.memory_space<hbm>> -> memref<1024xf32, #tpu.memory_space<hbm>>
        tpu.enqueue_dma source(%dma_start3A_77 : memref<1024xf32, #tpu.memory_space<hbm>>) target(%arg22 : memref<1024xf32, #tpu.memory_space<vmem>>) target_semaphore(%run_scoped3A_76 : memref<!tpu.dma_semaphore, #tpu.memory_space<semaphore_mem>>)
        %dma_wait3A = tpu.memref_slice %arg2[%multiple_of3A_28] : memref<6400000xf32, #tpu.memory_space<hbm>> -> memref<1024xf32, #tpu.memory_space<hbm>>
        %dma_wait3A_78 = tpu.memref_slice %arg2[%multiple_of3A_28] : memref<6400000xf32, #tpu.memory_space<hbm>> -> memref<1024xf32, #tpu.memory_space<hbm>>
        tpu.wait_dma2 semaphore(%run_scoped3A_76 : memref<!tpu.dma_semaphore, #tpu.memory_space<semaphore_mem>>) src(%dma_wait3A_78 : memref<1024xf32, #tpu.memory_space<hbm>>) dst(%arg22 : memref<1024xf32, #tpu.memory_space<vmem>>)
        tpu.yield
      }) : () -> ()
      "tpu.region"() ({
        %run_scoped3A_76 = tpu.sem_alloc : memref<!tpu.dma_semaphore, #tpu.memory_space<semaphore_mem>>
        %dma_start3A = tpu.memref_slice %arg3[%multiple_of3A_28] : memref<6400000xf32, #tpu.memory_space<hbm>> -> memref<1024xf32, #tpu.memory_space<hbm>>
        %dma_start3A_77 = tpu.memref_slice %arg3[%multiple_of3A_28] : memref<6400000xf32, #tpu.memory_space<hbm>> -> memref<1024xf32, #tpu.memory_space<hbm>>
        tpu.enqueue_dma source(%dma_start3A_77 : memref<1024xf32, #tpu.memory_space<hbm>>) target(%arg23 : memref<1024xf32, #tpu.memory_space<vmem>>) target_semaphore(%run_scoped3A_76 : memref<!tpu.dma_semaphore, #tpu.memory_space<semaphore_mem>>)
        %dma_wait3A = tpu.memref_slice %arg3[%multiple_of3A_28] : memref<6400000xf32, #tpu.memory_space<hbm>> -> memref<1024xf32, #tpu.memory_space<hbm>>
        %dma_wait3A_78 = tpu.memref_slice %arg3[%multiple_of3A_28] : memref<6400000xf32, #tpu.memory_space<hbm>> -> memref<1024xf32, #tpu.memory_space<hbm>>
        tpu.wait_dma2 semaphore(%run_scoped3A_76 : memref<!tpu.dma_semaphore, #tpu.memory_space<semaphore_mem>>) src(%dma_wait3A_78 : memref<1024xf32, #tpu.memory_space<hbm>>) dst(%arg23 : memref<1024xf32, #tpu.memory_space<vmem>>)
        tpu.yield
      }) : () -> ()
      "tpu.region"() ({
        %run_scoped3A_76 = tpu.sem_alloc : memref<!tpu.dma_semaphore, #tpu.memory_space<semaphore_mem>>
        %dma_start3A = tpu.memref_slice %arg4[%multiple_of3A_28] : memref<6400000xf32, #tpu.memory_space<hbm>> -> memref<1024xf32, #tpu.memory_space<hbm>>
        %dma_start3A_77 = tpu.memref_slice %arg4[%multiple_of3A_28] : memref<6400000xf32, #tpu.memory_space<hbm>> -> memref<1024xf32, #tpu.memory_space<hbm>>
        tpu.enqueue_dma source(%dma_start3A_77 : memref<1024xf32, #tpu.memory_space<hbm>>) target(%arg24 : memref<1024xf32, #tpu.memory_space<vmem>>) target_semaphore(%run_scoped3A_76 : memref<!tpu.dma_semaphore, #tpu.memory_space<semaphore_mem>>)
        %dma_wait3A = tpu.memref_slice %arg4[%multiple_of3A_28] : memref<6400000xf32, #tpu.memory_space<hbm>> -> memref<1024xf32, #tpu.memory_space<hbm>>
        %dma_wait3A_78 = tpu.memref_slice %arg4[%multiple_of3A_28] : memref<6400000xf32, #tpu.memory_space<hbm>> -> memref<1024xf32, #tpu.memory_space<hbm>>
        tpu.wait_dma2 semaphore(%run_scoped3A_76 : memref<!tpu.dma_semaphore, #tpu.memory_space<semaphore_mem>>) src(%dma_wait3A_78 : memref<1024xf32, #tpu.memory_space<hbm>>) dst(%arg24 : memref<1024xf32, #tpu.memory_space<vmem>>)
        tpu.yield
      }) : () -> ()
      %run_scoped3A = arith.constant 0 : i32
      "tpu.region"() ({
        %run_scoped3A_76 = tpu.sem_alloc : memref<!tpu.dma_semaphore, #tpu.memory_space<semaphore_mem>>
        %dma_start3A = arith.constant 0 : i32
        %dma_start3A_77 = tpu.memref_slice %arg22[%dma_start3A] : memref<1024xf32, #tpu.memory_space<vmem>> -> memref<128xf32, #tpu.memory_space<vmem>>
        %dma_start3A_78 = arith.constant 0 : i32
        %dma_start3A_79 = tpu.memref_slice %arg20[%run_scoped3A, %dma_start3A_78] : memref<8x128xi32, #tpu.memory_space<vmem>> -> memref<1x128xi32, #tpu.memory_space<vmem>>
        %dma_start3A_80 = tpu.memref_squeeze %dma_start3A_79 : memref<1x128xi32, #tpu.memory_space<vmem>> -> memref<128xi32, #tpu.memory_space<vmem>>
        %dma_start3A_81 = arith.constant 0 : i32
        %dma_start3A_82 = tpu.memref_slice %arg14[%dma_start3A_81] : memref<100096xf32, #tpu.memory_space<vmem_shared>> -> memref<100096xf32, #tpu.memory_space<vmem_shared>>
        tpu.enqueue_indirect_dma source(%dma_start3A_77 : memref<128xf32, #tpu.memory_space<vmem>>) target(%dma_start3A_82 : memref<100096xf32, #tpu.memory_space<vmem_shared>>) offsets(%dma_start3A_80 : memref<128xi32, #tpu.memory_space<vmem>>) semaphore(%run_scoped3A_76 : memref<!tpu.dma_semaphore, #tpu.memory_space<semaphore_mem>>) {add = true}
        %dma_wait3A = arith.constant 0 : i32
        %dma_wait3A_83 = tpu.memref_slice %arg22[%dma_wait3A] : memref<1024xf32, #tpu.memory_space<vmem>> -> memref<128xf32, #tpu.memory_space<vmem>>
        %dma_wait3A_84 = arith.constant 0 : i32
        %dma_wait3A_85 = tpu.memref_slice %arg20[%run_scoped3A, %dma_wait3A_84] : memref<8x128xi32, #tpu.memory_space<vmem>> -> memref<1x128xi32, #tpu.memory_space<vmem>>
        %dma_wait3A_86 = tpu.memref_squeeze %dma_wait3A_85 : memref<1x128xi32, #tpu.memory_space<vmem>> -> memref<128xi32, #tpu.memory_space<vmem>>
        %dma_wait3A_87 = arith.constant 0 : i32
        %dma_wait3A_88 = tpu.memref_slice %arg14[%dma_wait3A_87] : memref<100096xf32, #tpu.memory_space<vmem_shared>> -> memref<100096xf32, #tpu.memory_space<vmem_shared>>
        tpu.wait_indirect_dma semaphore(%run_scoped3A_76 : memref<!tpu.dma_semaphore, #tpu.memory_space<semaphore_mem>>) src(%dma_wait3A_83 : memref<128xf32, #tpu.memory_space<vmem>>) dst(%dma_wait3A_88 : memref<100096xf32, #tpu.memory_space<vmem_shared>>)
        tpu.yield
      }) : () -> ()
      %run_scoped3A_29 = arith.constant 0 : i32
      "tpu.region"() ({
        %run_scoped3A_76 = tpu.sem_alloc : memref<!tpu.dma_semaphore, #tpu.memory_space<semaphore_mem>>
        %dma_start3A = arith.constant 0 : i32
        %dma_start3A_77 = tpu.memref_slice %arg23[%dma_start3A] : memref<1024xf32, #tpu.memory_space<vmem>> -> memref<128xf32, #tpu.memory_space<vmem>>
        %dma_start3A_78 = arith.constant 0 : i32
        %dma_start3A_79 = tpu.memref_slice %arg20[%run_scoped3A_29, %dma_start3A_78] : memref<8x128xi32, #tpu.memory_space<vmem>> -> memref<1x128xi32, #tpu.memory_space<vmem>>
        %dma_start3A_80 = tpu.memref_squeeze %dma_start3A_79 : memref<1x128xi32, #tpu.memory_space<vmem>> -> memref<128xi32, #tpu.memory_space<vmem>>
        %dma_start3A_81 = arith.constant 0 : i32
        %dma_start3A_82 = tpu.memref_slice %arg15[%dma_start3A_81] : memref<100096xf32, #tpu.memory_space<vmem_shared>> -> memref<100096xf32, #tpu.memory_space<vmem_shared>>
        tpu.enqueue_indirect_dma source(%dma_start3A_77 : memref<128xf32, #tpu.memory_space<vmem>>) target(%dma_start3A_82 : memref<100096xf32, #tpu.memory_space<vmem_shared>>) offsets(%dma_start3A_80 : memref<128xi32, #tpu.memory_space<vmem>>) semaphore(%run_scoped3A_76 : memref<!tpu.dma_semaphore, #tpu.memory_space<semaphore_mem>>) {add = true}
        %dma_wait3A = arith.constant 0 : i32
        %dma_wait3A_83 = tpu.memref_slice %arg23[%dma_wait3A] : memref<1024xf32, #tpu.memory_space<vmem>> -> memref<128xf32, #tpu.memory_space<vmem>>
        %dma_wait3A_84 = arith.constant 0 : i32
        %dma_wait3A_85 = tpu.memref_slice %arg20[%run_scoped3A_29, %dma_wait3A_84] : memref<8x128xi32, #tpu.memory_space<vmem>> -> memref<1x128xi32, #tpu.memory_space<vmem>>
        %dma_wait3A_86 = tpu.memref_squeeze %dma_wait3A_85 : memref<1x128xi32, #tpu.memory_space<vmem>> -> memref<128xi32, #tpu.memory_space<vmem>>
        %dma_wait3A_87 = arith.constant 0 : i32
        %dma_wait3A_88 = tpu.memref_slice %arg15[%dma_wait3A_87] : memref<100096xf32, #tpu.memory_space<vmem_shared>> -> memref<100096xf32, #tpu.memory_space<vmem_shared>>
        tpu.wait_indirect_dma semaphore(%run_scoped3A_76 : memref<!tpu.dma_semaphore, #tpu.memory_space<semaphore_mem>>) src(%dma_wait3A_83 : memref<128xf32, #tpu.memory_space<vmem>>) dst(%dma_wait3A_88 : memref<100096xf32, #tpu.memory_space<vmem_shared>>)
        tpu.yield
      }) : () -> ()
      %run_scoped3A_30 = arith.constant 0 : i32
      "tpu.region"() ({
        %run_scoped3A_76 = tpu.sem_alloc : memref<!tpu.dma_semaphore, #tpu.memory_space<semaphore_mem>>
        %dma_start3A = arith.constant 0 : i32
        %dma_start3A_77 = tpu.memref_slice %arg24[%dma_start3A] : memref<1024xf32, #tpu.memory_space<vmem>> -> memref<128xf32, #tpu.memory_space<vmem>>
        %dma_start3A_78 = arith.constant 0 : i32
        %dma_start3A_79 = tpu.memref_slice %arg20[%run_scoped3A_30, %dma_start3A_78] : memref<8x128xi32, #tpu.memory_space<vmem>> -> memref<1x128xi32, #tpu.memory_space<vmem>>
        %dma_start3A_80 = tpu.memref_squeeze %dma_start3A_79 : memref<1x128xi32, #tpu.memory_space<vmem>> -> memref<128xi32, #tpu.memory_space<vmem>>
        %dma_start3A_81 = arith.constant 0 : i32
        %dma_start3A_82 = tpu.memref_slice %arg16[%dma_start3A_81] : memref<100096xf32, #tpu.memory_space<vmem_shared>> -> memref<100096xf32, #tpu.memory_space<vmem_shared>>
        tpu.enqueue_indirect_dma source(%dma_start3A_77 : memref<128xf32, #tpu.memory_space<vmem>>) target(%dma_start3A_82 : memref<100096xf32, #tpu.memory_space<vmem_shared>>) offsets(%dma_start3A_80 : memref<128xi32, #tpu.memory_space<vmem>>) semaphore(%run_scoped3A_76 : memref<!tpu.dma_semaphore, #tpu.memory_space<semaphore_mem>>) {add = true}
        %dma_wait3A = arith.constant 0 : i32
        %dma_wait3A_83 = tpu.memref_slice %arg24[%dma_wait3A] : memref<1024xf32, #tpu.memory_space<vmem>> -> memref<128xf32, #tpu.memory_space<vmem>>
        %dma_wait3A_84 = arith.constant 0 : i32
        %dma_wait3A_85 = tpu.memref_slice %arg20[%run_scoped3A_30, %dma_wait3A_84] : memref<8x128xi32, #tpu.memory_space<vmem>> -> memref<1x128xi32, #tpu.memory_space<vmem>>
        %dma_wait3A_86 = tpu.memref_squeeze %dma_wait3A_85 : memref<1x128xi32, #tpu.memory_space<vmem>> -> memref<128xi32, #tpu.memory_space<vmem>>
        %dma_wait3A_87 = arith.constant 0 : i32
        %dma_wait3A_88 = tpu.memref_slice %arg16[%dma_wait3A_87] : memref<100096xf32, #tpu.memory_space<vmem_shared>> -> memref<100096xf32, #tpu.memory_space<vmem_shared>>
        tpu.wait_indirect_dma semaphore(%run_scoped3A_76 : memref<!tpu.dma_semaphore, #tpu.memory_space<semaphore_mem>>) src(%dma_wait3A_83 : memref<128xf32, #tpu.memory_space<vmem>>) dst(%dma_wait3A_88 : memref<100096xf32, #tpu.memory_space<vmem_shared>>)
        tpu.yield
      }) : () -> ()
      %run_scoped3A_31 = arith.constant 0 : i32
      "tpu.region"() ({
        %run_scoped3A_76 = tpu.sem_alloc : memref<!tpu.dma_semaphore, #tpu.memory_space<semaphore_mem>>
        %dma_start3A = arith.constant 0 : i32
        %dma_start3A_77 = tpu.memref_slice %arg22[%dma_start3A] : memref<1024xf32, #tpu.memory_space<vmem>> -> memref<128xf32, #tpu.memory_space<vmem>>
        %dma_start3A_78 = arith.constant 0 : i32
        %dma_start3A_79 = tpu.memref_slice %arg21[%run_scoped3A_31, %dma_start3A_78] : memref<8x128xi32, #tpu.memory_space<vmem>> -> memref<1x128xi32, #tpu.memory_space<vmem>>
        %dma_start3A_80 = tpu.memref_squeeze %dma_start3A_79 : memref<1x128xi32, #tpu.memory_space<vmem>> -> memref<128xi32, #tpu.memory_space<vmem>>
        %dma_start3A_81 = arith.constant 0 : i32
        %dma_start3A_82 = tpu.memref_slice %arg17[%dma_start3A_81] : memref<100096xf32, #tpu.memory_space<vmem_shared>> -> memref<100096xf32, #tpu.memory_space<vmem_shared>>
        tpu.enqueue_indirect_dma source(%dma_start3A_77 : memref<128xf32, #tpu.memory_space<vmem>>) target(%dma_start3A_82 : memref<100096xf32, #tpu.memory_space<vmem_shared>>) offsets(%dma_start3A_80 : memref<128xi32, #tpu.memory_space<vmem>>) semaphore(%run_scoped3A_76 : memref<!tpu.dma_semaphore, #tpu.memory_space<semaphore_mem>>) {add = true}
        %dma_wait3A = arith.constant 0 : i32
        %dma_wait3A_83 = tpu.memref_slice %arg22[%dma_wait3A] : memref<1024xf32, #tpu.memory_space<vmem>> -> memref<128xf32, #tpu.memory_space<vmem>>
        %dma_wait3A_84 = arith.constant 0 : i32
        %dma_wait3A_85 = tpu.memref_slice %arg21[%run_scoped3A_31, %dma_wait3A_84] : memref<8x128xi32, #tpu.memory_space<vmem>> -> memref<1x128xi32, #tpu.memory_space<vmem>>
        %dma_wait3A_86 = tpu.memref_squeeze %dma_wait3A_85 : memref<1x128xi32, #tpu.memory_space<vmem>> -> memref<128xi32, #tpu.memory_space<vmem>>
        %dma_wait3A_87 = arith.constant 0 : i32
        %dma_wait3A_88 = tpu.memref_slice %arg17[%dma_wait3A_87] : memref<100096xf32, #tpu.memory_space<vmem_shared>> -> memref<100096xf32, #tpu.memory_space<vmem_shared>>
        tpu.wait_indirect_dma semaphore(%run_scoped3A_76 : memref<!tpu.dma_semaphore, #tpu.memory_space<semaphore_mem>>) src(%dma_wait3A_83 : memref<128xf32, #tpu.memory_space<vmem>>) dst(%dma_wait3A_88 : memref<100096xf32, #tpu.memory_space<vmem_shared>>)
        tpu.yield
      }) : () -> ()
      %run_scoped3A_32 = arith.constant 0 : i32
      "tpu.region"() ({
        %run_scoped3A_76 = tpu.sem_alloc : memref<!tpu.dma_semaphore, #tpu.memory_space<semaphore_mem>>
        %dma_start3A = arith.constant 0 : i32
        %dma_start3A_77 = tpu.memref_slice %arg23[%dma_start3A] : memref<1024xf32, #tpu.memory_space<vmem>> -> memref<128xf32, #tpu.memory_space<vmem>>
        %dma_start3A_78 = arith.constant 0 : i32
        %dma_start3A_79 = tpu.memref_slice %arg21[%run_scoped3A_32, %dma_start3A_78] : memref<8x128xi32, #tpu.memory_space<vmem>> -> memref<1x128xi32, #tpu.memory_space<vmem>>
        %dma_start3A_80 = tpu.memref_squeeze %dma_start3A_79 : memref<1x128xi32, #tpu.memory_space<vmem>> -> memref<128xi32, #tpu.memory_space<vmem>>
        %dma_start3A_81 = arith.constant 0 : i32
        %dma_start3A_82 = tpu.memref_slice %arg18[%dma_start3A_81] : memref<100096xf32, #tpu.memory_space<vmem_shared>> -> memref<100096xf32, #tpu.memory_space<vmem_shared>>
        tpu.enqueue_indirect_dma source(%dma_start3A_77 : memref<128xf32, #tpu.memory_space<vmem>>) target(%dma_start3A_82 : memref<100096xf32, #tpu.memory_space<vmem_shared>>) offsets(%dma_start3A_80 : memref<128xi32, #tpu.memory_space<vmem>>) semaphore(%run_scoped3A_76 : memref<!tpu.dma_semaphore, #tpu.memory_space<semaphore_mem>>) {add = true}
        %dma_wait3A = arith.constant 0 : i32
        %dma_wait3A_83 = tpu.memref_slice %arg23[%dma_wait3A] : memref<1024xf32, #tpu.memory_space<vmem>> -> memref<128xf32, #tpu.memory_space<vmem>>
        %dma_wait3A_84 = arith.constant 0 : i32
        %dma_wait3A_85 = tpu.memref_slice %arg21[%run_scoped3A_32, %dma_wait3A_84] : memref<8x128xi32, #tpu.memory_space<vmem>> -> memref<1x128xi32, #tpu.memory_space<vmem>>
        %dma_wait3A_86 = tpu.memref_squeeze %dma_wait3A_85 : memref<1x128xi32, #tpu.memory_space<vmem>> -> memref<128xi32, #tpu.memory_space<vmem>>
        %dma_wait3A_87 = arith.constant 0 : i32
        %dma_wait3A_88 = tpu.memref_slice %arg18[%dma_wait3A_87] : memref<100096xf32, #tpu.memory_space<vmem_shared>> -> memref<100096xf32, #tpu.memory_space<vmem_shared>>
        tpu.wait_indirect_dma semaphore(%run_scoped3A_76 : memref<!tpu.dma_semaphore, #tpu.memory_space<semaphore_mem>>) src(%dma_wait3A_83 : memref<128xf32, #tpu.memory_space<vmem>>) dst(%dma_wait3A_88 : memref<100096xf32, #tpu.memory_space<vmem_shared>>)
        tpu.yield
      }) : () -> ()
      %run_scoped3A_33 = arith.constant 0 : i32
      "tpu.region"() ({
        %run_scoped3A_76 = tpu.sem_alloc : memref<!tpu.dma_semaphore, #tpu.memory_space<semaphore_mem>>
        %dma_start3A = arith.constant 0 : i32
        %dma_start3A_77 = tpu.memref_slice %arg24[%dma_start3A] : memref<1024xf32, #tpu.memory_space<vmem>> -> memref<128xf32, #tpu.memory_space<vmem>>
        %dma_start3A_78 = arith.constant 0 : i32
        %dma_start3A_79 = tpu.memref_slice %arg21[%run_scoped3A_33, %dma_start3A_78] : memref<8x128xi32, #tpu.memory_space<vmem>> -> memref<1x128xi32, #tpu.memory_space<vmem>>
        %dma_start3A_80 = tpu.memref_squeeze %dma_start3A_79 : memref<1x128xi32, #tpu.memory_space<vmem>> -> memref<128xi32, #tpu.memory_space<vmem>>
        %dma_start3A_81 = arith.constant 0 : i32
        %dma_start3A_82 = tpu.memref_slice %arg19[%dma_start3A_81] : memref<100096xf32, #tpu.memory_space<vmem_shared>> -> memref<100096xf32, #tpu.memory_space<vmem_shared>>
        tpu.enqueue_indirect_dma source(%dma_start3A_77 : memref<128xf32, #tpu.memory_space<vmem>>) target(%dma_start3A_82 : memref<100096xf32, #tpu.memory_space<vmem_shared>>) offsets(%dma_start3A_80 : memref<128xi32, #tpu.memory_space<vmem>>) semaphore(%run_scoped3A_76 : memref<!tpu.dma_semaphore, #tpu.memory_space<semaphore_mem>>) {add = true}
        %dma_wait3A = arith.constant 0 : i32
        %dma_wait3A_83 = tpu.memref_slice %arg24[%dma_wait3A] : memref<1024xf32, #tpu.memory_space<vmem>> -> memref<128xf32, #tpu.memory_space<vmem>>
        %dma_wait3A_84 = arith.constant 0 : i32
        %dma_wait3A_85 = tpu.memref_slice %arg21[%run_scoped3A_33, %dma_wait3A_84] : memref<8x128xi32, #tpu.memory_space<vmem>> -> memref<1x128xi32, #tpu.memory_space<vmem>>
        %dma_wait3A_86 = tpu.memref_squeeze %dma_wait3A_85 : memref<1x128xi32, #tpu.memory_space<vmem>> -> memref<128xi32, #tpu.memory_space<vmem>>
        %dma_wait3A_87 = arith.constant 0 : i32
        %dma_wait3A_88 = tpu.memref_slice %arg19[%dma_wait3A_87] : memref<100096xf32, #tpu.memory_space<vmem_shared>> -> memref<100096xf32, #tpu.memory_space<vmem_shared>>
        tpu.wait_indirect_dma semaphore(%run_scoped3A_76 : memref<!tpu.dma_semaphore, #tpu.memory_space<semaphore_mem>>) src(%dma_wait3A_83 : memref<128xf32, #tpu.memory_space<vmem>>) dst(%dma_wait3A_88 : memref<100096xf32, #tpu.memory_space<vmem_shared>>)
        tpu.yield
      }) : () -> ()
      %run_scoped3A_34 = arith.constant 1 : i32
      "tpu.region"() ({
        %run_scoped3A_76 = tpu.sem_alloc : memref<!tpu.dma_semaphore, #tpu.memory_space<semaphore_mem>>
        %dma_start3A = arith.constant 128 : i32
        %dma_start3A_77 = tpu.memref_slice %arg22[%dma_start3A] : memref<1024xf32, #tpu.memory_space<vmem>> -> memref<128xf32, #tpu.memory_space<vmem>>
        %dma_start3A_78 = arith.constant 0 : i32
        %dma_start3A_79 = tpu.memref_slice %arg20[%run_scoped3A_34, %dma_start3A_78] : memref<8x128xi32, #tpu.memory_space<vmem>> -> memref<1x128xi32, #tpu.memory_space<vmem>>
        %dma_start3A_80 = tpu.memref_squeeze %dma_start3A_79 : memref<1x128xi32, #tpu.memory_space<vmem>> -> memref<128xi32, #tpu.memory_space<vmem>>
        %dma_start3A_81 = arith.constant 0 : i32
        %dma_start3A_82 = tpu.memref_slice %arg14[%dma_start3A_81] : memref<100096xf32, #tpu.memory_space<vmem_shared>> -> memref<100096xf32, #tpu.memory_space<vmem_shared>>
        tpu.enqueue_indirect_dma source(%dma_start3A_77 : memref<128xf32, #tpu.memory_space<vmem>>) target(%dma_start3A_82 : memref<100096xf32, #tpu.memory_space<vmem_shared>>) offsets(%dma_start3A_80 : memref<128xi32, #tpu.memory_space<vmem>>) semaphore(%run_scoped3A_76 : memref<!tpu.dma_semaphore, #tpu.memory_space<semaphore_mem>>) {add = true}
        %dma_wait3A = arith.constant 128 : i32
        %dma_wait3A_83 = tpu.memref_slice %arg22[%dma_wait3A] : memref<1024xf32, #tpu.memory_space<vmem>> -> memref<128xf32, #tpu.memory_space<vmem>>
        %dma_wait3A_84 = arith.constant 0 : i32
        %dma_wait3A_85 = tpu.memref_slice %arg20[%run_scoped3A_34, %dma_wait3A_84] : memref<8x128xi32, #tpu.memory_space<vmem>> -> memref<1x128xi32, #tpu.memory_space<vmem>>
        %dma_wait3A_86 = tpu.memref_squeeze %dma_wait3A_85 : memref<1x128xi32, #tpu.memory_space<vmem>> -> memref<128xi32, #tpu.memory_space<vmem>>
        %dma_wait3A_87 = arith.constant 0 : i32
        %dma_wait3A_88 = tpu.memref_slice %arg14[%dma_wait3A_87] : memref<100096xf32, #tpu.memory_space<vmem_shared>> -> memref<100096xf32, #tpu.memory_space<vmem_shared>>
        tpu.wait_indirect_dma semaphore(%run_scoped3A_76 : memref<!tpu.dma_semaphore, #tpu.memory_space<semaphore_mem>>) src(%dma_wait3A_83 : memref<128xf32, #tpu.memory_space<vmem>>) dst(%dma_wait3A_88 : memref<100096xf32, #tpu.memory_space<vmem_shared>>)
        tpu.yield
      }) : () -> ()
      %run_scoped3A_35 = arith.constant 1 : i32
      "tpu.region"() ({
        %run_scoped3A_76 = tpu.sem_alloc : memref<!tpu.dma_semaphore, #tpu.memory_space<semaphore_mem>>
        %dma_start3A = arith.constant 128 : i32
        %dma_start3A_77 = tpu.memref_slice %arg23[%dma_start3A] : memref<1024xf32, #tpu.memory_space<vmem>> -> memref<128xf32, #tpu.memory_space<vmem>>
        %dma_start3A_78 = arith.constant 0 : i32
        %dma_start3A_79 = tpu.memref_slice %arg20[%run_scoped3A_35, %dma_start3A_78] : memref<8x128xi32, #tpu.memory_space<vmem>> -> memref<1x128xi32, #tpu.memory_space<vmem>>
        %dma_start3A_80 = tpu.memref_squeeze %dma_start3A_79 : memref<1x128xi32, #tpu.memory_space<vmem>> -> memref<128xi32, #tpu.memory_space<vmem>>
        %dma_start3A_81 = arith.constant 0 : i32
        %dma_start3A_82 = tpu.memref_slice %arg15[%dma_start3A_81] : memref<100096xf32, #tpu.memory_space<vmem_shared>> -> memref<100096xf32, #tpu.memory_space<vmem_shared>>
        tpu.enqueue_indirect_dma source(%dma_start3A_77 : memref<128xf32, #tpu.memory_space<vmem>>) target(%dma_start3A_82 : memref<100096xf32, #tpu.memory_space<vmem_shared>>) offsets(%dma_start3A_80 : memref<128xi32, #tpu.memory_space<vmem>>) semaphore(%run_scoped3A_76 : memref<!tpu.dma_semaphore, #tpu.memory_space<semaphore_mem>>) {add = true}
        %dma_wait3A = arith.constant 128 : i32
        %dma_wait3A_83 = tpu.memref_slice %arg23[%dma_wait3A] : memref<1024xf32, #tpu.memory_space<vmem>> -> memref<128xf32, #tpu.memory_space<vmem>>
        %dma_wait3A_84 = arith.constant 0 : i32
        %dma_wait3A_85 = tpu.memref_slice %arg20[%run_scoped3A_35, %dma_wait3A_84] : memref<8x128xi32, #tpu.memory_space<vmem>> -> memref<1x128xi32, #tpu.memory_space<vmem>>
        %dma_wait3A_86 = tpu.memref_squeeze %dma_wait3A_85 : memref<1x128xi32, #tpu.memory_space<vmem>> -> memref<128xi32, #tpu.memory_space<vmem>>
        %dma_wait3A_87 = arith.constant 0 : i32
        %dma_wait3A_88 = tpu.memref_slice %arg15[%dma_wait3A_87] : memref<100096xf32, #tpu.memory_space<vmem_shared>> -> memref<100096xf32, #tpu.memory_space<vmem_shared>>
        tpu.wait_indirect_dma semaphore(%run_scoped3A_76 : memref<!tpu.dma_semaphore, #tpu.memory_space<semaphore_mem>>) src(%dma_wait3A_83 : memref<128xf32, #tpu.memory_space<vmem>>) dst(%dma_wait3A_88 : memref<100096xf32, #tpu.memory_space<vmem_shared>>)
        tpu.yield
      }) : () -> ()
      %run_scoped3A_36 = arith.constant 1 : i32
      "tpu.region"() ({
        %run_scoped3A_76 = tpu.sem_alloc : memref<!tpu.dma_semaphore, #tpu.memory_space<semaphore_mem>>
        %dma_start3A = arith.constant 128 : i32
        %dma_start3A_77 = tpu.memref_slice %arg24[%dma_start3A] : memref<1024xf32, #tpu.memory_space<vmem>> -> memref<128xf32, #tpu.memory_space<vmem>>
        %dma_start3A_78 = arith.constant 0 : i32
        %dma_start3A_79 = tpu.memref_slice %arg20[%run_scoped3A_36, %dma_start3A_78] : memref<8x128xi32, #tpu.memory_space<vmem>> -> memref<1x128xi32, #tpu.memory_space<vmem>>
        %dma_start3A_80 = tpu.memref_squeeze %dma_start3A_79 : memref<1x128xi32, #tpu.memory_space<vmem>> -> memref<128xi32, #tpu.memory_space<vmem>>
        %dma_start3A_81 = arith.constant 0 : i32
        %dma_start3A_82 = tpu.memref_slice %arg16[%dma_start3A_81] : memref<100096xf32, #tpu.memory_space<vmem_shared>> -> memref<100096xf32, #tpu.memory_space<vmem_shared>>
        tpu.enqueue_indirect_dma source(%dma_start3A_77 : memref<128xf32, #tpu.memory_space<vmem>>) target(%dma_start3A_82 : memref<100096xf32, #tpu.memory_space<vmem_shared>>) offsets(%dma_start3A_80 : memref<128xi32, #tpu.memory_space<vmem>>) semaphore(%run_scoped3A_76 : memref<!tpu.dma_semaphore, #tpu.memory_space<semaphore_mem>>) {add = true}
        %dma_wait3A = arith.constant 128 : i32
        %dma_wait3A_83 = tpu.memref_slice %arg24[%dma_wait3A] : memref<1024xf32, #tpu.memory_space<vmem>> -> memref<128xf32, #tpu.memory_space<vmem>>
        %dma_wait3A_84 = arith.constant 0 : i32
        %dma_wait3A_85 = tpu.memref_slice %arg20[%run_scoped3A_36, %dma_wait3A_84] : memref<8x128xi32, #tpu.memory_space<vmem>> -> memref<1x128xi32, #tpu.memory_space<vmem>>
        %dma_wait3A_86 = tpu.memref_squeeze %dma_wait3A_85 : memref<1x128xi32, #tpu.memory_space<vmem>> -> memref<128xi32, #tpu.memory_space<vmem>>
        %dma_wait3A_87 = arith.constant 0 : i32
        %dma_wait3A_88 = tpu.memref_slice %arg16[%dma_wait3A_87] : memref<100096xf32, #tpu.memory_space<vmem_shared>> -> memref<100096xf32, #tpu.memory_space<vmem_shared>>
        tpu.wait_indirect_dma semaphore(%run_scoped3A_76 : memref<!tpu.dma_semaphore, #tpu.memory_space<semaphore_mem>>) src(%dma_wait3A_83 : memref<128xf32, #tpu.memory_space<vmem>>) dst(%dma_wait3A_88 : memref<100096xf32, #tpu.memory_space<vmem_shared>>)
        tpu.yield
      }) : () -> ()
      %run_scoped3A_37 = arith.constant 1 : i32
      "tpu.region"() ({
        %run_scoped3A_76 = tpu.sem_alloc : memref<!tpu.dma_semaphore, #tpu.memory_space<semaphore_mem>>
        %dma_start3A = arith.constant 128 : i32
        %dma_start3A_77 = tpu.memref_slice %arg22[%dma_start3A] : memref<1024xf32, #tpu.memory_space<vmem>> -> memref<128xf32, #tpu.memory_space<vmem>>
        %dma_start3A_78 = arith.constant 0 : i32
        %dma_start3A_79 = tpu.memref_slice %arg21[%run_scoped3A_37, %dma_start3A_78] : memref<8x128xi32, #tpu.memory_space<vmem>> -> memref<1x128xi32, #tpu.memory_space<vmem>>
        %dma_start3A_80 = tpu.memref_squeeze %dma_start3A_79 : memref<1x128xi32, #tpu.memory_space<vmem>> -> memref<128xi32, #tpu.memory_space<vmem>>
        %dma_start3A_81 = arith.constant 0 : i32
        %dma_start3A_82 = tpu.memref_slice %arg17[%dma_start3A_81] : memref<100096xf32, #tpu.memory_space<vmem_shared>> -> memref<100096xf32, #tpu.memory_space<vmem_shared>>
        tpu.enqueue_indirect_dma source(%dma_start3A_77 : memref<128xf32, #tpu.memory_space<vmem>>) target(%dma_start3A_82 : memref<100096xf32, #tpu.memory_space<vmem_shared>>) offsets(%dma_start3A_80 : memref<128xi32, #tpu.memory_space<vmem>>) semaphore(%run_scoped3A_76 : memref<!tpu.dma_semaphore, #tpu.memory_space<semaphore_mem>>) {add = true}
        %dma_wait3A = arith.constant 128 : i32
        %dma_wait3A_83 = tpu.memref_slice %arg22[%dma_wait3A] : memref<1024xf32, #tpu.memory_space<vmem>> -> memref<128xf32, #tpu.memory_space<vmem>>
        %dma_wait3A_84 = arith.constant 0 : i32
        %dma_wait3A_85 = tpu.memref_slice %arg21[%run_scoped3A_37, %dma_wait3A_84] : memref<8x128xi32, #tpu.memory_space<vmem>> -> memref<1x128xi32, #tpu.memory_space<vmem>>
        %dma_wait3A_86 = tpu.memref_squeeze %dma_wait3A_85 : memref<1x128xi32, #tpu.memory_space<vmem>> -> memref<128xi32, #tpu.memory_space<vmem>>
        %dma_wait3A_87 = arith.constant 0 : i32
        %dma_wait3A_88 = tpu.memref_slice %arg17[%dma_wait3A_87] : memref<100096xf32, #tpu.memory_space<vmem_shared>> -> memref<100096xf32, #tpu.memory_space<vmem_shared>>
        tpu.wait_indirect_dma semaphore(%run_scoped3A_76 : memref<!tpu.dma_semaphore, #tpu.memory_space<semaphore_mem>>) src(%dma_wait3A_83 : memref<128xf32, #tpu.memory_space<vmem>>) dst(%dma_wait3A_88 : memref<100096xf32, #tpu.memory_space<vmem_shared>>)
        tpu.yield
      }) : () -> ()
      %run_scoped3A_38 = arith.constant 1 : i32
      "tpu.region"() ({
        %run_scoped3A_76 = tpu.sem_alloc : memref<!tpu.dma_semaphore, #tpu.memory_space<semaphore_mem>>
        %dma_start3A = arith.constant 128 : i32
        %dma_start3A_77 = tpu.memref_slice %arg23[%dma_start3A] : memref<1024xf32, #tpu.memory_space<vmem>> -> memref<128xf32, #tpu.memory_space<vmem>>
        %dma_start3A_78 = arith.constant 0 : i32
        %dma_start3A_79 = tpu.memref_slice %arg21[%run_scoped3A_38, %dma_start3A_78] : memref<8x128xi32, #tpu.memory_space<vmem>> -> memref<1x128xi32, #tpu.memory_space<vmem>>
        %dma_start3A_80 = tpu.memref_squeeze %dma_start3A_79 : memref<1x128xi32, #tpu.memory_space<vmem>> -> memref<128xi32, #tpu.memory_space<vmem>>
        %dma_start3A_81 = arith.constant 0 : i32
        %dma_start3A_82 = tpu.memref_slice %arg18[%dma_start3A_81] : memref<100096xf32, #tpu.memory_space<vmem_shared>> -> memref<100096xf32, #tpu.memory_space<vmem_shared>>
        tpu.enqueue_indirect_dma source(%dma_start3A_77 : memref<128xf32, #tpu.memory_space<vmem>>) target(%dma_start3A_82 : memref<100096xf32, #tpu.memory_space<vmem_shared>>) offsets(%dma_start3A_80 : memref<128xi32, #tpu.memory_space<vmem>>) semaphore(%run_scoped3A_76 : memref<!tpu.dma_semaphore, #tpu.memory_space<semaphore_mem>>) {add = true}
        %dma_wait3A = arith.constant 128 : i32
        %dma_wait3A_83 = tpu.memref_slice %arg23[%dma_wait3A] : memref<1024xf32, #tpu.memory_space<vmem>> -> memref<128xf32, #tpu.memory_space<vmem>>
        %dma_wait3A_84 = arith.constant 0 : i32
        %dma_wait3A_85 = tpu.memref_slice %arg21[%run_scoped3A_38, %dma_wait3A_84] : memref<8x128xi32, #tpu.memory_space<vmem>> -> memref<1x128xi32, #tpu.memory_space<vmem>>
        %dma_wait3A_86 = tpu.memref_squeeze %dma_wait3A_85 : memref<1x128xi32, #tpu.memory_space<vmem>> -> memref<128xi32, #tpu.memory_space<vmem>>
        %dma_wait3A_87 = arith.constant 0 : i32
        %dma_wait3A_88 = tpu.memref_slice %arg18[%dma_wait3A_87] : memref<100096xf32, #tpu.memory_space<vmem_shared>> -> memref<100096xf32, #tpu.memory_space<vmem_shared>>
        tpu.wait_indirect_dma semaphore(%run_scoped3A_76 : memref<!tpu.dma_semaphore, #tpu.memory_space<semaphore_mem>>) src(%dma_wait3A_83 : memref<128xf32, #tpu.memory_space<vmem>>) dst(%dma_wait3A_88 : memref<100096xf32, #tpu.memory_space<vmem_shared>>)
        tpu.yield
      }) : () -> ()
      %run_scoped3A_39 = arith.constant 1 : i32
      "tpu.region"() ({
        %run_scoped3A_76 = tpu.sem_alloc : memref<!tpu.dma_semaphore, #tpu.memory_space<semaphore_mem>>
        %dma_start3A = arith.constant 128 : i32
        %dma_start3A_77 = tpu.memref_slice %arg24[%dma_start3A] : memref<1024xf32, #tpu.memory_space<vmem>> -> memref<128xf32, #tpu.memory_space<vmem>>
        %dma_start3A_78 = arith.constant 0 : i32
        %dma_start3A_79 = tpu.memref_slice %arg21[%run_scoped3A_39, %dma_start3A_78] : memref<8x128xi32, #tpu.memory_space<vmem>> -> memref<1x128xi32, #tpu.memory_space<vmem>>
        %dma_start3A_80 = tpu.memref_squeeze %dma_start3A_79 : memref<1x128xi32, #tpu.memory_space<vmem>> -> memref<128xi32, #tpu.memory_space<vmem>>
        %dma_start3A_81 = arith.constant 0 : i32
        %dma_start3A_82 = tpu.memref_slice %arg19[%dma_start3A_81] : memref<100096xf32, #tpu.memory_space<vmem_shared>> -> memref<100096xf32, #tpu.memory_space<vmem_shared>>
        tpu.enqueue_indirect_dma source(%dma_start3A_77 : memref<128xf32, #tpu.memory_space<vmem>>) target(%dma_start3A_82 : memref<100096xf32, #tpu.memory_space<vmem_shared>>) offsets(%dma_start3A_80 : memref<128xi32, #tpu.memory_space<vmem>>) semaphore(%run_scoped3A_76 : memref<!tpu.dma_semaphore, #tpu.memory_space<semaphore_mem>>) {add = true}
        %dma_wait3A = arith.constant 128 : i32
        %dma_wait3A_83 = tpu.memref_slice %arg24[%dma_wait3A] : memref<1024xf32, #tpu.memory_space<vmem>> -> memref<128xf32, #tpu.memory_space<vmem>>
        %dma_wait3A_84 = arith.constant 0 : i32
        %dma_wait3A_85 = tpu.memref_slice %arg21[%run_scoped3A_39, %dma_wait3A_84] : memref<8x128xi32, #tpu.memory_space<vmem>> -> memref<1x128xi32, #tpu.memory_space<vmem>>
        %dma_wait3A_86 = tpu.memref_squeeze %dma_wait3A_85 : memref<1x128xi32, #tpu.memory_space<vmem>> -> memref<128xi32, #tpu.memory_space<vmem>>
        %dma_wait3A_87 = arith.constant 0 : i32
        %dma_wait3A_88 = tpu.memref_slice %arg19[%dma_wait3A_87] : memref<100096xf32, #tpu.memory_space<vmem_shared>> -> memref<100096xf32, #tpu.memory_space<vmem_shared>>
        tpu.wait_indirect_dma semaphore(%run_scoped3A_76 : memref<!tpu.dma_semaphore, #tpu.memory_space<semaphore_mem>>) src(%dma_wait3A_83 : memref<128xf32, #tpu.memory_space<vmem>>) dst(%dma_wait3A_88 : memref<100096xf32, #tpu.memory_space<vmem_shared>>)
        tpu.yield
      }) : () -> ()
      %run_scoped3A_40 = arith.constant 2 : i32
      "tpu.region"() ({
        %run_scoped3A_76 = tpu.sem_alloc : memref<!tpu.dma_semaphore, #tpu.memory_space<semaphore_mem>>
        %dma_start3A = arith.constant 256 : i32
        %dma_start3A_77 = tpu.memref_slice %arg22[%dma_start3A] : memref<1024xf32, #tpu.memory_space<vmem>> -> memref<128xf32, #tpu.memory_space<vmem>>
        %dma_start3A_78 = arith.constant 0 : i32
        %dma_start3A_79 = tpu.memref_slice %arg20[%run_scoped3A_40, %dma_start3A_78] : memref<8x128xi32, #tpu.memory_space<vmem>> -> memref<1x128xi32, #tpu.memory_space<vmem>>
        %dma_start3A_80 = tpu.memref_squeeze %dma_start3A_79 : memref<1x128xi32, #tpu.memory_space<vmem>> -> memref<128xi32, #tpu.memory_space<vmem>>
        %dma_start3A_81 = arith.constant 0 : i32
        %dma_start3A_82 = tpu.memref_slice %arg14[%dma_start3A_81] : memref<100096xf32, #tpu.memory_space<vmem_shared>> -> memref<100096xf32, #tpu.memory_space<vmem_shared>>
        tpu.enqueue_indirect_dma source(%dma_start3A_77 : memref<128xf32, #tpu.memory_space<vmem>>) target(%dma_start3A_82 : memref<100096xf32, #tpu.memory_space<vmem_shared>>) offsets(%dma_start3A_80 : memref<128xi32, #tpu.memory_space<vmem>>) semaphore(%run_scoped3A_76 : memref<!tpu.dma_semaphore, #tpu.memory_space<semaphore_mem>>) {add = true}
        %dma_wait3A = arith.constant 256 : i32
        %dma_wait3A_83 = tpu.memref_slice %arg22[%dma_wait3A] : memref<1024xf32, #tpu.memory_space<vmem>> -> memref<128xf32, #tpu.memory_space<vmem>>
        %dma_wait3A_84 = arith.constant 0 : i32
        %dma_wait3A_85 = tpu.memref_slice %arg20[%run_scoped3A_40, %dma_wait3A_84] : memref<8x128xi32, #tpu.memory_space<vmem>> -> memref<1x128xi32, #tpu.memory_space<vmem>>
        %dma_wait3A_86 = tpu.memref_squeeze %dma_wait3A_85 : memref<1x128xi32, #tpu.memory_space<vmem>> -> memref<128xi32, #tpu.memory_space<vmem>>
        %dma_wait3A_87 = arith.constant 0 : i32
        %dma_wait3A_88 = tpu.memref_slice %arg14[%dma_wait3A_87] : memref<100096xf32, #tpu.memory_space<vmem_shared>> -> memref<100096xf32, #tpu.memory_space<vmem_shared>>
        tpu.wait_indirect_dma semaphore(%run_scoped3A_76 : memref<!tpu.dma_semaphore, #tpu.memory_space<semaphore_mem>>) src(%dma_wait3A_83 : memref<128xf32, #tpu.memory_space<vmem>>) dst(%dma_wait3A_88 : memref<100096xf32, #tpu.memory_space<vmem_shared>>)
        tpu.yield
      }) : () -> ()
      %run_scoped3A_41 = arith.constant 2 : i32
      "tpu.region"() ({
        %run_scoped3A_76 = tpu.sem_alloc : memref<!tpu.dma_semaphore, #tpu.memory_space<semaphore_mem>>
        %dma_start3A = arith.constant 256 : i32
        %dma_start3A_77 = tpu.memref_slice %arg23[%dma_start3A] : memref<1024xf32, #tpu.memory_space<vmem>> -> memref<128xf32, #tpu.memory_space<vmem>>
        %dma_start3A_78 = arith.constant 0 : i32
        %dma_start3A_79 = tpu.memref_slice %arg20[%run_scoped3A_41, %dma_start3A_78] : memref<8x128xi32, #tpu.memory_space<vmem>> -> memref<1x128xi32, #tpu.memory_space<vmem>>
        %dma_start3A_80 = tpu.memref_squeeze %dma_start3A_79 : memref<1x128xi32, #tpu.memory_space<vmem>> -> memref<128xi32, #tpu.memory_space<vmem>>
        %dma_start3A_81 = arith.constant 0 : i32
        %dma_start3A_82 = tpu.memref_slice %arg15[%dma_start3A_81] : memref<100096xf32, #tpu.memory_space<vmem_shared>> -> memref<100096xf32, #tpu.memory_space<vmem_shared>>
        tpu.enqueue_indirect_dma source(%dma_start3A_77 : memref<128xf32, #tpu.memory_space<vmem>>) target(%dma_start3A_82 : memref<100096xf32, #tpu.memory_space<vmem_shared>>) offsets(%dma_start3A_80 : memref<128xi32, #tpu.memory_space<vmem>>) semaphore(%run_scoped3A_76 : memref<!tpu.dma_semaphore, #tpu.memory_space<semaphore_mem>>) {add = true}
        %dma_wait3A = arith.constant 256 : i32
        %dma_wait3A_83 = tpu.memref_slice %arg23[%dma_wait3A] : memref<1024xf32, #tpu.memory_space<vmem>> -> memref<128xf32, #tpu.memory_space<vmem>>
        %dma_wait3A_84 = arith.constant 0 : i32
        %dma_wait3A_85 = tpu.memref_slice %arg20[%run_scoped3A_41, %dma_wait3A_84] : memref<8x128xi32, #tpu.memory_space<vmem>> -> memref<1x128xi32, #tpu.memory_space<vmem>>
        %dma_wait3A_86 = tpu.memref_squeeze %dma_wait3A_85 : memref<1x128xi32, #tpu.memory_space<vmem>> -> memref<128xi32, #tpu.memory_space<vmem>>
        %dma_wait3A_87 = arith.constant 0 : i32
        %dma_wait3A_88 = tpu.memref_slice %arg15[%dma_wait3A_87] : memref<100096xf32, #tpu.memory_space<vmem_shared>> -> memref<100096xf32, #tpu.memory_space<vmem_shared>>
        tpu.wait_indirect_dma semaphore(%run_scoped3A_76 : memref<!tpu.dma_semaphore, #tpu.memory_space<semaphore_mem>>) src(%dma_wait3A_83 : memref<128xf32, #tpu.memory_space<vmem>>) dst(%dma_wait3A_88 : memref<100096xf32, #tpu.memory_space<vmem_shared>>)
        tpu.yield
      }) : () -> ()
      %run_scoped3A_42 = arith.constant 2 : i32
      "tpu.region"() ({
        %run_scoped3A_76 = tpu.sem_alloc : memref<!tpu.dma_semaphore, #tpu.memory_space<semaphore_mem>>
        %dma_start3A = arith.constant 256 : i32
        %dma_start3A_77 = tpu.memref_slice %arg24[%dma_start3A] : memref<1024xf32, #tpu.memory_space<vmem>> -> memref<128xf32, #tpu.memory_space<vmem>>
        %dma_start3A_78 = arith.constant 0 : i32
        %dma_start3A_79 = tpu.memref_slice %arg20[%run_scoped3A_42, %dma_start3A_78] : memref<8x128xi32, #tpu.memory_space<vmem>> -> memref<1x128xi32, #tpu.memory_space<vmem>>
        %dma_start3A_80 = tpu.memref_squeeze %dma_start3A_79 : memref<1x128xi32, #tpu.memory_space<vmem>> -> memref<128xi32, #tpu.memory_space<vmem>>
        %dma_start3A_81 = arith.constant 0 : i32
        %dma_start3A_82 = tpu.memref_slice %arg16[%dma_start3A_81] : memref<100096xf32, #tpu.memory_space<vmem_shared>> -> memref<100096xf32, #tpu.memory_space<vmem_shared>>
        tpu.enqueue_indirect_dma source(%dma_start3A_77 : memref<128xf32, #tpu.memory_space<vmem>>) target(%dma_start3A_82 : memref<100096xf32, #tpu.memory_space<vmem_shared>>) offsets(%dma_start3A_80 : memref<128xi32, #tpu.memory_space<vmem>>) semaphore(%run_scoped3A_76 : memref<!tpu.dma_semaphore, #tpu.memory_space<semaphore_mem>>) {add = true}
        %dma_wait3A = arith.constant 256 : i32
        %dma_wait3A_83 = tpu.memref_slice %arg24[%dma_wait3A] : memref<1024xf32, #tpu.memory_space<vmem>> -> memref<128xf32, #tpu.memory_space<vmem>>
        %dma_wait3A_84 = arith.constant 0 : i32
        %dma_wait3A_85 = tpu.memref_slice %arg20[%run_scoped3A_42, %dma_wait3A_84] : memref<8x128xi32, #tpu.memory_space<vmem>> -> memref<1x128xi32, #tpu.memory_space<vmem>>
        %dma_wait3A_86 = tpu.memref_squeeze %dma_wait3A_85 : memref<1x128xi32, #tpu.memory_space<vmem>> -> memref<128xi32, #tpu.memory_space<vmem>>
        %dma_wait3A_87 = arith.constant 0 : i32
        %dma_wait3A_88 = tpu.memref_slice %arg16[%dma_wait3A_87] : memref<100096xf32, #tpu.memory_space<vmem_shared>> -> memref<100096xf32, #tpu.memory_space<vmem_shared>>
        tpu.wait_indirect_dma semaphore(%run_scoped3A_76 : memref<!tpu.dma_semaphore, #tpu.memory_space<semaphore_mem>>) src(%dma_wait3A_83 : memref<128xf32, #tpu.memory_space<vmem>>) dst(%dma_wait3A_88 : memref<100096xf32, #tpu.memory_space<vmem_shared>>)
        tpu.yield
      }) : () -> ()
      %run_scoped3A_43 = arith.constant 2 : i32
      "tpu.region"() ({
        %run_scoped3A_76 = tpu.sem_alloc : memref<!tpu.dma_semaphore, #tpu.memory_space<semaphore_mem>>
        %dma_start3A = arith.constant 256 : i32
        %dma_start3A_77 = tpu.memref_slice %arg22[%dma_start3A] : memref<1024xf32, #tpu.memory_space<vmem>> -> memref<128xf32, #tpu.memory_space<vmem>>
        %dma_start3A_78 = arith.constant 0 : i32
        %dma_start3A_79 = tpu.memref_slice %arg21[%run_scoped3A_43, %dma_start3A_78] : memref<8x128xi32, #tpu.memory_space<vmem>> -> memref<1x128xi32, #tpu.memory_space<vmem>>
        %dma_start3A_80 = tpu.memref_squeeze %dma_start3A_79 : memref<1x128xi32, #tpu.memory_space<vmem>> -> memref<128xi32, #tpu.memory_space<vmem>>
        %dma_start3A_81 = arith.constant 0 : i32
        %dma_start3A_82 = tpu.memref_slice %arg17[%dma_start3A_81] : memref<100096xf32, #tpu.memory_space<vmem_shared>> -> memref<100096xf32, #tpu.memory_space<vmem_shared>>
        tpu.enqueue_indirect_dma source(%dma_start3A_77 : memref<128xf32, #tpu.memory_space<vmem>>) target(%dma_start3A_82 : memref<100096xf32, #tpu.memory_space<vmem_shared>>) offsets(%dma_start3A_80 : memref<128xi32, #tpu.memory_space<vmem>>) semaphore(%run_scoped3A_76 : memref<!tpu.dma_semaphore, #tpu.memory_space<semaphore_mem>>) {add = true}
        %dma_wait3A = arith.constant 256 : i32
        %dma_wait3A_83 = tpu.memref_slice %arg22[%dma_wait3A] : memref<1024xf32, #tpu.memory_space<vmem>> -> memref<128xf32, #tpu.memory_space<vmem>>
        %dma_wait3A_84 = arith.constant 0 : i32
        %dma_wait3A_85 = tpu.memref_slice %arg21[%run_scoped3A_43, %dma_wait3A_84] : memref<8x128xi32, #tpu.memory_space<vmem>> -> memref<1x128xi32, #tpu.memory_space<vmem>>
        %dma_wait3A_86 = tpu.memref_squeeze %dma_wait3A_85 : memref<1x128xi32, #tpu.memory_space<vmem>> -> memref<128xi32, #tpu.memory_space<vmem>>
        %dma_wait3A_87 = arith.constant 0 : i32
        %dma_wait3A_88 = tpu.memref_slice %arg17[%dma_wait3A_87] : memref<100096xf32, #tpu.memory_space<vmem_shared>> -> memref<100096xf32, #tpu.memory_space<vmem_shared>>
        tpu.wait_indirect_dma semaphore(%run_scoped3A_76 : memref<!tpu.dma_semaphore, #tpu.memory_space<semaphore_mem>>) src(%dma_wait3A_83 : memref<128xf32, #tpu.memory_space<vmem>>) dst(%dma_wait3A_88 : memref<100096xf32, #tpu.memory_space<vmem_shared>>)
        tpu.yield
      }) : () -> ()
      %run_scoped3A_44 = arith.constant 2 : i32
      "tpu.region"() ({
        %run_scoped3A_76 = tpu.sem_alloc : memref<!tpu.dma_semaphore, #tpu.memory_space<semaphore_mem>>
        %dma_start3A = arith.constant 256 : i32
        %dma_start3A_77 = tpu.memref_slice %arg23[%dma_start3A] : memref<1024xf32, #tpu.memory_space<vmem>> -> memref<128xf32, #tpu.memory_space<vmem>>
        %dma_start3A_78 = arith.constant 0 : i32
        %dma_start3A_79 = tpu.memref_slice %arg21[%run_scoped3A_44, %dma_start3A_78] : memref<8x128xi32, #tpu.memory_space<vmem>> -> memref<1x128xi32, #tpu.memory_space<vmem>>
        %dma_start3A_80 = tpu.memref_squeeze %dma_start3A_79 : memref<1x128xi32, #tpu.memory_space<vmem>> -> memref<128xi32, #tpu.memory_space<vmem>>
        %dma_start3A_81 = arith.constant 0 : i32
        %dma_start3A_82 = tpu.memref_slice %arg18[%dma_start3A_81] : memref<100096xf32, #tpu.memory_space<vmem_shared>> -> memref<100096xf32, #tpu.memory_space<vmem_shared>>
        tpu.enqueue_indirect_dma source(%dma_start3A_77 : memref<128xf32, #tpu.memory_space<vmem>>) target(%dma_start3A_82 : memref<100096xf32, #tpu.memory_space<vmem_shared>>) offsets(%dma_start3A_80 : memref<128xi32, #tpu.memory_space<vmem>>) semaphore(%run_scoped3A_76 : memref<!tpu.dma_semaphore, #tpu.memory_space<semaphore_mem>>) {add = true}
        %dma_wait3A = arith.constant 256 : i32
        %dma_wait3A_83 = tpu.memref_slice %arg23[%dma_wait3A] : memref<1024xf32, #tpu.memory_space<vmem>> -> memref<128xf32, #tpu.memory_space<vmem>>
        %dma_wait3A_84 = arith.constant 0 : i32
        %dma_wait3A_85 = tpu.memref_slice %arg21[%run_scoped3A_44, %dma_wait3A_84] : memref<8x128xi32, #tpu.memory_space<vmem>> -> memref<1x128xi32, #tpu.memory_space<vmem>>
        %dma_wait3A_86 = tpu.memref_squeeze %dma_wait3A_85 : memref<1x128xi32, #tpu.memory_space<vmem>> -> memref<128xi32, #tpu.memory_space<vmem>>
        %dma_wait3A_87 = arith.constant 0 : i32
        %dma_wait3A_88 = tpu.memref_slice %arg18[%dma_wait3A_87] : memref<100096xf32, #tpu.memory_space<vmem_shared>> -> memref<100096xf32, #tpu.memory_space<vmem_shared>>
        tpu.wait_indirect_dma semaphore(%run_scoped3A_76 : memref<!tpu.dma_semaphore, #tpu.memory_space<semaphore_mem>>) src(%dma_wait3A_83 : memref<128xf32, #tpu.memory_space<vmem>>) dst(%dma_wait3A_88 : memref<100096xf32, #tpu.memory_space<vmem_shared>>)
        tpu.yield
      }) : () -> ()
      %run_scoped3A_45 = arith.constant 2 : i32
      "tpu.region"() ({
        %run_scoped3A_76 = tpu.sem_alloc : memref<!tpu.dma_semaphore, #tpu.memory_space<semaphore_mem>>
        %dma_start3A = arith.constant 256 : i32
        %dma_start3A_77 = tpu.memref_slice %arg24[%dma_start3A] : memref<1024xf32, #tpu.memory_space<vmem>> -> memref<128xf32, #tpu.memory_space<vmem>>
        %dma_start3A_78 = arith.constant 0 : i32
        %dma_start3A_79 = tpu.memref_slice %arg21[%run_scoped3A_45, %dma_start3A_78] : memref<8x128xi32, #tpu.memory_space<vmem>> -> memref<1x128xi32, #tpu.memory_space<vmem>>
        %dma_start3A_80 = tpu.memref_squeeze %dma_start3A_79 : memref<1x128xi32, #tpu.memory_space<vmem>> -> memref<128xi32, #tpu.memory_space<vmem>>
        %dma_start3A_81 = arith.constant 0 : i32
        %dma_start3A_82 = tpu.memref_slice %arg19[%dma_start3A_81] : memref<100096xf32, #tpu.memory_space<vmem_shared>> -> memref<100096xf32, #tpu.memory_space<vmem_shared>>
        tpu.enqueue_indirect_dma source(%dma_start3A_77 : memref<128xf32, #tpu.memory_space<vmem>>) target(%dma_start3A_82 : memref<100096xf32, #tpu.memory_space<vmem_shared>>) offsets(%dma_start3A_80 : memref<128xi32, #tpu.memory_space<vmem>>) semaphore(%run_scoped3A_76 : memref<!tpu.dma_semaphore, #tpu.memory_space<semaphore_mem>>) {add = true}
        %dma_wait3A = arith.constant 256 : i32
        %dma_wait3A_83 = tpu.memref_slice %arg24[%dma_wait3A] : memref<1024xf32, #tpu.memory_space<vmem>> -> memref<128xf32, #tpu.memory_space<vmem>>
        %dma_wait3A_84 = arith.constant 0 : i32
        %dma_wait3A_85 = tpu.memref_slice %arg21[%run_scoped3A_45, %dma_wait3A_84] : memref<8x128xi32, #tpu.memory_space<vmem>> -> memref<1x128xi32, #tpu.memory_space<vmem>>
        %dma_wait3A_86 = tpu.memref_squeeze %dma_wait3A_85 : memref<1x128xi32, #tpu.memory_space<vmem>> -> memref<128xi32, #tpu.memory_space<vmem>>
        %dma_wait3A_87 = arith.constant 0 : i32
        %dma_wait3A_88 = tpu.memref_slice %arg19[%dma_wait3A_87] : memref<100096xf32, #tpu.memory_space<vmem_shared>> -> memref<100096xf32, #tpu.memory_space<vmem_shared>>
        tpu.wait_indirect_dma semaphore(%run_scoped3A_76 : memref<!tpu.dma_semaphore, #tpu.memory_space<semaphore_mem>>) src(%dma_wait3A_83 : memref<128xf32, #tpu.memory_space<vmem>>) dst(%dma_wait3A_88 : memref<100096xf32, #tpu.memory_space<vmem_shared>>)
        tpu.yield
      }) : () -> ()
      %run_scoped3A_46 = arith.constant 3 : i32
      "tpu.region"() ({
        %run_scoped3A_76 = tpu.sem_alloc : memref<!tpu.dma_semaphore, #tpu.memory_space<semaphore_mem>>
        %dma_start3A = arith.constant 384 : i32
        %dma_start3A_77 = tpu.memref_slice %arg22[%dma_start3A] : memref<1024xf32, #tpu.memory_space<vmem>> -> memref<128xf32, #tpu.memory_space<vmem>>
        %dma_start3A_78 = arith.constant 0 : i32
        %dma_start3A_79 = tpu.memref_slice %arg20[%run_scoped3A_46, %dma_start3A_78] : memref<8x128xi32, #tpu.memory_space<vmem>> -> memref<1x128xi32, #tpu.memory_space<vmem>>
        %dma_start3A_80 = tpu.memref_squeeze %dma_start3A_79 : memref<1x128xi32, #tpu.memory_space<vmem>> -> memref<128xi32, #tpu.memory_space<vmem>>
        %dma_start3A_81 = arith.constant 0 : i32
        %dma_start3A_82 = tpu.memref_slice %arg14[%dma_start3A_81] : memref<100096xf32, #tpu.memory_space<vmem_shared>> -> memref<100096xf32, #tpu.memory_space<vmem_shared>>
        tpu.enqueue_indirect_dma source(%dma_start3A_77 : memref<128xf32, #tpu.memory_space<vmem>>) target(%dma_start3A_82 : memref<100096xf32, #tpu.memory_space<vmem_shared>>) offsets(%dma_start3A_80 : memref<128xi32, #tpu.memory_space<vmem>>) semaphore(%run_scoped3A_76 : memref<!tpu.dma_semaphore, #tpu.memory_space<semaphore_mem>>) {add = true}
        %dma_wait3A = arith.constant 384 : i32
        %dma_wait3A_83 = tpu.memref_slice %arg22[%dma_wait3A] : memref<1024xf32, #tpu.memory_space<vmem>> -> memref<128xf32, #tpu.memory_space<vmem>>
        %dma_wait3A_84 = arith.constant 0 : i32
        %dma_wait3A_85 = tpu.memref_slice %arg20[%run_scoped3A_46, %dma_wait3A_84] : memref<8x128xi32, #tpu.memory_space<vmem>> -> memref<1x128xi32, #tpu.memory_space<vmem>>
        %dma_wait3A_86 = tpu.memref_squeeze %dma_wait3A_85 : memref<1x128xi32, #tpu.memory_space<vmem>> -> memref<128xi32, #tpu.memory_space<vmem>>
        %dma_wait3A_87 = arith.constant 0 : i32
        %dma_wait3A_88 = tpu.memref_slice %arg14[%dma_wait3A_87] : memref<100096xf32, #tpu.memory_space<vmem_shared>> -> memref<100096xf32, #tpu.memory_space<vmem_shared>>
        tpu.wait_indirect_dma semaphore(%run_scoped3A_76 : memref<!tpu.dma_semaphore, #tpu.memory_space<semaphore_mem>>) src(%dma_wait3A_83 : memref<128xf32, #tpu.memory_space<vmem>>) dst(%dma_wait3A_88 : memref<100096xf32, #tpu.memory_space<vmem_shared>>)
        tpu.yield
      }) : () -> ()
      %run_scoped3A_47 = arith.constant 3 : i32
      "tpu.region"() ({
        %run_scoped3A_76 = tpu.sem_alloc : memref<!tpu.dma_semaphore, #tpu.memory_space<semaphore_mem>>
        %dma_start3A = arith.constant 384 : i32
        %dma_start3A_77 = tpu.memref_slice %arg23[%dma_start3A] : memref<1024xf32, #tpu.memory_space<vmem>> -> memref<128xf32, #tpu.memory_space<vmem>>
        %dma_start3A_78 = arith.constant 0 : i32
        %dma_start3A_79 = tpu.memref_slice %arg20[%run_scoped3A_47, %dma_start3A_78] : memref<8x128xi32, #tpu.memory_space<vmem>> -> memref<1x128xi32, #tpu.memory_space<vmem>>
        %dma_start3A_80 = tpu.memref_squeeze %dma_start3A_79 : memref<1x128xi32, #tpu.memory_space<vmem>> -> memref<128xi32, #tpu.memory_space<vmem>>
        %dma_start3A_81 = arith.constant 0 : i32
        %dma_start3A_82 = tpu.memref_slice %arg15[%dma_start3A_81] : memref<100096xf32, #tpu.memory_space<vmem_shared>> -> memref<100096xf32, #tpu.memory_space<vmem_shared>>
        tpu.enqueue_indirect_dma source(%dma_start3A_77 : memref<128xf32, #tpu.memory_space<vmem>>) target(%dma_start3A_82 : memref<100096xf32, #tpu.memory_space<vmem_shared>>) offsets(%dma_start3A_80 : memref<128xi32, #tpu.memory_space<vmem>>) semaphore(%run_scoped3A_76 : memref<!tpu.dma_semaphore, #tpu.memory_space<semaphore_mem>>) {add = true}
        %dma_wait3A = arith.constant 384 : i32
        %dma_wait3A_83 = tpu.memref_slice %arg23[%dma_wait3A] : memref<1024xf32, #tpu.memory_space<vmem>> -> memref<128xf32, #tpu.memory_space<vmem>>
        %dma_wait3A_84 = arith.constant 0 : i32
        %dma_wait3A_85 = tpu.memref_slice %arg20[%run_scoped3A_47, %dma_wait3A_84] : memref<8x128xi32, #tpu.memory_space<vmem>> -> memref<1x128xi32, #tpu.memory_space<vmem>>
        %dma_wait3A_86 = tpu.memref_squeeze %dma_wait3A_85 : memref<1x128xi32, #tpu.memory_space<vmem>> -> memref<128xi32, #tpu.memory_space<vmem>>
        %dma_wait3A_87 = arith.constant 0 : i32
        %dma_wait3A_88 = tpu.memref_slice %arg15[%dma_wait3A_87] : memref<100096xf32, #tpu.memory_space<vmem_shared>> -> memref<100096xf32, #tpu.memory_space<vmem_shared>>
        tpu.wait_indirect_dma semaphore(%run_scoped3A_76 : memref<!tpu.dma_semaphore, #tpu.memory_space<semaphore_mem>>) src(%dma_wait3A_83 : memref<128xf32, #tpu.memory_space<vmem>>) dst(%dma_wait3A_88 : memref<100096xf32, #tpu.memory_space<vmem_shared>>)
        tpu.yield
      }) : () -> ()
      %run_scoped3A_48 = arith.constant 3 : i32
      "tpu.region"() ({
        %run_scoped3A_76 = tpu.sem_alloc : memref<!tpu.dma_semaphore, #tpu.memory_space<semaphore_mem>>
        %dma_start3A = arith.constant 384 : i32
        %dma_start3A_77 = tpu.memref_slice %arg24[%dma_start3A] : memref<1024xf32, #tpu.memory_space<vmem>> -> memref<128xf32, #tpu.memory_space<vmem>>
        %dma_start3A_78 = arith.constant 0 : i32
        %dma_start3A_79 = tpu.memref_slice %arg20[%run_scoped3A_48, %dma_start3A_78] : memref<8x128xi32, #tpu.memory_space<vmem>> -> memref<1x128xi32, #tpu.memory_space<vmem>>
        %dma_start3A_80 = tpu.memref_squeeze %dma_start3A_79 : memref<1x128xi32, #tpu.memory_space<vmem>> -> memref<128xi32, #tpu.memory_space<vmem>>
        %dma_start3A_81 = arith.constant 0 : i32
        %dma_start3A_82 = tpu.memref_slice %arg16[%dma_start3A_81] : memref<100096xf32, #tpu.memory_space<vmem_shared>> -> memref<100096xf32, #tpu.memory_space<vmem_shared>>
        tpu.enqueue_indirect_dma source(%dma_start3A_77 : memref<128xf32, #tpu.memory_space<vmem>>) target(%dma_start3A_82 : memref<100096xf32, #tpu.memory_space<vmem_shared>>) offsets(%dma_start3A_80 : memref<128xi32, #tpu.memory_space<vmem>>) semaphore(%run_scoped3A_76 : memref<!tpu.dma_semaphore, #tpu.memory_space<semaphore_mem>>) {add = true}
        %dma_wait3A = arith.constant 384 : i32
        %dma_wait3A_83 = tpu.memref_slice %arg24[%dma_wait3A] : memref<1024xf32, #tpu.memory_space<vmem>> -> memref<128xf32, #tpu.memory_space<vmem>>
        %dma_wait3A_84 = arith.constant 0 : i32
        %dma_wait3A_85 = tpu.memref_slice %arg20[%run_scoped3A_48, %dma_wait3A_84] : memref<8x128xi32, #tpu.memory_space<vmem>> -> memref<1x128xi32, #tpu.memory_space<vmem>>
        %dma_wait3A_86 = tpu.memref_squeeze %dma_wait3A_85 : memref<1x128xi32, #tpu.memory_space<vmem>> -> memref<128xi32, #tpu.memory_space<vmem>>
        %dma_wait3A_87 = arith.constant 0 : i32
        %dma_wait3A_88 = tpu.memref_slice %arg16[%dma_wait3A_87] : memref<100096xf32, #tpu.memory_space<vmem_shared>> -> memref<100096xf32, #tpu.memory_space<vmem_shared>>
        tpu.wait_indirect_dma semaphore(%run_scoped3A_76 : memref<!tpu.dma_semaphore, #tpu.memory_space<semaphore_mem>>) src(%dma_wait3A_83 : memref<128xf32, #tpu.memory_space<vmem>>) dst(%dma_wait3A_88 : memref<100096xf32, #tpu.memory_space<vmem_shared>>)
        tpu.yield
      }) : () -> ()
      %run_scoped3A_49 = arith.constant 3 : i32
      "tpu.region"() ({
        %run_scoped3A_76 = tpu.sem_alloc : memref<!tpu.dma_semaphore, #tpu.memory_space<semaphore_mem>>
        %dma_start3A = arith.constant 384 : i32
        %dma_start3A_77 = tpu.memref_slice %arg22[%dma_start3A] : memref<1024xf32, #tpu.memory_space<vmem>> -> memref<128xf32, #tpu.memory_space<vmem>>
        %dma_start3A_78 = arith.constant 0 : i32
        %dma_start3A_79 = tpu.memref_slice %arg21[%run_scoped3A_49, %dma_start3A_78] : memref<8x128xi32, #tpu.memory_space<vmem>> -> memref<1x128xi32, #tpu.memory_space<vmem>>
        %dma_start3A_80 = tpu.memref_squeeze %dma_start3A_79 : memref<1x128xi32, #tpu.memory_space<vmem>> -> memref<128xi32, #tpu.memory_space<vmem>>
        %dma_start3A_81 = arith.constant 0 : i32
        %dma_start3A_82 = tpu.memref_slice %arg17[%dma_start3A_81] : memref<100096xf32, #tpu.memory_space<vmem_shared>> -> memref<100096xf32, #tpu.memory_space<vmem_shared>>
        tpu.enqueue_indirect_dma source(%dma_start3A_77 : memref<128xf32, #tpu.memory_space<vmem>>) target(%dma_start3A_82 : memref<100096xf32, #tpu.memory_space<vmem_shared>>) offsets(%dma_start3A_80 : memref<128xi32, #tpu.memory_space<vmem>>) semaphore(%run_scoped3A_76 : memref<!tpu.dma_semaphore, #tpu.memory_space<semaphore_mem>>) {add = true}
        %dma_wait3A = arith.constant 384 : i32
        %dma_wait3A_83 = tpu.memref_slice %arg22[%dma_wait3A] : memref<1024xf32, #tpu.memory_space<vmem>> -> memref<128xf32, #tpu.memory_space<vmem>>
        %dma_wait3A_84 = arith.constant 0 : i32
        %dma_wait3A_85 = tpu.memref_slice %arg21[%run_scoped3A_49, %dma_wait3A_84] : memref<8x128xi32, #tpu.memory_space<vmem>> -> memref<1x128xi32, #tpu.memory_space<vmem>>
        %dma_wait3A_86 = tpu.memref_squeeze %dma_wait3A_85 : memref<1x128xi32, #tpu.memory_space<vmem>> -> memref<128xi32, #tpu.memory_space<vmem>>
        %dma_wait3A_87 = arith.constant 0 : i32
        %dma_wait3A_88 = tpu.memref_slice %arg17[%dma_wait3A_87] : memref<100096xf32, #tpu.memory_space<vmem_shared>> -> memref<100096xf32, #tpu.memory_space<vmem_shared>>
        tpu.wait_indirect_dma semaphore(%run_scoped3A_76 : memref<!tpu.dma_semaphore, #tpu.memory_space<semaphore_mem>>) src(%dma_wait3A_83 : memref<128xf32, #tpu.memory_space<vmem>>) dst(%dma_wait3A_88 : memref<100096xf32, #tpu.memory_space<vmem_shared>>)
        tpu.yield
      }) : () -> ()
      %run_scoped3A_50 = arith.constant 3 : i32
      "tpu.region"() ({
        %run_scoped3A_76 = tpu.sem_alloc : memref<!tpu.dma_semaphore, #tpu.memory_space<semaphore_mem>>
        %dma_start3A = arith.constant 384 : i32
        %dma_start3A_77 = tpu.memref_slice %arg23[%dma_start3A] : memref<1024xf32, #tpu.memory_space<vmem>> -> memref<128xf32, #tpu.memory_space<vmem>>
        %dma_start3A_78 = arith.constant 0 : i32
        %dma_start3A_79 = tpu.memref_slice %arg21[%run_scoped3A_50, %dma_start3A_78] : memref<8x128xi32, #tpu.memory_space<vmem>> -> memref<1x128xi32, #tpu.memory_space<vmem>>
        %dma_start3A_80 = tpu.memref_squeeze %dma_start3A_79 : memref<1x128xi32, #tpu.memory_space<vmem>> -> memref<128xi32, #tpu.memory_space<vmem>>
        %dma_start3A_81 = arith.constant 0 : i32
        %dma_start3A_82 = tpu.memref_slice %arg18[%dma_start3A_81] : memref<100096xf32, #tpu.memory_space<vmem_shared>> -> memref<100096xf32, #tpu.memory_space<vmem_shared>>
        tpu.enqueue_indirect_dma source(%dma_start3A_77 : memref<128xf32, #tpu.memory_space<vmem>>) target(%dma_start3A_82 : memref<100096xf32, #tpu.memory_space<vmem_shared>>) offsets(%dma_start3A_80 : memref<128xi32, #tpu.memory_space<vmem>>) semaphore(%run_scoped3A_76 : memref<!tpu.dma_semaphore, #tpu.memory_space<semaphore_mem>>) {add = true}
        %dma_wait3A = arith.constant 384 : i32
        %dma_wait3A_83 = tpu.memref_slice %arg23[%dma_wait3A] : memref<1024xf32, #tpu.memory_space<vmem>> -> memref<128xf32, #tpu.memory_space<vmem>>
        %dma_wait3A_84 = arith.constant 0 : i32
        %dma_wait3A_85 = tpu.memref_slice %arg21[%run_scoped3A_50, %dma_wait3A_84] : memref<8x128xi32, #tpu.memory_space<vmem>> -> memref<1x128xi32, #tpu.memory_space<vmem>>
        %dma_wait3A_86 = tpu.memref_squeeze %dma_wait3A_85 : memref<1x128xi32, #tpu.memory_space<vmem>> -> memref<128xi32, #tpu.memory_space<vmem>>
        %dma_wait3A_87 = arith.constant 0 : i32
        %dma_wait3A_88 = tpu.memref_slice %arg18[%dma_wait3A_87] : memref<100096xf32, #tpu.memory_space<vmem_shared>> -> memref<100096xf32, #tpu.memory_space<vmem_shared>>
        tpu.wait_indirect_dma semaphore(%run_scoped3A_76 : memref<!tpu.dma_semaphore, #tpu.memory_space<semaphore_mem>>) src(%dma_wait3A_83 : memref<128xf32, #tpu.memory_space<vmem>>) dst(%dma_wait3A_88 : memref<100096xf32, #tpu.memory_space<vmem_shared>>)
        tpu.yield
      }) : () -> ()
      %run_scoped3A_51 = arith.constant 3 : i32
      "tpu.region"() ({
        %run_scoped3A_76 = tpu.sem_alloc : memref<!tpu.dma_semaphore, #tpu.memory_space<semaphore_mem>>
        %dma_start3A = arith.constant 384 : i32
        %dma_start3A_77 = tpu.memref_slice %arg24[%dma_start3A] : memref<1024xf32, #tpu.memory_space<vmem>> -> memref<128xf32, #tpu.memory_space<vmem>>
        %dma_start3A_78 = arith.constant 0 : i32
        %dma_start3A_79 = tpu.memref_slice %arg21[%run_scoped3A_51, %dma_start3A_78] : memref<8x128xi32, #tpu.memory_space<vmem>> -> memref<1x128xi32, #tpu.memory_space<vmem>>
        %dma_start3A_80 = tpu.memref_squeeze %dma_start3A_79 : memref<1x128xi32, #tpu.memory_space<vmem>> -> memref<128xi32, #tpu.memory_space<vmem>>
        %dma_start3A_81 = arith.constant 0 : i32
        %dma_start3A_82 = tpu.memref_slice %arg19[%dma_start3A_81] : memref<100096xf32, #tpu.memory_space<vmem_shared>> -> memref<100096xf32, #tpu.memory_space<vmem_shared>>
        tpu.enqueue_indirect_dma source(%dma_start3A_77 : memref<128xf32, #tpu.memory_space<vmem>>) target(%dma_start3A_82 : memref<100096xf32, #tpu.memory_space<vmem_shared>>) offsets(%dma_start3A_80 : memref<128xi32, #tpu.memory_space<vmem>>) semaphore(%run_scoped3A_76 : memref<!tpu.dma_semaphore, #tpu.memory_space<semaphore_mem>>) {add = true}
        %dma_wait3A = arith.constant 384 : i32
        %dma_wait3A_83 = tpu.memref_slice %arg24[%dma_wait3A] : memref<1024xf32, #tpu.memory_space<vmem>> -> memref<128xf32, #tpu.memory_space<vmem>>
        %dma_wait3A_84 = arith.constant 0 : i32
        %dma_wait3A_85 = tpu.memref_slice %arg21[%run_scoped3A_51, %dma_wait3A_84] : memref<8x128xi32, #tpu.memory_space<vmem>> -> memref<1x128xi32, #tpu.memory_space<vmem>>
        %dma_wait3A_86 = tpu.memref_squeeze %dma_wait3A_85 : memref<1x128xi32, #tpu.memory_space<vmem>> -> memref<128xi32, #tpu.memory_space<vmem>>
        %dma_wait3A_87 = arith.constant 0 : i32
        %dma_wait3A_88 = tpu.memref_slice %arg19[%dma_wait3A_87] : memref<100096xf32, #tpu.memory_space<vmem_shared>> -> memref<100096xf32, #tpu.memory_space<vmem_shared>>
        tpu.wait_indirect_dma semaphore(%run_scoped3A_76 : memref<!tpu.dma_semaphore, #tpu.memory_space<semaphore_mem>>) src(%dma_wait3A_83 : memref<128xf32, #tpu.memory_space<vmem>>) dst(%dma_wait3A_88 : memref<100096xf32, #tpu.memory_space<vmem_shared>>)
        tpu.yield
      }) : () -> ()
      %run_scoped3A_52 = arith.constant 4 : i32
      "tpu.region"() ({
        %run_scoped3A_76 = tpu.sem_alloc : memref<!tpu.dma_semaphore, #tpu.memory_space<semaphore_mem>>
        %dma_start3A = arith.constant 512 : i32
        %dma_start3A_77 = tpu.memref_slice %arg22[%dma_start3A] : memref<1024xf32, #tpu.memory_space<vmem>> -> memref<128xf32, #tpu.memory_space<vmem>>
        %dma_start3A_78 = arith.constant 0 : i32
        %dma_start3A_79 = tpu.memref_slice %arg20[%run_scoped3A_52, %dma_start3A_78] : memref<8x128xi32, #tpu.memory_space<vmem>> -> memref<1x128xi32, #tpu.memory_space<vmem>>
        %dma_start3A_80 = tpu.memref_squeeze %dma_start3A_79 : memref<1x128xi32, #tpu.memory_space<vmem>> -> memref<128xi32, #tpu.memory_space<vmem>>
        %dma_start3A_81 = arith.constant 0 : i32
        %dma_start3A_82 = tpu.memref_slice %arg14[%dma_start3A_81] : memref<100096xf32, #tpu.memory_space<vmem_shared>> -> memref<100096xf32, #tpu.memory_space<vmem_shared>>
        tpu.enqueue_indirect_dma source(%dma_start3A_77 : memref<128xf32, #tpu.memory_space<vmem>>) target(%dma_start3A_82 : memref<100096xf32, #tpu.memory_space<vmem_shared>>) offsets(%dma_start3A_80 : memref<128xi32, #tpu.memory_space<vmem>>) semaphore(%run_scoped3A_76 : memref<!tpu.dma_semaphore, #tpu.memory_space<semaphore_mem>>) {add = true}
        %dma_wait3A = arith.constant 512 : i32
        %dma_wait3A_83 = tpu.memref_slice %arg22[%dma_wait3A] : memref<1024xf32, #tpu.memory_space<vmem>> -> memref<128xf32, #tpu.memory_space<vmem>>
        %dma_wait3A_84 = arith.constant 0 : i32
        %dma_wait3A_85 = tpu.memref_slice %arg20[%run_scoped3A_52, %dma_wait3A_84] : memref<8x128xi32, #tpu.memory_space<vmem>> -> memref<1x128xi32, #tpu.memory_space<vmem>>
        %dma_wait3A_86 = tpu.memref_squeeze %dma_wait3A_85 : memref<1x128xi32, #tpu.memory_space<vmem>> -> memref<128xi32, #tpu.memory_space<vmem>>
        %dma_wait3A_87 = arith.constant 0 : i32
        %dma_wait3A_88 = tpu.memref_slice %arg14[%dma_wait3A_87] : memref<100096xf32, #tpu.memory_space<vmem_shared>> -> memref<100096xf32, #tpu.memory_space<vmem_shared>>
        tpu.wait_indirect_dma semaphore(%run_scoped3A_76 : memref<!tpu.dma_semaphore, #tpu.memory_space<semaphore_mem>>) src(%dma_wait3A_83 : memref<128xf32, #tpu.memory_space<vmem>>) dst(%dma_wait3A_88 : memref<100096xf32, #tpu.memory_space<vmem_shared>>)
        tpu.yield
      }) : () -> ()
      %run_scoped3A_53 = arith.constant 4 : i32
      "tpu.region"() ({
        %run_scoped3A_76 = tpu.sem_alloc : memref<!tpu.dma_semaphore, #tpu.memory_space<semaphore_mem>>
        %dma_start3A = arith.constant 512 : i32
        %dma_start3A_77 = tpu.memref_slice %arg23[%dma_start3A] : memref<1024xf32, #tpu.memory_space<vmem>> -> memref<128xf32, #tpu.memory_space<vmem>>
        %dma_start3A_78 = arith.constant 0 : i32
        %dma_start3A_79 = tpu.memref_slice %arg20[%run_scoped3A_53, %dma_start3A_78] : memref<8x128xi32, #tpu.memory_space<vmem>> -> memref<1x128xi32, #tpu.memory_space<vmem>>
        %dma_start3A_80 = tpu.memref_squeeze %dma_start3A_79 : memref<1x128xi32, #tpu.memory_space<vmem>> -> memref<128xi32, #tpu.memory_space<vmem>>
        %dma_start3A_81 = arith.constant 0 : i32
        %dma_start3A_82 = tpu.memref_slice %arg15[%dma_start3A_81] : memref<100096xf32, #tpu.memory_space<vmem_shared>> -> memref<100096xf32, #tpu.memory_space<vmem_shared>>
        tpu.enqueue_indirect_dma source(%dma_start3A_77 : memref<128xf32, #tpu.memory_space<vmem>>) target(%dma_start3A_82 : memref<100096xf32, #tpu.memory_space<vmem_shared>>) offsets(%dma_start3A_80 : memref<128xi32, #tpu.memory_space<vmem>>) semaphore(%run_scoped3A_76 : memref<!tpu.dma_semaphore, #tpu.memory_space<semaphore_mem>>) {add = true}
        %dma_wait3A = arith.constant 512 : i32
        %dma_wait3A_83 = tpu.memref_slice %arg23[%dma_wait3A] : memref<1024xf32, #tpu.memory_space<vmem>> -> memref<128xf32, #tpu.memory_space<vmem>>
        %dma_wait3A_84 = arith.constant 0 : i32
        %dma_wait3A_85 = tpu.memref_slice %arg20[%run_scoped3A_53, %dma_wait3A_84] : memref<8x128xi32, #tpu.memory_space<vmem>> -> memref<1x128xi32, #tpu.memory_space<vmem>>
        %dma_wait3A_86 = tpu.memref_squeeze %dma_wait3A_85 : memref<1x128xi32, #tpu.memory_space<vmem>> -> memref<128xi32, #tpu.memory_space<vmem>>
        %dma_wait3A_87 = arith.constant 0 : i32
        %dma_wait3A_88 = tpu.memref_slice %arg15[%dma_wait3A_87] : memref<100096xf32, #tpu.memory_space<vmem_shared>> -> memref<100096xf32, #tpu.memory_space<vmem_shared>>
        tpu.wait_indirect_dma semaphore(%run_scoped3A_76 : memref<!tpu.dma_semaphore, #tpu.memory_space<semaphore_mem>>) src(%dma_wait3A_83 : memref<128xf32, #tpu.memory_space<vmem>>) dst(%dma_wait3A_88 : memref<100096xf32, #tpu.memory_space<vmem_shared>>)
        tpu.yield
      }) : () -> ()
      %run_scoped3A_54 = arith.constant 4 : i32
      "tpu.region"() ({
        %run_scoped3A_76 = tpu.sem_alloc : memref<!tpu.dma_semaphore, #tpu.memory_space<semaphore_mem>>
        %dma_start3A = arith.constant 512 : i32
        %dma_start3A_77 = tpu.memref_slice %arg24[%dma_start3A] : memref<1024xf32, #tpu.memory_space<vmem>> -> memref<128xf32, #tpu.memory_space<vmem>>
        %dma_start3A_78 = arith.constant 0 : i32
        %dma_start3A_79 = tpu.memref_slice %arg20[%run_scoped3A_54, %dma_start3A_78] : memref<8x128xi32, #tpu.memory_space<vmem>> -> memref<1x128xi32, #tpu.memory_space<vmem>>
        %dma_start3A_80 = tpu.memref_squeeze %dma_start3A_79 : memref<1x128xi32, #tpu.memory_space<vmem>> -> memref<128xi32, #tpu.memory_space<vmem>>
        %dma_start3A_81 = arith.constant 0 : i32
        %dma_start3A_82 = tpu.memref_slice %arg16[%dma_start3A_81] : memref<100096xf32, #tpu.memory_space<vmem_shared>> -> memref<100096xf32, #tpu.memory_space<vmem_shared>>
        tpu.enqueue_indirect_dma source(%dma_start3A_77 : memref<128xf32, #tpu.memory_space<vmem>>) target(%dma_start3A_82 : memref<100096xf32, #tpu.memory_space<vmem_shared>>) offsets(%dma_start3A_80 : memref<128xi32, #tpu.memory_space<vmem>>) semaphore(%run_scoped3A_76 : memref<!tpu.dma_semaphore, #tpu.memory_space<semaphore_mem>>) {add = true}
        %dma_wait3A = arith.constant 512 : i32
        %dma_wait3A_83 = tpu.memref_slice %arg24[%dma_wait3A] : memref<1024xf32, #tpu.memory_space<vmem>> -> memref<128xf32, #tpu.memory_space<vmem>>
        %dma_wait3A_84 = arith.constant 0 : i32
        %dma_wait3A_85 = tpu.memref_slice %arg20[%run_scoped3A_54, %dma_wait3A_84] : memref<8x128xi32, #tpu.memory_space<vmem>> -> memref<1x128xi32, #tpu.memory_space<vmem>>
        %dma_wait3A_86 = tpu.memref_squeeze %dma_wait3A_85 : memref<1x128xi32, #tpu.memory_space<vmem>> -> memref<128xi32, #tpu.memory_space<vmem>>
        %dma_wait3A_87 = arith.constant 0 : i32
        %dma_wait3A_88 = tpu.memref_slice %arg16[%dma_wait3A_87] : memref<100096xf32, #tpu.memory_space<vmem_shared>> -> memref<100096xf32, #tpu.memory_space<vmem_shared>>
        tpu.wait_indirect_dma semaphore(%run_scoped3A_76 : memref<!tpu.dma_semaphore, #tpu.memory_space<semaphore_mem>>) src(%dma_wait3A_83 : memref<128xf32, #tpu.memory_space<vmem>>) dst(%dma_wait3A_88 : memref<100096xf32, #tpu.memory_space<vmem_shared>>)
        tpu.yield
      }) : () -> ()
      %run_scoped3A_55 = arith.constant 4 : i32
      "tpu.region"() ({
        %run_scoped3A_76 = tpu.sem_alloc : memref<!tpu.dma_semaphore, #tpu.memory_space<semaphore_mem>>
        %dma_start3A = arith.constant 512 : i32
        %dma_start3A_77 = tpu.memref_slice %arg22[%dma_start3A] : memref<1024xf32, #tpu.memory_space<vmem>> -> memref<128xf32, #tpu.memory_space<vmem>>
        %dma_start3A_78 = arith.constant 0 : i32
        %dma_start3A_79 = tpu.memref_slice %arg21[%run_scoped3A_55, %dma_start3A_78] : memref<8x128xi32, #tpu.memory_space<vmem>> -> memref<1x128xi32, #tpu.memory_space<vmem>>
        %dma_start3A_80 = tpu.memref_squeeze %dma_start3A_79 : memref<1x128xi32, #tpu.memory_space<vmem>> -> memref<128xi32, #tpu.memory_space<vmem>>
        %dma_start3A_81 = arith.constant 0 : i32
        %dma_start3A_82 = tpu.memref_slice %arg17[%dma_start3A_81] : memref<100096xf32, #tpu.memory_space<vmem_shared>> -> memref<100096xf32, #tpu.memory_space<vmem_shared>>
        tpu.enqueue_indirect_dma source(%dma_start3A_77 : memref<128xf32, #tpu.memory_space<vmem>>) target(%dma_start3A_82 : memref<100096xf32, #tpu.memory_space<vmem_shared>>) offsets(%dma_start3A_80 : memref<128xi32, #tpu.memory_space<vmem>>) semaphore(%run_scoped3A_76 : memref<!tpu.dma_semaphore, #tpu.memory_space<semaphore_mem>>) {add = true}
        %dma_wait3A = arith.constant 512 : i32
        %dma_wait3A_83 = tpu.memref_slice %arg22[%dma_wait3A] : memref<1024xf32, #tpu.memory_space<vmem>> -> memref<128xf32, #tpu.memory_space<vmem>>
        %dma_wait3A_84 = arith.constant 0 : i32
        %dma_wait3A_85 = tpu.memref_slice %arg21[%run_scoped3A_55, %dma_wait3A_84] : memref<8x128xi32, #tpu.memory_space<vmem>> -> memref<1x128xi32, #tpu.memory_space<vmem>>
        %dma_wait3A_86 = tpu.memref_squeeze %dma_wait3A_85 : memref<1x128xi32, #tpu.memory_space<vmem>> -> memref<128xi32, #tpu.memory_space<vmem>>
        %dma_wait3A_87 = arith.constant 0 : i32
        %dma_wait3A_88 = tpu.memref_slice %arg17[%dma_wait3A_87] : memref<100096xf32, #tpu.memory_space<vmem_shared>> -> memref<100096xf32, #tpu.memory_space<vmem_shared>>
        tpu.wait_indirect_dma semaphore(%run_scoped3A_76 : memref<!tpu.dma_semaphore, #tpu.memory_space<semaphore_mem>>) src(%dma_wait3A_83 : memref<128xf32, #tpu.memory_space<vmem>>) dst(%dma_wait3A_88 : memref<100096xf32, #tpu.memory_space<vmem_shared>>)
        tpu.yield
      }) : () -> ()
      %run_scoped3A_56 = arith.constant 4 : i32
      "tpu.region"() ({
        %run_scoped3A_76 = tpu.sem_alloc : memref<!tpu.dma_semaphore, #tpu.memory_space<semaphore_mem>>
        %dma_start3A = arith.constant 512 : i32
        %dma_start3A_77 = tpu.memref_slice %arg23[%dma_start3A] : memref<1024xf32, #tpu.memory_space<vmem>> -> memref<128xf32, #tpu.memory_space<vmem>>
        %dma_start3A_78 = arith.constant 0 : i32
        %dma_start3A_79 = tpu.memref_slice %arg21[%run_scoped3A_56, %dma_start3A_78] : memref<8x128xi32, #tpu.memory_space<vmem>> -> memref<1x128xi32, #tpu.memory_space<vmem>>
        %dma_start3A_80 = tpu.memref_squeeze %dma_start3A_79 : memref<1x128xi32, #tpu.memory_space<vmem>> -> memref<128xi32, #tpu.memory_space<vmem>>
        %dma_start3A_81 = arith.constant 0 : i32
        %dma_start3A_82 = tpu.memref_slice %arg18[%dma_start3A_81] : memref<100096xf32, #tpu.memory_space<vmem_shared>> -> memref<100096xf32, #tpu.memory_space<vmem_shared>>
        tpu.enqueue_indirect_dma source(%dma_start3A_77 : memref<128xf32, #tpu.memory_space<vmem>>) target(%dma_start3A_82 : memref<100096xf32, #tpu.memory_space<vmem_shared>>) offsets(%dma_start3A_80 : memref<128xi32, #tpu.memory_space<vmem>>) semaphore(%run_scoped3A_76 : memref<!tpu.dma_semaphore, #tpu.memory_space<semaphore_mem>>) {add = true}
        %dma_wait3A = arith.constant 512 : i32
        %dma_wait3A_83 = tpu.memref_slice %arg23[%dma_wait3A] : memref<1024xf32, #tpu.memory_space<vmem>> -> memref<128xf32, #tpu.memory_space<vmem>>
        %dma_wait3A_84 = arith.constant 0 : i32
        %dma_wait3A_85 = tpu.memref_slice %arg21[%run_scoped3A_56, %dma_wait3A_84] : memref<8x128xi32, #tpu.memory_space<vmem>> -> memref<1x128xi32, #tpu.memory_space<vmem>>
        %dma_wait3A_86 = tpu.memref_squeeze %dma_wait3A_85 : memref<1x128xi32, #tpu.memory_space<vmem>> -> memref<128xi32, #tpu.memory_space<vmem>>
        %dma_wait3A_87 = arith.constant 0 : i32
        %dma_wait3A_88 = tpu.memref_slice %arg18[%dma_wait3A_87] : memref<100096xf32, #tpu.memory_space<vmem_shared>> -> memref<100096xf32, #tpu.memory_space<vmem_shared>>
        tpu.wait_indirect_dma semaphore(%run_scoped3A_76 : memref<!tpu.dma_semaphore, #tpu.memory_space<semaphore_mem>>) src(%dma_wait3A_83 : memref<128xf32, #tpu.memory_space<vmem>>) dst(%dma_wait3A_88 : memref<100096xf32, #tpu.memory_space<vmem_shared>>)
        tpu.yield
      }) : () -> ()
      %run_scoped3A_57 = arith.constant 4 : i32
      "tpu.region"() ({
        %run_scoped3A_76 = tpu.sem_alloc : memref<!tpu.dma_semaphore, #tpu.memory_space<semaphore_mem>>
        %dma_start3A = arith.constant 512 : i32
        %dma_start3A_77 = tpu.memref_slice %arg24[%dma_start3A] : memref<1024xf32, #tpu.memory_space<vmem>> -> memref<128xf32, #tpu.memory_space<vmem>>
        %dma_start3A_78 = arith.constant 0 : i32
        %dma_start3A_79 = tpu.memref_slice %arg21[%run_scoped3A_57, %dma_start3A_78] : memref<8x128xi32, #tpu.memory_space<vmem>> -> memref<1x128xi32, #tpu.memory_space<vmem>>
        %dma_start3A_80 = tpu.memref_squeeze %dma_start3A_79 : memref<1x128xi32, #tpu.memory_space<vmem>> -> memref<128xi32, #tpu.memory_space<vmem>>
        %dma_start3A_81 = arith.constant 0 : i32
        %dma_start3A_82 = tpu.memref_slice %arg19[%dma_start3A_81] : memref<100096xf32, #tpu.memory_space<vmem_shared>> -> memref<100096xf32, #tpu.memory_space<vmem_shared>>
        tpu.enqueue_indirect_dma source(%dma_start3A_77 : memref<128xf32, #tpu.memory_space<vmem>>) target(%dma_start3A_82 : memref<100096xf32, #tpu.memory_space<vmem_shared>>) offsets(%dma_start3A_80 : memref<128xi32, #tpu.memory_space<vmem>>) semaphore(%run_scoped3A_76 : memref<!tpu.dma_semaphore, #tpu.memory_space<semaphore_mem>>) {add = true}
        %dma_wait3A = arith.constant 512 : i32
        %dma_wait3A_83 = tpu.memref_slice %arg24[%dma_wait3A] : memref<1024xf32, #tpu.memory_space<vmem>> -> memref<128xf32, #tpu.memory_space<vmem>>
        %dma_wait3A_84 = arith.constant 0 : i32
        %dma_wait3A_85 = tpu.memref_slice %arg21[%run_scoped3A_57, %dma_wait3A_84] : memref<8x128xi32, #tpu.memory_space<vmem>> -> memref<1x128xi32, #tpu.memory_space<vmem>>
        %dma_wait3A_86 = tpu.memref_squeeze %dma_wait3A_85 : memref<1x128xi32, #tpu.memory_space<vmem>> -> memref<128xi32, #tpu.memory_space<vmem>>
        %dma_wait3A_87 = arith.constant 0 : i32
        %dma_wait3A_88 = tpu.memref_slice %arg19[%dma_wait3A_87] : memref<100096xf32, #tpu.memory_space<vmem_shared>> -> memref<100096xf32, #tpu.memory_space<vmem_shared>>
        tpu.wait_indirect_dma semaphore(%run_scoped3A_76 : memref<!tpu.dma_semaphore, #tpu.memory_space<semaphore_mem>>) src(%dma_wait3A_83 : memref<128xf32, #tpu.memory_space<vmem>>) dst(%dma_wait3A_88 : memref<100096xf32, #tpu.memory_space<vmem_shared>>)
        tpu.yield
      }) : () -> ()
      %run_scoped3A_58 = arith.constant 5 : i32
      "tpu.region"() ({
        %run_scoped3A_76 = tpu.sem_alloc : memref<!tpu.dma_semaphore, #tpu.memory_space<semaphore_mem>>
        %dma_start3A = arith.constant 640 : i32
        %dma_start3A_77 = tpu.memref_slice %arg22[%dma_start3A] : memref<1024xf32, #tpu.memory_space<vmem>> -> memref<128xf32, #tpu.memory_space<vmem>>
        %dma_start3A_78 = arith.constant 0 : i32
        %dma_start3A_79 = tpu.memref_slice %arg20[%run_scoped3A_58, %dma_start3A_78] : memref<8x128xi32, #tpu.memory_space<vmem>> -> memref<1x128xi32, #tpu.memory_space<vmem>>
        %dma_start3A_80 = tpu.memref_squeeze %dma_start3A_79 : memref<1x128xi32, #tpu.memory_space<vmem>> -> memref<128xi32, #tpu.memory_space<vmem>>
        %dma_start3A_81 = arith.constant 0 : i32
        %dma_start3A_82 = tpu.memref_slice %arg14[%dma_start3A_81] : memref<100096xf32, #tpu.memory_space<vmem_shared>> -> memref<100096xf32, #tpu.memory_space<vmem_shared>>
        tpu.enqueue_indirect_dma source(%dma_start3A_77 : memref<128xf32, #tpu.memory_space<vmem>>) target(%dma_start3A_82 : memref<100096xf32, #tpu.memory_space<vmem_shared>>) offsets(%dma_start3A_80 : memref<128xi32, #tpu.memory_space<vmem>>) semaphore(%run_scoped3A_76 : memref<!tpu.dma_semaphore, #tpu.memory_space<semaphore_mem>>) {add = true}
        %dma_wait3A = arith.constant 640 : i32
        %dma_wait3A_83 = tpu.memref_slice %arg22[%dma_wait3A] : memref<1024xf32, #tpu.memory_space<vmem>> -> memref<128xf32, #tpu.memory_space<vmem>>
        %dma_wait3A_84 = arith.constant 0 : i32
        %dma_wait3A_85 = tpu.memref_slice %arg20[%run_scoped3A_58, %dma_wait3A_84] : memref<8x128xi32, #tpu.memory_space<vmem>> -> memref<1x128xi32, #tpu.memory_space<vmem>>
        %dma_wait3A_86 = tpu.memref_squeeze %dma_wait3A_85 : memref<1x128xi32, #tpu.memory_space<vmem>> -> memref<128xi32, #tpu.memory_space<vmem>>
        %dma_wait3A_87 = arith.constant 0 : i32
        %dma_wait3A_88 = tpu.memref_slice %arg14[%dma_wait3A_87] : memref<100096xf32, #tpu.memory_space<vmem_shared>> -> memref<100096xf32, #tpu.memory_space<vmem_shared>>
        tpu.wait_indirect_dma semaphore(%run_scoped3A_76 : memref<!tpu.dma_semaphore, #tpu.memory_space<semaphore_mem>>) src(%dma_wait3A_83 : memref<128xf32, #tpu.memory_space<vmem>>) dst(%dma_wait3A_88 : memref<100096xf32, #tpu.memory_space<vmem_shared>>)
        tpu.yield
      }) : () -> ()
      %run_scoped3A_59 = arith.constant 5 : i32
      "tpu.region"() ({
        %run_scoped3A_76 = tpu.sem_alloc : memref<!tpu.dma_semaphore, #tpu.memory_space<semaphore_mem>>
        %dma_start3A = arith.constant 640 : i32
        %dma_start3A_77 = tpu.memref_slice %arg23[%dma_start3A] : memref<1024xf32, #tpu.memory_space<vmem>> -> memref<128xf32, #tpu.memory_space<vmem>>
        %dma_start3A_78 = arith.constant 0 : i32
        %dma_start3A_79 = tpu.memref_slice %arg20[%run_scoped3A_59, %dma_start3A_78] : memref<8x128xi32, #tpu.memory_space<vmem>> -> memref<1x128xi32, #tpu.memory_space<vmem>>
        %dma_start3A_80 = tpu.memref_squeeze %dma_start3A_79 : memref<1x128xi32, #tpu.memory_space<vmem>> -> memref<128xi32, #tpu.memory_space<vmem>>
        %dma_start3A_81 = arith.constant 0 : i32
        %dma_start3A_82 = tpu.memref_slice %arg15[%dma_start3A_81] : memref<100096xf32, #tpu.memory_space<vmem_shared>> -> memref<100096xf32, #tpu.memory_space<vmem_shared>>
        tpu.enqueue_indirect_dma source(%dma_start3A_77 : memref<128xf32, #tpu.memory_space<vmem>>) target(%dma_start3A_82 : memref<100096xf32, #tpu.memory_space<vmem_shared>>) offsets(%dma_start3A_80 : memref<128xi32, #tpu.memory_space<vmem>>) semaphore(%run_scoped3A_76 : memref<!tpu.dma_semaphore, #tpu.memory_space<semaphore_mem>>) {add = true}
        %dma_wait3A = arith.constant 640 : i32
        %dma_wait3A_83 = tpu.memref_slice %arg23[%dma_wait3A] : memref<1024xf32, #tpu.memory_space<vmem>> -> memref<128xf32, #tpu.memory_space<vmem>>
        %dma_wait3A_84 = arith.constant 0 : i32
        %dma_wait3A_85 = tpu.memref_slice %arg20[%run_scoped3A_59, %dma_wait3A_84] : memref<8x128xi32, #tpu.memory_space<vmem>> -> memref<1x128xi32, #tpu.memory_space<vmem>>
        %dma_wait3A_86 = tpu.memref_squeeze %dma_wait3A_85 : memref<1x128xi32, #tpu.memory_space<vmem>> -> memref<128xi32, #tpu.memory_space<vmem>>
        %dma_wait3A_87 = arith.constant 0 : i32
        %dma_wait3A_88 = tpu.memref_slice %arg15[%dma_wait3A_87] : memref<100096xf32, #tpu.memory_space<vmem_shared>> -> memref<100096xf32, #tpu.memory_space<vmem_shared>>
        tpu.wait_indirect_dma semaphore(%run_scoped3A_76 : memref<!tpu.dma_semaphore, #tpu.memory_space<semaphore_mem>>) src(%dma_wait3A_83 : memref<128xf32, #tpu.memory_space<vmem>>) dst(%dma_wait3A_88 : memref<100096xf32, #tpu.memory_space<vmem_shared>>)
        tpu.yield
      }) : () -> ()
      %run_scoped3A_60 = arith.constant 5 : i32
      "tpu.region"() ({
        %run_scoped3A_76 = tpu.sem_alloc : memref<!tpu.dma_semaphore, #tpu.memory_space<semaphore_mem>>
        %dma_start3A = arith.constant 640 : i32
        %dma_start3A_77 = tpu.memref_slice %arg24[%dma_start3A] : memref<1024xf32, #tpu.memory_space<vmem>> -> memref<128xf32, #tpu.memory_space<vmem>>
        %dma_start3A_78 = arith.constant 0 : i32
        %dma_start3A_79 = tpu.memref_slice %arg20[%run_scoped3A_60, %dma_start3A_78] : memref<8x128xi32, #tpu.memory_space<vmem>> -> memref<1x128xi32, #tpu.memory_space<vmem>>
        %dma_start3A_80 = tpu.memref_squeeze %dma_start3A_79 : memref<1x128xi32, #tpu.memory_space<vmem>> -> memref<128xi32, #tpu.memory_space<vmem>>
        %dma_start3A_81 = arith.constant 0 : i32
        %dma_start3A_82 = tpu.memref_slice %arg16[%dma_start3A_81] : memref<100096xf32, #tpu.memory_space<vmem_shared>> -> memref<100096xf32, #tpu.memory_space<vmem_shared>>
        tpu.enqueue_indirect_dma source(%dma_start3A_77 : memref<128xf32, #tpu.memory_space<vmem>>) target(%dma_start3A_82 : memref<100096xf32, #tpu.memory_space<vmem_shared>>) offsets(%dma_start3A_80 : memref<128xi32, #tpu.memory_space<vmem>>) semaphore(%run_scoped3A_76 : memref<!tpu.dma_semaphore, #tpu.memory_space<semaphore_mem>>) {add = true}
        %dma_wait3A = arith.constant 640 : i32
        %dma_wait3A_83 = tpu.memref_slice %arg24[%dma_wait3A] : memref<1024xf32, #tpu.memory_space<vmem>> -> memref<128xf32, #tpu.memory_space<vmem>>
        %dma_wait3A_84 = arith.constant 0 : i32
        %dma_wait3A_85 = tpu.memref_slice %arg20[%run_scoped3A_60, %dma_wait3A_84] : memref<8x128xi32, #tpu.memory_space<vmem>> -> memref<1x128xi32, #tpu.memory_space<vmem>>
        %dma_wait3A_86 = tpu.memref_squeeze %dma_wait3A_85 : memref<1x128xi32, #tpu.memory_space<vmem>> -> memref<128xi32, #tpu.memory_space<vmem>>
        %dma_wait3A_87 = arith.constant 0 : i32
        %dma_wait3A_88 = tpu.memref_slice %arg16[%dma_wait3A_87] : memref<100096xf32, #tpu.memory_space<vmem_shared>> -> memref<100096xf32, #tpu.memory_space<vmem_shared>>
        tpu.wait_indirect_dma semaphore(%run_scoped3A_76 : memref<!tpu.dma_semaphore, #tpu.memory_space<semaphore_mem>>) src(%dma_wait3A_83 : memref<128xf32, #tpu.memory_space<vmem>>) dst(%dma_wait3A_88 : memref<100096xf32, #tpu.memory_space<vmem_shared>>)
        tpu.yield
      }) : () -> ()
      %run_scoped3A_61 = arith.constant 5 : i32
      "tpu.region"() ({
        %run_scoped3A_76 = tpu.sem_alloc : memref<!tpu.dma_semaphore, #tpu.memory_space<semaphore_mem>>
        %dma_start3A = arith.constant 640 : i32
        %dma_start3A_77 = tpu.memref_slice %arg22[%dma_start3A] : memref<1024xf32, #tpu.memory_space<vmem>> -> memref<128xf32, #tpu.memory_space<vmem>>
        %dma_start3A_78 = arith.constant 0 : i32
        %dma_start3A_79 = tpu.memref_slice %arg21[%run_scoped3A_61, %dma_start3A_78] : memref<8x128xi32, #tpu.memory_space<vmem>> -> memref<1x128xi32, #tpu.memory_space<vmem>>
        %dma_start3A_80 = tpu.memref_squeeze %dma_start3A_79 : memref<1x128xi32, #tpu.memory_space<vmem>> -> memref<128xi32, #tpu.memory_space<vmem>>
        %dma_start3A_81 = arith.constant 0 : i32
        %dma_start3A_82 = tpu.memref_slice %arg17[%dma_start3A_81] : memref<100096xf32, #tpu.memory_space<vmem_shared>> -> memref<100096xf32, #tpu.memory_space<vmem_shared>>
        tpu.enqueue_indirect_dma source(%dma_start3A_77 : memref<128xf32, #tpu.memory_space<vmem>>) target(%dma_start3A_82 : memref<100096xf32, #tpu.memory_space<vmem_shared>>) offsets(%dma_start3A_80 : memref<128xi32, #tpu.memory_space<vmem>>) semaphore(%run_scoped3A_76 : memref<!tpu.dma_semaphore, #tpu.memory_space<semaphore_mem>>) {add = true}
        %dma_wait3A = arith.constant 640 : i32
        %dma_wait3A_83 = tpu.memref_slice %arg22[%dma_wait3A] : memref<1024xf32, #tpu.memory_space<vmem>> -> memref<128xf32, #tpu.memory_space<vmem>>
        %dma_wait3A_84 = arith.constant 0 : i32
        %dma_wait3A_85 = tpu.memref_slice %arg21[%run_scoped3A_61, %dma_wait3A_84] : memref<8x128xi32, #tpu.memory_space<vmem>> -> memref<1x128xi32, #tpu.memory_space<vmem>>
        %dma_wait3A_86 = tpu.memref_squeeze %dma_wait3A_85 : memref<1x128xi32, #tpu.memory_space<vmem>> -> memref<128xi32, #tpu.memory_space<vmem>>
        %dma_wait3A_87 = arith.constant 0 : i32
        %dma_wait3A_88 = tpu.memref_slice %arg17[%dma_wait3A_87] : memref<100096xf32, #tpu.memory_space<vmem_shared>> -> memref<100096xf32, #tpu.memory_space<vmem_shared>>
        tpu.wait_indirect_dma semaphore(%run_scoped3A_76 : memref<!tpu.dma_semaphore, #tpu.memory_space<semaphore_mem>>) src(%dma_wait3A_83 : memref<128xf32, #tpu.memory_space<vmem>>) dst(%dma_wait3A_88 : memref<100096xf32, #tpu.memory_space<vmem_shared>>)
        tpu.yield
      }) : () -> ()
      %run_scoped3A_62 = arith.constant 5 : i32
      "tpu.region"() ({
        %run_scoped3A_76 = tpu.sem_alloc : memref<!tpu.dma_semaphore, #tpu.memory_space<semaphore_mem>>
        %dma_start3A = arith.constant 640 : i32
        %dma_start3A_77 = tpu.memref_slice %arg23[%dma_start3A] : memref<1024xf32, #tpu.memory_space<vmem>> -> memref<128xf32, #tpu.memory_space<vmem>>
        %dma_start3A_78 = arith.constant 0 : i32
        %dma_start3A_79 = tpu.memref_slice %arg21[%run_scoped3A_62, %dma_start3A_78] : memref<8x128xi32, #tpu.memory_space<vmem>> -> memref<1x128xi32, #tpu.memory_space<vmem>>
        %dma_start3A_80 = tpu.memref_squeeze %dma_start3A_79 : memref<1x128xi32, #tpu.memory_space<vmem>> -> memref<128xi32, #tpu.memory_space<vmem>>
        %dma_start3A_81 = arith.constant 0 : i32
        %dma_start3A_82 = tpu.memref_slice %arg18[%dma_start3A_81] : memref<100096xf32, #tpu.memory_space<vmem_shared>> -> memref<100096xf32, #tpu.memory_space<vmem_shared>>
        tpu.enqueue_indirect_dma source(%dma_start3A_77 : memref<128xf32, #tpu.memory_space<vmem>>) target(%dma_start3A_82 : memref<100096xf32, #tpu.memory_space<vmem_shared>>) offsets(%dma_start3A_80 : memref<128xi32, #tpu.memory_space<vmem>>) semaphore(%run_scoped3A_76 : memref<!tpu.dma_semaphore, #tpu.memory_space<semaphore_mem>>) {add = true}
        %dma_wait3A = arith.constant 640 : i32
        %dma_wait3A_83 = tpu.memref_slice %arg23[%dma_wait3A] : memref<1024xf32, #tpu.memory_space<vmem>> -> memref<128xf32, #tpu.memory_space<vmem>>
        %dma_wait3A_84 = arith.constant 0 : i32
        %dma_wait3A_85 = tpu.memref_slice %arg21[%run_scoped3A_62, %dma_wait3A_84] : memref<8x128xi32, #tpu.memory_space<vmem>> -> memref<1x128xi32, #tpu.memory_space<vmem>>
        %dma_wait3A_86 = tpu.memref_squeeze %dma_wait3A_85 : memref<1x128xi32, #tpu.memory_space<vmem>> -> memref<128xi32, #tpu.memory_space<vmem>>
        %dma_wait3A_87 = arith.constant 0 : i32
        %dma_wait3A_88 = tpu.memref_slice %arg18[%dma_wait3A_87] : memref<100096xf32, #tpu.memory_space<vmem_shared>> -> memref<100096xf32, #tpu.memory_space<vmem_shared>>
        tpu.wait_indirect_dma semaphore(%run_scoped3A_76 : memref<!tpu.dma_semaphore, #tpu.memory_space<semaphore_mem>>) src(%dma_wait3A_83 : memref<128xf32, #tpu.memory_space<vmem>>) dst(%dma_wait3A_88 : memref<100096xf32, #tpu.memory_space<vmem_shared>>)
        tpu.yield
      }) : () -> ()
      %run_scoped3A_63 = arith.constant 5 : i32
      "tpu.region"() ({
        %run_scoped3A_76 = tpu.sem_alloc : memref<!tpu.dma_semaphore, #tpu.memory_space<semaphore_mem>>
        %dma_start3A = arith.constant 640 : i32
        %dma_start3A_77 = tpu.memref_slice %arg24[%dma_start3A] : memref<1024xf32, #tpu.memory_space<vmem>> -> memref<128xf32, #tpu.memory_space<vmem>>
        %dma_start3A_78 = arith.constant 0 : i32
        %dma_start3A_79 = tpu.memref_slice %arg21[%run_scoped3A_63, %dma_start3A_78] : memref<8x128xi32, #tpu.memory_space<vmem>> -> memref<1x128xi32, #tpu.memory_space<vmem>>
        %dma_start3A_80 = tpu.memref_squeeze %dma_start3A_79 : memref<1x128xi32, #tpu.memory_space<vmem>> -> memref<128xi32, #tpu.memory_space<vmem>>
        %dma_start3A_81 = arith.constant 0 : i32
        %dma_start3A_82 = tpu.memref_slice %arg19[%dma_start3A_81] : memref<100096xf32, #tpu.memory_space<vmem_shared>> -> memref<100096xf32, #tpu.memory_space<vmem_shared>>
        tpu.enqueue_indirect_dma source(%dma_start3A_77 : memref<128xf32, #tpu.memory_space<vmem>>) target(%dma_start3A_82 : memref<100096xf32, #tpu.memory_space<vmem_shared>>) offsets(%dma_start3A_80 : memref<128xi32, #tpu.memory_space<vmem>>) semaphore(%run_scoped3A_76 : memref<!tpu.dma_semaphore, #tpu.memory_space<semaphore_mem>>) {add = true}
        %dma_wait3A = arith.constant 640 : i32
        %dma_wait3A_83 = tpu.memref_slice %arg24[%dma_wait3A] : memref<1024xf32, #tpu.memory_space<vmem>> -> memref<128xf32, #tpu.memory_space<vmem>>
        %dma_wait3A_84 = arith.constant 0 : i32
        %dma_wait3A_85 = tpu.memref_slice %arg21[%run_scoped3A_63, %dma_wait3A_84] : memref<8x128xi32, #tpu.memory_space<vmem>> -> memref<1x128xi32, #tpu.memory_space<vmem>>
        %dma_wait3A_86 = tpu.memref_squeeze %dma_wait3A_85 : memref<1x128xi32, #tpu.memory_space<vmem>> -> memref<128xi32, #tpu.memory_space<vmem>>
        %dma_wait3A_87 = arith.constant 0 : i32
        %dma_wait3A_88 = tpu.memref_slice %arg19[%dma_wait3A_87] : memref<100096xf32, #tpu.memory_space<vmem_shared>> -> memref<100096xf32, #tpu.memory_space<vmem_shared>>
        tpu.wait_indirect_dma semaphore(%run_scoped3A_76 : memref<!tpu.dma_semaphore, #tpu.memory_space<semaphore_mem>>) src(%dma_wait3A_83 : memref<128xf32, #tpu.memory_space<vmem>>) dst(%dma_wait3A_88 : memref<100096xf32, #tpu.memory_space<vmem_shared>>)
        tpu.yield
      }) : () -> ()
      %run_scoped3A_64 = arith.constant 6 : i32
      "tpu.region"() ({
        %run_scoped3A_76 = tpu.sem_alloc : memref<!tpu.dma_semaphore, #tpu.memory_space<semaphore_mem>>
        %dma_start3A = arith.constant 768 : i32
        %dma_start3A_77 = tpu.memref_slice %arg22[%dma_start3A] : memref<1024xf32, #tpu.memory_space<vmem>> -> memref<128xf32, #tpu.memory_space<vmem>>
        %dma_start3A_78 = arith.constant 0 : i32
        %dma_start3A_79 = tpu.memref_slice %arg20[%run_scoped3A_64, %dma_start3A_78] : memref<8x128xi32, #tpu.memory_space<vmem>> -> memref<1x128xi32, #tpu.memory_space<vmem>>
        %dma_start3A_80 = tpu.memref_squeeze %dma_start3A_79 : memref<1x128xi32, #tpu.memory_space<vmem>> -> memref<128xi32, #tpu.memory_space<vmem>>
        %dma_start3A_81 = arith.constant 0 : i32
        %dma_start3A_82 = tpu.memref_slice %arg14[%dma_start3A_81] : memref<100096xf32, #tpu.memory_space<vmem_shared>> -> memref<100096xf32, #tpu.memory_space<vmem_shared>>
        tpu.enqueue_indirect_dma source(%dma_start3A_77 : memref<128xf32, #tpu.memory_space<vmem>>) target(%dma_start3A_82 : memref<100096xf32, #tpu.memory_space<vmem_shared>>) offsets(%dma_start3A_80 : memref<128xi32, #tpu.memory_space<vmem>>) semaphore(%run_scoped3A_76 : memref<!tpu.dma_semaphore, #tpu.memory_space<semaphore_mem>>) {add = true}
        %dma_wait3A = arith.constant 768 : i32
        %dma_wait3A_83 = tpu.memref_slice %arg22[%dma_wait3A] : memref<1024xf32, #tpu.memory_space<vmem>> -> memref<128xf32, #tpu.memory_space<vmem>>
        %dma_wait3A_84 = arith.constant 0 : i32
        %dma_wait3A_85 = tpu.memref_slice %arg20[%run_scoped3A_64, %dma_wait3A_84] : memref<8x128xi32, #tpu.memory_space<vmem>> -> memref<1x128xi32, #tpu.memory_space<vmem>>
        %dma_wait3A_86 = tpu.memref_squeeze %dma_wait3A_85 : memref<1x128xi32, #tpu.memory_space<vmem>> -> memref<128xi32, #tpu.memory_space<vmem>>
        %dma_wait3A_87 = arith.constant 0 : i32
        %dma_wait3A_88 = tpu.memref_slice %arg14[%dma_wait3A_87] : memref<100096xf32, #tpu.memory_space<vmem_shared>> -> memref<100096xf32, #tpu.memory_space<vmem_shared>>
        tpu.wait_indirect_dma semaphore(%run_scoped3A_76 : memref<!tpu.dma_semaphore, #tpu.memory_space<semaphore_mem>>) src(%dma_wait3A_83 : memref<128xf32, #tpu.memory_space<vmem>>) dst(%dma_wait3A_88 : memref<100096xf32, #tpu.memory_space<vmem_shared>>)
        tpu.yield
      }) : () -> ()
      %run_scoped3A_65 = arith.constant 6 : i32
      "tpu.region"() ({
        %run_scoped3A_76 = tpu.sem_alloc : memref<!tpu.dma_semaphore, #tpu.memory_space<semaphore_mem>>
        %dma_start3A = arith.constant 768 : i32
        %dma_start3A_77 = tpu.memref_slice %arg23[%dma_start3A] : memref<1024xf32, #tpu.memory_space<vmem>> -> memref<128xf32, #tpu.memory_space<vmem>>
        %dma_start3A_78 = arith.constant 0 : i32
        %dma_start3A_79 = tpu.memref_slice %arg20[%run_scoped3A_65, %dma_start3A_78] : memref<8x128xi32, #tpu.memory_space<vmem>> -> memref<1x128xi32, #tpu.memory_space<vmem>>
        %dma_start3A_80 = tpu.memref_squeeze %dma_start3A_79 : memref<1x128xi32, #tpu.memory_space<vmem>> -> memref<128xi32, #tpu.memory_space<vmem>>
        %dma_start3A_81 = arith.constant 0 : i32
        %dma_start3A_82 = tpu.memref_slice %arg15[%dma_start3A_81] : memref<100096xf32, #tpu.memory_space<vmem_shared>> -> memref<100096xf32, #tpu.memory_space<vmem_shared>>
        tpu.enqueue_indirect_dma source(%dma_start3A_77 : memref<128xf32, #tpu.memory_space<vmem>>) target(%dma_start3A_82 : memref<100096xf32, #tpu.memory_space<vmem_shared>>) offsets(%dma_start3A_80 : memref<128xi32, #tpu.memory_space<vmem>>) semaphore(%run_scoped3A_76 : memref<!tpu.dma_semaphore, #tpu.memory_space<semaphore_mem>>) {add = true}
        %dma_wait3A = arith.constant 768 : i32
        %dma_wait3A_83 = tpu.memref_slice %arg23[%dma_wait3A] : memref<1024xf32, #tpu.memory_space<vmem>> -> memref<128xf32, #tpu.memory_space<vmem>>
        %dma_wait3A_84 = arith.constant 0 : i32
        %dma_wait3A_85 = tpu.memref_slice %arg20[%run_scoped3A_65, %dma_wait3A_84] : memref<8x128xi32, #tpu.memory_space<vmem>> -> memref<1x128xi32, #tpu.memory_space<vmem>>
        %dma_wait3A_86 = tpu.memref_squeeze %dma_wait3A_85 : memref<1x128xi32, #tpu.memory_space<vmem>> -> memref<128xi32, #tpu.memory_space<vmem>>
        %dma_wait3A_87 = arith.constant 0 : i32
        %dma_wait3A_88 = tpu.memref_slice %arg15[%dma_wait3A_87] : memref<100096xf32, #tpu.memory_space<vmem_shared>> -> memref<100096xf32, #tpu.memory_space<vmem_shared>>
        tpu.wait_indirect_dma semaphore(%run_scoped3A_76 : memref<!tpu.dma_semaphore, #tpu.memory_space<semaphore_mem>>) src(%dma_wait3A_83 : memref<128xf32, #tpu.memory_space<vmem>>) dst(%dma_wait3A_88 : memref<100096xf32, #tpu.memory_space<vmem_shared>>)
        tpu.yield
      }) : () -> ()
      %run_scoped3A_66 = arith.constant 6 : i32
      "tpu.region"() ({
        %run_scoped3A_76 = tpu.sem_alloc : memref<!tpu.dma_semaphore, #tpu.memory_space<semaphore_mem>>
        %dma_start3A = arith.constant 768 : i32
        %dma_start3A_77 = tpu.memref_slice %arg24[%dma_start3A] : memref<1024xf32, #tpu.memory_space<vmem>> -> memref<128xf32, #tpu.memory_space<vmem>>
        %dma_start3A_78 = arith.constant 0 : i32
        %dma_start3A_79 = tpu.memref_slice %arg20[%run_scoped3A_66, %dma_start3A_78] : memref<8x128xi32, #tpu.memory_space<vmem>> -> memref<1x128xi32, #tpu.memory_space<vmem>>
        %dma_start3A_80 = tpu.memref_squeeze %dma_start3A_79 : memref<1x128xi32, #tpu.memory_space<vmem>> -> memref<128xi32, #tpu.memory_space<vmem>>
        %dma_start3A_81 = arith.constant 0 : i32
        %dma_start3A_82 = tpu.memref_slice %arg16[%dma_start3A_81] : memref<100096xf32, #tpu.memory_space<vmem_shared>> -> memref<100096xf32, #tpu.memory_space<vmem_shared>>
        tpu.enqueue_indirect_dma source(%dma_start3A_77 : memref<128xf32, #tpu.memory_space<vmem>>) target(%dma_start3A_82 : memref<100096xf32, #tpu.memory_space<vmem_shared>>) offsets(%dma_start3A_80 : memref<128xi32, #tpu.memory_space<vmem>>) semaphore(%run_scoped3A_76 : memref<!tpu.dma_semaphore, #tpu.memory_space<semaphore_mem>>) {add = true}
        %dma_wait3A = arith.constant 768 : i32
        %dma_wait3A_83 = tpu.memref_slice %arg24[%dma_wait3A] : memref<1024xf32, #tpu.memory_space<vmem>> -> memref<128xf32, #tpu.memory_space<vmem>>
        %dma_wait3A_84 = arith.constant 0 : i32
        %dma_wait3A_85 = tpu.memref_slice %arg20[%run_scoped3A_66, %dma_wait3A_84] : memref<8x128xi32, #tpu.memory_space<vmem>> -> memref<1x128xi32, #tpu.memory_space<vmem>>
        %dma_wait3A_86 = tpu.memref_squeeze %dma_wait3A_85 : memref<1x128xi32, #tpu.memory_space<vmem>> -> memref<128xi32, #tpu.memory_space<vmem>>
        %dma_wait3A_87 = arith.constant 0 : i32
        %dma_wait3A_88 = tpu.memref_slice %arg16[%dma_wait3A_87] : memref<100096xf32, #tpu.memory_space<vmem_shared>> -> memref<100096xf32, #tpu.memory_space<vmem_shared>>
        tpu.wait_indirect_dma semaphore(%run_scoped3A_76 : memref<!tpu.dma_semaphore, #tpu.memory_space<semaphore_mem>>) src(%dma_wait3A_83 : memref<128xf32, #tpu.memory_space<vmem>>) dst(%dma_wait3A_88 : memref<100096xf32, #tpu.memory_space<vmem_shared>>)
        tpu.yield
      }) : () -> ()
      %run_scoped3A_67 = arith.constant 6 : i32
      "tpu.region"() ({
        %run_scoped3A_76 = tpu.sem_alloc : memref<!tpu.dma_semaphore, #tpu.memory_space<semaphore_mem>>
        %dma_start3A = arith.constant 768 : i32
        %dma_start3A_77 = tpu.memref_slice %arg22[%dma_start3A] : memref<1024xf32, #tpu.memory_space<vmem>> -> memref<128xf32, #tpu.memory_space<vmem>>
        %dma_start3A_78 = arith.constant 0 : i32
        %dma_start3A_79 = tpu.memref_slice %arg21[%run_scoped3A_67, %dma_start3A_78] : memref<8x128xi32, #tpu.memory_space<vmem>> -> memref<1x128xi32, #tpu.memory_space<vmem>>
        %dma_start3A_80 = tpu.memref_squeeze %dma_start3A_79 : memref<1x128xi32, #tpu.memory_space<vmem>> -> memref<128xi32, #tpu.memory_space<vmem>>
        %dma_start3A_81 = arith.constant 0 : i32
        %dma_start3A_82 = tpu.memref_slice %arg17[%dma_start3A_81] : memref<100096xf32, #tpu.memory_space<vmem_shared>> -> memref<100096xf32, #tpu.memory_space<vmem_shared>>
        tpu.enqueue_indirect_dma source(%dma_start3A_77 : memref<128xf32, #tpu.memory_space<vmem>>) target(%dma_start3A_82 : memref<100096xf32, #tpu.memory_space<vmem_shared>>) offsets(%dma_start3A_80 : memref<128xi32, #tpu.memory_space<vmem>>) semaphore(%run_scoped3A_76 : memref<!tpu.dma_semaphore, #tpu.memory_space<semaphore_mem>>) {add = true}
        %dma_wait3A = arith.constant 768 : i32
        %dma_wait3A_83 = tpu.memref_slice %arg22[%dma_wait3A] : memref<1024xf32, #tpu.memory_space<vmem>> -> memref<128xf32, #tpu.memory_space<vmem>>
        %dma_wait3A_84 = arith.constant 0 : i32
        %dma_wait3A_85 = tpu.memref_slice %arg21[%run_scoped3A_67, %dma_wait3A_84] : memref<8x128xi32, #tpu.memory_space<vmem>> -> memref<1x128xi32, #tpu.memory_space<vmem>>
        %dma_wait3A_86 = tpu.memref_squeeze %dma_wait3A_85 : memref<1x128xi32, #tpu.memory_space<vmem>> -> memref<128xi32, #tpu.memory_space<vmem>>
        %dma_wait3A_87 = arith.constant 0 : i32
        %dma_wait3A_88 = tpu.memref_slice %arg17[%dma_wait3A_87] : memref<100096xf32, #tpu.memory_space<vmem_shared>> -> memref<100096xf32, #tpu.memory_space<vmem_shared>>
        tpu.wait_indirect_dma semaphore(%run_scoped3A_76 : memref<!tpu.dma_semaphore, #tpu.memory_space<semaphore_mem>>) src(%dma_wait3A_83 : memref<128xf32, #tpu.memory_space<vmem>>) dst(%dma_wait3A_88 : memref<100096xf32, #tpu.memory_space<vmem_shared>>)
        tpu.yield
      }) : () -> ()
      %run_scoped3A_68 = arith.constant 6 : i32
      "tpu.region"() ({
        %run_scoped3A_76 = tpu.sem_alloc : memref<!tpu.dma_semaphore, #tpu.memory_space<semaphore_mem>>
        %dma_start3A = arith.constant 768 : i32
        %dma_start3A_77 = tpu.memref_slice %arg23[%dma_start3A] : memref<1024xf32, #tpu.memory_space<vmem>> -> memref<128xf32, #tpu.memory_space<vmem>>
        %dma_start3A_78 = arith.constant 0 : i32
        %dma_start3A_79 = tpu.memref_slice %arg21[%run_scoped3A_68, %dma_start3A_78] : memref<8x128xi32, #tpu.memory_space<vmem>> -> memref<1x128xi32, #tpu.memory_space<vmem>>
        %dma_start3A_80 = tpu.memref_squeeze %dma_start3A_79 : memref<1x128xi32, #tpu.memory_space<vmem>> -> memref<128xi32, #tpu.memory_space<vmem>>
        %dma_start3A_81 = arith.constant 0 : i32
        %dma_start3A_82 = tpu.memref_slice %arg18[%dma_start3A_81] : memref<100096xf32, #tpu.memory_space<vmem_shared>> -> memref<100096xf32, #tpu.memory_space<vmem_shared>>
        tpu.enqueue_indirect_dma source(%dma_start3A_77 : memref<128xf32, #tpu.memory_space<vmem>>) target(%dma_start3A_82 : memref<100096xf32, #tpu.memory_space<vmem_shared>>) offsets(%dma_start3A_80 : memref<128xi32, #tpu.memory_space<vmem>>) semaphore(%run_scoped3A_76 : memref<!tpu.dma_semaphore, #tpu.memory_space<semaphore_mem>>) {add = true}
        %dma_wait3A = arith.constant 768 : i32
        %dma_wait3A_83 = tpu.memref_slice %arg23[%dma_wait3A] : memref<1024xf32, #tpu.memory_space<vmem>> -> memref<128xf32, #tpu.memory_space<vmem>>
        %dma_wait3A_84 = arith.constant 0 : i32
        %dma_wait3A_85 = tpu.memref_slice %arg21[%run_scoped3A_68, %dma_wait3A_84] : memref<8x128xi32, #tpu.memory_space<vmem>> -> memref<1x128xi32, #tpu.memory_space<vmem>>
        %dma_wait3A_86 = tpu.memref_squeeze %dma_wait3A_85 : memref<1x128xi32, #tpu.memory_space<vmem>> -> memref<128xi32, #tpu.memory_space<vmem>>
        %dma_wait3A_87 = arith.constant 0 : i32
        %dma_wait3A_88 = tpu.memref_slice %arg18[%dma_wait3A_87] : memref<100096xf32, #tpu.memory_space<vmem_shared>> -> memref<100096xf32, #tpu.memory_space<vmem_shared>>
        tpu.wait_indirect_dma semaphore(%run_scoped3A_76 : memref<!tpu.dma_semaphore, #tpu.memory_space<semaphore_mem>>) src(%dma_wait3A_83 : memref<128xf32, #tpu.memory_space<vmem>>) dst(%dma_wait3A_88 : memref<100096xf32, #tpu.memory_space<vmem_shared>>)
        tpu.yield
      }) : () -> ()
      %run_scoped3A_69 = arith.constant 6 : i32
      "tpu.region"() ({
        %run_scoped3A_76 = tpu.sem_alloc : memref<!tpu.dma_semaphore, #tpu.memory_space<semaphore_mem>>
        %dma_start3A = arith.constant 768 : i32
        %dma_start3A_77 = tpu.memref_slice %arg24[%dma_start3A] : memref<1024xf32, #tpu.memory_space<vmem>> -> memref<128xf32, #tpu.memory_space<vmem>>
        %dma_start3A_78 = arith.constant 0 : i32
        %dma_start3A_79 = tpu.memref_slice %arg21[%run_scoped3A_69, %dma_start3A_78] : memref<8x128xi32, #tpu.memory_space<vmem>> -> memref<1x128xi32, #tpu.memory_space<vmem>>
        %dma_start3A_80 = tpu.memref_squeeze %dma_start3A_79 : memref<1x128xi32, #tpu.memory_space<vmem>> -> memref<128xi32, #tpu.memory_space<vmem>>
        %dma_start3A_81 = arith.constant 0 : i32
        %dma_start3A_82 = tpu.memref_slice %arg19[%dma_start3A_81] : memref<100096xf32, #tpu.memory_space<vmem_shared>> -> memref<100096xf32, #tpu.memory_space<vmem_shared>>
        tpu.enqueue_indirect_dma source(%dma_start3A_77 : memref<128xf32, #tpu.memory_space<vmem>>) target(%dma_start3A_82 : memref<100096xf32, #tpu.memory_space<vmem_shared>>) offsets(%dma_start3A_80 : memref<128xi32, #tpu.memory_space<vmem>>) semaphore(%run_scoped3A_76 : memref<!tpu.dma_semaphore, #tpu.memory_space<semaphore_mem>>) {add = true}
        %dma_wait3A = arith.constant 768 : i32
        %dma_wait3A_83 = tpu.memref_slice %arg24[%dma_wait3A] : memref<1024xf32, #tpu.memory_space<vmem>> -> memref<128xf32, #tpu.memory_space<vmem>>
        %dma_wait3A_84 = arith.constant 0 : i32
        %dma_wait3A_85 = tpu.memref_slice %arg21[%run_scoped3A_69, %dma_wait3A_84] : memref<8x128xi32, #tpu.memory_space<vmem>> -> memref<1x128xi32, #tpu.memory_space<vmem>>
        %dma_wait3A_86 = tpu.memref_squeeze %dma_wait3A_85 : memref<1x128xi32, #tpu.memory_space<vmem>> -> memref<128xi32, #tpu.memory_space<vmem>>
        %dma_wait3A_87 = arith.constant 0 : i32
        %dma_wait3A_88 = tpu.memref_slice %arg19[%dma_wait3A_87] : memref<100096xf32, #tpu.memory_space<vmem_shared>> -> memref<100096xf32, #tpu.memory_space<vmem_shared>>
        tpu.wait_indirect_dma semaphore(%run_scoped3A_76 : memref<!tpu.dma_semaphore, #tpu.memory_space<semaphore_mem>>) src(%dma_wait3A_83 : memref<128xf32, #tpu.memory_space<vmem>>) dst(%dma_wait3A_88 : memref<100096xf32, #tpu.memory_space<vmem_shared>>)
        tpu.yield
      }) : () -> ()
      %run_scoped3A_70 = arith.constant 7 : i32
      "tpu.region"() ({
        %run_scoped3A_76 = tpu.sem_alloc : memref<!tpu.dma_semaphore, #tpu.memory_space<semaphore_mem>>
        %dma_start3A = arith.constant 896 : i32
        %dma_start3A_77 = tpu.memref_slice %arg22[%dma_start3A] : memref<1024xf32, #tpu.memory_space<vmem>> -> memref<128xf32, #tpu.memory_space<vmem>>
        %dma_start3A_78 = arith.constant 0 : i32
        %dma_start3A_79 = tpu.memref_slice %arg20[%run_scoped3A_70, %dma_start3A_78] : memref<8x128xi32, #tpu.memory_space<vmem>> -> memref<1x128xi32, #tpu.memory_space<vmem>>
        %dma_start3A_80 = tpu.memref_squeeze %dma_start3A_79 : memref<1x128xi32, #tpu.memory_space<vmem>> -> memref<128xi32, #tpu.memory_space<vmem>>
        %dma_start3A_81 = arith.constant 0 : i32
        %dma_start3A_82 = tpu.memref_slice %arg14[%dma_start3A_81] : memref<100096xf32, #tpu.memory_space<vmem_shared>> -> memref<100096xf32, #tpu.memory_space<vmem_shared>>
        tpu.enqueue_indirect_dma source(%dma_start3A_77 : memref<128xf32, #tpu.memory_space<vmem>>) target(%dma_start3A_82 : memref<100096xf32, #tpu.memory_space<vmem_shared>>) offsets(%dma_start3A_80 : memref<128xi32, #tpu.memory_space<vmem>>) semaphore(%run_scoped3A_76 : memref<!tpu.dma_semaphore, #tpu.memory_space<semaphore_mem>>) {add = true}
        %dma_wait3A = arith.constant 896 : i32
        %dma_wait3A_83 = tpu.memref_slice %arg22[%dma_wait3A] : memref<1024xf32, #tpu.memory_space<vmem>> -> memref<128xf32, #tpu.memory_space<vmem>>
        %dma_wait3A_84 = arith.constant 0 : i32
        %dma_wait3A_85 = tpu.memref_slice %arg20[%run_scoped3A_70, %dma_wait3A_84] : memref<8x128xi32, #tpu.memory_space<vmem>> -> memref<1x128xi32, #tpu.memory_space<vmem>>
        %dma_wait3A_86 = tpu.memref_squeeze %dma_wait3A_85 : memref<1x128xi32, #tpu.memory_space<vmem>> -> memref<128xi32, #tpu.memory_space<vmem>>
        %dma_wait3A_87 = arith.constant 0 : i32
        %dma_wait3A_88 = tpu.memref_slice %arg14[%dma_wait3A_87] : memref<100096xf32, #tpu.memory_space<vmem_shared>> -> memref<100096xf32, #tpu.memory_space<vmem_shared>>
        tpu.wait_indirect_dma semaphore(%run_scoped3A_76 : memref<!tpu.dma_semaphore, #tpu.memory_space<semaphore_mem>>) src(%dma_wait3A_83 : memref<128xf32, #tpu.memory_space<vmem>>) dst(%dma_wait3A_88 : memref<100096xf32, #tpu.memory_space<vmem_shared>>)
        tpu.yield
      }) : () -> ()
      %run_scoped3A_71 = arith.constant 7 : i32
      "tpu.region"() ({
        %run_scoped3A_76 = tpu.sem_alloc : memref<!tpu.dma_semaphore, #tpu.memory_space<semaphore_mem>>
        %dma_start3A = arith.constant 896 : i32
        %dma_start3A_77 = tpu.memref_slice %arg23[%dma_start3A] : memref<1024xf32, #tpu.memory_space<vmem>> -> memref<128xf32, #tpu.memory_space<vmem>>
        %dma_start3A_78 = arith.constant 0 : i32
        %dma_start3A_79 = tpu.memref_slice %arg20[%run_scoped3A_71, %dma_start3A_78] : memref<8x128xi32, #tpu.memory_space<vmem>> -> memref<1x128xi32, #tpu.memory_space<vmem>>
        %dma_start3A_80 = tpu.memref_squeeze %dma_start3A_79 : memref<1x128xi32, #tpu.memory_space<vmem>> -> memref<128xi32, #tpu.memory_space<vmem>>
        %dma_start3A_81 = arith.constant 0 : i32
        %dma_start3A_82 = tpu.memref_slice %arg15[%dma_start3A_81] : memref<100096xf32, #tpu.memory_space<vmem_shared>> -> memref<100096xf32, #tpu.memory_space<vmem_shared>>
        tpu.enqueue_indirect_dma source(%dma_start3A_77 : memref<128xf32, #tpu.memory_space<vmem>>) target(%dma_start3A_82 : memref<100096xf32, #tpu.memory_space<vmem_shared>>) offsets(%dma_start3A_80 : memref<128xi32, #tpu.memory_space<vmem>>) semaphore(%run_scoped3A_76 : memref<!tpu.dma_semaphore, #tpu.memory_space<semaphore_mem>>) {add = true}
        %dma_wait3A = arith.constant 896 : i32
        %dma_wait3A_83 = tpu.memref_slice %arg23[%dma_wait3A] : memref<1024xf32, #tpu.memory_space<vmem>> -> memref<128xf32, #tpu.memory_space<vmem>>
        %dma_wait3A_84 = arith.constant 0 : i32
        %dma_wait3A_85 = tpu.memref_slice %arg20[%run_scoped3A_71, %dma_wait3A_84] : memref<8x128xi32, #tpu.memory_space<vmem>> -> memref<1x128xi32, #tpu.memory_space<vmem>>
        %dma_wait3A_86 = tpu.memref_squeeze %dma_wait3A_85 : memref<1x128xi32, #tpu.memory_space<vmem>> -> memref<128xi32, #tpu.memory_space<vmem>>
        %dma_wait3A_87 = arith.constant 0 : i32
        %dma_wait3A_88 = tpu.memref_slice %arg15[%dma_wait3A_87] : memref<100096xf32, #tpu.memory_space<vmem_shared>> -> memref<100096xf32, #tpu.memory_space<vmem_shared>>
        tpu.wait_indirect_dma semaphore(%run_scoped3A_76 : memref<!tpu.dma_semaphore, #tpu.memory_space<semaphore_mem>>) src(%dma_wait3A_83 : memref<128xf32, #tpu.memory_space<vmem>>) dst(%dma_wait3A_88 : memref<100096xf32, #tpu.memory_space<vmem_shared>>)
        tpu.yield
      }) : () -> ()
      %run_scoped3A_72 = arith.constant 7 : i32
      "tpu.region"() ({
        %run_scoped3A_76 = tpu.sem_alloc : memref<!tpu.dma_semaphore, #tpu.memory_space<semaphore_mem>>
        %dma_start3A = arith.constant 896 : i32
        %dma_start3A_77 = tpu.memref_slice %arg24[%dma_start3A] : memref<1024xf32, #tpu.memory_space<vmem>> -> memref<128xf32, #tpu.memory_space<vmem>>
        %dma_start3A_78 = arith.constant 0 : i32
        %dma_start3A_79 = tpu.memref_slice %arg20[%run_scoped3A_72, %dma_start3A_78] : memref<8x128xi32, #tpu.memory_space<vmem>> -> memref<1x128xi32, #tpu.memory_space<vmem>>
        %dma_start3A_80 = tpu.memref_squeeze %dma_start3A_79 : memref<1x128xi32, #tpu.memory_space<vmem>> -> memref<128xi32, #tpu.memory_space<vmem>>
        %dma_start3A_81 = arith.constant 0 : i32
        %dma_start3A_82 = tpu.memref_slice %arg16[%dma_start3A_81] : memref<100096xf32, #tpu.memory_space<vmem_shared>> -> memref<100096xf32, #tpu.memory_space<vmem_shared>>
        tpu.enqueue_indirect_dma source(%dma_start3A_77 : memref<128xf32, #tpu.memory_space<vmem>>) target(%dma_start3A_82 : memref<100096xf32, #tpu.memory_space<vmem_shared>>) offsets(%dma_start3A_80 : memref<128xi32, #tpu.memory_space<vmem>>) semaphore(%run_scoped3A_76 : memref<!tpu.dma_semaphore, #tpu.memory_space<semaphore_mem>>) {add = true}
        %dma_wait3A = arith.constant 896 : i32
        %dma_wait3A_83 = tpu.memref_slice %arg24[%dma_wait3A] : memref<1024xf32, #tpu.memory_space<vmem>> -> memref<128xf32, #tpu.memory_space<vmem>>
        %dma_wait3A_84 = arith.constant 0 : i32
        %dma_wait3A_85 = tpu.memref_slice %arg20[%run_scoped3A_72, %dma_wait3A_84] : memref<8x128xi32, #tpu.memory_space<vmem>> -> memref<1x128xi32, #tpu.memory_space<vmem>>
        %dma_wait3A_86 = tpu.memref_squeeze %dma_wait3A_85 : memref<1x128xi32, #tpu.memory_space<vmem>> -> memref<128xi32, #tpu.memory_space<vmem>>
        %dma_wait3A_87 = arith.constant 0 : i32
        %dma_wait3A_88 = tpu.memref_slice %arg16[%dma_wait3A_87] : memref<100096xf32, #tpu.memory_space<vmem_shared>> -> memref<100096xf32, #tpu.memory_space<vmem_shared>>
        tpu.wait_indirect_dma semaphore(%run_scoped3A_76 : memref<!tpu.dma_semaphore, #tpu.memory_space<semaphore_mem>>) src(%dma_wait3A_83 : memref<128xf32, #tpu.memory_space<vmem>>) dst(%dma_wait3A_88 : memref<100096xf32, #tpu.memory_space<vmem_shared>>)
        tpu.yield
      }) : () -> ()
      %run_scoped3A_73 = arith.constant 7 : i32
      "tpu.region"() ({
        %run_scoped3A_76 = tpu.sem_alloc : memref<!tpu.dma_semaphore, #tpu.memory_space<semaphore_mem>>
        %dma_start3A = arith.constant 896 : i32
        %dma_start3A_77 = tpu.memref_slice %arg22[%dma_start3A] : memref<1024xf32, #tpu.memory_space<vmem>> -> memref<128xf32, #tpu.memory_space<vmem>>
        %dma_start3A_78 = arith.constant 0 : i32
        %dma_start3A_79 = tpu.memref_slice %arg21[%run_scoped3A_73, %dma_start3A_78] : memref<8x128xi32, #tpu.memory_space<vmem>> -> memref<1x128xi32, #tpu.memory_space<vmem>>
        %dma_start3A_80 = tpu.memref_squeeze %dma_start3A_79 : memref<1x128xi32, #tpu.memory_space<vmem>> -> memref<128xi32, #tpu.memory_space<vmem>>
        %dma_start3A_81 = arith.constant 0 : i32
        %dma_start3A_82 = tpu.memref_slice %arg17[%dma_start3A_81] : memref<100096xf32, #tpu.memory_space<vmem_shared>> -> memref<100096xf32, #tpu.memory_space<vmem_shared>>
        tpu.enqueue_indirect_dma source(%dma_start3A_77 : memref<128xf32, #tpu.memory_space<vmem>>) target(%dma_start3A_82 : memref<100096xf32, #tpu.memory_space<vmem_shared>>) offsets(%dma_start3A_80 : memref<128xi32, #tpu.memory_space<vmem>>) semaphore(%run_scoped3A_76 : memref<!tpu.dma_semaphore, #tpu.memory_space<semaphore_mem>>) {add = true}
        %dma_wait3A = arith.constant 896 : i32
        %dma_wait3A_83 = tpu.memref_slice %arg22[%dma_wait3A] : memref<1024xf32, #tpu.memory_space<vmem>> -> memref<128xf32, #tpu.memory_space<vmem>>
        %dma_wait3A_84 = arith.constant 0 : i32
        %dma_wait3A_85 = tpu.memref_slice %arg21[%run_scoped3A_73, %dma_wait3A_84] : memref<8x128xi32, #tpu.memory_space<vmem>> -> memref<1x128xi32, #tpu.memory_space<vmem>>
        %dma_wait3A_86 = tpu.memref_squeeze %dma_wait3A_85 : memref<1x128xi32, #tpu.memory_space<vmem>> -> memref<128xi32, #tpu.memory_space<vmem>>
        %dma_wait3A_87 = arith.constant 0 : i32
        %dma_wait3A_88 = tpu.memref_slice %arg17[%dma_wait3A_87] : memref<100096xf32, #tpu.memory_space<vmem_shared>> -> memref<100096xf32, #tpu.memory_space<vmem_shared>>
        tpu.wait_indirect_dma semaphore(%run_scoped3A_76 : memref<!tpu.dma_semaphore, #tpu.memory_space<semaphore_mem>>) src(%dma_wait3A_83 : memref<128xf32, #tpu.memory_space<vmem>>) dst(%dma_wait3A_88 : memref<100096xf32, #tpu.memory_space<vmem_shared>>)
        tpu.yield
      }) : () -> ()
      %run_scoped3A_74 = arith.constant 7 : i32
      "tpu.region"() ({
        %run_scoped3A_76 = tpu.sem_alloc : memref<!tpu.dma_semaphore, #tpu.memory_space<semaphore_mem>>
        %dma_start3A = arith.constant 896 : i32
        %dma_start3A_77 = tpu.memref_slice %arg23[%dma_start3A] : memref<1024xf32, #tpu.memory_space<vmem>> -> memref<128xf32, #tpu.memory_space<vmem>>
        %dma_start3A_78 = arith.constant 0 : i32
        %dma_start3A_79 = tpu.memref_slice %arg21[%run_scoped3A_74, %dma_start3A_78] : memref<8x128xi32, #tpu.memory_space<vmem>> -> memref<1x128xi32, #tpu.memory_space<vmem>>
        %dma_start3A_80 = tpu.memref_squeeze %dma_start3A_79 : memref<1x128xi32, #tpu.memory_space<vmem>> -> memref<128xi32, #tpu.memory_space<vmem>>
        %dma_start3A_81 = arith.constant 0 : i32
        %dma_start3A_82 = tpu.memref_slice %arg18[%dma_start3A_81] : memref<100096xf32, #tpu.memory_space<vmem_shared>> -> memref<100096xf32, #tpu.memory_space<vmem_shared>>
        tpu.enqueue_indirect_dma source(%dma_start3A_77 : memref<128xf32, #tpu.memory_space<vmem>>) target(%dma_start3A_82 : memref<100096xf32, #tpu.memory_space<vmem_shared>>) offsets(%dma_start3A_80 : memref<128xi32, #tpu.memory_space<vmem>>) semaphore(%run_scoped3A_76 : memref<!tpu.dma_semaphore, #tpu.memory_space<semaphore_mem>>) {add = true}
        %dma_wait3A = arith.constant 896 : i32
        %dma_wait3A_83 = tpu.memref_slice %arg23[%dma_wait3A] : memref<1024xf32, #tpu.memory_space<vmem>> -> memref<128xf32, #tpu.memory_space<vmem>>
        %dma_wait3A_84 = arith.constant 0 : i32
        %dma_wait3A_85 = tpu.memref_slice %arg21[%run_scoped3A_74, %dma_wait3A_84] : memref<8x128xi32, #tpu.memory_space<vmem>> -> memref<1x128xi32, #tpu.memory_space<vmem>>
        %dma_wait3A_86 = tpu.memref_squeeze %dma_wait3A_85 : memref<1x128xi32, #tpu.memory_space<vmem>> -> memref<128xi32, #tpu.memory_space<vmem>>
        %dma_wait3A_87 = arith.constant 0 : i32
        %dma_wait3A_88 = tpu.memref_slice %arg18[%dma_wait3A_87] : memref<100096xf32, #tpu.memory_space<vmem_shared>> -> memref<100096xf32, #tpu.memory_space<vmem_shared>>
        tpu.wait_indirect_dma semaphore(%run_scoped3A_76 : memref<!tpu.dma_semaphore, #tpu.memory_space<semaphore_mem>>) src(%dma_wait3A_83 : memref<128xf32, #tpu.memory_space<vmem>>) dst(%dma_wait3A_88 : memref<100096xf32, #tpu.memory_space<vmem_shared>>)
        tpu.yield
      }) : () -> ()
      %run_scoped3A_75 = arith.constant 7 : i32
      "tpu.region"() ({
        %run_scoped3A_76 = tpu.sem_alloc : memref<!tpu.dma_semaphore, #tpu.memory_space<semaphore_mem>>
        %dma_start3A = arith.constant 896 : i32
        %dma_start3A_77 = tpu.memref_slice %arg24[%dma_start3A] : memref<1024xf32, #tpu.memory_space<vmem>> -> memref<128xf32, #tpu.memory_space<vmem>>
        %dma_start3A_78 = arith.constant 0 : i32
        %dma_start3A_79 = tpu.memref_slice %arg21[%run_scoped3A_75, %dma_start3A_78] : memref<8x128xi32, #tpu.memory_space<vmem>> -> memref<1x128xi32, #tpu.memory_space<vmem>>
        %dma_start3A_80 = tpu.memref_squeeze %dma_start3A_79 : memref<1x128xi32, #tpu.memory_space<vmem>> -> memref<128xi32, #tpu.memory_space<vmem>>
        %dma_start3A_81 = arith.constant 0 : i32
        %dma_start3A_82 = tpu.memref_slice %arg19[%dma_start3A_81] : memref<100096xf32, #tpu.memory_space<vmem_shared>> -> memref<100096xf32, #tpu.memory_space<vmem_shared>>
        tpu.enqueue_indirect_dma source(%dma_start3A_77 : memref<128xf32, #tpu.memory_space<vmem>>) target(%dma_start3A_82 : memref<100096xf32, #tpu.memory_space<vmem_shared>>) offsets(%dma_start3A_80 : memref<128xi32, #tpu.memory_space<vmem>>) semaphore(%run_scoped3A_76 : memref<!tpu.dma_semaphore, #tpu.memory_space<semaphore_mem>>) {add = true}
        %dma_wait3A = arith.constant 896 : i32
        %dma_wait3A_83 = tpu.memref_slice %arg24[%dma_wait3A] : memref<1024xf32, #tpu.memory_space<vmem>> -> memref<128xf32, #tpu.memory_space<vmem>>
        %dma_wait3A_84 = arith.constant 0 : i32
        %dma_wait3A_85 = tpu.memref_slice %arg21[%run_scoped3A_75, %dma_wait3A_84] : memref<8x128xi32, #tpu.memory_space<vmem>> -> memref<1x128xi32, #tpu.memory_space<vmem>>
        %dma_wait3A_86 = tpu.memref_squeeze %dma_wait3A_85 : memref<1x128xi32, #tpu.memory_space<vmem>> -> memref<128xi32, #tpu.memory_space<vmem>>
        %dma_wait3A_87 = arith.constant 0 : i32
        %dma_wait3A_88 = tpu.memref_slice %arg19[%dma_wait3A_87] : memref<100096xf32, #tpu.memory_space<vmem_shared>> -> memref<100096xf32, #tpu.memory_space<vmem_shared>>
        tpu.wait_indirect_dma semaphore(%run_scoped3A_76 : memref<!tpu.dma_semaphore, #tpu.memory_space<semaphore_mem>>) src(%dma_wait3A_83 : memref<128xf32, #tpu.memory_space<vmem>>) dst(%dma_wait3A_88 : memref<100096xf32, #tpu.memory_space<vmem_shared>>)
        tpu.yield
      }) : () -> ()
    }
    %barrier3A_20 = arith.constant 0 : index
    tpu.barrier barrier_id(%barrier3A_20)
    "tpu.region"() ({
      %run_scoped3A = tpu.sem_alloc : memref<!tpu.dma_semaphore, #tpu.memory_space<semaphore_mem>>
      %dma_start3A = arith.constant 0 : i32
      %dma_start3A_21 = tpu.memref_slice %arg8[%arg0, %dma_start3A] : memref<2x100096xf32, #tpu.memory_space<hbm>> -> memref<1x100096xf32, #tpu.memory_space<hbm>>
      %dma_start3A_22 = tpu.memref_squeeze %dma_start3A_21 : memref<1x100096xf32, #tpu.memory_space<hbm>> -> memref<100096xf32, #tpu.memory_space<hbm>>
      %dma_start3A_23 = tpu.memref_slice %dma_start3A_22[%multiple_of3A] : memref<100096xf32, #tpu.memory_space<hbm>> -> memref<6256xf32, #tpu.memory_space<hbm>>
      %dma_start3A_24 = tpu.memref_slice %arg14[%multiple_of3A] : memref<100096xf32, #tpu.memory_space<vmem_shared>> -> memref<6256xf32, #tpu.memory_space<vmem_shared>>
      tpu.enqueue_dma source(%dma_start3A_24 : memref<6256xf32, #tpu.memory_space<vmem_shared>>) target(%dma_start3A_23 : memref<6256xf32, #tpu.memory_space<hbm>>) target_semaphore(%run_scoped3A : memref<!tpu.dma_semaphore, #tpu.memory_space<semaphore_mem>>)
      %dma_wait3A = arith.constant 0 : i32
      %dma_wait3A_25 = tpu.memref_slice %arg8[%arg0, %dma_wait3A] : memref<2x100096xf32, #tpu.memory_space<hbm>> -> memref<1x100096xf32, #tpu.memory_space<hbm>>
      %dma_wait3A_26 = tpu.memref_squeeze %dma_wait3A_25 : memref<1x100096xf32, #tpu.memory_space<hbm>> -> memref<100096xf32, #tpu.memory_space<hbm>>
      %dma_wait3A_27 = tpu.memref_slice %dma_wait3A_26[%multiple_of3A] : memref<100096xf32, #tpu.memory_space<hbm>> -> memref<6256xf32, #tpu.memory_space<hbm>>
      %dma_wait3A_28 = tpu.memref_slice %arg14[%multiple_of3A] : memref<100096xf32, #tpu.memory_space<vmem_shared>> -> memref<6256xf32, #tpu.memory_space<vmem_shared>>
      tpu.wait_dma2 semaphore(%run_scoped3A : memref<!tpu.dma_semaphore, #tpu.memory_space<semaphore_mem>>) src(%dma_wait3A_28 : memref<6256xf32, #tpu.memory_space<vmem_shared>>) dst(%dma_wait3A_27 : memref<6256xf32, #tpu.memory_space<hbm>>)
      tpu.yield
    }) : () -> ()
    "tpu.region"() ({
      %run_scoped3A = tpu.sem_alloc : memref<!tpu.dma_semaphore, #tpu.memory_space<semaphore_mem>>
      %dma_start3A = arith.constant 0 : i32
      %dma_start3A_21 = tpu.memref_slice %arg9[%arg0, %dma_start3A] : memref<2x100096xf32, #tpu.memory_space<hbm>> -> memref<1x100096xf32, #tpu.memory_space<hbm>>
      %dma_start3A_22 = tpu.memref_squeeze %dma_start3A_21 : memref<1x100096xf32, #tpu.memory_space<hbm>> -> memref<100096xf32, #tpu.memory_space<hbm>>
      %dma_start3A_23 = tpu.memref_slice %dma_start3A_22[%multiple_of3A] : memref<100096xf32, #tpu.memory_space<hbm>> -> memref<6256xf32, #tpu.memory_space<hbm>>
      %dma_start3A_24 = tpu.memref_slice %arg15[%multiple_of3A] : memref<100096xf32, #tpu.memory_space<vmem_shared>> -> memref<6256xf32, #tpu.memory_space<vmem_shared>>
      tpu.enqueue_dma source(%dma_start3A_24 : memref<6256xf32, #tpu.memory_space<vmem_shared>>) target(%dma_start3A_23 : memref<6256xf32, #tpu.memory_space<hbm>>) target_semaphore(%run_scoped3A : memref<!tpu.dma_semaphore, #tpu.memory_space<semaphore_mem>>)
      %dma_wait3A = arith.constant 0 : i32
      %dma_wait3A_25 = tpu.memref_slice %arg9[%arg0, %dma_wait3A] : memref<2x100096xf32, #tpu.memory_space<hbm>> -> memref<1x100096xf32, #tpu.memory_space<hbm>>
      %dma_wait3A_26 = tpu.memref_squeeze %dma_wait3A_25 : memref<1x100096xf32, #tpu.memory_space<hbm>> -> memref<100096xf32, #tpu.memory_space<hbm>>
      %dma_wait3A_27 = tpu.memref_slice %dma_wait3A_26[%multiple_of3A] : memref<100096xf32, #tpu.memory_space<hbm>> -> memref<6256xf32, #tpu.memory_space<hbm>>
      %dma_wait3A_28 = tpu.memref_slice %arg15[%multiple_of3A] : memref<100096xf32, #tpu.memory_space<vmem_shared>> -> memref<6256xf32, #tpu.memory_space<vmem_shared>>
      tpu.wait_dma2 semaphore(%run_scoped3A : memref<!tpu.dma_semaphore, #tpu.memory_space<semaphore_mem>>) src(%dma_wait3A_28 : memref<6256xf32, #tpu.memory_space<vmem_shared>>) dst(%dma_wait3A_27 : memref<6256xf32, #tpu.memory_space<hbm>>)
      tpu.yield
    }) : () -> ()
    "tpu.region"() ({
      %run_scoped3A = tpu.sem_alloc : memref<!tpu.dma_semaphore, #tpu.memory_space<semaphore_mem>>
      %dma_start3A = arith.constant 0 : i32
      %dma_start3A_21 = tpu.memref_slice %arg10[%arg0, %dma_start3A] : memref<2x100096xf32, #tpu.memory_space<hbm>> -> memref<1x100096xf32, #tpu.memory_space<hbm>>
      %dma_start3A_22 = tpu.memref_squeeze %dma_start3A_21 : memref<1x100096xf32, #tpu.memory_space<hbm>> -> memref<100096xf32, #tpu.memory_space<hbm>>
      %dma_start3A_23 = tpu.memref_slice %dma_start3A_22[%multiple_of3A] : memref<100096xf32, #tpu.memory_space<hbm>> -> memref<6256xf32, #tpu.memory_space<hbm>>
      %dma_start3A_24 = tpu.memref_slice %arg16[%multiple_of3A] : memref<100096xf32, #tpu.memory_space<vmem_shared>> -> memref<6256xf32, #tpu.memory_space<vmem_shared>>
      tpu.enqueue_dma source(%dma_start3A_24 : memref<6256xf32, #tpu.memory_space<vmem_shared>>) target(%dma_start3A_23 : memref<6256xf32, #tpu.memory_space<hbm>>) target_semaphore(%run_scoped3A : memref<!tpu.dma_semaphore, #tpu.memory_space<semaphore_mem>>)
      %dma_wait3A = arith.constant 0 : i32
      %dma_wait3A_25 = tpu.memref_slice %arg10[%arg0, %dma_wait3A] : memref<2x100096xf32, #tpu.memory_space<hbm>> -> memref<1x100096xf32, #tpu.memory_space<hbm>>
      %dma_wait3A_26 = tpu.memref_squeeze %dma_wait3A_25 : memref<1x100096xf32, #tpu.memory_space<hbm>> -> memref<100096xf32, #tpu.memory_space<hbm>>
      %dma_wait3A_27 = tpu.memref_slice %dma_wait3A_26[%multiple_of3A] : memref<100096xf32, #tpu.memory_space<hbm>> -> memref<6256xf32, #tpu.memory_space<hbm>>
      %dma_wait3A_28 = tpu.memref_slice %arg16[%multiple_of3A] : memref<100096xf32, #tpu.memory_space<vmem_shared>> -> memref<6256xf32, #tpu.memory_space<vmem_shared>>
      tpu.wait_dma2 semaphore(%run_scoped3A : memref<!tpu.dma_semaphore, #tpu.memory_space<semaphore_mem>>) src(%dma_wait3A_28 : memref<6256xf32, #tpu.memory_space<vmem_shared>>) dst(%dma_wait3A_27 : memref<6256xf32, #tpu.memory_space<hbm>>)
      tpu.yield
    }) : () -> ()
    "tpu.region"() ({
      %run_scoped3A = tpu.sem_alloc : memref<!tpu.dma_semaphore, #tpu.memory_space<semaphore_mem>>
      %dma_start3A = arith.constant 0 : i32
      %dma_start3A_21 = tpu.memref_slice %arg11[%arg0, %dma_start3A] : memref<2x100096xf32, #tpu.memory_space<hbm>> -> memref<1x100096xf32, #tpu.memory_space<hbm>>
      %dma_start3A_22 = tpu.memref_squeeze %dma_start3A_21 : memref<1x100096xf32, #tpu.memory_space<hbm>> -> memref<100096xf32, #tpu.memory_space<hbm>>
      %dma_start3A_23 = tpu.memref_slice %dma_start3A_22[%multiple_of3A] : memref<100096xf32, #tpu.memory_space<hbm>> -> memref<6256xf32, #tpu.memory_space<hbm>>
      %dma_start3A_24 = tpu.memref_slice %arg17[%multiple_of3A] : memref<100096xf32, #tpu.memory_space<vmem_shared>> -> memref<6256xf32, #tpu.memory_space<vmem_shared>>
      tpu.enqueue_dma source(%dma_start3A_24 : memref<6256xf32, #tpu.memory_space<vmem_shared>>) target(%dma_start3A_23 : memref<6256xf32, #tpu.memory_space<hbm>>) target_semaphore(%run_scoped3A : memref<!tpu.dma_semaphore, #tpu.memory_space<semaphore_mem>>)
      %dma_wait3A = arith.constant 0 : i32
      %dma_wait3A_25 = tpu.memref_slice %arg11[%arg0, %dma_wait3A] : memref<2x100096xf32, #tpu.memory_space<hbm>> -> memref<1x100096xf32, #tpu.memory_space<hbm>>
      %dma_wait3A_26 = tpu.memref_squeeze %dma_wait3A_25 : memref<1x100096xf32, #tpu.memory_space<hbm>> -> memref<100096xf32, #tpu.memory_space<hbm>>
      %dma_wait3A_27 = tpu.memref_slice %dma_wait3A_26[%multiple_of3A] : memref<100096xf32, #tpu.memory_space<hbm>> -> memref<6256xf32, #tpu.memory_space<hbm>>
      %dma_wait3A_28 = tpu.memref_slice %arg17[%multiple_of3A] : memref<100096xf32, #tpu.memory_space<vmem_shared>> -> memref<6256xf32, #tpu.memory_space<vmem_shared>>
      tpu.wait_dma2 semaphore(%run_scoped3A : memref<!tpu.dma_semaphore, #tpu.memory_space<semaphore_mem>>) src(%dma_wait3A_28 : memref<6256xf32, #tpu.memory_space<vmem_shared>>) dst(%dma_wait3A_27 : memref<6256xf32, #tpu.memory_space<hbm>>)
      tpu.yield
    }) : () -> ()
    "tpu.region"() ({
      %run_scoped3A = tpu.sem_alloc : memref<!tpu.dma_semaphore, #tpu.memory_space<semaphore_mem>>
      %dma_start3A = arith.constant 0 : i32
      %dma_start3A_21 = tpu.memref_slice %arg12[%arg0, %dma_start3A] : memref<2x100096xf32, #tpu.memory_space<hbm>> -> memref<1x100096xf32, #tpu.memory_space<hbm>>
      %dma_start3A_22 = tpu.memref_squeeze %dma_start3A_21 : memref<1x100096xf32, #tpu.memory_space<hbm>> -> memref<100096xf32, #tpu.memory_space<hbm>>
      %dma_start3A_23 = tpu.memref_slice %dma_start3A_22[%multiple_of3A] : memref<100096xf32, #tpu.memory_space<hbm>> -> memref<6256xf32, #tpu.memory_space<hbm>>
      %dma_start3A_24 = tpu.memref_slice %arg18[%multiple_of3A] : memref<100096xf32, #tpu.memory_space<vmem_shared>> -> memref<6256xf32, #tpu.memory_space<vmem_shared>>
      tpu.enqueue_dma source(%dma_start3A_24 : memref<6256xf32, #tpu.memory_space<vmem_shared>>) target(%dma_start3A_23 : memref<6256xf32, #tpu.memory_space<hbm>>) target_semaphore(%run_scoped3A : memref<!tpu.dma_semaphore, #tpu.memory_space<semaphore_mem>>)
      %dma_wait3A = arith.constant 0 : i32
      %dma_wait3A_25 = tpu.memref_slice %arg12[%arg0, %dma_wait3A] : memref<2x100096xf32, #tpu.memory_space<hbm>> -> memref<1x100096xf32, #tpu.memory_space<hbm>>
      %dma_wait3A_26 = tpu.memref_squeeze %dma_wait3A_25 : memref<1x100096xf32, #tpu.memory_space<hbm>> -> memref<100096xf32, #tpu.memory_space<hbm>>
      %dma_wait3A_27 = tpu.memref_slice %dma_wait3A_26[%multiple_of3A] : memref<100096xf32, #tpu.memory_space<hbm>> -> memref<6256xf32, #tpu.memory_space<hbm>>
      %dma_wait3A_28 = tpu.memref_slice %arg18[%multiple_of3A] : memref<100096xf32, #tpu.memory_space<vmem_shared>> -> memref<6256xf32, #tpu.memory_space<vmem_shared>>
      tpu.wait_dma2 semaphore(%run_scoped3A : memref<!tpu.dma_semaphore, #tpu.memory_space<semaphore_mem>>) src(%dma_wait3A_28 : memref<6256xf32, #tpu.memory_space<vmem_shared>>) dst(%dma_wait3A_27 : memref<6256xf32, #tpu.memory_space<hbm>>)
      tpu.yield
    }) : () -> ()
    "tpu.region"() ({
      %run_scoped3A = tpu.sem_alloc : memref<!tpu.dma_semaphore, #tpu.memory_space<semaphore_mem>>
      %dma_start3A = arith.constant 0 : i32
      %dma_start3A_21 = tpu.memref_slice %arg13[%arg0, %dma_start3A] : memref<2x100096xf32, #tpu.memory_space<hbm>> -> memref<1x100096xf32, #tpu.memory_space<hbm>>
      %dma_start3A_22 = tpu.memref_squeeze %dma_start3A_21 : memref<1x100096xf32, #tpu.memory_space<hbm>> -> memref<100096xf32, #tpu.memory_space<hbm>>
      %dma_start3A_23 = tpu.memref_slice %dma_start3A_22[%multiple_of3A] : memref<100096xf32, #tpu.memory_space<hbm>> -> memref<6256xf32, #tpu.memory_space<hbm>>
      %dma_start3A_24 = tpu.memref_slice %arg19[%multiple_of3A] : memref<100096xf32, #tpu.memory_space<vmem_shared>> -> memref<6256xf32, #tpu.memory_space<vmem_shared>>
      tpu.enqueue_dma source(%dma_start3A_24 : memref<6256xf32, #tpu.memory_space<vmem_shared>>) target(%dma_start3A_23 : memref<6256xf32, #tpu.memory_space<hbm>>) target_semaphore(%run_scoped3A : memref<!tpu.dma_semaphore, #tpu.memory_space<semaphore_mem>>)
      %dma_wait3A = arith.constant 0 : i32
      %dma_wait3A_25 = tpu.memref_slice %arg13[%arg0, %dma_wait3A] : memref<2x100096xf32, #tpu.memory_space<hbm>> -> memref<1x100096xf32, #tpu.memory_space<hbm>>
      %dma_wait3A_26 = tpu.memref_squeeze %dma_wait3A_25 : memref<1x100096xf32, #tpu.memory_space<hbm>> -> memref<100096xf32, #tpu.memory_space<hbm>>
      %dma_wait3A_27 = tpu.memref_slice %dma_wait3A_26[%multiple_of3A] : memref<100096xf32, #tpu.memory_space<hbm>> -> memref<6256xf32, #tpu.memory_space<hbm>>
      %dma_wait3A_28 = tpu.memref_slice %arg19[%multiple_of3A] : memref<100096xf32, #tpu.memory_space<vmem_shared>> -> memref<6256xf32, #tpu.memory_space<vmem_shared>>
      tpu.wait_dma2 semaphore(%run_scoped3A : memref<!tpu.dma_semaphore, #tpu.memory_space<semaphore_mem>>) src(%dma_wait3A_28 : memref<6256xf32, #tpu.memory_space<vmem_shared>>) dst(%dma_wait3A_27 : memref<6256xf32, #tpu.memory_space<hbm>>)
      tpu.yield
    }) : () -> ()
    return
  }
}

module attributes {stable_mosaic.version = 14 : i64} {
  func.func @_tc_combine(%arg0: memref<2x100096xf32, #tpu.memory_space<vmem>>, %arg1: memref<2x100096xf32, #tpu.memory_space<vmem>>, %arg2: memref<2x100096xf32, #tpu.memory_space<vmem>>, %arg3: memref<2x100096xf32, #tpu.memory_space<vmem>>, %arg4: memref<2x100096xf32, #tpu.memory_space<vmem>>, %arg5: memref<2x100096xf32, #tpu.memory_space<vmem>>, %arg6: memref<3x100096xf32, #tpu.memory_space<vmem>>) attributes {dimension_semantics = [], scalar_prefetch = 0 : i64, scratch_operands = 0 : i64, tpu.core_type = #tpu.core_type<tc>} {
    %get3A = arith.constant 0 : index
    %get3A_0 = arith.constant 0 : index
    %get3A_1 = vector.load %arg0[%get3A, %get3A_0] : memref<2x100096xf32, #tpu.memory_space<vmem>>, vector<1x100096xf32>
    %get3A_2 = vector.shape_cast %get3A_1 : vector<1x100096xf32> to vector<100096xf32>
    %get3A_3 = arith.constant 1 : index
    %get3A_4 = arith.constant 0 : index
    %get3A_5 = vector.load %arg0[%get3A_3, %get3A_4] : memref<2x100096xf32, #tpu.memory_space<vmem>>, vector<1x100096xf32>
    %get3A_6 = vector.shape_cast %get3A_5 : vector<1x100096xf32> to vector<100096xf32>
    %add3A = arith.addf %get3A_2, %get3A_6 : vector<100096xf32>
    %get3A_7 = arith.constant 0 : index
    %get3A_8 = arith.constant 0 : index
    %get3A_9 = vector.load %arg3[%get3A_7, %get3A_8] : memref<2x100096xf32, #tpu.memory_space<vmem>>, vector<1x100096xf32>
    %get3A_10 = vector.shape_cast %get3A_9 : vector<1x100096xf32> to vector<100096xf32>
    %get3A_11 = arith.constant 1 : index
    %get3A_12 = arith.constant 0 : index
    %get3A_13 = vector.load %arg3[%get3A_11, %get3A_12] : memref<2x100096xf32, #tpu.memory_space<vmem>>, vector<1x100096xf32>
    %get3A_14 = vector.shape_cast %get3A_13 : vector<1x100096xf32> to vector<100096xf32>
    %add3A_15 = arith.addf %get3A_10, %get3A_14 : vector<100096xf32>
    %sub3A = arith.subf %add3A, %add3A_15 : vector<100096xf32>
    %swap3A = arith.constant 0 : index
    %swap3A_16 = arith.constant 0 : index
    %swap3A_17 = vector.load %arg6[%swap3A, %swap3A_16] : memref<3x100096xf32, #tpu.memory_space<vmem>>, vector<1x100096xf32>
    %swap3A_18 = vector.shape_cast %swap3A_17 : vector<1x100096xf32> to vector<100096xf32>
    %swap3A_19 = vector.shape_cast %sub3A : vector<100096xf32> to vector<1x100096xf32>
    tpu.vector_store %arg6[%swap3A, %swap3A_16], %swap3A_19 {strides = array<i32>} : memref<3x100096xf32, #tpu.memory_space<vmem>>, vector<1x100096xf32>,
    %get3A_20 = arith.constant 0 : index
    %get3A_21 = arith.constant 0 : index
    %get3A_22 = vector.load %arg1[%get3A_20, %get3A_21] : memref<2x100096xf32, #tpu.memory_space<vmem>>, vector<1x100096xf32>
    %get3A_23 = vector.shape_cast %get3A_22 : vector<1x100096xf32> to vector<100096xf32>
    %get3A_24 = arith.constant 1 : index
    %get3A_25 = arith.constant 0 : index
    %get3A_26 = vector.load %arg1[%get3A_24, %get3A_25] : memref<2x100096xf32, #tpu.memory_space<vmem>>, vector<1x100096xf32>
    %get3A_27 = vector.shape_cast %get3A_26 : vector<1x100096xf32> to vector<100096xf32>
    %add3A_28 = arith.addf %get3A_23, %get3A_27 : vector<100096xf32>
    %get3A_29 = arith.constant 0 : index
    %get3A_30 = arith.constant 0 : index
    %get3A_31 = vector.load %arg4[%get3A_29, %get3A_30] : memref<2x100096xf32, #tpu.memory_space<vmem>>, vector<1x100096xf32>
    %get3A_32 = vector.shape_cast %get3A_31 : vector<1x100096xf32> to vector<100096xf32>
    %get3A_33 = arith.constant 1 : index
    %get3A_34 = arith.constant 0 : index
    %get3A_35 = vector.load %arg4[%get3A_33, %get3A_34] : memref<2x100096xf32, #tpu.memory_space<vmem>>, vector<1x100096xf32>
    %get3A_36 = vector.shape_cast %get3A_35 : vector<1x100096xf32> to vector<100096xf32>
    %add3A_37 = arith.addf %get3A_32, %get3A_36 : vector<100096xf32>
    %sub3A_38 = arith.subf %add3A_28, %add3A_37 : vector<100096xf32>
    %swap3A_39 = arith.constant 1 : index
    %swap3A_40 = arith.constant 0 : index
    %swap3A_41 = vector.load %arg6[%swap3A_39, %swap3A_40] : memref<3x100096xf32, #tpu.memory_space<vmem>>, vector<1x100096xf32>
    %swap3A_42 = vector.shape_cast %swap3A_41 : vector<1x100096xf32> to vector<100096xf32>
    %swap3A_43 = vector.shape_cast %sub3A_38 : vector<100096xf32> to vector<1x100096xf32>
    tpu.vector_store %arg6[%swap3A_39, %swap3A_40], %swap3A_43 {strides = array<i32>} : memref<3x100096xf32, #tpu.memory_space<vmem>>, vector<1x100096xf32>,
    %get3A_44 = arith.constant 0 : index
    %get3A_45 = arith.constant 0 : index
    %get3A_46 = vector.load %arg2[%get3A_44, %get3A_45] : memref<2x100096xf32, #tpu.memory_space<vmem>>, vector<1x100096xf32>
    %get3A_47 = vector.shape_cast %get3A_46 : vector<1x100096xf32> to vector<100096xf32>
    %get3A_48 = arith.constant 1 : index
    %get3A_49 = arith.constant 0 : index
    %get3A_50 = vector.load %arg2[%get3A_48, %get3A_49] : memref<2x100096xf32, #tpu.memory_space<vmem>>, vector<1x100096xf32>
    %get3A_51 = vector.shape_cast %get3A_50 : vector<1x100096xf32> to vector<100096xf32>
    %add3A_52 = arith.addf %get3A_47, %get3A_51 : vector<100096xf32>
    %get3A_53 = arith.constant 0 : index
    %get3A_54 = arith.constant 0 : index
    %get3A_55 = vector.load %arg5[%get3A_53, %get3A_54] : memref<2x100096xf32, #tpu.memory_space<vmem>>, vector<1x100096xf32>
    %get3A_56 = vector.shape_cast %get3A_55 : vector<1x100096xf32> to vector<100096xf32>
    %get3A_57 = arith.constant 1 : index
    %get3A_58 = arith.constant 0 : index
    %get3A_59 = vector.load %arg5[%get3A_57, %get3A_58] : memref<2x100096xf32, #tpu.memory_space<vmem>>, vector<1x100096xf32>
    %get3A_60 = vector.shape_cast %get3A_59 : vector<1x100096xf32> to vector<100096xf32>
    %add3A_61 = arith.addf %get3A_56, %get3A_60 : vector<100096xf32>
    %sub3A_62 = arith.subf %add3A_52, %add3A_61 : vector<100096xf32>
    %swap3A_63 = arith.constant 2 : index
    %swap3A_64 = arith.constant 0 : index
    %swap3A_65 = vector.load %arg6[%swap3A_63, %swap3A_64] : memref<3x100096xf32, #tpu.memory_space<vmem>>, vector<1x100096xf32>
    %swap3A_66 = vector.shape_cast %swap3A_65 : vector<1x100096xf32> to vector<100096xf32>
    %swap3A_67 = vector.shape_cast %sub3A_62 : vector<100096xf32> to vector<1x100096xf32>
    tpu.vector_store %arg6[%swap3A_63, %swap3A_64], %swap3A_67 {strides = array<i32>} : memref<3x100096xf32, #tpu.memory_space<vmem>>, vector<1x100096xf32>,
    return
  }
}

</mosaic_0001>

<sc_bundles>
// kernel: kernel.4.cloned.1.call-start
scs
__scs_entry_jumppad:
0x0: {  	(pc) =	sbr.rel $0x88, $3  }
0x1: {  	(tag) =	ssettag $0x0;
	lr =	simm.s32 $0x1  }
0x2: {  	[smem:$0x3F9E] =	sst lr;
	_ =	strace $0xD0000000  }
0x3: {  	_ = 	snop  }
0x4: {  	_ = 	snop  }
0x5: {  	_ = 	snop  }
0x6: {  	_ = 	snop  }
0x7: {  	_ = 	snop  }
__scs_overlays_trampoline_lowered:
0x8: {  	[smem:$0x3FAD] =	sst s0  }
0x9: {  	[smem:$0x3FAE] =	sst s1  }
0xa: {  	[smem:$0x3FAF] =	sst s2  }
0xb: {  	[smem:$0x3FB0] =	sst s3  }
0xc: {  	[smem:$0x3FB1] =	sst s4  }
0xd: {  	[smem:$0x3FB2] =	sst s5  }
0xe: {  	[smem:$0x3FB3] =	sst s6  }
0xf: {  	[smem:$0x3FB4] =	sst s7  }
0x10: {  	[smem:$0x3FB5] =	sst s8  }
0x11: {  	[smem:$0x3FB6] =	sst s9;
	s0 =	simm.s32 @!p0 $0x0  }
0x12: {  	s1 =	sld [smem:$0x3F9C];
	s0 =	simm.s32 @p0 $0x1  }
0x13: {  	[smem:$0x3FB7] =	sst s0;
	s0 =	simm.s32 @!p1 $0x0  }
0x14: {  	s2 =	sld [smem:$0x3F9B];
	s0 =	simm.s32 @p1 $0x1  }
0x15: {  	[smem:$0x3FB8] =	sst s0;
	s0 =	simm.s32 @!p2 $0x0  }
0x16: {  	s3 =	sld [smem:$0x3FDB];
	s0 =	simm.s32 @p2 $0x1  }
0x17: {  	s4 =	simm.s32 $0x1BF5;
	[smem:$0x3FBA] =	sst s0  }
0x18: {  	s0 =	sld [smem:$0x3F9D];
	_ =	swait.ge [sflag:s4], $0x0  }
0x19: {  	s7 =	sld [smem:$0x3F9E]  }
0x1a: {  	s8 =	sadd.s32 $0xFFFFE003, lr  }
0x1b: {  	s9 =	sadd.s32 $0xFFFFFEF7, lr;
	s5 =	simm.s32 $0xFFFFFFFF;
	p2 =	slt.u32 s8, $0xFFFFF086  }
0x1c: {  	p1 =	slt.u32 s9, $0xF7A;
	s5 =	simm.s32 @!p2 $0x0  }
0x1d: {  	s5 =	simm.s32 @p1 $0x1;
	p0 =	seq.s32 s7, s2  }
0x1e: {  	s7 =	smul.u32 @!p0 $0xF7A, s2;
	p2 =	seq.s32 @!p0 s5, $0x0  }
0x1f: {  	s9 =	smul.u32 $0xF7A, s1;
	s8 =	simm.s32 @!p0 $0x1BF5;
	p2 =	por !p2, p0  }
0x20: {  	[sflag:s8] =	ssyncset.s32 @!p0 $0xFFFFF086;
	s6 =	sadd.s32 @!p0 s3, s7;
	s7 =	simm.s32 @!p0 $0x108  }
0x21: {  	s3 =	sadd.s32 s3, s9;
	s6 =	sadd.s32 @!p0 $0x88, s6;
	s7 =	simm.s32 @p2 $0x1082  }
0x22: {  	[simem:s7], [sflag:s8] =	dma.local @!p0 [hbm:s6], $0xF7A  }
0x23: {  	s9 =	sor.u32 $0xD0000000, s2;
	s6 =	simm.s32 $0x108;
	_ =	swait.ge @!p0 [sflag:s8], $0x0  }
0x24: {  	s3 =	sadd.s32 $0x88, s3;
	s6 =	simm.s32 @!p1 $0x1082;
	[sflag:s4] =	ssyncset.s32 $0xFFFFF086  }
0x25: {  	[simem:s6], [sflag:s4] =	dma.local [hbm:s3], $0xF7A  }
0x26: {  	[smem:$0x3F9E] =	sst s1;
	(tag) =	ssettag s2;
	_ =	strace s9  }
0x27: {  	s1 =	sld [smem:$0x3FAE]  }
0x28: {  	s2 =	sld [smem:$0x3FAF]  }
0x29: {  	s4 =	sld [smem:$0x3FB1]  }
0x2a: {  	p0 =	seq.s32 s5, $0x0;
	s5 =	sld [smem:$0x3FB2]  }
0x2b: {  	s6 =	sld [smem:$0x3FB3]  }
0x2c: {  	s7 =	sld [smem:$0x3FB4]  }
0x2d: {  	s3 =	simm.s32 $0x108;
	s8 =	sld [smem:$0x3FB5]  }
0x2e: {  	s3 =	simm.s32 @!p0 $0x1082;
	s9 =	sld [smem:$0x3FB6]  }
0x2f: {  	lr =	sadd.s32 s0, s3;
	s0 =	sld [smem:$0x3FAD]  }
0x30: {  	s3 =	sld [smem:$0x3FB0]  }
0x31: {  	[smem:$0x3FB9] =	sst s10  }
0x32: {  	s10 =	sld [smem:$0x3FB7];
	_ =	sdelay $0x3  }
0x33: {  	p0 =	seq.s32 s10, $0x1;
	s10 =	sld [smem:$0x3FB9];
	_ =	sdelay $0x3  }
0x34: {  	[smem:$0x3FB9] =	sst s10  }
0x35: {  	s10 =	sld [smem:$0x3FB8];
	_ =	sdelay $0x3  }
0x36: {  	p1 =	seq.s32 s10, $0x1;
	s10 =	sld [smem:$0x3FB9];
	_ =	sdelay $0x3  }
0x37: {  	[smem:$0x3FB9] =	sst s10  }
0x38: {  	s10 =	sld [smem:$0x3FBA]  }
0x39: {  	_ = 	snop;
	(pc) =	sbr.ind lr, $3  }
0x3a: {  	_ = 	snop  }
0x3b: {  	_ = 	snop  }
0x3c: {  	p2 =	seq.s32 s10, $0x1;
	s10 =	sld [smem:$0x3FB9]  }
0x3d: {  	_ =	shalt  }
0x3e: {  	_ =	shalt  }
0x3f: {  	_ =	shalt  }
0x40: {  	_ =	shalt  }
0x41: {  	_ =	shalt  }
0x42: {  	_ =	shalt  }
0x43: {  	_ =	shalt  }
0x44: {  	_ =	shalt  }
0x45: {  	_ =	shalt  }
0x46: {  	_ =	shalt  }
0x47: {  	_ =	shalt  }
0x48: {  	_ =	shalt  }
0x49: {  	_ =	shalt  }
0x4a: {  	_ =	shalt  }
0x4b: {  	_ =	shalt  }
0x4c: {  	_ =	shalt  }
0x4d: {  	_ =	shalt  }
0x4e: {  	_ =	shalt  }
0x4f: {  	_ =	shalt  }
0x50: {  	_ =	shalt  }
0x51: {  	_ =	shalt  }
0x52: {  	_ =	shalt  }
0x53: {  	_ =	shalt  }
0x54: {  	_ =	shalt  }
0x55: {  	_ =	shalt  }
0x56: {  	_ =	shalt  }
0x57: {  	_ =	shalt  }
0x58: {  	_ =	shalt  }
0x59: {  	_ =	shalt  }
0x5a: {  	_ =	shalt  }
0x5b: {  	_ =	shalt  }
0x5c: {  	_ =	shalt  }
0x5d: {  	_ =	shalt  }
0x5e: {  	_ =	shalt  }
0x5f: {  	_ =	shalt  }
0x60: {  	_ =	shalt  }
0x61: {  	_ =	shalt  }
0x62: {  	_ =	shalt  }
0x63: {  	_ =	shalt  }
0x64: {  	_ =	shalt  }
0x65: {  	_ =	shalt  }
0x66: {  	_ =	shalt  }
0x67: {  	_ =	shalt  }
0x68: {  	_ =	shalt  }
0x69: {  	_ =	shalt  }
0x6a: {  	_ =	shalt  }
0x6b: {  	_ =	shalt  }
0x6c: {  	_ =	shalt  }
0x6d: {  	_ =	shalt  }
0x6e: {  	_ =	shalt  }
0x6f: {  	_ =	shalt  }
0x70: {  	_ =	shalt  }
0x71: {  	_ =	shalt  }
0x72: {  	_ =	shalt  }
0x73: {  	_ =	shalt  }
0x74: {  	_ =	shalt  }
0x75: {  	_ =	shalt  }
0x76: {  	_ =	shalt  }
0x77: {  	_ =	shalt  }
0x78: {  	_ =	shalt  }
0x79: {  	_ =	shalt  }
0x7a: {  	_ =	shalt  }
0x7b: {  	_ =	shalt  }
0x7c: {  	_ =	shalt  }
0x7d: {  	_ =	shalt  }
0x7e: {  	_ =	shalt  }
0x7f: {  	_ =	shalt  }
0x80: {  	_ =	shalt  }
0x81: {  	_ =	shalt  }
0x82: {  	_ =	shalt  }
0x83: {  	_ =	shalt  }
0x84: {  	_ =	shalt  }
0x85: {  	_ =	shalt  }
0x86: {  	_ =	shalt  }
0x87: {  	_ =	shalt  }
.Lfunc_end0:
.L_simem_size_0:
called_computation_lowered:
.L_overlay_start_0:
0x88: {  	s2 =	sld [smem:$0x3FD9]  }
0x89: {  	s3 =	sld [smem:$0x3FFE];
	_ =	sdelay $0x1  }
0x8a: {  	s1 =	srdreg.scid  }
0x8b: {  	s0 =	sand.u32 $0x1, s1  }
0x8c: {  	s17 =	sshll.u32 s0, $0xA;
	s2 =	sadd.s32 s3, s2  }
0x8d: {  	s2 =	sadd.s32 s2, s17  }
0x8e: {  	[smem:$0x3FC5] =	sst s2  }
0x8f: {  	_ = 	snop  }
0x90: {  	s2 =	sld [smem:$0x3FC8]  }
0x91: {  	s18 =	sld [smem:$0x3FC7]  }
0x92: {  	s4 =	sld [smem:$0x3FD0];
	(tm) =	ssettm $0x1  }
0x93: {  	s5 =	sld [smem:$0x3FFB];
	_ =	sdelay $0x3  }
0x94: {  	_ =	strace s5  }
0x95: {  	s5 =	sld [smem:$0x3FFC];
	_ =	sdelay $0x3  }
0x96: {  	_ =	strace s5  }
0x97: {  	s5 =	sld [smem:$0x3FFD];
	_ =	sdelay $0x3  }
0x98: {  	_ =	strace s5  }
0x99: {  	_ =	strace $0x8FFFFFFF  }
0x9a: {  	s19 =	sld [smem:$0x3FDB];
	_ =	sdelay $0x1  }
0x9b: {  	s6 =	simm.s32 $_scs_section_size  }
0x9c: {  	s7 =	simm.s32 $_size__tile_overlayer_lowered;
	s8 =	simm.s32 $_tile_overlayer_lowered  }
0x9d: {  	s22 =	simm.s32 $0x1BFF;
	s21 =	sshll.u32 s8, $0x1;
	s5 =	sadd.s32 s6, s19  }
0x9e: {  	s9 =	simm.s32 $0x0;
	s20 =	sshll.u32 s7, $0x1;
	s7 =	sadd.s32 s21, s5  }
0x9f: {  	[timem:s9], [sflag:s22] =	dma.local [hbm:s7], s20  }
0xa0: {  	_ =	swait.ge [sflag:s22], s20  }
0xa1: {  	s6 =	ssub.s32 $0x0, s20;
	[sflag:s22] =	ssyncset.done $0x0  }
0xa2: {  	[sflag:s22] =	ssyncadd.s32 s6;
	_ =	sdelay $0x1  }
0xa3: {  	s23 =	simm.s32 $0x1B8B  }
0xa4: {  	_ =	swait.ge [sflag:s23], $0x1  }
0xa5: {  	[sflag:s23] =	ssyncset.done $0x0  }
0xa6: {  	s25 =	simm.s32 $0x1B8E;
	s24 =	sld [smem:$0x3FFE];
	[sflag:s23] =	ssyncadd.s32 $0xFFFFFFFF  }
0xa7: {  	s26 =	simm.s32 $execute0_lowered;
	[smem:$0x3FD2] =	sst s25  }
0xa8: {  	s7 =	sshll.u32 s26, $0x1;
	_ =	strace $0x80000046;
	[dreg:$0x1] =	wrdreg $0xFFFFFFFF  }
0xa9: {  	s28 =	simm.s32 $_size_execute0_lowered;
	s5 =	sadd.s32 s5, s7;
	[dreg:$0x0] =	wrdreg $0x0  }
0xaa: {  	s7 =	sshll.u32 s28, $0x1;
	[dreg:$0x2] =	wrdreg s5  }
0xab: {  	[dreg:$0x3] =	wrdreg s7  }
0xac: {  	[dreg:$0x4] =	wrdreg $0xC0  }
0xad: {  	_ =	task [dreg:s9], $0x5FFFF  }
0xae: {  	[dreg:$0x1] =	wrdreg $0xFFFFFFFF  }
0xaf: {  	[dreg:$0x0] =	wrdreg $0x60  }
0xb0: {  	[dreg:$0x2] =	wrdreg s24  }
0xb1: {  	[dreg:$0x3] =	wrdreg s2  }
0xb2: {  	[dreg:$0x4] =	wrdreg s18  }
0xb3: {  	[dreg:$0x5] =	wrdreg s4  }
0xb4: {  	[dreg:$0x6] =	wrdreg $0x0  }
0xb5: {  	[dreg:$0x7] =	wrdreg $0x18700  }
0xb6: {  	[dreg:$0x8] =	wrdreg $0x30E00  }
0xb7: {  	[dreg:$0x9] =	wrdreg $0x49500  }
0xb8: {  	[dreg:$0xa] =	wrdreg $0x61C00  }
0xb9: {  	[dreg:$0xb] =	wrdreg $0x7A300  }
0xba: {  	[dreg:$0xc] =	wrdreg $0x9  }
0xbb: {  	_ =	task.clear_ibuf [dreg:s9], $0xDFFFF;
	_ =	strace $0x90000046  }
0xbc: {  	s29 =	simm.s32 $0x9;
	_ =	strace $0x80000048  }
0xbd: {  	_ =	swait.ge [sflag:s29], $0x1  }
0xbe: {  	[sflag:s29] =	ssyncadd.s32 $0xFFFFFFFF  }
0xbf: {  	_ =	strace $0x90000048  }
0xc0: {  	_ =	sfence  }
0xc1: {  	s30 =	sld [smem:$0x0];
	_ =	sdelay $0x2  }
0xc2: {  	s31 =	sshll.u32 s1, $0xD;
	s1 =	sshrl.u32 s1, $0x2  }
0xc3: {  	s3 =	sand.u32 $0x4000, s31;
	s1 =	sadd.s32 s1, s30  }
0xc4: {  	s0 =	sor.u32 s3, s0;
	s1 =	sshll.u32 s1, $0x11  }
0xc5: {  	s0 =	sor.u32 s1, s0  }
0xc6: {  	s0 =	sadd.s32 $0x8F2B, s0  }
0xc7: {  	[sflag:s0] =	ssyncadd.remote.s32 $0x1  }
0xc8: {  	_ =	sfence.sel $0xFFFF  }
0xc9: {  	[dreg:$0x0] =	wrdreg $0xFFFFFFFF;
	(pc) =	sbr.abs _section_cstart, $3  }
0xca: {  	[dreg:$0x1] =	wrdreg $0xFFFFFFFF  }
0xcb: {  	_ =	task.clear_ibuf [dreg:s9], $0x2FFFF;
	_ =	strace $0x9FFFFFFF  }
0xcc: {  	(tm) =	ssettm $0x7FFFFFFF  }
0xcd: {  	_ =	shalt  }
tec
execute0_lowered:
.L_overlay_start_1:
0x0: {  	(tag) =	ssettag $0x1  }
0x1: {  	s1 =	rddreg [dreg:$0x0]  }
0x2: {  	s5 =	rddreg [dreg:$0x1]  }
0x3: {  	s9 =	rddreg [dreg:$0x2]  }
0x4: {  	s10 =	rddreg [dreg:$0x3]  }
0x5: {  	s0 =	rddreg [dreg:$0x4]  }
0x6: {  	s2 =	rddreg [dreg:$0x5]  }
0x7: {  	s3 =	rddreg [dreg:$0x6]  }
0x8: {  	s4 =	rddreg [dreg:$0x7]  }
0x9: {  	s7 =	srdreg.scid;
	s19 =	stileid.u32  }
0xa: {  	s6 =	rddreg [dreg:$0x8];
	s31 =	simm.s32 $0x1;
	s28 =	simm.s32 $0x9FA0  }
0xb: {  	s29 =	simm.s32 $0x9C20;
	s11 =	sand.u32 $0x1, s7;
	s12 =	smul.u32 $0x186, s19  }
0xc: {  	s7 =	rddreg [dreg:$0x9];
	s8 =	sshll.u32 s19, $0x1;
	s15 =	sadd.s32 $0x24AC00, s1  }
0xd: {  	s16 =	smul.u32 $0x1870, s19;
	s18 =	sshll.u32 s19, $0x6;
	p0 =	slt.u32 s19, $0x5  }
0xe: {  	s19 =	simm.s32 $0x9420;
	s13 =	smul.u32 $0xC3, s11;
	s14 =	sor.u32 s11, s8  }
0xf: {  	s8 =	simm.s32 $0x0;
	s26 =	smul.u32 $0x30E0, s11;
	s11 =	ssub.s32 $0x2, s11  }
0x10: {  	s30 =	sor.u32 $0x1C01, s18;
	s25 =	smin.u32 s14, $0xA;
	[smem:$0x7FF] =	sst s8  }
0x11: {  	s20 =	sadd.s32 s16, s2;
	_ =	strace $0x80000047;
	[dreg:$0xb] =	wrdreg s15  }
0x12: {  	s17 =	sshrl.u32 s11, $0x1;
	s21 =	sadd.s32 s16, s3;
	[dreg:$0xe] =	wrdreg s20  }
0x13: {  	s23 =	sshrl.u32 s16, $0x3;
	s12 =	sadd.s32 s13, s12;
	[dreg:$0xf] =	wrdreg s21  }
0x14: {  	s11 =	ssub.s32 s11, s17;
	s17 =	sadd.s32 s16, s0;
	[dreg:$0xd] =	wrdreg s30  }
0x15: {  	s10 =	sadd.s32 s10, s26;
	s20 =	sadd.s32 s16, s4;
	[dreg:$0xc] =	wrdreg s17  }
0x16: {  	s21 =	sadd.s32 s16, s6;
	s12 =	sadd.s32 s25, s12;
	[dreg:$0x18] =	wrdreg s20  }
0x17: {  	s15 =	simm.s32 $0x9B20;
	[dreg:$0x19] =	wrdreg s21;
	s12 =	sshll.u32 s12, $0x7  }
0x18: {  	s21 =	simm.s32 $0xA2A0;
	s20 =	simm.s32 $0x9720;
	s5 =	sadd.s32 s12, s5  }
0x19: {  	s13 =	sadd.s32 s12, s1;
	s25 =	sadd.s32 s12, s9;
	[dreg:$0x10] =	wrdreg s5  }
0x1a: {  	s1 =	sadd.s32 s26, s1;
	s12 =	sadd.s32 s23, s10;
	[dreg:$0x11] =	wrdreg s25  }
0x1b: {  	s22 =	sadd.s32 $0x24B000, s1;
	[dreg:$0x12] =	wrdreg s12;
	s25 =	sadd.s32 $0xC4000, s13  }
0x1c: {  	s24 =	sadd.s32 $0x251200, s1;
	s14 =	sadd.s32 s23, s22;
	[dreg:$0x1e] =	wrdreg s25  }
0x1d: {  	s18 =	sadd.s32 $0x257400, s1;
	s17 =	sadd.s32 s23, s24;
	[dreg:$0x13] =	wrdreg s14  }
0x1e: {  	s26 =	sadd.s32 $0x25D600, s1;
	s18 =	sadd.s32 s23, s18;
	[dreg:$0x14] =	wrdreg s17  }
0x1f: {  	s1 =	sadd.s32 $0x263800, s1;
	s5 =	sadd.s32 s23, s26;
	[dreg:$0x15] =	wrdreg s18  }
0x20: {  	s9 =	simm.s32 $0xA320;
	s1 =	sadd.s32 s23, s1;
	[dreg:$0x16] =	wrdreg s5  }
0x21: {  	s12 =	simm.s32 $0x9AA0;
	s22 =	sadd.s32 s16, s7;
	[dreg:$0x17] =	wrdreg s1  }
0x22: {  	s23 =	smax.u32 s11, $0x1;
	s24 =	sadd.s32 $0xA00, s13;
	[dreg:$0x1a] =	wrdreg s22  }
0x23: {  	s26 =	sadd.s32 $0x187600, s13;
	s16 =	simm.s32 $0x80;
	[dreg:$0x1c] =	wrdreg s23  }
0x24: {  	s25 =	simm.s32 $0x9BA0;
	s11 =	simm.s32 $0x0;
	[dreg:$0x1d] =	wrdreg s24  }
0x25: {  	s1 =	simm.s32 $0xC4;
	[dreg:$0x1f] =	wrdreg s26;
	s5 =	simm.s32 $0x96A0  }
0x26: {  	s17 =	simm.s32 $0x9EA0;
	s14 =	simm.s32 $0x9320;
	s22 =	simm.s32 $0x9F20  }
0x27: {  	s23 =	simm.s32 $0x93A0;
	s24 =	simm.s32 $0xA3A0;
	s1 =	simm.s32 @!p0 $0xC3  }
0x28: {  	s26 =	simm.s32 $0x97A0;
	[dreg:$0x1b] =	wrdreg s1;
	s1 =	simm.s32 $0x92A0  }
.LBB2_1:
0x29: {  	[smem:$0x7F7] =	sst s11  }
0x2a: {  	s10 =	rddreg [dreg:$0xc]  }
0x2b: {  	s18 =	sshrl.u32 s10, $0x3;
	s10 =	rddreg [dreg:$0xb]  }
0x2c: {  	[smem:$0x7F8] =	sst s18  }
0x2d: {  	[spmem:s18], [sflag:s30] =	dma.local [hbm:s10], $0x30E  }
0x2e: {  	_ =	swait.ge [sflag:s31], $0x30E  }
0x2f: {  	s13 =	rddreg [dreg:$0xe]  }
0x30: {  	[sflag:s31] =	ssyncset.done $0x0;
	s11 =	sshrl.u32 s13, $0x3  }
0x31: {  	[sflag:s31] =	ssyncadd.s32 $0xFFFFFCF2;
	[smem:$0x7F9] =	sst s11  }
0x32: {  	[spmem:s11], [sflag:s30] =	dma.local [hbm:s10], $0x30E  }
0x33: {  	_ =	swait.ge [sflag:s31], $0x30E  }
0x34: {  	s18 =	rddreg [dreg:$0xf]  }
0x35: {  	[sflag:s31] =	ssyncset.done $0x0;
	s11 =	sshrl.u32 s18, $0x3  }
0x36: {  	[sflag:s31] =	ssyncadd.s32 $0xFFFFFCF2;
	[smem:$0x7FA] =	sst s11  }
0x37: {  	[spmem:s11], [sflag:s30] =	dma.local [hbm:s10], $0x30E  }
0x38: {  	_ =	swait.ge [sflag:s31], $0x30E  }
0x39: {  	s13 =	rddreg [dreg:$0x18]  }
0x3a: {  	[sflag:s31] =	ssyncset.done $0x0;
	s11 =	sshrl.u32 s13, $0x3  }
0x3b: {  	[sflag:s31] =	ssyncadd.s32 $0xFFFFFCF2;
	[smem:$0x7FB] =	sst s11  }
0x3c: {  	[spmem:s11], [sflag:s30] =	dma.local [hbm:s10], $0x30E  }
0x3d: {  	_ =	swait.ge [sflag:s31], $0x30E  }
0x3e: {  	s18 =	rddreg [dreg:$0x19]  }
0x3f: {  	[sflag:s31] =	ssyncset.done $0x0;
	s11 =	sshrl.u32 s18, $0x3  }
0x40: {  	[sflag:s31] =	ssyncadd.s32 $0xFFFFFCF2;
	[smem:$0x7FC] =	sst s11  }
0x41: {  	[spmem:s11], [sflag:s30] =	dma.local [hbm:s10], $0x30E  }
0x42: {  	_ =	swait.ge [sflag:s31], $0x30E  }
0x43: {  	s13 =	rddreg [dreg:$0x1a]  }
0x44: {  	[sflag:s31] =	ssyncset.done $0x0;
	s11 =	sshrl.u32 s13, $0x3  }
0x45: {  	[sflag:s31] =	ssyncadd.s32 $0xFFFFFCF2;
	[smem:$0x7FD] =	sst s11  }
0x46: {  	[spmem:s11], [sflag:s30] =	dma.local [hbm:s10], $0x30E  }
0x47: {  	_ =	swait.ge [sflag:s31], $0x30E  }
0x48: {  	[sflag:s31] =	ssyncset.done $0x0  }
0x49: {  	[sflag:s31] =	ssyncadd.s32 $0xFFFFFCF2  }
0x4a: {  	[bflag:$0x0] =	sbarrier.arrive $0xFFFF  }
0x4b: {  	s10 =	rddreg [dreg:$0x10]  }
0x4c: {  	[tilespmem:s1], [sflag:$0x1] =	stream.linear.gather [hbm4b:s10+s8], $0x400, $0x38;
	[tilespmem:$0xA6A0] =	vst v63  }
0x4d: {  	_ =	swait.ge [sflag:s31], $0x400  }
0x4e: {  	[sflag:s31] =	ssyncset.done $0x0  }
0x4f: {  	s11 =	rddreg [dreg:$0x11];
	[sflag:s31] =	ssyncadd.s32 $0xFFFFFC00  }
0x50: {  	[tilespmem:s5], [sflag:$0x1] =	stream.linear.gather [hbm4b:s11+s8], $0x400, $0x38;
	[tilespmem:$0xA6A0] =	vst v63  }
0x51: {  	_ =	swait.ge [sflag:s31], $0x400  }
0x52: {  	[sflag:s31] =	ssyncset.done $0x0  }
0x53: {  	s18 =	rddreg [dreg:$0x1f];
	[sflag:s31] =	ssyncadd.s32 $0xFFFFFC00  }
0x54: {  	[tilespmem:s12], [sflag:$0x1] =	stream.linear.gather [hbm4b:s18+s8], $0x400, $0x38;
	[tilespmem:$0xA6A0] =	vst v63  }
0x55: {  	_ =	swait.ge [sflag:s31], $0x400  }
0x56: {  	[sflag:s31] =	ssyncset.done $0x0  }
0x57: {  	s13 =	rddreg [dreg:$0x1e];
	[sflag:s31] =	ssyncadd.s32 $0xFFFFFC00  }
0x58: {  	[tilespmem:s17], [sflag:$0x1] =	stream.linear.gather [hbm4b:s13+s8], $0x400, $0x38;
	[tilespmem:$0xA6A0] =	vst v63  }
0x59: {  	_ =	swait.ge [sflag:s31], $0x400  }
0x5a: {  	[sflag:s31] =	ssyncset.done $0x0  }
0x5b: {  	s13 =	rddreg [dreg:$0x1d];
	[sflag:s31] =	ssyncadd.s32 $0xFFFFFC00  }
0x5c: {  	[tilespmem:s21], [sflag:$0x1] =	stream.linear.gather [hbm4b:s13+s8], $0x400, $0x38;
	[tilespmem:$0xA6A0] =	vst v63  }
0x5d: {  	_ =	swait.ge [sflag:s31], $0x400  }
0x5e: {  	[sflag:s31] =	ssyncset.done $0x0  }
0x5f: {  	[sflag:s31] =	ssyncadd.s32 $0xFFFFFC00  }
0x60: {  	[spmem:s0] =	stream.indirect.scatter.add.f32 [tilespmem:s12], [sflag:$0x1], $0x1, s1, s16, $0xb8;
	[tilespmem:$0xA6A0] =	vst v63  }
0x61: {  	_ =	swait.ge [sflag:s31], $0x80  }
0x62: {  	[sflag:s31] =	ssyncset.done $0x0  }
0x63: {  	[sflag:s31] =	ssyncadd.s32 $0xFFFFFF80  }
0x64: {  	[spmem:s2] =	stream.indirect.scatter.add.f32 [tilespmem:s17], [sflag:$0x1], $0x1, s1, s16, $0xb8;
	[tilespmem:$0xA6A0] =	vst v63  }
0x65: {  	_ =	swait.ge [sflag:s31], $0x80  }
0x66: {  	[sflag:s31] =	ssyncset.done $0x0  }
0x67: {  	[sflag:s31] =	ssyncadd.s32 $0xFFFFFF80  }
0x68: {  	[spmem:s3] =	stream.indirect.scatter.add.f32 [tilespmem:s21], [sflag:$0x1], $0x1, s1, s16, $0xb8;
	[tilespmem:$0xA6A0] =	vst v63  }
0x69: {  	_ =	swait.ge [sflag:s31], $0x80  }
0x6a: {  	[sflag:s31] =	ssyncset.done $0x0  }
0x6b: {  	[sflag:s31] =	ssyncadd.s32 $0xFFFFFF80  }
0x6c: {  	[spmem:s4] =	stream.indirect.scatter.add.f32 [tilespmem:s12], [sflag:$0x1], $0x1, s5, s16, $0xb8;
	[tilespmem:$0xA6A0] =	vst v63  }
0x6d: {  	_ =	swait.ge [sflag:s31], $0x80  }
0x6e: {  	[sflag:s31] =	ssyncset.done $0x0  }
0x6f: {  	[sflag:s31] =	ssyncadd.s32 $0xFFFFFF80  }
0x70: {  	[spmem:s6] =	stream.indirect.scatter.add.f32 [tilespmem:s17], [sflag:$0x1], $0x1, s5, s16, $0xb8;
	[tilespmem:$0xA6A0] =	vst v63  }
0x71: {  	_ =	swait.ge [sflag:s31], $0x80  }
0x72: {  	[sflag:s31] =	ssyncset.done $0x0  }
0x73: {  	[sflag:s31] =	ssyncadd.s32 $0xFFFFFF80  }
0x74: {  	[spmem:s7] =	stream.indirect.scatter.add.f32 [tilespmem:s21], [sflag:$0x1], $0x1, s5, s16, $0xb8;
	[tilespmem:$0xA6A0] =	vst v63  }
0x75: {  	_ =	swait.ge [sflag:s31], $0x80  }
0x76: {  	[sflag:s31] =	ssyncset.done $0x0  }
0x77: {  	[sflag:s31] =	ssyncadd.s32 $0xFFFFFF80  }
0x78: {  	[spmem:s0] =	stream.indirect.scatter.add.f32 [tilespmem:s15], [sflag:$0x1], $0x1, s14, s16, $0xb8;
	[tilespmem:$0xA6A0] =	vst v63  }
0x79: {  	_ =	swait.ge [sflag:s31], $0x80  }
0x7a: {  	[sflag:s31] =	ssyncset.done $0x0  }
0x7b: {  	[sflag:s31] =	ssyncadd.s32 $0xFFFFFF80  }
0x7c: {  	[spmem:s2] =	stream.indirect.scatter.add.f32 [tilespmem:s22], [sflag:$0x1], $0x1, s14, s16, $0xb8;
	[tilespmem:$0xA6A0] =	vst v63  }
0x7d: {  	_ =	swait.ge [sflag:s31], $0x80  }
0x7e: {  	[sflag:s31] =	ssyncset.done $0x0  }
0x7f: {  	[sflag:s31] =	ssyncadd.s32 $0xFFFFFF80  }
0x80: {  	[spmem:s3] =	stream.indirect.scatter.add.f32 [tilespmem:s9], [sflag:$0x1], $0x1, s14, s16, $0xb8;
	[tilespmem:$0xA6A0] =	vst v63  }
0x81: {  	_ =	swait.ge [sflag:s31], $0x80  }
0x82: {  	[sflag:s31] =	ssyncset.done $0x0  }
0x83: {  	[sflag:s31] =	ssyncadd.s32 $0xFFFFFF80  }
0x84: {  	[spmem:s4] =	stream.indirect.scatter.add.f32 [tilespmem:s15], [sflag:$0x1], $0x1, s20, s16, $0xb8;
	[tilespmem:$0xA6A0] =	vst v63  }
0x85: {  	_ =	swait.ge [sflag:s31], $0x80  }
0x86: {  	[sflag:s31] =	ssyncset.done $0x0  }
0x87: {  	[sflag:s31] =	ssyncadd.s32 $0xFFFFFF80  }
0x88: {  	[spmem:s6] =	stream.indirect.scatter.add.f32 [tilespmem:s22], [sflag:$0x1], $0x1, s20, s16, $0xb8;
	[tilespmem:$0xA6A0] =	vst v63  }
0x89: {  	_ =	swait.ge [sflag:s31], $0x80  }
0x8a: {  	[sflag:s31] =	ssyncset.done $0x0  }
0x8b: {  	[sflag:s31] =	ssyncadd.s32 $0xFFFFFF80  }
0x8c: {  	[spmem:s7] =	stream.indirect.scatter.add.f32 [tilespmem:s9], [sflag:$0x1], $0x1, s20, s16, $0xb8;
	[tilespmem:$0xA6A0] =	vst v63  }
0x8d: {  	_ =	swait.ge [sflag:s31], $0x80  }
0x8e: {  	[sflag:s31] =	ssyncset.done $0x0  }
0x8f: {  	[sflag:s31] =	ssyncadd.s32 $0xFFFFFF80  }
0x90: {  	[spmem:s0] =	stream.indirect.scatter.add.f32 [tilespmem:s25], [sflag:$0x1], $0x1, s23, s16, $0xb8;
	[tilespmem:$0xA6A0] =	vst v63  }
0x91: {  	_ =	swait.ge [sflag:s31], $0x80  }
0x92: {  	[sflag:s31] =	ssyncset.done $0x0  }
0x93: {  	[sflag:s31] =	ssyncadd.s32 $0xFFFFFF80  }
0x94: {  	[spmem:s2] =	stream.indirect.scatter.add.f32 [tilespmem:s28], [sflag:$0x1], $0x1, s23, s16, $0xb8;
	[tilespmem:$0xA6A0] =	vst v63  }
0x95: {  	_ =	swait.ge [sflag:s31], $0x80  }
0x96: {  	[sflag:s31] =	ssyncset.done $0x0  }
0x97: {  	[sflag:s31] =	ssyncadd.s32 $0xFFFFFF80  }
0x98: {  	[spmem:s3] =	stream.indirect.scatter.add.f32 [tilespmem:s24], [sflag:$0x1], $0x1, s23, s16, $0xb8;
	[tilespmem:$0xA6A0] =	vst v63  }
0x99: {  	_ =	swait.ge [sflag:s31], $0x80  }
0x9a: {  	[sflag:s31] =	ssyncset.done $0x0  }
0x9b: {  	[sflag:s31] =	ssyncadd.s32 $0xFFFFFF80  }
0x9c: {  	[spmem:s4] =	stream.indirect.scatter.add.f32 [tilespmem:s25], [sflag:$0x1], $0x1, s26, s16, $0xb8;
	[tilespmem:$0xA6A0] =	vst v63  }
0x9d: {  	_ =	swait.ge [sflag:s31], $0x80  }
0x9e: {  	[sflag:s31] =	ssyncset.done $0x0  }
0x9f: {  	[sflag:s31] =	ssyncadd.s32 $0xFFFFFF80  }
0xa0: {  	[spmem:s6] =	stream.indirect.scatter.add.f32 [tilespmem:s28], [sflag:$0x1], $0x1, s26, s16, $0xb8;
	[tilespmem:$0xA6A0] =	vst v63  }
0xa1: {  	_ =	swait.ge [sflag:s31], $0x80  }
0xa2: {  	[sflag:s31] =	ssyncset.done $0x0  }
0xa3: {  	[sflag:s31] =	ssyncadd.s32 $0xFFFFFF80  }
0xa4: {  	[spmem:s7] =	stream.indirect.scatter.add.f32 [tilespmem:s24], [sflag:$0x1], $0x1, s26, s16, $0xb8;
	[tilespmem:$0xA6A0] =	vst v63  }
0xa5: {  	_ =	swait.ge [sflag:s31], $0x80  }
0xa6: {  	[sflag:s31] =	ssyncset.done $0x0  }
0xa7: {  	[sflag:s31] =	ssyncadd.s32 $0xFFFFFF80  }
0xa8: {  	[spmem:s0] =	stream.indirect.scatter.add.f32 [tilespmem:s29], [sflag:$0x1], $0x1, s19, s16, $0xb8;
	[tilespmem:$0xA6A0] =	vst v63  }
0xa9: {  	_ =	swait.ge [sflag:s31], $0x80  }
0xaa: {  	[sflag:s31] =	ssyncset.done $0x0  }
0xab: {  	s14 =	simm.s32 $0xA020;
	[sflag:s31] =	ssyncadd.s32 $0xFFFFFF80  }
0xac: {  	[spmem:s2] =	stream.indirect.scatter.add.f32 [tilespmem:s14], [sflag:$0x1], $0x1, s19, s16, $0xb8;
	[tilespmem:$0xA6A0] =	vst v63  }
0xad: {  	_ =	swait.ge [sflag:s31], $0x80  }
0xae: {  	[sflag:s31] =	ssyncset.done $0x0  }
0xaf: {  	s15 =	simm.s32 $0xA420;
	[sflag:s31] =	ssyncadd.s32 $0xFFFFFF80  }
0xb0: {  	[spmem:s3] =	stream.indirect.scatter.add.f32 [tilespmem:s15], [sflag:$0x1], $0x1, s19, s16, $0xb8;
	[tilespmem:$0xA6A0] =	vst v63  }
0xb1: {  	_ =	swait.ge [sflag:s31], $0x80  }
0xb2: {  	[sflag:s31] =	ssyncset.done $0x0  }
0xb3: {  	s17 =	simm.s32 $0x9820;
	[sflag:s31] =	ssyncadd.s32 $0xFFFFFF80  }
0xb4: {  	[spmem:s4] =	stream.indirect.scatter.add.f32 [tilespmem:s29], [sflag:$0x1], $0x1, s17, s16, $0xb8;
	[tilespmem:$0xA6A0] =	vst v63  }
0xb5: {  	_ =	swait.ge [sflag:s31], $0x80  }
0xb6: {  	[sflag:s31] =	ssyncset.done $0x0  }
0xb7: {  	[sflag:s31] =	ssyncadd.s32 $0xFFFFFF80  }
0xb8: {  	[spmem:s6] =	stream.indirect.scatter.add.f32 [tilespmem:s14], [sflag:$0x1], $0x1, s17, s16, $0xb8;
	[tilespmem:$0xA6A0] =	vst v63  }
0xb9: {  	_ =	swait.ge [sflag:s31], $0x80  }
0xba: {  	[sflag:s31] =	ssyncset.done $0x0  }
0xbb: {  	[sflag:s31] =	ssyncadd.s32 $0xFFFFFF80  }
0xbc: {  	[spmem:s7] =	stream.indirect.scatter.add.f32 [tilespmem:s15], [sflag:$0x1], $0x1, s17, s16, $0xb8;
	[tilespmem:$0xA6A0] =	vst v63  }
0xbd: {  	_ =	swait.ge [sflag:s31], $0x80  }
0xbe: {  	[sflag:s31] =	ssyncset.done $0x0  }
0xbf: {  	s20 =	simm.s32 $0x9CA0;
	s19 =	simm.s32 $0x94A0;
	[sflag:s31] =	ssyncadd.s32 $0xFFFFFF80  }
0xc0: {  	[spmem:s0] =	stream.indirect.scatter.add.f32 [tilespmem:s20], [sflag:$0x1], $0x1, s19, s16, $0xb8;
	[tilespmem:$0xA6A0] =	vst v63  }
0xc1: {  	_ =	swait.ge [sflag:s31], $0x80  }
0xc2: {  	[sflag:s31] =	ssyncset.done $0x0  }
0xc3: {  	s21 =	simm.s32 $0xA0A0;
	[sflag:s31] =	ssyncadd.s32 $0xFFFFFF80  }
0xc4: {  	[spmem:s2] =	stream.indirect.scatter.add.f32 [tilespmem:s21], [sflag:$0x1], $0x1, s19, s16, $0xb8;
	[tilespmem:$0xA6A0] =	vst v63  }
0xc5: {  	_ =	swait.ge [sflag:s31], $0x80  }
0xc6: {  	[sflag:s31] =	ssyncset.done $0x0  }
0xc7: {  	s22 =	simm.s32 $0xA4A0;
	[sflag:s31] =	ssyncadd.s32 $0xFFFFFF80  }
0xc8: {  	[spmem:s3] =	stream.indirect.scatter.add.f32 [tilespmem:s22], [sflag:$0x1], $0x1, s19, s16, $0xb8;
	[tilespmem:$0xA6A0] =	vst v63  }
0xc9: {  	_ =	swait.ge [sflag:s31], $0x80  }
0xca: {  	[sflag:s31] =	ssyncset.done $0x0  }
0xcb: {  	s23 =	simm.s32 $0x98A0;
	[sflag:s31] =	ssyncadd.s32 $0xFFFFFF80  }
0xcc: {  	[spmem:s4] =	stream.indirect.scatter.add.f32 [tilespmem:s20], [sflag:$0x1], $0x1, s23, s16, $0xb8;
	[tilespmem:$0xA6A0] =	vst v63  }
0xcd: {  	_ =	swait.ge [sflag:s31], $0x80  }
0xce: {  	[sflag:s31] =	ssyncset.done $0x0  }
0xcf: {  	[sflag:s31] =	ssyncadd.s32 $0xFFFFFF80  }
0xd0: {  	[spmem:s6] =	stream.indirect.scatter.add.f32 [tilespmem:s21], [sflag:$0x1], $0x1, s23, s16, $0xb8;
	[tilespmem:$0xA6A0] =	vst v63  }
0xd1: {  	_ =	swait.ge [sflag:s31], $0x80  }
0xd2: {  	[sflag:s31] =	ssyncset.done $0x0  }
0xd3: {  	[sflag:s31] =	ssyncadd.s32 $0xFFFFFF80  }
0xd4: {  	[spmem:s7] =	stream.indirect.scatter.add.f32 [tilespmem:s22], [sflag:$0x1], $0x1, s23, s16, $0xb8;
	[tilespmem:$0xA6A0] =	vst v63  }
0xd5: {  	_ =	swait.ge [sflag:s31], $0x80  }
0xd6: {  	[sflag:s31] =	ssyncset.done $0x0  }
0xd7: {  	s25 =	simm.s32 $0x9D20;
	s24 =	simm.s32 $0x9520;
	[sflag:s31] =	ssyncadd.s32 $0xFFFFFF80  }
0xd8: {  	[spmem:s0] =	stream.indirect.scatter.add.f32 [tilespmem:s25], [sflag:$0x1], $0x1, s24, s16, $0xb8;
	[tilespmem:$0xA6A0] =	vst v63  }
0xd9: {  	_ =	swait.ge [sflag:s31], $0x80  }
0xda: {  	[sflag:s31] =	ssyncset.done $0x0  }
0xdb: {  	s26 =	simm.s32 $0xA120;
	[sflag:s31] =	ssyncadd.s32 $0xFFFFFF80  }
0xdc: {  	[spmem:s2] =	stream.indirect.scatter.add.f32 [tilespmem:s26], [sflag:$0x1], $0x1, s24, s16, $0xb8;
	[tilespmem:$0xA6A0] =	vst v63  }
0xdd: {  	_ =	swait.ge [sflag:s31], $0x80  }
0xde: {  	[sflag:s31] =	ssyncset.done $0x0  }
0xdf: {  	s28 =	simm.s32 $0xA520;
	[sflag:s31] =	ssyncadd.s32 $0xFFFFFF80  }
0xe0: {  	[spmem:s3] =	stream.indirect.scatter.add.f32 [tilespmem:s28], [sflag:$0x1], $0x1, s24, s16, $0xb8;
	[tilespmem:$0xA6A0] =	vst v63  }
0xe1: {  	_ =	swait.ge [sflag:s31], $0x80  }
0xe2: {  	[sflag:s31] =	ssyncset.done $0x0  }
0xe3: {  	s14 =	simm.s32 $0x9920;
	[sflag:s31] =	ssyncadd.s32 $0xFFFFFF80  }
0xe4: {  	[spmem:s4] =	stream.indirect.scatter.add.f32 [tilespmem:s25], [sflag:$0x1], $0x1, s14, s16, $0xb8;
	[tilespmem:$0xA6A0] =	vst v63  }
0xe5: {  	_ =	swait.ge [sflag:s31], $0x80  }
0xe6: {  	[sflag:s31] =	ssyncset.done $0x0  }
0xe7: {  	[sflag:s31] =	ssyncadd.s32 $0xFFFFFF80  }
0xe8: {  	[spmem:s6] =	stream.indirect.scatter.add.f32 [tilespmem:s26], [sflag:$0x1], $0x1, s14, s16, $0xb8;
	[tilespmem:$0xA6A0] =	vst v63  }
0xe9: {  	_ =	swait.ge [sflag:s31], $0x80  }
0xea: {  	[sflag:s31] =	ssyncset.done $0x0  }
0xeb: {  	[sflag:s31] =	ssyncadd.s32 $0xFFFFFF80  }
0xec: {  	[spmem:s7] =	stream.indirect.scatter.add.f32 [tilespmem:s28], [sflag:$0x1], $0x1, s14, s16, $0xb8;
	[tilespmem:$0xA6A0] =	vst v63  }
0xed: {  	_ =	swait.ge [sflag:s31], $0x80  }
0xee: {  	[sflag:s31] =	ssyncset.done $0x0  }
0xef: {  	s15 =	simm.s32 $0x95A0;
	s17 =	simm.s32 $0x9DA0;
	[sflag:s31] =	ssyncadd.s32 $0xFFFFFF80  }
0xf0: {  	[spmem:s0] =	stream.indirect.scatter.add.f32 [tilespmem:s17], [sflag:$0x1], $0x1, s15, s16, $0xb8;
	[tilespmem:$0xA6A0] =	vst v63  }
0xf1: {  	_ =	swait.ge [sflag:s31], $0x80  }
0xf2: {  	[sflag:s31] =	ssyncset.done $0x0  }
0xf3: {  	s19 =	simm.s32 $0xA1A0;
	[sflag:s31] =	ssyncadd.s32 $0xFFFFFF80  }
0xf4: {  	[spmem:s2] =	stream.indirect.scatter.add.f32 [tilespmem:s19], [sflag:$0x1], $0x1, s15, s16, $0xb8;
	[tilespmem:$0xA6A0] =	vst v63  }
0xf5: {  	_ =	swait.ge [sflag:s31], $0x80  }
0xf6: {  	[sflag:s31] =	ssyncset.done $0x0  }
0xf7: {  	s20 =	simm.s32 $0xA5A0;
	[sflag:s31] =	ssyncadd.s32 $0xFFFFFF80  }
0xf8: {  	[spmem:s3] =	stream.indirect.scatter.add.f32 [tilespmem:s20], [sflag:$0x1], $0x1, s15, s16, $0xb8;
	[tilespmem:$0xA6A0] =	vst v63  }
0xf9: {  	_ =	swait.ge [sflag:s31], $0x80  }
0xfa: {  	[sflag:s31] =	ssyncset.done $0x0  }
0xfb: {  	s21 =	simm.s32 $0x99A0;
	[sflag:s31] =	ssyncadd.s32 $0xFFFFFF80  }
0xfc: {  	[spmem:s4] =	stream.indirect.scatter.add.f32 [tilespmem:s17], [sflag:$0x1], $0x1, s21, s16, $0xb8;
	[tilespmem:$0xA6A0] =	vst v63  }
0xfd: {  	_ =	swait.ge [sflag:s31], $0x80  }
0xfe: {  	[sflag:s31] =	ssyncset.done $0x0  }
0xff: {  	[sflag:s31] =	ssyncadd.s32 $0xFFFFFF80  }
0x100: {  	[spmem:s6] =	stream.indirect.scatter.add.f32 [tilespmem:s19], [sflag:$0x1], $0x1, s21, s16, $0xb8;
	[tilespmem:$0xA6A0] =	vst v63  }
0x101: {  	_ =	swait.ge [sflag:s31], $0x80  }
0x102: {  	[sflag:s31] =	ssyncset.done $0x0  }
0x103: {  	[sflag:s31] =	ssyncadd.s32 $0xFFFFFF80  }
0x104: {  	[spmem:s7] =	stream.indirect.scatter.add.f32 [tilespmem:s20], [sflag:$0x1], $0x1, s21, s16, $0xb8;
	[tilespmem:$0xA6A0] =	vst v63  }
0x105: {  	_ =	swait.ge [sflag:s31], $0x80  }
0x106: {  	[sflag:s31] =	ssyncset.done $0x0  }
0x107: {  	s22 =	simm.s32 $0x9E20;
	s25 =	simm.s32 $0x9620;
	[sflag:s31] =	ssyncadd.s32 $0xFFFFFF80  }
0x108: {  	[spmem:s0] =	stream.indirect.scatter.add.f32 [tilespmem:s22], [sflag:$0x1], $0x1, s25, s16, $0xb8;
	[tilespmem:$0xA6A0] =	vst v63  }
0x109: {  	_ =	swait.ge [sflag:s31], $0x80  }
0x10a: {  	[sflag:s31] =	ssyncset.done $0x0  }
0x10b: {  	s23 =	simm.s32 $0xA220;
	[sflag:s31] =	ssyncadd.s32 $0xFFFFFF80  }
0x10c: {  	[spmem:s2] =	stream.indirect.scatter.add.f32 [tilespmem:s23], [sflag:$0x1], $0x1, s25, s16, $0xb8;
	[tilespmem:$0xA6A0] =	vst v63  }
0x10d: {  	_ =	swait.ge [sflag:s31], $0x80  }
0x10e: {  	[sflag:s31] =	ssyncset.done $0x0  }
0x10f: {  	s24 =	simm.s32 $0xA620;
	[sflag:s31] =	ssyncadd.s32 $0xFFFFFF80  }
0x110: {  	[spmem:s3] =	stream.indirect.scatter.add.f32 [tilespmem:s24], [sflag:$0x1], $0x1, s25, s16, $0xb8;
	[tilespmem:$0xA6A0] =	vst v63  }
0x111: {  	_ =	swait.ge [sflag:s31], $0x80  }
0x112: {  	[sflag:s31] =	ssyncset.done $0x0  }
0x113: {  	s29 =	simm.s32 $0x9A20;
	[sflag:s31] =	ssyncadd.s32 $0xFFFFFF80  }
0x114: {  	[spmem:s4] =	stream.indirect.scatter.add.f32 [tilespmem:s22], [sflag:$0x1], $0x1, s29, s16, $0xb8;
	[tilespmem:$0xA6A0] =	vst v63  }
0x115: {  	_ =	swait.ge [sflag:s31], $0x80  }
0x116: {  	s10 =	sadd.s32 $0x80, s10;
	[sflag:s31] =	ssyncset.done $0x0  }
0x117: {  	s11 =	sadd.s32 $0x80, s11;
	s18 =	sadd.s32 $0x80, s18;
	[sflag:s31] =	ssyncadd.s32 $0xFFFFFF80  }
0x118: {  	[spmem:s6] =	stream.indirect.scatter.add.f32 [tilespmem:s23], [sflag:$0x1], $0x1, s29, s16, $0xb8;
	[tilespmem:$0xA6A0] =	vst v63  }
0x119: {  	s1 =	simm.s32 $0x92A0;
	s12 =	smov.u32 s13;
	_ =	swait.ge [sflag:s31], $0x80  }
0x11a: {  	s9 =	simm.s32 $0x96A0;
	s26 =	simm.s32 $0x97A0;
	s28 =	rddreg [dreg:$0x1b]  }
0x11b: {  	s14 =	simm.s32 $0x9320;
	s17 =	simm.s32 $0x9AA0;
	p0 =	sne.s32 s28, $0x1  }
.Ltmp0:
0x11c: {  	s19 =	simm.s32 $0x9420;
	[sflag:s31] =	ssyncset.done $0x0;
	(pc) =	sbr.rel @!p0 .LBB2_3-.Ltmp0, $4  }
0x11d: {  	s20 =	simm.s32 $0x9720;
	s21 =	simm.s32 $0x9EA0;
	[sflag:s31] =	ssyncadd.s32 $0xFFFFFF80  }
0x11e: {  	[spmem:s7] =	stream.indirect.scatter.add.f32 [tilespmem:s24], [sflag:$0x1], $0x1, s29, s16, $0xb8;
	[tilespmem:$0xA6A0] =	vst v63  }
0x11f: {  	s22 =	simm.s32 $0xA2A0;
	s23 =	simm.s32 $0x93A0;
	_ =	swait.ge [sflag:s31], $0x80  }
0x120: {  	s30 =	sadd.s32 $0xFFFFFFFF, s28;
	[sflag:s31] =	ssyncset.done $0x0;
	s13 =	rddreg [dreg:$0x1e]  }
.LBB2_2:
0x121: {  	[sflag:s31] =	ssyncadd.s32 $0xFFFFFF80;
	s12 =	sadd.s32 $0x80, s12;
	s13 =	sadd.s32 $0x80, s13  }
0x122: {  	[tilespmem:s1], [sflag:$0x1] =	stream.linear.gather [hbm4b:s10+s8], $0x400, $0x38;
	[tilespmem:$0xA6A0] =	vst v63  }
0x123: {  	p0 =	sne.s32 s30, $0x1;
	s30 =	sadd.s32 $0xFFFFFFFF, s30;
	_ =	swait.ge [sflag:s31], $0x400  }
0x124: {  	[sflag:s31] =	ssyncset.done $0x0  }
0x125: {  	[sflag:s31] =	ssyncadd.s32 $0xFFFFFC00  }
0x126: {  	[tilespmem:s9], [sflag:$0x1] =	stream.linear.gather [hbm4b:s11+s8], $0x400, $0x38;
	[tilespmem:$0xA6A0] =	vst v63  }
0x127: {  	_ =	swait.ge [sflag:s31], $0x400  }
0x128: {  	[sflag:s31] =	ssyncset.done $0x0  }
0x129: {  	[sflag:s31] =	ssyncadd.s32 $0xFFFFFC00  }
0x12a: {  	[tilespmem:s17], [sflag:$0x1] =	stream.linear.gather [hbm4b:s18+s8], $0x400, $0x38;
	[tilespmem:$0xA6A0] =	vst v63  }
0x12b: {  	_ =	swait.ge [sflag:s31], $0x400  }
0x12c: {  	[sflag:s31] =	ssyncset.done $0x0  }
0x12d: {  	[sflag:s31] =	ssyncadd.s32 $0xFFFFFC00  }
0x12e: {  	[tilespmem:s21], [sflag:$0x1] =	stream.linear.gather [hbm4b:s13+s8], $0x400, $0x38;
	[tilespmem:$0xA6A0] =	vst v63  }
0x12f: {  	_ =	swait.ge [sflag:s31], $0x400  }
0x130: {  	[sflag:s31] =	ssyncset.done $0x0  }
0x131: {  	[sflag:s31] =	ssyncadd.s32 $0xFFFFFC00  }
0x132: {  	[tilespmem:s22], [sflag:$0x1] =	stream.linear.gather [hbm4b:s12+s8], $0x400, $0x38;
	[tilespmem:$0xA6A0] =	vst v63  }
0x133: {  	_ =	swait.ge [sflag:s31], $0x400  }
0x134: {  	[sflag:s31] =	ssyncset.done $0x0  }
0x135: {  	[sflag:s31] =	ssyncadd.s32 $0xFFFFFC00  }
0x136: {  	[spmem:s0] =	stream.indirect.scatter.add.f32 [tilespmem:s17], [sflag:$0x1], $0x1, s1, s16, $0xb8;
	[tilespmem:$0xA6A0] =	vst v63  }
0x137: {  	_ =	swait.ge [sflag:s31], $0x80  }
0x138: {  	[sflag:s31] =	ssyncset.done $0x0  }
0x139: {  	[sflag:s31] =	ssyncadd.s32 $0xFFFFFF80  }
0x13a: {  	[spmem:s2] =	stream.indirect.scatter.add.f32 [tilespmem:s21], [sflag:$0x1], $0x1, s1, s16, $0xb8;
	[tilespmem:$0xA6A0] =	vst v63  }
0x13b: {  	_ =	swait.ge [sflag:s31], $0x80  }
0x13c: {  	[sflag:s31] =	ssyncset.done $0x0  }
0x13d: {  	[sflag:s31] =	ssyncadd.s32 $0xFFFFFF80  }
0x13e: {  	[spmem:s3] =	stream.indirect.scatter.add.f32 [tilespmem:s22], [sflag:$0x1], $0x1, s1, s16, $0xb8;
	[tilespmem:$0xA6A0] =	vst v63  }
0x13f: {  	_ =	swait.ge [sflag:s31], $0x80  }
0x140: {  	[sflag:s31] =	ssyncset.done $0x0  }
0x141: {  	[sflag:s31] =	ssyncadd.s32 $0xFFFFFF80  }
0x142: {  	[spmem:s4] =	stream.indirect.scatter.add.f32 [tilespmem:s17], [sflag:$0x1], $0x1, s9, s16, $0xb8;
	[tilespmem:$0xA6A0] =	vst v63  }
0x143: {  	_ =	swait.ge [sflag:s31], $0x80  }
0x144: {  	[sflag:s31] =	ssyncset.done $0x0  }
0x145: {  	[sflag:s31] =	ssyncadd.s32 $0xFFFFFF80  }
0x146: {  	[spmem:s6] =	stream.indirect.scatter.add.f32 [tilespmem:s21], [sflag:$0x1], $0x1, s9, s16, $0xb8;
	[tilespmem:$0xA6A0] =	vst v63  }
0x147: {  	_ =	swait.ge [sflag:s31], $0x80  }
0x148: {  	[sflag:s31] =	ssyncset.done $0x0  }
0x149: {  	[sflag:s31] =	ssyncadd.s32 $0xFFFFFF80  }
0x14a: {  	[spmem:s7] =	stream.indirect.scatter.add.f32 [tilespmem:s22], [sflag:$0x1], $0x1, s9, s16, $0xb8;
	[tilespmem:$0xA6A0] =	vst v63  }
0x14b: {  	_ =	swait.ge [sflag:s31], $0x80  }
0x14c: {  	[sflag:s31] =	ssyncset.done $0x0  }
0x14d: {  	s5 =	simm.s32 $0x9B20;
	[sflag:s31] =	ssyncadd.s32 $0xFFFFFF80  }
0x14e: {  	[spmem:s0] =	stream.indirect.scatter.add.f32 [tilespmem:s5], [sflag:$0x1], $0x1, s14, s16, $0xb8;
	[tilespmem:$0xA6A0] =	vst v63  }
0x14f: {  	_ =	swait.ge [sflag:s31], $0x80  }
0x150: {  	[sflag:s31] =	ssyncset.done $0x0  }
0x151: {  	s24 =	simm.s32 $0x9F20;
	[sflag:s31] =	ssyncadd.s32 $0xFFFFFF80  }
0x152: {  	[spmem:s2] =	stream.indirect.scatter.add.f32 [tilespmem:s24], [sflag:$0x1], $0x1, s14, s16, $0xb8;
	[tilespmem:$0xA6A0] =	vst v63  }
0x153: {  	_ =	swait.ge [sflag:s31], $0x80  }
0x154: {  	[sflag:s31] =	ssyncset.done $0x0  }
0x155: {  	s15 =	simm.s32 $0xA320;
	[sflag:s31] =	ssyncadd.s32 $0xFFFFFF80  }
0x156: {  	[spmem:s3] =	stream.indirect.scatter.add.f32 [tilespmem:s15], [sflag:$0x1], $0x1, s14, s16, $0xb8;
	[tilespmem:$0xA6A0] =	vst v63  }
0x157: {  	_ =	swait.ge [sflag:s31], $0x80  }
0x158: {  	[sflag:s31] =	ssyncset.done $0x0  }
0x159: {  	[sflag:s31] =	ssyncadd.s32 $0xFFFFFF80  }
0x15a: {  	[spmem:s4] =	stream.indirect.scatter.add.f32 [tilespmem:s5], [sflag:$0x1], $0x1, s20, s16, $0xb8;
	[tilespmem:$0xA6A0] =	vst v63  }
0x15b: {  	_ =	swait.ge [sflag:s31], $0x80  }
0x15c: {  	[sflag:s31] =	ssyncset.done $0x0  }
0x15d: {  	[sflag:s31] =	ssyncadd.s32 $0xFFFFFF80  }
0x15e: {  	[spmem:s6] =	stream.indirect.scatter.add.f32 [tilespmem:s24], [sflag:$0x1], $0x1, s20, s16, $0xb8;
	[tilespmem:$0xA6A0] =	vst v63  }
0x15f: {  	_ =	swait.ge [sflag:s31], $0x80  }
0x160: {  	[sflag:s31] =	ssyncset.done $0x0  }
0x161: {  	[sflag:s31] =	ssyncadd.s32 $0xFFFFFF80  }
0x162: {  	[spmem:s7] =	stream.indirect.scatter.add.f32 [tilespmem:s15], [sflag:$0x1], $0x1, s20, s16, $0xb8;
	[tilespmem:$0xA6A0] =	vst v63  }
0x163: {  	_ =	swait.ge [sflag:s31], $0x80  }
0x164: {  	[sflag:s31] =	ssyncset.done $0x0  }
0x165: {  	s24 =	simm.s32 $0x9BA0;
	[sflag:s31] =	ssyncadd.s32 $0xFFFFFF80  }
0x166: {  	[spmem:s0] =	stream.indirect.scatter.add.f32 [tilespmem:s24], [sflag:$0x1], $0x1, s23, s16, $0xb8;
	[tilespmem:$0xA6A0] =	vst v63  }
0x167: {  	_ =	swait.ge [sflag:s31], $0x80  }
0x168: {  	[sflag:s31] =	ssyncset.done $0x0  }
0x169: {  	s15 =	simm.s32 $0x9FA0;
	[sflag:s31] =	ssyncadd.s32 $0xFFFFFF80  }
0x16a: {  	[spmem:s2] =	stream.indirect.scatter.add.f32 [tilespmem:s15], [sflag:$0x1], $0x1, s23, s16, $0xb8;
	[tilespmem:$0xA6A0] =	vst v63  }
0x16b: {  	_ =	swait.ge [sflag:s31], $0x80  }
0x16c: {  	[sflag:s31] =	ssyncset.done $0x0  }
0x16d: {  	s5 =	simm.s32 $0xA3A0;
	[sflag:s31] =	ssyncadd.s32 $0xFFFFFF80  }
0x16e: {  	[spmem:s3] =	stream.indirect.scatter.add.f32 [tilespmem:s5], [sflag:$0x1], $0x1, s23, s16, $0xb8;
	[tilespmem:$0xA6A0] =	vst v63  }
0x16f: {  	_ =	swait.ge [sflag:s31], $0x80  }
0x170: {  	[sflag:s31] =	ssyncset.done $0x0  }
0x171: {  	[sflag:s31] =	ssyncadd.s32 $0xFFFFFF80  }
0x172: {  	[spmem:s4] =	stream.indirect.scatter.add.f32 [tilespmem:s24], [sflag:$0x1], $0x1, s26, s16, $0xb8;
	[tilespmem:$0xA6A0] =	vst v63  }
0x173: {  	_ =	swait.ge [sflag:s31], $0x80  }
0x174: {  	[sflag:s31] =	ssyncset.done $0x0  }
0x175: {  	[sflag:s31] =	ssyncadd.s32 $0xFFFFFF80  }
0x176: {  	[spmem:s6] =	stream.indirect.scatter.add.f32 [tilespmem:s15], [sflag:$0x1], $0x1, s26, s16, $0xb8;
	[tilespmem:$0xA6A0] =	vst v63  }
0x177: {  	_ =	swait.ge [sflag:s31], $0x80  }
0x178: {  	[sflag:s31] =	ssyncset.done $0x0  }
0x179: {  	[sflag:s31] =	ssyncadd.s32 $0xFFFFFF80  }
0x17a: {  	[spmem:s7] =	stream.indirect.scatter.add.f32 [tilespmem:s5], [sflag:$0x1], $0x1, s26, s16, $0xb8;
	[tilespmem:$0xA6A0] =	vst v63  }
0x17b: {  	_ =	swait.ge [sflag:s31], $0x80  }
0x17c: {  	[sflag:s31] =	ssyncset.done $0x0  }
0x17d: {  	s5 =	simm.s32 $0x9C20;
	[sflag:s31] =	ssyncadd.s32 $0xFFFFFF80  }
0x17e: {  	[spmem:s0] =	stream.indirect.scatter.add.f32 [tilespmem:s5], [sflag:$0x1], $0x1, s19, s16, $0xb8;
	[tilespmem:$0xA6A0] =	vst v63  }
0x17f: {  	_ =	swait.ge [sflag:s31], $0x80  }
0x180: {  	[sflag:s31] =	ssyncset.done $0x0  }
0x181: {  	s24 =	simm.s32 $0xA020;
	[sflag:s31] =	ssyncadd.s32 $0xFFFFFF80  }
0x182: {  	[spmem:s2] =	stream.indirect.scatter.add.f32 [tilespmem:s24], [sflag:$0x1], $0x1, s19, s16, $0xb8;
	[tilespmem:$0xA6A0] =	vst v63  }
0x183: {  	_ =	swait.ge [sflag:s31], $0x80  }
0x184: {  	[sflag:s31] =	ssyncset.done $0x0  }
0x185: {  	s28 =	simm.s32 $0xA420;
	[sflag:s31] =	ssyncadd.s32 $0xFFFFFF80  }
0x186: {  	[spmem:s3] =	stream.indirect.scatter.add.f32 [tilespmem:s28], [sflag:$0x1], $0x1, s19, s16, $0xb8;
	[tilespmem:$0xA6A0] =	vst v63  }
0x187: {  	_ =	swait.ge [sflag:s31], $0x80  }
0x188: {  	[sflag:s31] =	ssyncset.done $0x0  }
0x189: {  	s15 =	simm.s32 $0x9820;
	[sflag:s31] =	ssyncadd.s32 $0xFFFFFF80  }
0x18a: {  	[spmem:s4] =	stream.indirect.scatter.add.f32 [tilespmem:s5], [sflag:$0x1], $0x1, s15, s16, $0xb8;
	[tilespmem:$0xA6A0] =	vst v63  }
0x18b: {  	_ =	swait.ge [sflag:s31], $0x80  }
0x18c: {  	[sflag:s31] =	ssyncset.done $0x0  }
0x18d: {  	[sflag:s31] =	ssyncadd.s32 $0xFFFFFF80  }
0x18e: {  	[spmem:s6] =	stream.indirect.scatter.add.f32 [tilespmem:s24], [sflag:$0x1], $0x1, s15, s16, $0xb8;
	[tilespmem:$0xA6A0] =	vst v63  }
0x18f: {  	_ =	swait.ge [sflag:s31], $0x80  }
0x190: {  	[sflag:s31] =	ssyncset.done $0x0  }
0x191: {  	[sflag:s31] =	ssyncadd.s32 $0xFFFFFF80  }
0x192: {  	[spmem:s7] =	stream.indirect.scatter.add.f32 [tilespmem:s28], [sflag:$0x1], $0x1, s15, s16, $0xb8;
	[tilespmem:$0xA6A0] =	vst v63  }
0x193: {  	_ =	swait.ge [sflag:s31], $0x80  }
0x194: {  	[sflag:s31] =	ssyncset.done $0x0  }
0x195: {  	s24 =	simm.s32 $0x9CA0;
	s15 =	simm.s32 $0x94A0;
	[sflag:s31] =	ssyncadd.s32 $0xFFFFFF80  }
0x196: {  	[spmem:s0] =	stream.indirect.scatter.add.f32 [tilespmem:s24], [sflag:$0x1], $0x1, s15, s16, $0xb8;
	[tilespmem:$0xA6A0] =	vst v63  }
0x197: {  	_ =	swait.ge [sflag:s31], $0x80  }
0x198: {  	[sflag:s31] =	ssyncset.done $0x0  }
0x199: {  	s28 =	simm.s32 $0xA0A0;
	[sflag:s31] =	ssyncadd.s32 $0xFFFFFF80  }
0x19a: {  	[spmem:s2] =	stream.indirect.scatter.add.f32 [tilespmem:s28], [sflag:$0x1], $0x1, s15, s16, $0xb8;
	[tilespmem:$0xA6A0] =	vst v63  }
0x19b: {  	_ =	swait.ge [sflag:s31], $0x80  }
0x19c: {  	[sflag:s31] =	ssyncset.done $0x0  }
0x19d: {  	s5 =	simm.s32 $0xA4A0;
	[sflag:s31] =	ssyncadd.s32 $0xFFFFFF80  }
0x19e: {  	[spmem:s3] =	stream.indirect.scatter.add.f32 [tilespmem:s5], [sflag:$0x1], $0x1, s15, s16, $0xb8;
	[tilespmem:$0xA6A0] =	vst v63  }
0x19f: {  	_ =	swait.ge [sflag:s31], $0x80  }
0x1a0: {  	[sflag:s31] =	ssyncset.done $0x0  }
0x1a1: {  	s15 =	simm.s32 $0x98A0;
	[sflag:s31] =	ssyncadd.s32 $0xFFFFFF80  }
0x1a2: {  	[spmem:s4] =	stream.indirect.scatter.add.f32 [tilespmem:s24], [sflag:$0x1], $0x1, s15, s16, $0xb8;
	[tilespmem:$0xA6A0] =	vst v63  }
0x1a3: {  	_ =	swait.ge [sflag:s31], $0x80  }
0x1a4: {  	[sflag:s31] =	ssyncset.done $0x0  }
0x1a5: {  	[sflag:s31] =	ssyncadd.s32 $0xFFFFFF80  }
0x1a6: {  	[spmem:s6] =	stream.indirect.scatter.add.f32 [tilespmem:s28], [sflag:$0x1], $0x1, s15, s16, $0xb8;
	[tilespmem:$0xA6A0] =	vst v63  }
0x1a7: {  	_ =	swait.ge [sflag:s31], $0x80  }
0x1a8: {  	[sflag:s31] =	ssyncset.done $0x0  }
0x1a9: {  	[sflag:s31] =	ssyncadd.s32 $0xFFFFFF80  }
0x1aa: {  	[spmem:s7] =	stream.indirect.scatter.add.f32 [tilespmem:s5], [sflag:$0x1], $0x1, s15, s16, $0xb8;
	[tilespmem:$0xA6A0] =	vst v63  }
0x1ab: {  	_ =	swait.ge [sflag:s31], $0x80  }
0x1ac: {  	[sflag:s31] =	ssyncset.done $0x0  }
0x1ad: {  	s5 =	simm.s32 $0x9520;
	s15 =	simm.s32 $0x9D20;
	[sflag:s31] =	ssyncadd.s32 $0xFFFFFF80  }
0x1ae: {  	[spmem:s0] =	stream.indirect.scatter.add.f32 [tilespmem:s15], [sflag:$0x1], $0x1, s5, s16, $0xb8;
	[tilespmem:$0xA6A0] =	vst v63  }
0x1af: {  	_ =	swait.ge [sflag:s31], $0x80  }
0x1b0: {  	[sflag:s31] =	ssyncset.done $0x0  }
0x1b1: {  	s24 =	simm.s32 $0xA120;
	[sflag:s31] =	ssyncadd.s32 $0xFFFFFF80  }
0x1b2: {  	[spmem:s2] =	stream.indirect.scatter.add.f32 [tilespmem:s24], [sflag:$0x1], $0x1, s5, s16, $0xb8;
	[tilespmem:$0xA6A0] =	vst v63  }
0x1b3: {  	_ =	swait.ge [sflag:s31], $0x80  }
0x1b4: {  	[sflag:s31] =	ssyncset.done $0x0  }
0x1b5: {  	s28 =	simm.s32 $0xA520;
	[sflag:s31] =	ssyncadd.s32 $0xFFFFFF80  }
0x1b6: {  	[spmem:s3] =	stream.indirect.scatter.add.f32 [tilespmem:s28], [sflag:$0x1], $0x1, s5, s16, $0xb8;
	[tilespmem:$0xA6A0] =	vst v63  }
0x1b7: {  	_ =	swait.ge [sflag:s31], $0x80  }
0x1b8: {  	[sflag:s31] =	ssyncset.done $0x0  }
0x1b9: {  	s5 =	simm.s32 $0x9920;
	[sflag:s31] =	ssyncadd.s32 $0xFFFFFF80  }
0x1ba: {  	[spmem:s4] =	stream.indirect.scatter.add.f32 [tilespmem:s15], [sflag:$0x1], $0x1, s5, s16, $0xb8;
	[tilespmem:$0xA6A0] =	vst v63  }
0x1bb: {  	_ =	swait.ge [sflag:s31], $0x80  }
0x1bc: {  	[sflag:s31] =	ssyncset.done $0x0  }
0x1bd: {  	[sflag:s31] =	ssyncadd.s32 $0xFFFFFF80  }
0x1be: {  	[spmem:s6] =	stream.indirect.scatter.add.f32 [tilespmem:s24], [sflag:$0x1], $0x1, s5, s16, $0xb8;
	[tilespmem:$0xA6A0] =	vst v63  }
0x1bf: {  	_ =	swait.ge [sflag:s31], $0x80  }
0x1c0: {  	[sflag:s31] =	ssyncset.done $0x0  }
0x1c1: {  	[sflag:s31] =	ssyncadd.s32 $0xFFFFFF80  }
0x1c2: {  	[spmem:s7] =	stream.indirect.scatter.add.f32 [tilespmem:s28], [sflag:$0x1], $0x1, s5, s16, $0xb8;
	[tilespmem:$0xA6A0] =	vst v63  }
0x1c3: {  	_ =	swait.ge [sflag:s31], $0x80  }
0x1c4: {  	[sflag:s31] =	ssyncset.done $0x0  }
0x1c5: {  	s15 =	simm.s32 $0x9DA0;
	s5 =	simm.s32 $0x95A0;
	[sflag:s31] =	ssyncadd.s32 $0xFFFFFF80  }
0x1c6: {  	[spmem:s0] =	stream.indirect.scatter.add.f32 [tilespmem:s15], [sflag:$0x1], $0x1, s5, s16, $0xb8;
	[tilespmem:$0xA6A0] =	vst v63  }
0x1c7: {  	_ =	swait.ge [sflag:s31], $0x80  }
0x1c8: {  	[sflag:s31] =	ssyncset.done $0x0  }
0x1c9: {  	s24 =	simm.s32 $0xA1A0;
	[sflag:s31] =	ssyncadd.s32 $0xFFFFFF80  }
0x1ca: {  	[spmem:s2] =	stream.indirect.scatter.add.f32 [tilespmem:s24], [sflag:$0x1], $0x1, s5, s16, $0xb8;
	[tilespmem:$0xA6A0] =	vst v63  }
0x1cb: {  	_ =	swait.ge [sflag:s31], $0x80  }
0x1cc: {  	[sflag:s31] =	ssyncset.done $0x0  }
0x1cd: {  	s28 =	simm.s32 $0xA5A0;
	[sflag:s31] =	ssyncadd.s32 $0xFFFFFF80  }
0x1ce: {  	[spmem:s3] =	stream.indirect.scatter.add.f32 [tilespmem:s28], [sflag:$0x1], $0x1, s5, s16, $0xb8;
	[tilespmem:$0xA6A0] =	vst v63  }
0x1cf: {  	_ =	swait.ge [sflag:s31], $0x80  }
0x1d0: {  	[sflag:s31] =	ssyncset.done $0x0  }
0x1d1: {  	s5 =	simm.s32 $0x99A0;
	[sflag:s31] =	ssyncadd.s32 $0xFFFFFF80  }
0x1d2: {  	[spmem:s4] =	stream.indirect.scatter.add.f32 [tilespmem:s15], [sflag:$0x1], $0x1, s5, s16, $0xb8;
	[tilespmem:$0xA6A0] =	vst v63  }
0x1d3: {  	_ =	swait.ge [sflag:s31], $0x80  }
0x1d4: {  	[sflag:s31] =	ssyncset.done $0x0  }
0x1d5: {  	[sflag:s31] =	ssyncadd.s32 $0xFFFFFF80  }
0x1d6: {  	[spmem:s6] =	stream.indirect.scatter.add.f32 [tilespmem:s24], [sflag:$0x1], $0x1, s5, s16, $0xb8;
	[tilespmem:$0xA6A0] =	vst v63  }
0x1d7: {  	_ =	swait.ge [sflag:s31], $0x80  }
0x1d8: {  	[sflag:s31] =	ssyncset.done $0x0  }
0x1d9: {  	[sflag:s31] =	ssyncadd.s32 $0xFFFFFF80  }
0x1da: {  	[spmem:s7] =	stream.indirect.scatter.add.f32 [tilespmem:s28], [sflag:$0x1], $0x1, s5, s16, $0xb8;
	[tilespmem:$0xA6A0] =	vst v63  }
0x1db: {  	_ =	swait.ge [sflag:s31], $0x80  }
0x1dc: {  	[sflag:s31] =	ssyncset.done $0x0  }
0x1dd: {  	s5 =	simm.s32 $0x9E20;
	[sflag:s31] =	ssyncadd.s32 $0xFFFFFF80  }
0x1de: {  	[spmem:s0] =	stream.indirect.scatter.add.f32 [tilespmem:s5], [sflag:$0x1], $0x1, s25, s16, $0xb8;
	[tilespmem:$0xA6A0] =	vst v63  }
0x1df: {  	_ =	swait.ge [sflag:s31], $0x80  }
0x1e0: {  	[sflag:s31] =	ssyncset.done $0x0  }
0x1e1: {  	s15 =	simm.s32 $0xA220;
	[sflag:s31] =	ssyncadd.s32 $0xFFFFFF80  }
0x1e2: {  	[spmem:s2] =	stream.indirect.scatter.add.f32 [tilespmem:s15], [sflag:$0x1], $0x1, s25, s16, $0xb8;
	[tilespmem:$0xA6A0] =	vst v63  }
0x1e3: {  	_ =	swait.ge [sflag:s31], $0x80  }
0x1e4: {  	[sflag:s31] =	ssyncset.done $0x0  }
0x1e5: {  	s24 =	simm.s32 $0xA620;
	[sflag:s31] =	ssyncadd.s32 $0xFFFFFF80  }
0x1e6: {  	[spmem:s3] =	stream.indirect.scatter.add.f32 [tilespmem:s24], [sflag:$0x1], $0x1, s25, s16, $0xb8;
	[tilespmem:$0xA6A0] =	vst v63  }
0x1e7: {  	_ =	swait.ge [sflag:s31], $0x80  }
0x1e8: {  	[sflag:s31] =	ssyncset.done $0x0  }
0x1e9: {  	[sflag:s31] =	ssyncadd.s32 $0xFFFFFF80  }
0x1ea: {  	[spmem:s4] =	stream.indirect.scatter.add.f32 [tilespmem:s5], [sflag:$0x1], $0x1, s29, s16, $0xb8;
	[tilespmem:$0xA6A0] =	vst v63  }
0x1eb: {  	_ =	swait.ge [sflag:s31], $0x80  }
0x1ec: {  	[sflag:s31] =	ssyncset.done $0x0  }
0x1ed: {  	[sflag:s31] =	ssyncadd.s32 $0xFFFFFF80  }
0x1ee: {  	[spmem:s6] =	stream.indirect.scatter.add.f32 [tilespmem:s15], [sflag:$0x1], $0x1, s29, s16, $0xb8;
	[tilespmem:$0xA6A0] =	vst v63  }
0x1ef: {  	_ =	swait.ge [sflag:s31], $0x80  }
.Ltmp1:
0x1f0: {  	[sflag:s31] =	ssyncset.done $0x0;
	(pc) =	sbr.rel @p0 .LBB2_2-.Ltmp1, $4  }
0x1f1: {  	[sflag:s31] =	ssyncadd.s32 $0xFFFFFF80  }
0x1f2: {  	[spmem:s7] =	stream.indirect.scatter.add.f32 [tilespmem:s24], [sflag:$0x1], $0x1, s29, s16, $0xb8;
	[tilespmem:$0xA6A0] =	vst v63  }
0x1f3: {  	s11 =	sadd.s32 $0x80, s11;
	_ =	swait.ge [sflag:s31], $0x80  }
0x1f4: {  	s10 =	sadd.s32 $0x80, s10;
	s18 =	sadd.s32 $0x80, s18;
	[sflag:s31] =	ssyncset.done $0x0  }
.LBB2_3:
0x1f5: {  	[sflag:s31] =	ssyncadd.s32 $0xFFFFFF80  }
0x1f6: {  	[bflag:$0x0] =	sbarrier.arrive $0xFFFF  }
0x1f7: {  	s1 =	sld [smem:$0x7F8]  }
0x1f8: {  	s30 =	rddreg [dreg:$0xd]  }
0x1f9: {  	s10 =	rddreg [dreg:$0x12]  }
0x1fa: {  	[hbm:s10], [sflag:s30] =	dma.local [spmem:s1], $0x30E  }
0x1fb: {  	_ =	swait.ge [sflag:s31], $0x30E  }
0x1fc: {  	s17 =	sld [smem:$0x7F9]  }
0x1fd: {  	[sflag:s31] =	ssyncset.done $0x0  }
0x1fe: {  	s15 =	rddreg [dreg:$0x13];
	[sflag:s31] =	ssyncadd.s32 $0xFFFFFCF2  }
0x1ff: {  	[hbm:s15], [sflag:s30] =	dma.local [spmem:s17], $0x30E  }
0x200: {  	_ =	swait.ge [sflag:s31], $0x30E  }
0x201: {  	s19 =	sld [smem:$0x7FA]  }
0x202: {  	[sflag:s31] =	ssyncset.done $0x0  }
0x203: {  	s18 =	rddreg [dreg:$0x14];
	[sflag:s31] =	ssyncadd.s32 $0xFFFFFCF2  }
0x204: {  	[hbm:s18], [sflag:s30] =	dma.local [spmem:s19], $0x30E  }
0x205: {  	_ =	swait.ge [sflag:s31], $0x30E  }
0x206: {  	s21 =	sld [smem:$0x7FB]  }
0x207: {  	[sflag:s31] =	ssyncset.done $0x0  }
0x208: {  	s20 =	rddreg [dreg:$0x15];
	[sflag:s31] =	ssyncadd.s32 $0xFFFFFCF2  }
0x209: {  	[hbm:s20], [sflag:s30] =	dma.local [spmem:s21], $0x30E  }
0x20a: {  	_ =	swait.ge [sflag:s31], $0x30E  }
0x20b: {  	s23 =	sld [smem:$0x7FC]  }
0x20c: {  	[sflag:s31] =	ssyncset.done $0x0  }
0x20d: {  	s22 =	rddreg [dreg:$0x16];
	[sflag:s31] =	ssyncadd.s32 $0xFFFFFCF2  }
0x20e: {  	[hbm:s22], [sflag:s30] =	dma.local [spmem:s23], $0x30E  }
0x20f: {  	_ =	swait.ge [sflag:s31], $0x30E  }
0x210: {  	s25 =	sld [smem:$0x7FD]  }
0x211: {  	[sflag:s31] =	ssyncset.done $0x0  }
0x212: {  	s24 =	rddreg [dreg:$0x17];
	[sflag:s31] =	ssyncadd.s32 $0xFFFFFCF2  }
0x213: {  	[hbm:s24], [sflag:s30] =	dma.local [spmem:s25], $0x30E  }
0x214: {  	_ =	swait.ge [sflag:s31], $0x30E  }
0x215: {  	s11 =	sld [smem:$0x7F7];
	_ =	sdelay $0x1  }
0x216: {  	s12 =	simm.s32 $0x9AA0;
	s14 =	simm.s32 $0x9320  }
0x217: {  	s9 =	simm.s32 $0xA320;
	s26 =	rddreg [dreg:$0x1c];
	s11 =	sadd.s32 $0x1, s11  }
0x218: {  	s28 =	simm.s32 $0x9FA0;
	s29 =	simm.s32 $0x9C20;
	p0 =	sne.s32 s11, s26  }
.Ltmp2:
0x219: {  	s5 =	simm.s32 $0x96A0;
	s1 =	simm.s32 $0x92A0;
	(pc) =	sbr.rel @p0 .LBB2_1-.Ltmp2, $4  }
0x21a: {  	s17 =	simm.s32 $0x9EA0;
	s15 =	simm.s32 $0x9B20;
	s19 =	simm.s32 $0x9420  }
0x21b: {  	s21 =	simm.s32 $0xA2A0;
	s20 =	simm.s32 $0x9720;
	s22 =	simm.s32 $0x9F20  }
0x21c: {  	s23 =	simm.s32 $0x93A0;
	s25 =	simm.s32 $0x9BA0;
	[sflag:s31] =	ssyncset.done $0x0  }
0x21d: {  	s24 =	simm.s32 $0xA3A0;
	[sflag:s31] =	ssyncadd.s32 $0xFFFFFCF2;
	s26 =	simm.s32 $0x97A0  }
0x21e: {  	_ =	sfence.sel $0x180000  }
0x21f: {  	[bflag:$0x0] =	sbarrier.arrive $0xFFFF  }
0x220: {  	_ =	strace $0x90000047  }
0x221: {  	s0 =	stileid.u32;
	[bflag:$0x2] =	sbarrier.arrive $0xFFFF  }
0x222: {  	p0 =	sne.s32 s0, $0x0;
	s0 =	rddreg [dreg:$0xa]  }
0x223: {  	s0 =	sadd.s32 @!p0 $0x100000, s0  }
0x224: {  	[sflag:s0] =	ssyncadd.tile.s32 @!p0 $0x1;
	_ =	shalt  }
.Lfunc_end2:
_tile_overlayer_lowered:
.L_overlay_start_2:
0x225: {  	(tag) =	ssettag $0x2  }
0x226: {  	s0 =	rddreg [dreg:$0x0];
	s2 =	stileid.u32  }
0x227: {  	s1 =	rddreg [dreg:$0x1];
	p0 =	sne.s32 s2, $0x0  }
0x228: {  	s3 =	rddreg [dreg:$0x2];
	[bflag:$0x3] =	sbarrier.arrive $0xFFFF;
	s2 =	simm.s32 @!p0 $0x1C01  }
0x229: {  	[timem:s3], [sflag:s2] =	dma.local @!p0 [hbm:s0], s1  }
0x22a: {  	s0 =	simm.s32 @!p0 $0x1  }
0x22b: {  	_ =	swait.ge @!p0 [sflag:s0], s1  }
0x22c: {  	s1 =	ssub.s32 @!p0 $0x0, s1;
	[sflag:s0] =	ssyncset.done @!p0 $0x0  }
0x22d: {  	[sflag:s0] =	ssyncadd.s32 @!p0 s1  }
0x22e: {  	[bflag:$0x3] =	sbarrier.arrive $0xFFFF  }
0x22f: {  	_ =	shalt  }

</sc_bundles>
